<compile_context>
chip_gen: v7x
topology: tpu7x:2x2x1
jax: 0.10.2.dev20260603
libtpu: 0.0.44.dev20260713+nightly
codegen_flags: <defaults>
</compile_context>

<pallas_src>
import functools
import jax
import jax.numpy as jnp
from jax import lax
from jax.experimental import pallas as pl
from jax.experimental.pallas import tpu as pltpu
from jax.experimental.pallas import tpu_sc as plsc

N_NODES = 10000
N_PAD = 10240
E_PAD = 163840
D_IN = 256
D_HID = 256
N_CLS = 16
CH = 128
NCH = E_PAD // CH
NSUB = 16
ROWS = N_PAD // NSUB
BLK = 2048
NBLK = N_PAD // BLK

_mesh = lambda: plsc.VectorSubcoreMesh(core_axis_name="c", subcore_axis_name="s")


@functools.partial(
    pl.kernel,
    out_type=jax.ShapeDtypeStruct((2, N_PAD, N_CLS), jnp.float32),
    mesh=_mesh(),
    compiler_params=pltpu.CompilerParams(use_tc_tiling_on_sc=False),
    scratch_types=[
        pltpu.VMEM((NCH // 32, CH), jnp.int32),
        pltpu.VMEM((CH, N_CLS), jnp.float32),
        pltpu.VMEM((CH, N_CLS), jnp.float32),
        pltpu.VMEM_SHARED((N_PAD, N_CLS), jnp.float32),
        pltpu.SemaphoreType.DMA,
    ],
)
def _deg_kernel(edges, degp, dst_v, ones_v, zeros_v, acc, sem):
    c = lax.axis_index("c")
    s = lax.axis_index("s")
    wid = c * NSUB + s
    nch_w = NCH // 32

    def fillbuf(buf, value):
        def fb(r, _):
            buf[r] = jnp.zeros((N_CLS,), jnp.float32) + value
            return 0
        lax.fori_loop(0, CH, fb, 0)

    fillbuf(ones_v, 1.0)
    fillbuf(zeros_v, 0.0)
    for i in range(ROWS // CH):
        @pl.when(c == 0)
        def _(i=i):
            pltpu.sync_copy(ones_v, acc.at[pl.ds(s * ROWS + i * CH, CH)])

        @pl.when(c != 0)
        def _(i=i):
            pltpu.sync_copy(zeros_v, acc.at[pl.ds(s * ROWS + i * CH, CH)])
    pltpu.sync_copy(edges.at[1, pl.ds(wid * nch_w, nch_w)], dst_v)
    plsc.subcore_barrier()

    def fire(j, _):
        pltpu.async_copy(ones_v, acc.at[dst_v.at[j]], sem, add=True)
        return 0

    lax.fori_loop(0, nch_w, fire, 0)

    def drain(j, _):
        pltpu.make_async_copy(ones_v, acc.at[dst_v.at[j]], sem).wait()
        return 0

    lax.fori_loop(0, nch_w, drain, 0)
    plsc.subcore_barrier()
    pltpu.sync_copy(acc.at[pl.ds(s * ROWS, ROWS)], degp.at[c, pl.ds(s * ROWS, ROWS)])


def _mm1_body(x_ref, w_ref, degp_ref, out_ref):
    deg = degp_ref[0, :, 0] + degp_ref[1, :, 0]
    dis = lax.rsqrt(deg)[:, None]
    h = (jnp.dot(x_ref[...].astype(jnp.bfloat16), w_ref[...].astype(jnp.bfloat16),
                 preferred_element_type=jnp.float32)
         * dis).astype(jnp.bfloat16)
    out_ref[0] = h[:, :128]
    out_ref[1] = h[:, 128:]


def _mm1(x, w1, degp):
    return pl.pallas_call(
        _mm1_body,
        grid=(NBLK,),
        in_specs=[
            pl.BlockSpec((BLK, D_IN), lambda i: (i, 0)),
            pl.BlockSpec((D_IN, D_HID), lambda i: (0, 0)),
            pl.BlockSpec((2, BLK, N_CLS), lambda i: (0, i, 0)),
        ],
        out_specs=pl.BlockSpec((2, BLK, 128), lambda i: (0, i, 0)),
        out_shape=jax.ShapeDtypeStruct((2, N_PAD, 128), jnp.bfloat16),
    )(x, w1, degp)


@functools.partial(
    pl.kernel,
    out_type=jax.ShapeDtypeStruct((2, N_PAD, 128), jnp.bfloat16),
    mesh=_mesh(),
    compiler_params=pltpu.CompilerParams(use_tc_tiling_on_sc=False),
    scratch_types=[
        pltpu.VMEM((NCH // NSUB, CH), jnp.int32),
        pltpu.VMEM((NCH // NSUB, CH), jnp.int32),
        pltpu.VMEM((8, CH, 128), jnp.bfloat16),
        pltpu.VMEM_SHARED((N_PAD, 128), jnp.bfloat16),
        pltpu.SemaphoreType.DMA((8,)),
        pltpu.SemaphoreType.DMA((8,)),
    ],
)
def _agg1_kernel(table, edges, out, src_v, dst_v, rows_v, acc, gsem, ssem):
    c = lax.axis_index("c")
    s = lax.axis_index("s")
    nch_w = NCH // NSUB
    pltpu.sync_copy(table.at[pl.ds(c * N_PAD + s * ROWS, ROWS)],
                    acc.at[pl.ds(s * ROWS, ROWS)])
    pltpu.sync_copy(edges.at[0, pl.ds(s * nch_w, nch_w)], src_v)
    pltpu.sync_copy(edges.at[1, pl.ds(s * nch_w, nch_w)], dst_v)

    @pl.when(c == 1)
    def _():
        def addoff(t, _):
            j = t // 8
            k = (t % 8) * 16
            src_v[j, pl.ds(k, 16)] = src_v[j, pl.ds(k, 16)] + N_PAD
            return 0
        lax.fori_loop(0, nch_w * 8, addoff, 0)

    plsc.subcore_barrier()

    NB, LAG = 8, 4
    ng = nch_w // NB

    def g_start(j, b):
        pltpu.async_copy(table.at[src_v.at[j]], rows_v.at[b], gsem.at[b])

    def g_wait(j, b):
        pltpu.make_async_copy(table.at[src_v.at[j]], rows_v.at[b], gsem.at[b]).wait()

    def s_start(j, b):
        pltpu.async_copy(rows_v.at[b], acc.at[dst_v.at[j]], ssem.at[b], add=True)

    def s_wait(j, b):
        pltpu.make_async_copy(rows_v.at[b], acc.at[dst_v.at[j]], ssem.at[b]).wait()

    for b in range(LAG):
        g_start(b, b)

    def outer(o, _):
        for b in range(NB):
            j = o * NB + b
            bg = (b + LAG) % NB
            if b >= LAG:
                @pl.when(o < ng - 1)
                def _(j=j, bg=bg):
                    s_wait(j + LAG - NB, bg)
                    g_start(j + LAG, bg)
            else:
                @pl.when(o > 0)
                def _(j=j, bg=bg):
                    s_wait(j + LAG - NB, bg)
                g_start(j + LAG, bg)
            g_wait(j, b)
            s_start(j, b)
        return 0

    lax.fori_loop(0, ng, outer, 0)
    for b in range(LAG, NB):
        s_wait(nch_w - NB + b, b)
    plsc.subcore_barrier()
    pltpu.sync_copy(acc.at[pl.ds(s * ROWS, ROWS)], out.at[c, pl.ds(s * ROWS, ROWS)])


def _mm2_body(agg_ref, degp_ref, w_ref, b_ref, out_ref):
    deg = degp_ref[0, :, 0] + degp_ref[1, :, 0]
    dis = lax.rsqrt(deg)[:, None]
    h = jnp.concatenate([agg_ref[0], agg_ref[1]], axis=1).astype(jnp.float32)
    h = h * dis + b_ref[...]
    y = jnp.maximum(h, 0.0).astype(jnp.bfloat16)
    out_ref[...] = jnp.dot(y, w_ref[...].astype(jnp.bfloat16),
                           preferred_element_type=jnp.float32) * dis


def _mm2(agg1, degp, w3, b1):
    return pl.pallas_call(
        _mm2_body,
        grid=(NBLK,),
        in_specs=[
            pl.BlockSpec((2, BLK, 128), lambda i: (0, i, 0)),
            pl.BlockSpec((2, BLK, N_CLS), lambda i: (0, i, 0)),
            pl.BlockSpec((D_HID, N_CLS), lambda i: (0, 0)),
            pl.BlockSpec((1, D_HID), lambda i: (0, 0)),
        ],
        out_specs=pl.BlockSpec((BLK, N_CLS), lambda i: (i, 0)),
        out_shape=jax.ShapeDtypeStruct((N_PAD, N_CLS), jnp.float32),
    )(agg1, degp, w3, b1)


@functools.partial(
    pl.kernel,
    out_type=jax.ShapeDtypeStruct((2, N_PAD, N_CLS), jnp.float32),
    mesh=_mesh(),
    compiler_params=pltpu.CompilerParams(use_tc_tiling_on_sc=False),
    scratch_types=[
        pltpu.VMEM((NCH // 32, CH), jnp.int32),
        pltpu.VMEM((NCH // 32, CH), jnp.int32),
        pltpu.VMEM((8, CH, N_CLS), jnp.float32),
        pltpu.VMEM_SHARED((N_PAD, N_CLS), jnp.float32),
        pltpu.SemaphoreType.DMA((8,)),
        pltpu.SemaphoreType.DMA((8,)),
    ],
)
def _agg2_kernel(h2s, edges, out, src_v, dst_v, rows_v, acc, gsem, ssem):
    c = lax.axis_index("c")
    s = lax.axis_index("s")
    wid = c * NSUB + s
    nch_w = NCH // 32

    @pl.when(c == 0)
    def _():
        pltpu.sync_copy(h2s.at[pl.ds(s * ROWS, ROWS)], acc.at[pl.ds(s * ROWS, ROWS)])

    @pl.when(c != 0)
    def _():
        def fb(r, _):
            rows_v[0, r] = jnp.zeros((N_CLS,), jnp.float32)
            return 0
        lax.fori_loop(0, CH, fb, 0)
        for i in range(ROWS // CH):
            pltpu.sync_copy(rows_v.at[0], acc.at[pl.ds(s * ROWS + i * CH, CH)])

    pltpu.sync_copy(edges.at[0, pl.ds(wid * nch_w, nch_w)], src_v)
    pltpu.sync_copy(edges.at[1, pl.ds(wid * nch_w, nch_w)], dst_v)
    plsc.subcore_barrier()

    NB, LAG = 8, 4
    ng = nch_w // NB

    def g_start(j, b):
        pltpu.async_copy(h2s.at[src_v.at[j]], rows_v.at[b], gsem.at[b])

    def g_wait(j, b):
        pltpu.make_async_copy(h2s.at[src_v.at[j]], rows_v.at[b], gsem.at[b]).wait()

    def s_start(j, b):
        pltpu.async_copy(rows_v.at[b], acc.at[dst_v.at[j]], ssem.at[b], add=True)

    def s_wait(j, b):
        pltpu.make_async_copy(rows_v.at[b], acc.at[dst_v.at[j]], ssem.at[b]).wait()

    for b in range(LAG):
        g_start(b, b)

    def outer(o, _):
        for b in range(NB):
            j = o * NB + b
            bg = (b + LAG) % NB
            if b >= LAG:
                @pl.when(o < ng - 1)
                def _(j=j, bg=bg):
                    s_wait(j + LAG - NB, bg)
                    g_start(j + LAG, bg)
            else:
                @pl.when(o > 0)
                def _(j=j, bg=bg):
                    s_wait(j + LAG - NB, bg)
                g_start(j + LAG, bg)
            g_wait(j, b)
            s_start(j, b)
        return 0

    lax.fori_loop(0, ng, outer, 0)
    for b in range(LAG, NB):
        s_wait(nch_w - NB + b, b)
    plsc.subcore_barrier()
    pltpu.sync_copy(acc.at[pl.ds(s * ROWS, ROWS)], out.at[c, pl.ds(s * ROWS, ROWS)])


def _fin_body(p_ref, degp_ref, b_ref, out_ref):
    deg = degp_ref[0, :, 0] + degp_ref[1, :, 0]
    dis = lax.rsqrt(deg)[:, None]
    out_ref[...] = (p_ref[0] + p_ref[1]) * dis + b_ref[...]


def _fin(agg2p, degp, b3):
    return pl.pallas_call(
        _fin_body,
        grid=(NBLK,),
        in_specs=[
            pl.BlockSpec((2, BLK, N_CLS), lambda i: (0, i, 0)),
            pl.BlockSpec((2, BLK, N_CLS), lambda i: (0, i, 0)),
            pl.BlockSpec((1, N_CLS), lambda i: (0, 0)),
        ],
        out_specs=pl.BlockSpec((BLK, N_CLS), lambda i: (i, 0)),
        out_shape=jax.ShapeDtypeStruct((N_NODES, N_CLS), jnp.float32),
    )(agg2p, degp, b3)


def kernel(x, edge_index, W1, b1, W3, b3):
    padv = (N_NODES
            + jnp.arange(E_PAD - edge_index.shape[1], dtype=jnp.int32)
            % (N_PAD - N_NODES))
    ep = jnp.concatenate(
        [edge_index.astype(jnp.int32),
         jnp.broadcast_to(padv, (2, padv.shape[0]))], axis=1)
    edges = ep.reshape(2, NCH, CH)

    degp = _deg_kernel(edges)
    h1s = _mm1(x, W1, degp)
    agg1 = _agg1_kernel(h1s.reshape(2 * N_PAD, 128), edges)
    h2s = _mm2(agg1, degp, W3, b1.reshape(1, D_HID))
    agg2p = _agg2_kernel(h2s, edges)
    return _fin(agg2p, degp, b3.reshape(1, N_CLS))

# --- scband reference (transcript-rebuilt; emitter-appended) ---
"""Pipeline reference for scband-gcn-3-layers-15384572854779 (READ-ONLY COPY).

The authoritative reference and input builder live on the scoring server;
editing this copy changes nothing except your own understanding.
"""

import jax, jax.numpy as jnp
import numpy as np

N_NODES = 10000
N_EDGES = 160000
D_IN = 256
D_HID = 256
N_CLASSES = 16


def gcn_conv(x, edge_index, W, b):
    # PyG-style GCNConv: add self-loops, symmetric normalization, then
    # out = D^{-1/2} (A+I) D^{-1/2} X W + b
    N = x.shape[0]
    loop = jnp.arange(N, dtype=edge_index.dtype)
    src = jnp.concatenate([edge_index[0], loop])
    dst = jnp.concatenate([edge_index[1], loop])
    deg = jnp.zeros((N,), dtype=x.dtype).at[dst].add(1.0)
    deg_inv_sqrt = jnp.where(deg > 0, jax.lax.rsqrt(deg), 0.0)
    norm = deg_inv_sqrt[src] * deg_inv_sqrt[dst]
    h = x @ W
    msg = h[src] * norm[:, None]
    out = jnp.zeros((N, W.shape[1]), dtype=x.dtype).at[dst].add(msg)
    return out + b


def setup_inputs(seed: int = 0) -> dict:
    key = jax.random.key(seed)
    k_x, k_e, k_w1, k_b1, k_w3, k_b3 = jax.random.split(key, 6)
    x = jax.random.normal(k_x, (N_NODES, D_IN), dtype=jnp.float32)
    edge_index = jax.random.randint(k_e, (2, N_EDGES), 0, N_NODES, dtype=jnp.int64)
    s1 = 1.0 / np.sqrt(D_IN)
    W1 = jax.random.uniform(k_w1, (D_IN, D_HID), dtype=jnp.float32, minval=-s1, maxval=s1)
    b1 = jnp.zeros((D_HID,), dtype=jnp.float32)
    s3 = 1.0 / np.sqrt(D_HID)
    W3 = jax.random.uniform(k_w3, (D_HID, N_CLASSES), dtype=jnp.float32, minval=-s3, maxval=s3)
    b3 = jnp.zeros((N_CLASSES,), dtype=jnp.float32)
    return {"x": x, "edge_index": edge_index, "W1": W1, "b1": b1, "W3": W3, "b3": b3}


def reference(x, edge_index, W1, b1, W3, b3):
    # forward: conv1 -> relu -> dropout (eval mode = identity) -> conv3
    h = gcn_conv(x, edge_index, W1, b1)
    h = jax.nn.relu(h)
    # dropout with training=False is a no-op
    out = gcn_conv(h, edge_index, W3, b3)
    return out

if __name__ == "__main__":
    import jax
    _d = setup_inputs()
    print(jax.jit(kernel)(*tuple(_d.values())))

</pallas_src>

<mosaic_0001>
#map = affine_map<(d0, d1) -> (0, 0, 0)>
module attributes {stable_mosaic.version = 14 : i64} {
  func.func @_deg_kernel(%arg0: i32, %arg1: i32, %arg2: memref<2x1280x128xi32, #tpu.memory_space<hbm>>, %arg3: memref<2x10240x16xf32, #tpu.memory_space<hbm>>, %arg4: memref<40x128xi32, #tpu.memory_space<vmem>>, %arg5: memref<128x16xf32, #tpu.memory_space<vmem>>, %arg6: memref<128x16xf32, #tpu.memory_space<vmem>>, %arg7: memref<10240x16xf32, #tpu.memory_space<vmem_shared>>, %arg8: memref<!tpu.dma_semaphore, #tpu.memory_space<semaphore_mem>>) attributes {dimension_semantics = [#tpu.dimension_semantics<core_parallel>, #tpu.dimension_semantics<subcore_parallel>], iteration_bounds = array<i64: 2, 16>, scalar_prefetch = 0 : i64, scratch_operands = 5 : i64, tpu.core_type = #tpu.core_type<sc_vector_subcore>, window_params = [{transform_indices = #map}, {transform_indices = #map}]} {
    %mul3A = arith.constant 16 : i32
    %mul3A_0 = arith.muli %arg0, %mul3A : i32
    %add3A = arith.addi %mul3A_0, %arg1 : i32
    %scan3A = arith.constant 0 : i32
    %scan3A_1 = arith.constant 0 : i32
    %scan3A_2 = arith.constant 128 : i32
    %scan3A_3 = arith.addi %scan3A_1, %scan3A_2 : i32
    %scan3A_4 = arith.constant 1 : i32
    %scan3A_5 = scf.for %scan3A_81 = %scan3A_1 to %scan3A_3 step %scan3A_4 iter_args(%scan3A_82 = %scan3A) -> (i32)  : i32 {
      %broadcast_in_dim3A = arith.constant 0.000000e+00 : f32
      %broadcast_in_dim3A_83 = vector.broadcast %broadcast_in_dim3A : f32 to vector<16xf32>
      %add3A_84 = arith.constant 1.000000e+00 : f32
      %add3A_85 = vector.broadcast %add3A_84 : f32 to vector<16xf32>
      %add3A_86 = arith.addf %broadcast_in_dim3A_83, %add3A_85 : vector<16xf32>
      %swap3A = arith.index_cast %scan3A_81 : i32 to index
      %swap3A_87 = arith.constant 0 : index
      %swap3A_88 = tpu.vector_load %arg5[%swap3A, %swap3A_87] {strides = array<i32>} : memref<128x16xf32, #tpu.memory_space<vmem>>, vector<1x16xf32>,
      %swap3A_89 = vector.shape_cast %swap3A_88 : vector<1x16xf32> to vector<16xf32>
      %swap3A_90 = vector.shape_cast %add3A_86 : vector<16xf32> to vector<1x16xf32>
      tpu.vector_store %arg5[%swap3A, %swap3A_87], %swap3A_90 {strides = array<i32>} : memref<128x16xf32, #tpu.memory_space<vmem>>, vector<1x16xf32>,
      %scan3A_91 = arith.constant 0 : i32
      scf.yield %scan3A_91 : i32
    }
    %scan3A_6 = arith.constant 128 : i32
    %scan3A_7 = arith.constant 0 : i32
    %scan3A_8 = arith.constant 0 : i32
    %scan3A_9 = arith.constant 128 : i32
    %scan3A_10 = arith.addi %scan3A_8, %scan3A_9 : i32
    %scan3A_11 = arith.constant 1 : i32
    %scan3A_12 = scf.for %scan3A_81 = %scan3A_8 to %scan3A_10 step %scan3A_11 iter_args(%scan3A_82 = %scan3A_7) -> (i32)  : i32 {
      %broadcast_in_dim3A = arith.constant 0.000000e+00 : f32
      %broadcast_in_dim3A_83 = vector.broadcast %broadcast_in_dim3A : f32 to vector<16xf32>
      %add3A_84 = arith.constant 0.000000e+00 : f32
      %add3A_85 = vector.broadcast %add3A_84 : f32 to vector<16xf32>
      %add3A_86 = arith.addf %broadcast_in_dim3A_83, %add3A_85 : vector<16xf32>
      %swap3A = arith.index_cast %scan3A_81 : i32 to index
      %swap3A_87 = arith.constant 0 : index
      %swap3A_88 = tpu.vector_load %arg6[%swap3A, %swap3A_87] {strides = array<i32>} : memref<128x16xf32, #tpu.memory_space<vmem>>, vector<1x16xf32>,
      %swap3A_89 = vector.shape_cast %swap3A_88 : vector<1x16xf32> to vector<16xf32>
      %swap3A_90 = vector.shape_cast %add3A_86 : vector<16xf32> to vector<1x16xf32>
      tpu.vector_store %arg6[%swap3A, %swap3A_87], %swap3A_90 {strides = array<i32>} : memref<128x16xf32, #tpu.memory_space<vmem>>, vector<1x16xf32>,
      %scan3A_91 = arith.constant 0 : i32
      scf.yield %scan3A_91 : i32
    }
    %scan3A_13 = arith.constant 128 : i32
    %eq3A = arith.constant 0 : i32
    %eq3A_14 = arith.cmpi eq, %arg0, %eq3A : i32
    %convert_element_type3A = arith.extui %eq3A_14 : i1 to i32
    %cond3A = arith.constant 0 : i32
    %cond3A_15 = arith.cmpi ne, %convert_element_type3A, %cond3A : i32
    scf.if %cond3A_15 {
      %mul3A_81 = arith.constant 640 : i32
      %mul3A_82 = arith.muli %arg1, %mul3A_81 : i32
      %add3A_83 = arith.constant 0 : i32
      %add3A_84 = arith.addi %mul3A_82, %add3A_83 : i32
      "tpu.region"() ({
        %run_scoped3A_85 = tpu.sem_alloc : memref<!tpu.dma_semaphore, #tpu.memory_space<semaphore_mem>>
        %dma_start3A = arith.constant 0 : i32
        %dma_start3A_86 = tpu.memref_slice %arg7[%add3A_84, %dma_start3A] : memref<10240x16xf32, #tpu.memory_space<vmem_shared>> -> memref<128x16xf32, #tpu.memory_space<vmem_shared>>
        %dma_start3A_87 = arith.constant 0 : i32
        %dma_start3A_88 = tpu.memref_slice %arg7[%add3A_84, %dma_start3A_87] : memref<10240x16xf32, #tpu.memory_space<vmem_shared>> -> memref<128x16xf32, #tpu.memory_space<vmem_shared>>
        tpu.enqueue_dma source(%arg5 : memref<128x16xf32, #tpu.memory_space<vmem>>) target(%dma_start3A_88 : memref<128x16xf32, #tpu.memory_space<vmem_shared>>) target_semaphore(%run_scoped3A_85 : memref<!tpu.dma_semaphore, #tpu.memory_space<semaphore_mem>>)
        %dma_wait3A = arith.constant 0 : i32
        %dma_wait3A_89 = tpu.memref_slice %arg7[%add3A_84, %dma_wait3A] : memref<10240x16xf32, #tpu.memory_space<vmem_shared>> -> memref<128x16xf32, #tpu.memory_space<vmem_shared>>
        %dma_wait3A_90 = arith.constant 0 : i32
        %dma_wait3A_91 = tpu.memref_slice %arg7[%add3A_84, %dma_wait3A_90] : memref<10240x16xf32, #tpu.memory_space<vmem_shared>> -> memref<128x16xf32, #tpu.memory_space<vmem_shared>>
        tpu.wait_dma2 semaphore(%run_scoped3A_85 : memref<!tpu.dma_semaphore, #tpu.memory_space<semaphore_mem>>) src(%arg5 : memref<128x16xf32, #tpu.memory_space<vmem>>) dst(%dma_wait3A_91 : memref<128x16xf32, #tpu.memory_space<vmem_shared>>)
        tpu.yield
      }) : () -> ()
    } else {
    }
    %ne3A = arith.constant 0 : i32
    %ne3A_16 = arith.cmpi ne, %arg0, %ne3A : i32
    %convert_element_type3A_17 = arith.extui %ne3A_16 : i1 to i32
    %cond3A_18 = arith.constant 0 : i32
    %cond3A_19 = arith.cmpi ne, %convert_element_type3A_17, %cond3A_18 : i32
    scf.if %cond3A_19 {
      %mul3A_81 = arith.constant 640 : i32
      %mul3A_82 = arith.muli %arg1, %mul3A_81 : i32
      %add3A_83 = arith.constant 0 : i32
      %add3A_84 = arith.addi %mul3A_82, %add3A_83 : i32
      "tpu.region"() ({
        %run_scoped3A_85 = tpu.sem_alloc : memref<!tpu.dma_semaphore, #tpu.memory_space<semaphore_mem>>
        %dma_start3A = arith.constant 0 : i32
        %dma_start3A_86 = tpu.memref_slice %arg7[%add3A_84, %dma_start3A] : memref<10240x16xf32, #tpu.memory_space<vmem_shared>> -> memref<128x16xf32, #tpu.memory_space<vmem_shared>>
        %dma_start3A_87 = arith.constant 0 : i32
        %dma_start3A_88 = tpu.memref_slice %arg7[%add3A_84, %dma_start3A_87] : memref<10240x16xf32, #tpu.memory_space<vmem_shared>> -> memref<128x16xf32, #tpu.memory_space<vmem_shared>>
        tpu.enqueue_dma source(%arg6 : memref<128x16xf32, #tpu.memory_space<vmem>>) target(%dma_start3A_88 : memref<128x16xf32, #tpu.memory_space<vmem_shared>>) target_semaphore(%run_scoped3A_85 : memref<!tpu.dma_semaphore, #tpu.memory_space<semaphore_mem>>)
        %dma_wait3A = arith.constant 0 : i32
        %dma_wait3A_89 = tpu.memref_slice %arg7[%add3A_84, %dma_wait3A] : memref<10240x16xf32, #tpu.memory_space<vmem_shared>> -> memref<128x16xf32, #tpu.memory_space<vmem_shared>>
        %dma_wait3A_90 = arith.constant 0 : i32
        %dma_wait3A_91 = tpu.memref_slice %arg7[%add3A_84, %dma_wait3A_90] : memref<10240x16xf32, #tpu.memory_space<vmem_shared>> -> memref<128x16xf32, #tpu.memory_space<vmem_shared>>
        tpu.wait_dma2 semaphore(%run_scoped3A_85 : memref<!tpu.dma_semaphore, #tpu.memory_space<semaphore_mem>>) src(%arg6 : memref<128x16xf32, #tpu.memory_space<vmem>>) dst(%dma_wait3A_91 : memref<128x16xf32, #tpu.memory_space<vmem_shared>>)
        tpu.yield
      }) : () -> ()
    } else {
    }
    %eq3A_20 = arith.constant 0 : i32
    %eq3A_21 = arith.cmpi eq, %arg0, %eq3A_20 : i32
    %convert_element_type3A_22 = arith.extui %eq3A_21 : i1 to i32
    %cond3A_23 = arith.constant 0 : i32
    %cond3A_24 = arith.cmpi ne, %convert_element_type3A_22, %cond3A_23 : i32
    scf.if %cond3A_24 {
      %mul3A_81 = arith.constant 640 : i32
      %mul3A_82 = arith.muli %arg1, %mul3A_81 : i32
      %add3A_83 = arith.constant 128 : i32
      %add3A_84 = arith.addi %mul3A_82, %add3A_83 : i32
      "tpu.region"() ({
        %run_scoped3A_85 = tpu.sem_alloc : memref<!tpu.dma_semaphore, #tpu.memory_space<semaphore_mem>>
        %dma_start3A = arith.constant 0 : i32
        %dma_start3A_86 = tpu.memref_slice %arg7[%add3A_84, %dma_start3A] : memref<10240x16xf32, #tpu.memory_space<vmem_shared>> -> memref<128x16xf32, #tpu.memory_space<vmem_shared>>
        %dma_start3A_87 = arith.constant 0 : i32
        %dma_start3A_88 = tpu.memref_slice %arg7[%add3A_84, %dma_start3A_87] : memref<10240x16xf32, #tpu.memory_space<vmem_shared>> -> memref<128x16xf32, #tpu.memory_space<vmem_shared>>
        tpu.enqueue_dma source(%arg5 : memref<128x16xf32, #tpu.memory_space<vmem>>) target(%dma_start3A_88 : memref<128x16xf32, #tpu.memory_space<vmem_shared>>) target_semaphore(%run_scoped3A_85 : memref<!tpu.dma_semaphore, #tpu.memory_space<semaphore_mem>>)
        %dma_wait3A = arith.constant 0 : i32
        %dma_wait3A_89 = tpu.memref_slice %arg7[%add3A_84, %dma_wait3A] : memref<10240x16xf32, #tpu.memory_space<vmem_shared>> -> memref<128x16xf32, #tpu.memory_space<vmem_shared>>
        %dma_wait3A_90 = arith.constant 0 : i32
        %dma_wait3A_91 = tpu.memref_slice %arg7[%add3A_84, %dma_wait3A_90] : memref<10240x16xf32, #tpu.memory_space<vmem_shared>> -> memref<128x16xf32, #tpu.memory_space<vmem_shared>>
        tpu.wait_dma2 semaphore(%run_scoped3A_85 : memref<!tpu.dma_semaphore, #tpu.memory_space<semaphore_mem>>) src(%arg5 : memref<128x16xf32, #tpu.memory_space<vmem>>) dst(%dma_wait3A_91 : memref<128x16xf32, #tpu.memory_space<vmem_shared>>)
        tpu.yield
      }) : () -> ()
    } else {
    }
    %ne3A_25 = arith.constant 0 : i32
    %ne3A_26 = arith.cmpi ne, %arg0, %ne3A_25 : i32
    %convert_element_type3A_27 = arith.extui %ne3A_26 : i1 to i32
    %cond3A_28 = arith.constant 0 : i32
    %cond3A_29 = arith.cmpi ne, %convert_element_type3A_27, %cond3A_28 : i32
    scf.if %cond3A_29 {
      %mul3A_81 = arith.constant 640 : i32
      %mul3A_82 = arith.muli %arg1, %mul3A_81 : i32
      %add3A_83 = arith.constant 128 : i32
      %add3A_84 = arith.addi %mul3A_82, %add3A_83 : i32
      "tpu.region"() ({
        %run_scoped3A_85 = tpu.sem_alloc : memref<!tpu.dma_semaphore, #tpu.memory_space<semaphore_mem>>
        %dma_start3A = arith.constant 0 : i32
        %dma_start3A_86 = tpu.memref_slice %arg7[%add3A_84, %dma_start3A] : memref<10240x16xf32, #tpu.memory_space<vmem_shared>> -> memref<128x16xf32, #tpu.memory_space<vmem_shared>>
        %dma_start3A_87 = arith.constant 0 : i32
        %dma_start3A_88 = tpu.memref_slice %arg7[%add3A_84, %dma_start3A_87] : memref<10240x16xf32, #tpu.memory_space<vmem_shared>> -> memref<128x16xf32, #tpu.memory_space<vmem_shared>>
        tpu.enqueue_dma source(%arg6 : memref<128x16xf32, #tpu.memory_space<vmem>>) target(%dma_start3A_88 : memref<128x16xf32, #tpu.memory_space<vmem_shared>>) target_semaphore(%run_scoped3A_85 : memref<!tpu.dma_semaphore, #tpu.memory_space<semaphore_mem>>)
        %dma_wait3A = arith.constant 0 : i32
        %dma_wait3A_89 = tpu.memref_slice %arg7[%add3A_84, %dma_wait3A] : memref<10240x16xf32, #tpu.memory_space<vmem_shared>> -> memref<128x16xf32, #tpu.memory_space<vmem_shared>>
        %dma_wait3A_90 = arith.constant 0 : i32
        %dma_wait3A_91 = tpu.memref_slice %arg7[%add3A_84, %dma_wait3A_90] : memref<10240x16xf32, #tpu.memory_space<vmem_shared>> -> memref<128x16xf32, #tpu.memory_space<vmem_shared>>
        tpu.wait_dma2 semaphore(%run_scoped3A_85 : memref<!tpu.dma_semaphore, #tpu.memory_space<semaphore_mem>>) src(%arg6 : memref<128x16xf32, #tpu.memory_space<vmem>>) dst(%dma_wait3A_91 : memref<128x16xf32, #tpu.memory_space<vmem_shared>>)
        tpu.yield
      }) : () -> ()
    } else {
    }
    %eq3A_30 = arith.constant 0 : i32
    %eq3A_31 = arith.cmpi eq, %arg0, %eq3A_30 : i32
    %convert_element_type3A_32 = arith.extui %eq3A_31 : i1 to i32
    %cond3A_33 = arith.constant 0 : i32
    %cond3A_34 = arith.cmpi ne, %convert_element_type3A_32, %cond3A_33 : i32
    scf.if %cond3A_34 {
      %mul3A_81 = arith.constant 640 : i32
      %mul3A_82 = arith.muli %arg1, %mul3A_81 : i32
      %add3A_83 = arith.constant 256 : i32
      %add3A_84 = arith.addi %mul3A_82, %add3A_83 : i32
      "tpu.region"() ({
        %run_scoped3A_85 = tpu.sem_alloc : memref<!tpu.dma_semaphore, #tpu.memory_space<semaphore_mem>>
        %dma_start3A = arith.constant 0 : i32
        %dma_start3A_86 = tpu.memref_slice %arg7[%add3A_84, %dma_start3A] : memref<10240x16xf32, #tpu.memory_space<vmem_shared>> -> memref<128x16xf32, #tpu.memory_space<vmem_shared>>
        %dma_start3A_87 = arith.constant 0 : i32
        %dma_start3A_88 = tpu.memref_slice %arg7[%add3A_84, %dma_start3A_87] : memref<10240x16xf32, #tpu.memory_space<vmem_shared>> -> memref<128x16xf32, #tpu.memory_space<vmem_shared>>
        tpu.enqueue_dma source(%arg5 : memref<128x16xf32, #tpu.memory_space<vmem>>) target(%dma_start3A_88 : memref<128x16xf32, #tpu.memory_space<vmem_shared>>) target_semaphore(%run_scoped3A_85 : memref<!tpu.dma_semaphore, #tpu.memory_space<semaphore_mem>>)
        %dma_wait3A = arith.constant 0 : i32
        %dma_wait3A_89 = tpu.memref_slice %arg7[%add3A_84, %dma_wait3A] : memref<10240x16xf32, #tpu.memory_space<vmem_shared>> -> memref<128x16xf32, #tpu.memory_space<vmem_shared>>
        %dma_wait3A_90 = arith.constant 0 : i32
        %dma_wait3A_91 = tpu.memref_slice %arg7[%add3A_84, %dma_wait3A_90] : memref<10240x16xf32, #tpu.memory_space<vmem_shared>> -> memref<128x16xf32, #tpu.memory_space<vmem_shared>>
        tpu.wait_dma2 semaphore(%run_scoped3A_85 : memref<!tpu.dma_semaphore, #tpu.memory_space<semaphore_mem>>) src(%arg5 : memref<128x16xf32, #tpu.memory_space<vmem>>) dst(%dma_wait3A_91 : memref<128x16xf32, #tpu.memory_space<vmem_shared>>)
        tpu.yield
      }) : () -> ()
    } else {
    }
    %ne3A_35 = arith.constant 0 : i32
    %ne3A_36 = arith.cmpi ne, %arg0, %ne3A_35 : i32
    %convert_element_type3A_37 = arith.extui %ne3A_36 : i1 to i32
    %cond3A_38 = arith.constant 0 : i32
    %cond3A_39 = arith.cmpi ne, %convert_element_type3A_37, %cond3A_38 : i32
    scf.if %cond3A_39 {
      %mul3A_81 = arith.constant 640 : i32
      %mul3A_82 = arith.muli %arg1, %mul3A_81 : i32
      %add3A_83 = arith.constant 256 : i32
      %add3A_84 = arith.addi %mul3A_82, %add3A_83 : i32
      "tpu.region"() ({
        %run_scoped3A_85 = tpu.sem_alloc : memref<!tpu.dma_semaphore, #tpu.memory_space<semaphore_mem>>
        %dma_start3A = arith.constant 0 : i32
        %dma_start3A_86 = tpu.memref_slice %arg7[%add3A_84, %dma_start3A] : memref<10240x16xf32, #tpu.memory_space<vmem_shared>> -> memref<128x16xf32, #tpu.memory_space<vmem_shared>>
        %dma_start3A_87 = arith.constant 0 : i32
        %dma_start3A_88 = tpu.memref_slice %arg7[%add3A_84, %dma_start3A_87] : memref<10240x16xf32, #tpu.memory_space<vmem_shared>> -> memref<128x16xf32, #tpu.memory_space<vmem_shared>>
        tpu.enqueue_dma source(%arg6 : memref<128x16xf32, #tpu.memory_space<vmem>>) target(%dma_start3A_88 : memref<128x16xf32, #tpu.memory_space<vmem_shared>>) target_semaphore(%run_scoped3A_85 : memref<!tpu.dma_semaphore, #tpu.memory_space<semaphore_mem>>)
        %dma_wait3A = arith.constant 0 : i32
        %dma_wait3A_89 = tpu.memref_slice %arg7[%add3A_84, %dma_wait3A] : memref<10240x16xf32, #tpu.memory_space<vmem_shared>> -> memref<128x16xf32, #tpu.memory_space<vmem_shared>>
        %dma_wait3A_90 = arith.constant 0 : i32
        %dma_wait3A_91 = tpu.memref_slice %arg7[%add3A_84, %dma_wait3A_90] : memref<10240x16xf32, #tpu.memory_space<vmem_shared>> -> memref<128x16xf32, #tpu.memory_space<vmem_shared>>
        tpu.wait_dma2 semaphore(%run_scoped3A_85 : memref<!tpu.dma_semaphore, #tpu.memory_space<semaphore_mem>>) src(%arg6 : memref<128x16xf32, #tpu.memory_space<vmem>>) dst(%dma_wait3A_91 : memref<128x16xf32, #tpu.memory_space<vmem_shared>>)
        tpu.yield
      }) : () -> ()
    } else {
    }
    %eq3A_40 = arith.constant 0 : i32
    %eq3A_41 = arith.cmpi eq, %arg0, %eq3A_40 : i32
    %convert_element_type3A_42 = arith.extui %eq3A_41 : i1 to i32
    %cond3A_43 = arith.constant 0 : i32
    %cond3A_44 = arith.cmpi ne, %convert_element_type3A_42, %cond3A_43 : i32
    scf.if %cond3A_44 {
      %mul3A_81 = arith.constant 640 : i32
      %mul3A_82 = arith.muli %arg1, %mul3A_81 : i32
      %add3A_83 = arith.constant 384 : i32
      %add3A_84 = arith.addi %mul3A_82, %add3A_83 : i32
      "tpu.region"() ({
        %run_scoped3A_85 = tpu.sem_alloc : memref<!tpu.dma_semaphore, #tpu.memory_space<semaphore_mem>>
        %dma_start3A = arith.constant 0 : i32
        %dma_start3A_86 = tpu.memref_slice %arg7[%add3A_84, %dma_start3A] : memref<10240x16xf32, #tpu.memory_space<vmem_shared>> -> memref<128x16xf32, #tpu.memory_space<vmem_shared>>
        %dma_start3A_87 = arith.constant 0 : i32
        %dma_start3A_88 = tpu.memref_slice %arg7[%add3A_84, %dma_start3A_87] : memref<10240x16xf32, #tpu.memory_space<vmem_shared>> -> memref<128x16xf32, #tpu.memory_space<vmem_shared>>
        tpu.enqueue_dma source(%arg5 : memref<128x16xf32, #tpu.memory_space<vmem>>) target(%dma_start3A_88 : memref<128x16xf32, #tpu.memory_space<vmem_shared>>) target_semaphore(%run_scoped3A_85 : memref<!tpu.dma_semaphore, #tpu.memory_space<semaphore_mem>>)
        %dma_wait3A = arith.constant 0 : i32
        %dma_wait3A_89 = tpu.memref_slice %arg7[%add3A_84, %dma_wait3A] : memref<10240x16xf32, #tpu.memory_space<vmem_shared>> -> memref<128x16xf32, #tpu.memory_space<vmem_shared>>
        %dma_wait3A_90 = arith.constant 0 : i32
        %dma_wait3A_91 = tpu.memref_slice %arg7[%add3A_84, %dma_wait3A_90] : memref<10240x16xf32, #tpu.memory_space<vmem_shared>> -> memref<128x16xf32, #tpu.memory_space<vmem_shared>>
        tpu.wait_dma2 semaphore(%run_scoped3A_85 : memref<!tpu.dma_semaphore, #tpu.memory_space<semaphore_mem>>) src(%arg5 : memref<128x16xf32, #tpu.memory_space<vmem>>) dst(%dma_wait3A_91 : memref<128x16xf32, #tpu.memory_space<vmem_shared>>)
        tpu.yield
      }) : () -> ()
    } else {
    }
    %ne3A_45 = arith.constant 0 : i32
    %ne3A_46 = arith.cmpi ne, %arg0, %ne3A_45 : i32
    %convert_element_type3A_47 = arith.extui %ne3A_46 : i1 to i32
    %cond3A_48 = arith.constant 0 : i32
    %cond3A_49 = arith.cmpi ne, %convert_element_type3A_47, %cond3A_48 : i32
    scf.if %cond3A_49 {
      %mul3A_81 = arith.constant 640 : i32
      %mul3A_82 = arith.muli %arg1, %mul3A_81 : i32
      %add3A_83 = arith.constant 384 : i32
      %add3A_84 = arith.addi %mul3A_82, %add3A_83 : i32
      "tpu.region"() ({
        %run_scoped3A_85 = tpu.sem_alloc : memref<!tpu.dma_semaphore, #tpu.memory_space<semaphore_mem>>
        %dma_start3A = arith.constant 0 : i32
        %dma_start3A_86 = tpu.memref_slice %arg7[%add3A_84, %dma_start3A] : memref<10240x16xf32, #tpu.memory_space<vmem_shared>> -> memref<128x16xf32, #tpu.memory_space<vmem_shared>>
        %dma_start3A_87 = arith.constant 0 : i32
        %dma_start3A_88 = tpu.memref_slice %arg7[%add3A_84, %dma_start3A_87] : memref<10240x16xf32, #tpu.memory_space<vmem_shared>> -> memref<128x16xf32, #tpu.memory_space<vmem_shared>>
        tpu.enqueue_dma source(%arg6 : memref<128x16xf32, #tpu.memory_space<vmem>>) target(%dma_start3A_88 : memref<128x16xf32, #tpu.memory_space<vmem_shared>>) target_semaphore(%run_scoped3A_85 : memref<!tpu.dma_semaphore, #tpu.memory_space<semaphore_mem>>)
        %dma_wait3A = arith.constant 0 : i32
        %dma_wait3A_89 = tpu.memref_slice %arg7[%add3A_84, %dma_wait3A] : memref<10240x16xf32, #tpu.memory_space<vmem_shared>> -> memref<128x16xf32, #tpu.memory_space<vmem_shared>>
        %dma_wait3A_90 = arith.constant 0 : i32
        %dma_wait3A_91 = tpu.memref_slice %arg7[%add3A_84, %dma_wait3A_90] : memref<10240x16xf32, #tpu.memory_space<vmem_shared>> -> memref<128x16xf32, #tpu.memory_space<vmem_shared>>
        tpu.wait_dma2 semaphore(%run_scoped3A_85 : memref<!tpu.dma_semaphore, #tpu.memory_space<semaphore_mem>>) src(%arg6 : memref<128x16xf32, #tpu.memory_space<vmem>>) dst(%dma_wait3A_91 : memref<128x16xf32, #tpu.memory_space<vmem_shared>>)
        tpu.yield
      }) : () -> ()
    } else {
    }
    %eq3A_50 = arith.constant 0 : i32
    %eq3A_51 = arith.cmpi eq, %arg0, %eq3A_50 : i32
    %convert_element_type3A_52 = arith.extui %eq3A_51 : i1 to i32
    %cond3A_53 = arith.constant 0 : i32
    %cond3A_54 = arith.cmpi ne, %convert_element_type3A_52, %cond3A_53 : i32
    scf.if %cond3A_54 {
      %mul3A_81 = arith.constant 640 : i32
      %mul3A_82 = arith.muli %arg1, %mul3A_81 : i32
      %add3A_83 = arith.constant 512 : i32
      %add3A_84 = arith.addi %mul3A_82, %add3A_83 : i32
      "tpu.region"() ({
        %run_scoped3A_85 = tpu.sem_alloc : memref<!tpu.dma_semaphore, #tpu.memory_space<semaphore_mem>>
        %dma_start3A = arith.constant 0 : i32
        %dma_start3A_86 = tpu.memref_slice %arg7[%add3A_84, %dma_start3A] : memref<10240x16xf32, #tpu.memory_space<vmem_shared>> -> memref<128x16xf32, #tpu.memory_space<vmem_shared>>
        %dma_start3A_87 = arith.constant 0 : i32
        %dma_start3A_88 = tpu.memref_slice %arg7[%add3A_84, %dma_start3A_87] : memref<10240x16xf32, #tpu.memory_space<vmem_shared>> -> memref<128x16xf32, #tpu.memory_space<vmem_shared>>
        tpu.enqueue_dma source(%arg5 : memref<128x16xf32, #tpu.memory_space<vmem>>) target(%dma_start3A_88 : memref<128x16xf32, #tpu.memory_space<vmem_shared>>) target_semaphore(%run_scoped3A_85 : memref<!tpu.dma_semaphore, #tpu.memory_space<semaphore_mem>>)
        %dma_wait3A = arith.constant 0 : i32
        %dma_wait3A_89 = tpu.memref_slice %arg7[%add3A_84, %dma_wait3A] : memref<10240x16xf32, #tpu.memory_space<vmem_shared>> -> memref<128x16xf32, #tpu.memory_space<vmem_shared>>
        %dma_wait3A_90 = arith.constant 0 : i32
        %dma_wait3A_91 = tpu.memref_slice %arg7[%add3A_84, %dma_wait3A_90] : memref<10240x16xf32, #tpu.memory_space<vmem_shared>> -> memref<128x16xf32, #tpu.memory_space<vmem_shared>>
        tpu.wait_dma2 semaphore(%run_scoped3A_85 : memref<!tpu.dma_semaphore, #tpu.memory_space<semaphore_mem>>) src(%arg5 : memref<128x16xf32, #tpu.memory_space<vmem>>) dst(%dma_wait3A_91 : memref<128x16xf32, #tpu.memory_space<vmem_shared>>)
        tpu.yield
      }) : () -> ()
    } else {
    }
    %ne3A_55 = arith.constant 0 : i32
    %ne3A_56 = arith.cmpi ne, %arg0, %ne3A_55 : i32
    %convert_element_type3A_57 = arith.extui %ne3A_56 : i1 to i32
    %cond3A_58 = arith.constant 0 : i32
    %cond3A_59 = arith.cmpi ne, %convert_element_type3A_57, %cond3A_58 : i32
    scf.if %cond3A_59 {
      %mul3A_81 = arith.constant 640 : i32
      %mul3A_82 = arith.muli %arg1, %mul3A_81 : i32
      %add3A_83 = arith.constant 512 : i32
      %add3A_84 = arith.addi %mul3A_82, %add3A_83 : i32
      "tpu.region"() ({
        %run_scoped3A_85 = tpu.sem_alloc : memref<!tpu.dma_semaphore, #tpu.memory_space<semaphore_mem>>
        %dma_start3A = arith.constant 0 : i32
        %dma_start3A_86 = tpu.memref_slice %arg7[%add3A_84, %dma_start3A] : memref<10240x16xf32, #tpu.memory_space<vmem_shared>> -> memref<128x16xf32, #tpu.memory_space<vmem_shared>>
        %dma_start3A_87 = arith.constant 0 : i32
        %dma_start3A_88 = tpu.memref_slice %arg7[%add3A_84, %dma_start3A_87] : memref<10240x16xf32, #tpu.memory_space<vmem_shared>> -> memref<128x16xf32, #tpu.memory_space<vmem_shared>>
        tpu.enqueue_dma source(%arg6 : memref<128x16xf32, #tpu.memory_space<vmem>>) target(%dma_start3A_88 : memref<128x16xf32, #tpu.memory_space<vmem_shared>>) target_semaphore(%run_scoped3A_85 : memref<!tpu.dma_semaphore, #tpu.memory_space<semaphore_mem>>)
        %dma_wait3A = arith.constant 0 : i32
        %dma_wait3A_89 = tpu.memref_slice %arg7[%add3A_84, %dma_wait3A] : memref<10240x16xf32, #tpu.memory_space<vmem_shared>> -> memref<128x16xf32, #tpu.memory_space<vmem_shared>>
        %dma_wait3A_90 = arith.constant 0 : i32
        %dma_wait3A_91 = tpu.memref_slice %arg7[%add3A_84, %dma_wait3A_90] : memref<10240x16xf32, #tpu.memory_space<vmem_shared>> -> memref<128x16xf32, #tpu.memory_space<vmem_shared>>
        tpu.wait_dma2 semaphore(%run_scoped3A_85 : memref<!tpu.dma_semaphore, #tpu.memory_space<semaphore_mem>>) src(%arg6 : memref<128x16xf32, #tpu.memory_space<vmem>>) dst(%dma_wait3A_91 : memref<128x16xf32, #tpu.memory_space<vmem_shared>>)
        tpu.yield
      }) : () -> ()
    } else {
    }
    %mul3A_60 = arith.constant 40 : i32
    %mul3A_61 = arith.muli %add3A, %mul3A_60 : i32
    %run_scoped3A = arith.constant 1 : i32
    "tpu.region"() ({
      %run_scoped3A_81 = tpu.sem_alloc : memref<!tpu.dma_semaphore, #tpu.memory_space<semaphore_mem>>
      %dma_start3A = arith.constant 0 : i32
      %dma_start3A_82 = tpu.memref_slice %arg2[%run_scoped3A, %mul3A_61, %dma_start3A] : memref<2x1280x128xi32, #tpu.memory_space<hbm>> -> memref<1x40x128xi32, #tpu.memory_space<hbm>>
      %dma_start3A_83 = tpu.memref_squeeze %dma_start3A_82 : memref<1x40x128xi32, #tpu.memory_space<hbm>> -> memref<40x128xi32, #tpu.memory_space<hbm>>
      %dma_start3A_84 = arith.constant 0 : i32
      %dma_start3A_85 = tpu.memref_slice %arg2[%run_scoped3A, %mul3A_61, %dma_start3A_84] : memref<2x1280x128xi32, #tpu.memory_space<hbm>> -> memref<1x40x128xi32, #tpu.memory_space<hbm>>
      %dma_start3A_86 = tpu.memref_squeeze %dma_start3A_85 : memref<1x40x128xi32, #tpu.memory_space<hbm>> -> memref<40x128xi32, #tpu.memory_space<hbm>>
      tpu.enqueue_dma source(%dma_start3A_86 : memref<40x128xi32, #tpu.memory_space<hbm>>) target(%arg4 : memref<40x128xi32, #tpu.memory_space<vmem>>) target_semaphore(%run_scoped3A_81 : memref<!tpu.dma_semaphore, #tpu.memory_space<semaphore_mem>>)
      %dma_wait3A = arith.constant 0 : i32
      %dma_wait3A_87 = tpu.memref_slice %arg2[%run_scoped3A, %mul3A_61, %dma_wait3A] : memref<2x1280x128xi32, #tpu.memory_space<hbm>> -> memref<1x40x128xi32, #tpu.memory_space<hbm>>
      %dma_wait3A_88 = tpu.memref_squeeze %dma_wait3A_87 : memref<1x40x128xi32, #tpu.memory_space<hbm>> -> memref<40x128xi32, #tpu.memory_space<hbm>>
      %dma_wait3A_89 = arith.constant 0 : i32
      %dma_wait3A_90 = tpu.memref_slice %arg2[%run_scoped3A, %mul3A_61, %dma_wait3A_89] : memref<2x1280x128xi32, #tpu.memory_space<hbm>> -> memref<1x40x128xi32, #tpu.memory_space<hbm>>
      %dma_wait3A_91 = tpu.memref_squeeze %dma_wait3A_90 : memref<1x40x128xi32, #tpu.memory_space<hbm>> -> memref<40x128xi32, #tpu.memory_space<hbm>>
      tpu.wait_dma2 semaphore(%run_scoped3A_81 : memref<!tpu.dma_semaphore, #tpu.memory_space<semaphore_mem>>) src(%dma_wait3A_91 : memref<40x128xi32, #tpu.memory_space<hbm>>) dst(%arg4 : memref<40x128xi32, #tpu.memory_space<vmem>>)
      tpu.yield
    }) : () -> ()
    %barrier3A = arith.constant 0 : index
    tpu.barrier barrier_id(%barrier3A)
    %scan3A_62 = arith.constant 0 : i32
    %scan3A_63 = arith.constant 0 : i32
    %scan3A_64 = arith.constant 40 : i32
    %scan3A_65 = arith.addi %scan3A_63, %scan3A_64 : i32
    %scan3A_66 = arith.constant 1 : i32
    %scan3A_67 = scf.for %scan3A_81 = %scan3A_63 to %scan3A_65 step %scan3A_66 iter_args(%scan3A_82 = %scan3A_62) -> (i32)  : i32 {
      %dma_start3A = arith.constant 0 : i32
      %dma_start3A_83 = tpu.memref_slice %arg4[%scan3A_81, %dma_start3A] : memref<40x128xi32, #tpu.memory_space<vmem>> -> memref<1x128xi32, #tpu.memory_space<vmem>>
      %dma_start3A_84 = tpu.memref_squeeze %dma_start3A_83 : memref<1x128xi32, #tpu.memory_space<vmem>> -> memref<128xi32, #tpu.memory_space<vmem>>
      %dma_start3A_85 = arith.constant 0 : i32
      %dma_start3A_86 = arith.constant 0 : i32
      %dma_start3A_87 = tpu.memref_slice %arg7[%dma_start3A_85, %dma_start3A_86] : memref<10240x16xf32, #tpu.memory_space<vmem_shared>> -> memref<10240x16xf32, #tpu.memory_space<vmem_shared>>
      tpu.enqueue_indirect_dma source(%arg5 : memref<128x16xf32, #tpu.memory_space<vmem>>) target(%dma_start3A_87 : memref<10240x16xf32, #tpu.memory_space<vmem_shared>>) offsets(%dma_start3A_84 : memref<128xi32, #tpu.memory_space<vmem>>) semaphore(%arg8 : memref<!tpu.dma_semaphore, #tpu.memory_space<semaphore_mem>>) {add = true}
      %scan3A_88 = arith.constant 0 : i32
      scf.yield %scan3A_88 : i32
    }
    %scan3A_68 = arith.constant 40 : i32
    %scan3A_69 = arith.constant 0 : i32
    %scan3A_70 = arith.constant 0 : i32
    %scan3A_71 = arith.constant 40 : i32
    %scan3A_72 = arith.addi %scan3A_70, %scan3A_71 : i32
    %scan3A_73 = arith.constant 1 : i32
    %scan3A_74 = scf.for %scan3A_81 = %scan3A_70 to %scan3A_72 step %scan3A_73 iter_args(%scan3A_82 = %scan3A_69) -> (i32)  : i32 {
      %dma_wait3A = arith.constant 0 : i32
      %dma_wait3A_83 = tpu.memref_slice %arg4[%scan3A_81, %dma_wait3A] : memref<40x128xi32, #tpu.memory_space<vmem>> -> memref<1x128xi32, #tpu.memory_space<vmem>>
      %dma_wait3A_84 = tpu.memref_squeeze %dma_wait3A_83 : memref<1x128xi32, #tpu.memory_space<vmem>> -> memref<128xi32, #tpu.memory_space<vmem>>
      %dma_wait3A_85 = arith.constant 0 : i32
      %dma_wait3A_86 = arith.constant 0 : i32
      %dma_wait3A_87 = tpu.memref_slice %arg7[%dma_wait3A_85, %dma_wait3A_86] : memref<10240x16xf32, #tpu.memory_space<vmem_shared>> -> memref<10240x16xf32, #tpu.memory_space<vmem_shared>>
      tpu.wait_indirect_dma semaphore(%arg8 : memref<!tpu.dma_semaphore, #tpu.memory_space<semaphore_mem>>) src(%arg5 : memref<128x16xf32, #tpu.memory_space<vmem>>) dst(%dma_wait3A_87 : memref<10240x16xf32, #tpu.memory_space<vmem_shared>>)
      %scan3A_88 = arith.constant 0 : i32
      scf.yield %scan3A_88 : i32
    }
    %scan3A_75 = arith.constant 40 : i32
    %barrier3A_76 = arith.constant 0 : index
    tpu.barrier barrier_id(%barrier3A_76)
    %mul3A_77 = arith.constant 640 : i32
    %mul3A_78 = arith.muli %arg1, %mul3A_77 : i32
    %mul3A_79 = arith.constant 640 : i32
    %mul3A_80 = arith.muli %arg1, %mul3A_79 : i32
    "tpu.region"() ({
      %run_scoped3A_81 = tpu.sem_alloc : memref<!tpu.dma_semaphore, #tpu.memory_space<semaphore_mem>>
      %dma_start3A = arith.constant 0 : i32
      %dma_start3A_82 = tpu.memref_slice %arg3[%arg0, %mul3A_80, %dma_start3A] : memref<2x10240x16xf32, #tpu.memory_space<hbm>> -> memref<1x640x16xf32, #tpu.memory_space<hbm>>
      %dma_start3A_83 = tpu.memref_squeeze %dma_start3A_82 : memref<1x640x16xf32, #tpu.memory_space<hbm>> -> memref<640x16xf32, #tpu.memory_space<hbm>>
      %dma_start3A_84 = arith.constant 0 : i32
      %dma_start3A_85 = tpu.memref_slice %arg7[%mul3A_78, %dma_start3A_84] : memref<10240x16xf32, #tpu.memory_space<vmem_shared>> -> memref<640x16xf32, #tpu.memory_space<vmem_shared>>
      tpu.enqueue_dma source(%dma_start3A_85 : memref<640x16xf32, #tpu.memory_space<vmem_shared>>) target(%dma_start3A_83 : memref<640x16xf32, #tpu.memory_space<hbm>>) target_semaphore(%run_scoped3A_81 : memref<!tpu.dma_semaphore, #tpu.memory_space<semaphore_mem>>)
      %dma_wait3A = arith.constant 0 : i32
      %dma_wait3A_86 = tpu.memref_slice %arg3[%arg0, %mul3A_80, %dma_wait3A] : memref<2x10240x16xf32, #tpu.memory_space<hbm>> -> memref<1x640x16xf32, #tpu.memory_space<hbm>>
      %dma_wait3A_87 = tpu.memref_squeeze %dma_wait3A_86 : memref<1x640x16xf32, #tpu.memory_space<hbm>> -> memref<640x16xf32, #tpu.memory_space<hbm>>
      %dma_wait3A_88 = arith.constant 0 : i32
      %dma_wait3A_89 = tpu.memref_slice %arg7[%mul3A_78, %dma_wait3A_88] : memref<10240x16xf32, #tpu.memory_space<vmem_shared>> -> memref<640x16xf32, #tpu.memory_space<vmem_shared>>
      tpu.wait_dma2 semaphore(%run_scoped3A_81 : memref<!tpu.dma_semaphore, #tpu.memory_space<semaphore_mem>>) src(%dma_wait3A_89 : memref<640x16xf32, #tpu.memory_space<vmem_shared>>) dst(%dma_wait3A_87 : memref<640x16xf32, #tpu.memory_space<hbm>>)
      tpu.yield
    }) : () -> ()
    return
  }
}

#map = affine_map<(d0, d1) -> (0, 0)>
#map1 = affine_map<(d0, d1) -> (0, 0, 0)>
module attributes {stable_mosaic.version = 14 : i64} {
  func.func @_agg2_kernel(%arg0: i32, %arg1: i32, %arg2: memref<10240x16xf32, #tpu.memory_space<hbm>>, %arg3: memref<2x1280x128xi32, #tpu.memory_space<hbm>>, %arg4: memref<2x10240x16xf32, #tpu.memory_space<hbm>>, %arg5: memref<40x128xi32, #tpu.memory_space<vmem>>, %arg6: memref<40x128xi32, #tpu.memory_space<vmem>>, %arg7: memref<8x128x16xf32, #tpu.memory_space<vmem>>, %arg8: memref<10240x16xf32, #tpu.memory_space<vmem_shared>>, %arg9: memref<8x!tpu.dma_semaphore, #tpu.memory_space<semaphore_mem>>, %arg10: memref<8x!tpu.dma_semaphore, #tpu.memory_space<semaphore_mem>>) attributes {dimension_semantics = [#tpu.dimension_semantics<core_parallel>, #tpu.dimension_semantics<subcore_parallel>], iteration_bounds = array<i64: 2, 16>, scalar_prefetch = 0 : i64, scratch_operands = 6 : i64, tpu.core_type = #tpu.core_type<sc_vector_subcore>, window_params = [{transform_indices = #map}, {transform_indices = #map1}, {transform_indices = #map1}]} {
    %mul3A = arith.constant 16 : i32
    %mul3A_0 = arith.muli %arg0, %mul3A : i32
    %add3A = arith.addi %mul3A_0, %arg1 : i32
    %eq3A = arith.constant 0 : i32
    %eq3A_1 = arith.cmpi eq, %arg0, %eq3A : i32
    %convert_element_type3A = arith.extui %eq3A_1 : i1 to i32
    %cond3A = arith.constant 0 : i32
    %cond3A_2 = arith.cmpi ne, %convert_element_type3A, %cond3A : i32
    scf.if %cond3A_2 {
      %mul3A_141 = arith.constant 640 : i32
      %mul3A_142 = arith.muli %arg1, %mul3A_141 : i32
      %mul3A_143 = arith.constant 640 : i32
      %mul3A_144 = arith.muli %arg1, %mul3A_143 : i32
      "tpu.region"() ({
        %run_scoped3A_145 = tpu.sem_alloc : memref<!tpu.dma_semaphore, #tpu.memory_space<semaphore_mem>>
        %dma_start3A_146 = arith.constant 0 : i32
        %dma_start3A_147 = tpu.memref_slice %arg8[%mul3A_144, %dma_start3A_146] : memref<10240x16xf32, #tpu.memory_space<vmem_shared>> -> memref<640x16xf32, #tpu.memory_space<vmem_shared>>
        %dma_start3A_148 = arith.constant 0 : i32
        %dma_start3A_149 = tpu.memref_slice %arg2[%mul3A_142, %dma_start3A_148] : memref<10240x16xf32, #tpu.memory_space<hbm>> -> memref<640x16xf32, #tpu.memory_space<hbm>>
        tpu.enqueue_dma source(%dma_start3A_149 : memref<640x16xf32, #tpu.memory_space<hbm>>) target(%dma_start3A_147 : memref<640x16xf32, #tpu.memory_space<vmem_shared>>) target_semaphore(%run_scoped3A_145 : memref<!tpu.dma_semaphore, #tpu.memory_space<semaphore_mem>>)
        %dma_wait3A_150 = arith.constant 0 : i32
        %dma_wait3A_151 = tpu.memref_slice %arg8[%mul3A_144, %dma_wait3A_150] : memref<10240x16xf32, #tpu.memory_space<vmem_shared>> -> memref<640x16xf32, #tpu.memory_space<vmem_shared>>
        %dma_wait3A_152 = arith.constant 0 : i32
        %dma_wait3A_153 = tpu.memref_slice %arg2[%mul3A_142, %dma_wait3A_152] : memref<10240x16xf32, #tpu.memory_space<hbm>> -> memref<640x16xf32, #tpu.memory_space<hbm>>
        tpu.wait_dma2 semaphore(%run_scoped3A_145 : memref<!tpu.dma_semaphore, #tpu.memory_space<semaphore_mem>>) src(%dma_wait3A_153 : memref<640x16xf32, #tpu.memory_space<hbm>>) dst(%dma_wait3A_151 : memref<640x16xf32, #tpu.memory_space<vmem_shared>>)
        tpu.yield
      }) : () -> ()
    } else {
    }
    %ne3A = arith.constant 0 : i32
    %ne3A_3 = arith.cmpi ne, %arg0, %ne3A : i32
    %convert_element_type3A_4 = arith.extui %ne3A_3 : i1 to i32
    %cond3A_5 = arith.constant 0 : i32
    %cond3A_6 = arith.cmpi ne, %convert_element_type3A_4, %cond3A_5 : i32
    scf.if %cond3A_6 {
      %scan3A_141 = arith.constant 0 : i32
      %scan3A_142 = arith.constant 0 : i32
      %scan3A_143 = arith.constant 128 : i32
      %scan3A_144 = arith.addi %scan3A_142, %scan3A_143 : i32
      %scan3A_145 = arith.constant 1 : i32
      %scan3A_146 = scf.for %scan3A_173 = %scan3A_142 to %scan3A_144 step %scan3A_145 iter_args(%scan3A_174 = %scan3A_141) -> (i32)  : i32 {
        %broadcast_in_dim3A = arith.constant 0.000000e+00 : f32
        %broadcast_in_dim3A_175 = vector.broadcast %broadcast_in_dim3A : f32 to vector<16xf32>
        %swap3A = arith.constant 0 : i32
        %swap3A_176 = arith.index_cast %swap3A : i32 to index
        %swap3A_177 = arith.index_cast %scan3A_173 : i32 to index
        %swap3A_178 = arith.constant 0 : index
        %swap3A_179 = tpu.vector_load %arg7[%swap3A_176, %swap3A_177, %swap3A_178] {strides = array<i32>} : memref<8x128x16xf32, #tpu.memory_space<vmem>>, vector<1x1x16xf32>,
        %swap3A_180 = vector.shape_cast %swap3A_179 : vector<1x1x16xf32> to vector<16xf32>
        %swap3A_181 = vector.shape_cast %broadcast_in_dim3A_175 : vector<16xf32> to vector<1x1x16xf32>
        tpu.vector_store %arg7[%swap3A_176, %swap3A_177, %swap3A_178], %swap3A_181 {strides = array<i32>} : memref<8x128x16xf32, #tpu.memory_space<vmem>>, vector<1x1x16xf32>,
        %scan3A_182 = arith.constant 0 : i32
        scf.yield %scan3A_182 : i32
      }
      %scan3A_147 = arith.constant 128 : i32
      %mul3A_148 = arith.constant 640 : i32
      %mul3A_149 = arith.muli %arg1, %mul3A_148 : i32
      %add3A_150 = arith.constant 0 : i32
      %add3A_151 = arith.addi %mul3A_149, %add3A_150 : i32
      %run_scoped3A_152 = arith.constant 0 : i32
      "tpu.region"() ({
        %run_scoped3A_173 = tpu.sem_alloc : memref<!tpu.dma_semaphore, #tpu.memory_space<semaphore_mem>>
        %dma_start3A_174 = arith.constant 0 : i32
        %dma_start3A_175 = arith.constant 0 : i32
        %dma_start3A_176 = tpu.memref_slice %arg7[%run_scoped3A_152, %dma_start3A_174, %dma_start3A_175] : memref<8x128x16xf32, #tpu.memory_space<vmem>> -> memref<1x128x16xf32, #tpu.memory_space<vmem>>
        %dma_start3A_177 = tpu.memref_squeeze %dma_start3A_176 : memref<1x128x16xf32, #tpu.memory_space<vmem>> -> memref<128x16xf32, #tpu.memory_space<vmem>>
        %dma_start3A_178 = arith.constant 0 : i32
        %dma_start3A_179 = tpu.memref_slice %arg8[%add3A_151, %dma_start3A_178] : memref<10240x16xf32, #tpu.memory_space<vmem_shared>> -> memref<128x16xf32, #tpu.memory_space<vmem_shared>>
        %dma_start3A_180 = arith.constant 0 : i32
        %dma_start3A_181 = tpu.memref_slice %arg8[%add3A_151, %dma_start3A_180] : memref<10240x16xf32, #tpu.memory_space<vmem_shared>> -> memref<128x16xf32, #tpu.memory_space<vmem_shared>>
        %dma_start3A_182 = arith.constant 0 : i32
        %dma_start3A_183 = arith.constant 0 : i32
        %dma_start3A_184 = tpu.memref_slice %arg7[%run_scoped3A_152, %dma_start3A_182, %dma_start3A_183] : memref<8x128x16xf32, #tpu.memory_space<vmem>> -> memref<1x128x16xf32, #tpu.memory_space<vmem>>
        %dma_start3A_185 = tpu.memref_squeeze %dma_start3A_184 : memref<1x128x16xf32, #tpu.memory_space<vmem>> -> memref<128x16xf32, #tpu.memory_space<vmem>>
        tpu.enqueue_dma source(%dma_start3A_185 : memref<128x16xf32, #tpu.memory_space<vmem>>) target(%dma_start3A_181 : memref<128x16xf32, #tpu.memory_space<vmem_shared>>) target_semaphore(%run_scoped3A_173 : memref<!tpu.dma_semaphore, #tpu.memory_space<semaphore_mem>>)
        %dma_wait3A_186 = arith.constant 0 : i32
        %dma_wait3A_187 = arith.constant 0 : i32
        %dma_wait3A_188 = tpu.memref_slice %arg7[%run_scoped3A_152, %dma_wait3A_186, %dma_wait3A_187] : memref<8x128x16xf32, #tpu.memory_space<vmem>> -> memref<1x128x16xf32, #tpu.memory_space<vmem>>
        %dma_wait3A_189 = tpu.memref_squeeze %dma_wait3A_188 : memref<1x128x16xf32, #tpu.memory_space<vmem>> -> memref<128x16xf32, #tpu.memory_space<vmem>>
        %dma_wait3A_190 = arith.constant 0 : i32
        %dma_wait3A_191 = tpu.memref_slice %arg8[%add3A_151, %dma_wait3A_190] : memref<10240x16xf32, #tpu.memory_space<vmem_shared>> -> memref<128x16xf32, #tpu.memory_space<vmem_shared>>
        %dma_wait3A_192 = arith.constant 0 : i32
        %dma_wait3A_193 = tpu.memref_slice %arg8[%add3A_151, %dma_wait3A_192] : memref<10240x16xf32, #tpu.memory_space<vmem_shared>> -> memref<128x16xf32, #tpu.memory_space<vmem_shared>>
        %dma_wait3A_194 = arith.constant 0 : i32
        %dma_wait3A_195 = arith.constant 0 : i32
        %dma_wait3A_196 = tpu.memref_slice %arg7[%run_scoped3A_152, %dma_wait3A_194, %dma_wait3A_195] : memref<8x128x16xf32, #tpu.memory_space<vmem>> -> memref<1x128x16xf32, #tpu.memory_space<vmem>>
        %dma_wait3A_197 = tpu.memref_squeeze %dma_wait3A_196 : memref<1x128x16xf32, #tpu.memory_space<vmem>> -> memref<128x16xf32, #tpu.memory_space<vmem>>
        tpu.wait_dma2 semaphore(%run_scoped3A_173 : memref<!tpu.dma_semaphore, #tpu.memory_space<semaphore_mem>>) src(%dma_wait3A_197 : memref<128x16xf32, #tpu.memory_space<vmem>>) dst(%dma_wait3A_193 : memref<128x16xf32, #tpu.memory_space<vmem_shared>>)
        tpu.yield
      }) : () -> ()
      %mul3A_153 = arith.constant 640 : i32
      %mul3A_154 = arith.muli %arg1, %mul3A_153 : i32
      %add3A_155 = arith.constant 128 : i32
      %add3A_156 = arith.addi %mul3A_154, %add3A_155 : i32
      %run_scoped3A_157 = arith.constant 0 : i32
      "tpu.region"() ({
        %run_scoped3A_173 = tpu.sem_alloc : memref<!tpu.dma_semaphore, #tpu.memory_space<semaphore_mem>>
        %dma_start3A_174 = arith.constant 0 : i32
        %dma_start3A_175 = arith.constant 0 : i32
        %dma_start3A_176 = tpu.memref_slice %arg7[%run_scoped3A_157, %dma_start3A_174, %dma_start3A_175] : memref<8x128x16xf32, #tpu.memory_space<vmem>> -> memref<1x128x16xf32, #tpu.memory_space<vmem>>
        %dma_start3A_177 = tpu.memref_squeeze %dma_start3A_176 : memref<1x128x16xf32, #tpu.memory_space<vmem>> -> memref<128x16xf32, #tpu.memory_space<vmem>>
        %dma_start3A_178 = arith.constant 0 : i32
        %dma_start3A_179 = tpu.memref_slice %arg8[%add3A_156, %dma_start3A_178] : memref<10240x16xf32, #tpu.memory_space<vmem_shared>> -> memref<128x16xf32, #tpu.memory_space<vmem_shared>>
        %dma_start3A_180 = arith.constant 0 : i32
        %dma_start3A_181 = tpu.memref_slice %arg8[%add3A_156, %dma_start3A_180] : memref<10240x16xf32, #tpu.memory_space<vmem_shared>> -> memref<128x16xf32, #tpu.memory_space<vmem_shared>>
        %dma_start3A_182 = arith.constant 0 : i32
        %dma_start3A_183 = arith.constant 0 : i32
        %dma_start3A_184 = tpu.memref_slice %arg7[%run_scoped3A_157, %dma_start3A_182, %dma_start3A_183] : memref<8x128x16xf32, #tpu.memory_space<vmem>> -> memref<1x128x16xf32, #tpu.memory_space<vmem>>
        %dma_start3A_185 = tpu.memref_squeeze %dma_start3A_184 : memref<1x128x16xf32, #tpu.memory_space<vmem>> -> memref<128x16xf32, #tpu.memory_space<vmem>>
        tpu.enqueue_dma source(%dma_start3A_185 : memref<128x16xf32, #tpu.memory_space<vmem>>) target(%dma_start3A_181 : memref<128x16xf32, #tpu.memory_space<vmem_shared>>) target_semaphore(%run_scoped3A_173 : memref<!tpu.dma_semaphore, #tpu.memory_space<semaphore_mem>>)
        %dma_wait3A_186 = arith.constant 0 : i32
        %dma_wait3A_187 = arith.constant 0 : i32
        %dma_wait3A_188 = tpu.memref_slice %arg7[%run_scoped3A_157, %dma_wait3A_186, %dma_wait3A_187] : memref<8x128x16xf32, #tpu.memory_space<vmem>> -> memref<1x128x16xf32, #tpu.memory_space<vmem>>
        %dma_wait3A_189 = tpu.memref_squeeze %dma_wait3A_188 : memref<1x128x16xf32, #tpu.memory_space<vmem>> -> memref<128x16xf32, #tpu.memory_space<vmem>>
        %dma_wait3A_190 = arith.constant 0 : i32
        %dma_wait3A_191 = tpu.memref_slice %arg8[%add3A_156, %dma_wait3A_190] : memref<10240x16xf32, #tpu.memory_space<vmem_shared>> -> memref<128x16xf32, #tpu.memory_space<vmem_shared>>
        %dma_wait3A_192 = arith.constant 0 : i32
        %dma_wait3A_193 = tpu.memref_slice %arg8[%add3A_156, %dma_wait3A_192] : memref<10240x16xf32, #tpu.memory_space<vmem_shared>> -> memref<128x16xf32, #tpu.memory_space<vmem_shared>>
        %dma_wait3A_194 = arith.constant 0 : i32
        %dma_wait3A_195 = arith.constant 0 : i32
        %dma_wait3A_196 = tpu.memref_slice %arg7[%run_scoped3A_157, %dma_wait3A_194, %dma_wait3A_195] : memref<8x128x16xf32, #tpu.memory_space<vmem>> -> memref<1x128x16xf32, #tpu.memory_space<vmem>>
        %dma_wait3A_197 = tpu.memref_squeeze %dma_wait3A_196 : memref<1x128x16xf32, #tpu.memory_space<vmem>> -> memref<128x16xf32, #tpu.memory_space<vmem>>
        tpu.wait_dma2 semaphore(%run_scoped3A_173 : memref<!tpu.dma_semaphore, #tpu.memory_space<semaphore_mem>>) src(%dma_wait3A_197 : memref<128x16xf32, #tpu.memory_space<vmem>>) dst(%dma_wait3A_193 : memref<128x16xf32, #tpu.memory_space<vmem_shared>>)
        tpu.yield
      }) : () -> ()
      %mul3A_158 = arith.constant 640 : i32
      %mul3A_159 = arith.muli %arg1, %mul3A_158 : i32
      %add3A_160 = arith.constant 256 : i32
      %add3A_161 = arith.addi %mul3A_159, %add3A_160 : i32
      %run_scoped3A_162 = arith.constant 0 : i32
      "tpu.region"() ({
        %run_scoped3A_173 = tpu.sem_alloc : memref<!tpu.dma_semaphore, #tpu.memory_space<semaphore_mem>>
        %dma_start3A_174 = arith.constant 0 : i32
        %dma_start3A_175 = arith.constant 0 : i32
        %dma_start3A_176 = tpu.memref_slice %arg7[%run_scoped3A_162, %dma_start3A_174, %dma_start3A_175] : memref<8x128x16xf32, #tpu.memory_space<vmem>> -> memref<1x128x16xf32, #tpu.memory_space<vmem>>
        %dma_start3A_177 = tpu.memref_squeeze %dma_start3A_176 : memref<1x128x16xf32, #tpu.memory_space<vmem>> -> memref<128x16xf32, #tpu.memory_space<vmem>>
        %dma_start3A_178 = arith.constant 0 : i32
        %dma_start3A_179 = tpu.memref_slice %arg8[%add3A_161, %dma_start3A_178] : memref<10240x16xf32, #tpu.memory_space<vmem_shared>> -> memref<128x16xf32, #tpu.memory_space<vmem_shared>>
        %dma_start3A_180 = arith.constant 0 : i32
        %dma_start3A_181 = tpu.memref_slice %arg8[%add3A_161, %dma_start3A_180] : memref<10240x16xf32, #tpu.memory_space<vmem_shared>> -> memref<128x16xf32, #tpu.memory_space<vmem_shared>>
        %dma_start3A_182 = arith.constant 0 : i32
        %dma_start3A_183 = arith.constant 0 : i32
        %dma_start3A_184 = tpu.memref_slice %arg7[%run_scoped3A_162, %dma_start3A_182, %dma_start3A_183] : memref<8x128x16xf32, #tpu.memory_space<vmem>> -> memref<1x128x16xf32, #tpu.memory_space<vmem>>
        %dma_start3A_185 = tpu.memref_squeeze %dma_start3A_184 : memref<1x128x16xf32, #tpu.memory_space<vmem>> -> memref<128x16xf32, #tpu.memory_space<vmem>>
        tpu.enqueue_dma source(%dma_start3A_185 : memref<128x16xf32, #tpu.memory_space<vmem>>) target(%dma_start3A_181 : memref<128x16xf32, #tpu.memory_space<vmem_shared>>) target_semaphore(%run_scoped3A_173 : memref<!tpu.dma_semaphore, #tpu.memory_space<semaphore_mem>>)
        %dma_wait3A_186 = arith.constant 0 : i32
        %dma_wait3A_187 = arith.constant 0 : i32
        %dma_wait3A_188 = tpu.memref_slice %arg7[%run_scoped3A_162, %dma_wait3A_186, %dma_wait3A_187] : memref<8x128x16xf32, #tpu.memory_space<vmem>> -> memref<1x128x16xf32, #tpu.memory_space<vmem>>
        %dma_wait3A_189 = tpu.memref_squeeze %dma_wait3A_188 : memref<1x128x16xf32, #tpu.memory_space<vmem>> -> memref<128x16xf32, #tpu.memory_space<vmem>>
        %dma_wait3A_190 = arith.constant 0 : i32
        %dma_wait3A_191 = tpu.memref_slice %arg8[%add3A_161, %dma_wait3A_190] : memref<10240x16xf32, #tpu.memory_space<vmem_shared>> -> memref<128x16xf32, #tpu.memory_space<vmem_shared>>
        %dma_wait3A_192 = arith.constant 0 : i32
        %dma_wait3A_193 = tpu.memref_slice %arg8[%add3A_161, %dma_wait3A_192] : memref<10240x16xf32, #tpu.memory_space<vmem_shared>> -> memref<128x16xf32, #tpu.memory_space<vmem_shared>>
        %dma_wait3A_194 = arith.constant 0 : i32
        %dma_wait3A_195 = arith.constant 0 : i32
        %dma_wait3A_196 = tpu.memref_slice %arg7[%run_scoped3A_162, %dma_wait3A_194, %dma_wait3A_195] : memref<8x128x16xf32, #tpu.memory_space<vmem>> -> memref<1x128x16xf32, #tpu.memory_space<vmem>>
        %dma_wait3A_197 = tpu.memref_squeeze %dma_wait3A_196 : memref<1x128x16xf32, #tpu.memory_space<vmem>> -> memref<128x16xf32, #tpu.memory_space<vmem>>
        tpu.wait_dma2 semaphore(%run_scoped3A_173 : memref<!tpu.dma_semaphore, #tpu.memory_space<semaphore_mem>>) src(%dma_wait3A_197 : memref<128x16xf32, #tpu.memory_space<vmem>>) dst(%dma_wait3A_193 : memref<128x16xf32, #tpu.memory_space<vmem_shared>>)
        tpu.yield
      }) : () -> ()
      %mul3A_163 = arith.constant 640 : i32
      %mul3A_164 = arith.muli %arg1, %mul3A_163 : i32
      %add3A_165 = arith.constant 384 : i32
      %add3A_166 = arith.addi %mul3A_164, %add3A_165 : i32
      %run_scoped3A_167 = arith.constant 0 : i32
      "tpu.region"() ({
        %run_scoped3A_173 = tpu.sem_alloc : memref<!tpu.dma_semaphore, #tpu.memory_space<semaphore_mem>>
        %dma_start3A_174 = arith.constant 0 : i32
        %dma_start3A_175 = arith.constant 0 : i32
        %dma_start3A_176 = tpu.memref_slice %arg7[%run_scoped3A_167, %dma_start3A_174, %dma_start3A_175] : memref<8x128x16xf32, #tpu.memory_space<vmem>> -> memref<1x128x16xf32, #tpu.memory_space<vmem>>
        %dma_start3A_177 = tpu.memref_squeeze %dma_start3A_176 : memref<1x128x16xf32, #tpu.memory_space<vmem>> -> memref<128x16xf32, #tpu.memory_space<vmem>>
        %dma_start3A_178 = arith.constant 0 : i32
        %dma_start3A_179 = tpu.memref_slice %arg8[%add3A_166, %dma_start3A_178] : memref<10240x16xf32, #tpu.memory_space<vmem_shared>> -> memref<128x16xf32, #tpu.memory_space<vmem_shared>>
        %dma_start3A_180 = arith.constant 0 : i32
        %dma_start3A_181 = tpu.memref_slice %arg8[%add3A_166, %dma_start3A_180] : memref<10240x16xf32, #tpu.memory_space<vmem_shared>> -> memref<128x16xf32, #tpu.memory_space<vmem_shared>>
        %dma_start3A_182 = arith.constant 0 : i32
        %dma_start3A_183 = arith.constant 0 : i32
        %dma_start3A_184 = tpu.memref_slice %arg7[%run_scoped3A_167, %dma_start3A_182, %dma_start3A_183] : memref<8x128x16xf32, #tpu.memory_space<vmem>> -> memref<1x128x16xf32, #tpu.memory_space<vmem>>
        %dma_start3A_185 = tpu.memref_squeeze %dma_start3A_184 : memref<1x128x16xf32, #tpu.memory_space<vmem>> -> memref<128x16xf32, #tpu.memory_space<vmem>>
        tpu.enqueue_dma source(%dma_start3A_185 : memref<128x16xf32, #tpu.memory_space<vmem>>) target(%dma_start3A_181 : memref<128x16xf32, #tpu.memory_space<vmem_shared>>) target_semaphore(%run_scoped3A_173 : memref<!tpu.dma_semaphore, #tpu.memory_space<semaphore_mem>>)
        %dma_wait3A_186 = arith.constant 0 : i32
        %dma_wait3A_187 = arith.constant 0 : i32
        %dma_wait3A_188 = tpu.memref_slice %arg7[%run_scoped3A_167, %dma_wait3A_186, %dma_wait3A_187] : memref<8x128x16xf32, #tpu.memory_space<vmem>> -> memref<1x128x16xf32, #tpu.memory_space<vmem>>
        %dma_wait3A_189 = tpu.memref_squeeze %dma_wait3A_188 : memref<1x128x16xf32, #tpu.memory_space<vmem>> -> memref<128x16xf32, #tpu.memory_space<vmem>>
        %dma_wait3A_190 = arith.constant 0 : i32
        %dma_wait3A_191 = tpu.memref_slice %arg8[%add3A_166, %dma_wait3A_190] : memref<10240x16xf32, #tpu.memory_space<vmem_shared>> -> memref<128x16xf32, #tpu.memory_space<vmem_shared>>
        %dma_wait3A_192 = arith.constant 0 : i32
        %dma_wait3A_193 = tpu.memref_slice %arg8[%add3A_166, %dma_wait3A_192] : memref<10240x16xf32, #tpu.memory_space<vmem_shared>> -> memref<128x16xf32, #tpu.memory_space<vmem_shared>>
        %dma_wait3A_194 = arith.constant 0 : i32
        %dma_wait3A_195 = arith.constant 0 : i32
        %dma_wait3A_196 = tpu.memref_slice %arg7[%run_scoped3A_167, %dma_wait3A_194, %dma_wait3A_195] : memref<8x128x16xf32, #tpu.memory_space<vmem>> -> memref<1x128x16xf32, #tpu.memory_space<vmem>>
        %dma_wait3A_197 = tpu.memref_squeeze %dma_wait3A_196 : memref<1x128x16xf32, #tpu.memory_space<vmem>> -> memref<128x16xf32, #tpu.memory_space<vmem>>
        tpu.wait_dma2 semaphore(%run_scoped3A_173 : memref<!tpu.dma_semaphore, #tpu.memory_space<semaphore_mem>>) src(%dma_wait3A_197 : memref<128x16xf32, #tpu.memory_space<vmem>>) dst(%dma_wait3A_193 : memref<128x16xf32, #tpu.memory_space<vmem_shared>>)
        tpu.yield
      }) : () -> ()
      %mul3A_168 = arith.constant 640 : i32
      %mul3A_169 = arith.muli %arg1, %mul3A_168 : i32
      %add3A_170 = arith.constant 512 : i32
      %add3A_171 = arith.addi %mul3A_169, %add3A_170 : i32
      %run_scoped3A_172 = arith.constant 0 : i32
      "tpu.region"() ({
        %run_scoped3A_173 = tpu.sem_alloc : memref<!tpu.dma_semaphore, #tpu.memory_space<semaphore_mem>>
        %dma_start3A_174 = arith.constant 0 : i32
        %dma_start3A_175 = arith.constant 0 : i32
        %dma_start3A_176 = tpu.memref_slice %arg7[%run_scoped3A_172, %dma_start3A_174, %dma_start3A_175] : memref<8x128x16xf32, #tpu.memory_space<vmem>> -> memref<1x128x16xf32, #tpu.memory_space<vmem>>
        %dma_start3A_177 = tpu.memref_squeeze %dma_start3A_176 : memref<1x128x16xf32, #tpu.memory_space<vmem>> -> memref<128x16xf32, #tpu.memory_space<vmem>>
        %dma_start3A_178 = arith.constant 0 : i32
        %dma_start3A_179 = tpu.memref_slice %arg8[%add3A_171, %dma_start3A_178] : memref<10240x16xf32, #tpu.memory_space<vmem_shared>> -> memref<128x16xf32, #tpu.memory_space<vmem_shared>>
        %dma_start3A_180 = arith.constant 0 : i32
        %dma_start3A_181 = tpu.memref_slice %arg8[%add3A_171, %dma_start3A_180] : memref<10240x16xf32, #tpu.memory_space<vmem_shared>> -> memref<128x16xf32, #tpu.memory_space<vmem_shared>>
        %dma_start3A_182 = arith.constant 0 : i32
        %dma_start3A_183 = arith.constant 0 : i32
        %dma_start3A_184 = tpu.memref_slice %arg7[%run_scoped3A_172, %dma_start3A_182, %dma_start3A_183] : memref<8x128x16xf32, #tpu.memory_space<vmem>> -> memref<1x128x16xf32, #tpu.memory_space<vmem>>
        %dma_start3A_185 = tpu.memref_squeeze %dma_start3A_184 : memref<1x128x16xf32, #tpu.memory_space<vmem>> -> memref<128x16xf32, #tpu.memory_space<vmem>>
        tpu.enqueue_dma source(%dma_start3A_185 : memref<128x16xf32, #tpu.memory_space<vmem>>) target(%dma_start3A_181 : memref<128x16xf32, #tpu.memory_space<vmem_shared>>) target_semaphore(%run_scoped3A_173 : memref<!tpu.dma_semaphore, #tpu.memory_space<semaphore_mem>>)
        %dma_wait3A_186 = arith.constant 0 : i32
        %dma_wait3A_187 = arith.constant 0 : i32
        %dma_wait3A_188 = tpu.memref_slice %arg7[%run_scoped3A_172, %dma_wait3A_186, %dma_wait3A_187] : memref<8x128x16xf32, #tpu.memory_space<vmem>> -> memref<1x128x16xf32, #tpu.memory_space<vmem>>
        %dma_wait3A_189 = tpu.memref_squeeze %dma_wait3A_188 : memref<1x128x16xf32, #tpu.memory_space<vmem>> -> memref<128x16xf32, #tpu.memory_space<vmem>>
        %dma_wait3A_190 = arith.constant 0 : i32
        %dma_wait3A_191 = tpu.memref_slice %arg8[%add3A_171, %dma_wait3A_190] : memref<10240x16xf32, #tpu.memory_space<vmem_shared>> -> memref<128x16xf32, #tpu.memory_space<vmem_shared>>
        %dma_wait3A_192 = arith.constant 0 : i32
        %dma_wait3A_193 = tpu.memref_slice %arg8[%add3A_171, %dma_wait3A_192] : memref<10240x16xf32, #tpu.memory_space<vmem_shared>> -> memref<128x16xf32, #tpu.memory_space<vmem_shared>>
        %dma_wait3A_194 = arith.constant 0 : i32
        %dma_wait3A_195 = arith.constant 0 : i32
        %dma_wait3A_196 = tpu.memref_slice %arg7[%run_scoped3A_172, %dma_wait3A_194, %dma_wait3A_195] : memref<8x128x16xf32, #tpu.memory_space<vmem>> -> memref<1x128x16xf32, #tpu.memory_space<vmem>>
        %dma_wait3A_197 = tpu.memref_squeeze %dma_wait3A_196 : memref<1x128x16xf32, #tpu.memory_space<vmem>> -> memref<128x16xf32, #tpu.memory_space<vmem>>
        tpu.wait_dma2 semaphore(%run_scoped3A_173 : memref<!tpu.dma_semaphore, #tpu.memory_space<semaphore_mem>>) src(%dma_wait3A_197 : memref<128x16xf32, #tpu.memory_space<vmem>>) dst(%dma_wait3A_193 : memref<128x16xf32, #tpu.memory_space<vmem_shared>>)
        tpu.yield
      }) : () -> ()
    } else {
    }
    %mul3A_7 = arith.constant 40 : i32
    %mul3A_8 = arith.muli %add3A, %mul3A_7 : i32
    %run_scoped3A = arith.constant 0 : i32
    "tpu.region"() ({
      %run_scoped3A_141 = tpu.sem_alloc : memref<!tpu.dma_semaphore, #tpu.memory_space<semaphore_mem>>
      %dma_start3A_142 = arith.constant 0 : i32
      %dma_start3A_143 = tpu.memref_slice %arg3[%run_scoped3A, %mul3A_8, %dma_start3A_142] : memref<2x1280x128xi32, #tpu.memory_space<hbm>> -> memref<1x40x128xi32, #tpu.memory_space<hbm>>
      %dma_start3A_144 = tpu.memref_squeeze %dma_start3A_143 : memref<1x40x128xi32, #tpu.memory_space<hbm>> -> memref<40x128xi32, #tpu.memory_space<hbm>>
      %dma_start3A_145 = arith.constant 0 : i32
      %dma_start3A_146 = tpu.memref_slice %arg3[%run_scoped3A, %mul3A_8, %dma_start3A_145] : memref<2x1280x128xi32, #tpu.memory_space<hbm>> -> memref<1x40x128xi32, #tpu.memory_space<hbm>>
      %dma_start3A_147 = tpu.memref_squeeze %dma_start3A_146 : memref<1x40x128xi32, #tpu.memory_space<hbm>> -> memref<40x128xi32, #tpu.memory_space<hbm>>
      tpu.enqueue_dma source(%dma_start3A_147 : memref<40x128xi32, #tpu.memory_space<hbm>>) target(%arg5 : memref<40x128xi32, #tpu.memory_space<vmem>>) target_semaphore(%run_scoped3A_141 : memref<!tpu.dma_semaphore, #tpu.memory_space<semaphore_mem>>)
      %dma_wait3A_148 = arith.constant 0 : i32
      %dma_wait3A_149 = tpu.memref_slice %arg3[%run_scoped3A, %mul3A_8, %dma_wait3A_148] : memref<2x1280x128xi32, #tpu.memory_space<hbm>> -> memref<1x40x128xi32, #tpu.memory_space<hbm>>
      %dma_wait3A_150 = tpu.memref_squeeze %dma_wait3A_149 : memref<1x40x128xi32, #tpu.memory_space<hbm>> -> memref<40x128xi32, #tpu.memory_space<hbm>>
      %dma_wait3A_151 = arith.constant 0 : i32
      %dma_wait3A_152 = tpu.memref_slice %arg3[%run_scoped3A, %mul3A_8, %dma_wait3A_151] : memref<2x1280x128xi32, #tpu.memory_space<hbm>> -> memref<1x40x128xi32, #tpu.memory_space<hbm>>
      %dma_wait3A_153 = tpu.memref_squeeze %dma_wait3A_152 : memref<1x40x128xi32, #tpu.memory_space<hbm>> -> memref<40x128xi32, #tpu.memory_space<hbm>>
      tpu.wait_dma2 semaphore(%run_scoped3A_141 : memref<!tpu.dma_semaphore, #tpu.memory_space<semaphore_mem>>) src(%dma_wait3A_153 : memref<40x128xi32, #tpu.memory_space<hbm>>) dst(%arg5 : memref<40x128xi32, #tpu.memory_space<vmem>>)
      tpu.yield
    }) : () -> ()
    %mul3A_9 = arith.constant 40 : i32
    %mul3A_10 = arith.muli %add3A, %mul3A_9 : i32
    %run_scoped3A_11 = arith.constant 1 : i32
    "tpu.region"() ({
      %run_scoped3A_141 = tpu.sem_alloc : memref<!tpu.dma_semaphore, #tpu.memory_space<semaphore_mem>>
      %dma_start3A_142 = arith.constant 0 : i32
      %dma_start3A_143 = tpu.memref_slice %arg3[%run_scoped3A_11, %mul3A_10, %dma_start3A_142] : memref<2x1280x128xi32, #tpu.memory_space<hbm>> -> memref<1x40x128xi32, #tpu.memory_space<hbm>>
      %dma_start3A_144 = tpu.memref_squeeze %dma_start3A_143 : memref<1x40x128xi32, #tpu.memory_space<hbm>> -> memref<40x128xi32, #tpu.memory_space<hbm>>
      %dma_start3A_145 = arith.constant 0 : i32
      %dma_start3A_146 = tpu.memref_slice %arg3[%run_scoped3A_11, %mul3A_10, %dma_start3A_145] : memref<2x1280x128xi32, #tpu.memory_space<hbm>> -> memref<1x40x128xi32, #tpu.memory_space<hbm>>
      %dma_start3A_147 = tpu.memref_squeeze %dma_start3A_146 : memref<1x40x128xi32, #tpu.memory_space<hbm>> -> memref<40x128xi32, #tpu.memory_space<hbm>>
      tpu.enqueue_dma source(%dma_start3A_147 : memref<40x128xi32, #tpu.memory_space<hbm>>) target(%arg6 : memref<40x128xi32, #tpu.memory_space<vmem>>) target_semaphore(%run_scoped3A_141 : memref<!tpu.dma_semaphore, #tpu.memory_space<semaphore_mem>>)
      %dma_wait3A_148 = arith.constant 0 : i32
      %dma_wait3A_149 = tpu.memref_slice %arg3[%run_scoped3A_11, %mul3A_10, %dma_wait3A_148] : memref<2x1280x128xi32, #tpu.memory_space<hbm>> -> memref<1x40x128xi32, #tpu.memory_space<hbm>>
      %dma_wait3A_150 = tpu.memref_squeeze %dma_wait3A_149 : memref<1x40x128xi32, #tpu.memory_space<hbm>> -> memref<40x128xi32, #tpu.memory_space<hbm>>
      %dma_wait3A_151 = arith.constant 0 : i32
      %dma_wait3A_152 = tpu.memref_slice %arg3[%run_scoped3A_11, %mul3A_10, %dma_wait3A_151] : memref<2x1280x128xi32, #tpu.memory_space<hbm>> -> memref<1x40x128xi32, #tpu.memory_space<hbm>>
      %dma_wait3A_153 = tpu.memref_squeeze %dma_wait3A_152 : memref<1x40x128xi32, #tpu.memory_space<hbm>> -> memref<40x128xi32, #tpu.memory_space<hbm>>
      tpu.wait_dma2 semaphore(%run_scoped3A_141 : memref<!tpu.dma_semaphore, #tpu.memory_space<semaphore_mem>>) src(%dma_wait3A_153 : memref<40x128xi32, #tpu.memory_space<hbm>>) dst(%arg6 : memref<40x128xi32, #tpu.memory_space<vmem>>)
      tpu.yield
    }) : () -> ()
    %barrier3A = arith.constant 0 : index
    tpu.barrier barrier_id(%barrier3A)
    %dma_start3A = arith.constant 0 : i32
    %dma_start3A_12 = arith.constant 0 : i32
    %dma_start3A_13 = arith.constant 0 : i32
    %dma_start3A_14 = arith.constant 0 : i32
    %dma_start3A_15 = arith.constant 0 : i32
    %dma_start3A_16 = tpu.memref_slice %arg7[%dma_start3A_12, %dma_start3A_14, %dma_start3A_15] : memref<8x128x16xf32, #tpu.memory_space<vmem>> -> memref<1x128x16xf32, #tpu.memory_space<vmem>>
    %dma_start3A_17 = tpu.memref_squeeze %dma_start3A_16 : memref<1x128x16xf32, #tpu.memory_space<vmem>> -> memref<128x16xf32, #tpu.memory_space<vmem>>
    %dma_start3A_18 = arith.constant 0 : i32
    %dma_start3A_19 = tpu.memref_slice %arg5[%dma_start3A, %dma_start3A_18] : memref<40x128xi32, #tpu.memory_space<vmem>> -> memref<1x128xi32, #tpu.memory_space<vmem>>
    %dma_start3A_20 = tpu.memref_squeeze %dma_start3A_19 : memref<1x128xi32, #tpu.memory_space<vmem>> -> memref<128xi32, #tpu.memory_space<vmem>>
    %dma_start3A_21 = arith.constant 0 : i32
    %dma_start3A_22 = arith.constant 0 : i32
    %dma_start3A_23 = tpu.memref_slice %arg2[%dma_start3A_21, %dma_start3A_22] : memref<10240x16xf32, #tpu.memory_space<hbm>> -> memref<10240x16xf32, #tpu.memory_space<hbm>>
    %dma_start3A_24 = tpu.memref_slice %arg9[%dma_start3A_13] : memref<8x!tpu.dma_semaphore, #tpu.memory_space<semaphore_mem>> -> memref<1x!tpu.dma_semaphore, #tpu.memory_space<semaphore_mem>>
    %dma_start3A_25 = tpu.memref_squeeze %dma_start3A_24 : memref<1x!tpu.dma_semaphore, #tpu.memory_space<semaphore_mem>> -> memref<!tpu.dma_semaphore, #tpu.memory_space<semaphore_mem>>
    tpu.enqueue_indirect_dma source(%dma_start3A_23 : memref<10240x16xf32, #tpu.memory_space<hbm>>) target(%dma_start3A_17 : memref<128x16xf32, #tpu.memory_space<vmem>>) offsets(%dma_start3A_20 : memref<128xi32, #tpu.memory_space<vmem>>) semaphore(%dma_start3A_25 : memref<!tpu.dma_semaphore, #tpu.memory_space<semaphore_mem>>)
    %dma_start3A_26 = arith.constant 1 : i32
    %dma_start3A_27 = arith.constant 1 : i32
    %dma_start3A_28 = arith.constant 1 : i32
    %dma_start3A_29 = arith.constant 0 : i32
    %dma_start3A_30 = arith.constant 0 : i32
    %dma_start3A_31 = tpu.memref_slice %arg7[%dma_start3A_27, %dma_start3A_29, %dma_start3A_30] : memref<8x128x16xf32, #tpu.memory_space<vmem>> -> memref<1x128x16xf32, #tpu.memory_space<vmem>>
    %dma_start3A_32 = tpu.memref_squeeze %dma_start3A_31 : memref<1x128x16xf32, #tpu.memory_space<vmem>> -> memref<128x16xf32, #tpu.memory_space<vmem>>
    %dma_start3A_33 = arith.constant 0 : i32
    %dma_start3A_34 = tpu.memref_slice %arg5[%dma_start3A_26, %dma_start3A_33] : memref<40x128xi32, #tpu.memory_space<vmem>> -> memref<1x128xi32, #tpu.memory_space<vmem>>
    %dma_start3A_35 = tpu.memref_squeeze %dma_start3A_34 : memref<1x128xi32, #tpu.memory_space<vmem>> -> memref<128xi32, #tpu.memory_space<vmem>>
    %dma_start3A_36 = arith.constant 0 : i32
    %dma_start3A_37 = arith.constant 0 : i32
    %dma_start3A_38 = tpu.memref_slice %arg2[%dma_start3A_36, %dma_start3A_37] : memref<10240x16xf32, #tpu.memory_space<hbm>> -> memref<10240x16xf32, #tpu.memory_space<hbm>>
    %dma_start3A_39 = tpu.memref_slice %arg9[%dma_start3A_28] : memref<8x!tpu.dma_semaphore, #tpu.memory_space<semaphore_mem>> -> memref<1x!tpu.dma_semaphore, #tpu.memory_space<semaphore_mem>>
    %dma_start3A_40 = tpu.memref_squeeze %dma_start3A_39 : memref<1x!tpu.dma_semaphore, #tpu.memory_space<semaphore_mem>> -> memref<!tpu.dma_semaphore, #tpu.memory_space<semaphore_mem>>
    tpu.enqueue_indirect_dma source(%dma_start3A_38 : memref<10240x16xf32, #tpu.memory_space<hbm>>) target(%dma_start3A_32 : memref<128x16xf32, #tpu.memory_space<vmem>>) offsets(%dma_start3A_35 : memref<128xi32, #tpu.memory_space<vmem>>) semaphore(%dma_start3A_40 : memref<!tpu.dma_semaphore, #tpu.memory_space<semaphore_mem>>)
    %dma_start3A_41 = arith.constant 2 : i32
    %dma_start3A_42 = arith.constant 2 : i32
    %dma_start3A_43 = arith.constant 2 : i32
    %dma_start3A_44 = arith.constant 0 : i32
    %dma_start3A_45 = arith.constant 0 : i32
    %dma_start3A_46 = tpu.memref_slice %arg7[%dma_start3A_42, %dma_start3A_44, %dma_start3A_45] : memref<8x128x16xf32, #tpu.memory_space<vmem>> -> memref<1x128x16xf32, #tpu.memory_space<vmem>>
    %dma_start3A_47 = tpu.memref_squeeze %dma_start3A_46 : memref<1x128x16xf32, #tpu.memory_space<vmem>> -> memref<128x16xf32, #tpu.memory_space<vmem>>
    %dma_start3A_48 = arith.constant 0 : i32
    %dma_start3A_49 = tpu.memref_slice %arg5[%dma_start3A_41, %dma_start3A_48] : memref<40x128xi32, #tpu.memory_space<vmem>> -> memref<1x128xi32, #tpu.memory_space<vmem>>
    %dma_start3A_50 = tpu.memref_squeeze %dma_start3A_49 : memref<1x128xi32, #tpu.memory_space<vmem>> -> memref<128xi32, #tpu.memory_space<vmem>>
    %dma_start3A_51 = arith.constant 0 : i32
    %dma_start3A_52 = arith.constant 0 : i32
    %dma_start3A_53 = tpu.memref_slice %arg2[%dma_start3A_51, %dma_start3A_52] : memref<10240x16xf32, #tpu.memory_space<hbm>> -> memref<10240x16xf32, #tpu.memory_space<hbm>>
    %dma_start3A_54 = tpu.memref_slice %arg9[%dma_start3A_43] : memref<8x!tpu.dma_semaphore, #tpu.memory_space<semaphore_mem>> -> memref<1x!tpu.dma_semaphore, #tpu.memory_space<semaphore_mem>>
    %dma_start3A_55 = tpu.memref_squeeze %dma_start3A_54 : memref<1x!tpu.dma_semaphore, #tpu.memory_space<semaphore_mem>> -> memref<!tpu.dma_semaphore, #tpu.memory_space<semaphore_mem>>
    tpu.enqueue_indirect_dma source(%dma_start3A_53 : memref<10240x16xf32, #tpu.memory_space<hbm>>) target(%dma_start3A_47 : memref<128x16xf32, #tpu.memory_space<vmem>>) offsets(%dma_start3A_50 : memref<128xi32, #tpu.memory_space<vmem>>) semaphore(%dma_start3A_55 : memref<!tpu.dma_semaphore, #tpu.memory_space<semaphore_mem>>)
    %dma_start3A_56 = arith.constant 3 : i32
    %dma_start3A_57 = arith.constant 3 : i32
    %dma_start3A_58 = arith.constant 3 : i32
    %dma_start3A_59 = arith.constant 0 : i32
    %dma_start3A_60 = arith.constant 0 : i32
    %dma_start3A_61 = tpu.memref_slice %arg7[%dma_start3A_57, %dma_start3A_59, %dma_start3A_60] : memref<8x128x16xf32, #tpu.memory_space<vmem>> -> memref<1x128x16xf32, #tpu.memory_space<vmem>>
    %dma_start3A_62 = tpu.memref_squeeze %dma_start3A_61 : memref<1x128x16xf32, #tpu.memory_space<vmem>> -> memref<128x16xf32, #tpu.memory_space<vmem>>
    %dma_start3A_63 = arith.constant 0 : i32
    %dma_start3A_64 = tpu.memref_slice %arg5[%dma_start3A_56, %dma_start3A_63] : memref<40x128xi32, #tpu.memory_space<vmem>> -> memref<1x128xi32, #tpu.memory_space<vmem>>
    %dma_start3A_65 = tpu.memref_squeeze %dma_start3A_64 : memref<1x128xi32, #tpu.memory_space<vmem>> -> memref<128xi32, #tpu.memory_space<vmem>>
    %dma_start3A_66 = arith.constant 0 : i32
    %dma_start3A_67 = arith.constant 0 : i32
    %dma_start3A_68 = tpu.memref_slice %arg2[%dma_start3A_66, %dma_start3A_67] : memref<10240x16xf32, #tpu.memory_space<hbm>> -> memref<10240x16xf32, #tpu.memory_space<hbm>>
    %dma_start3A_69 = tpu.memref_slice %arg9[%dma_start3A_58] : memref<8x!tpu.dma_semaphore, #tpu.memory_space<semaphore_mem>> -> memref<1x!tpu.dma_semaphore, #tpu.memory_space<semaphore_mem>>
    %dma_start3A_70 = tpu.memref_squeeze %dma_start3A_69 : memref<1x!tpu.dma_semaphore, #tpu.memory_space<semaphore_mem>> -> memref<!tpu.dma_semaphore, #tpu.memory_space<semaphore_mem>>
    tpu.enqueue_indirect_dma source(%dma_start3A_68 : memref<10240x16xf32, #tpu.memory_space<hbm>>) target(%dma_start3A_62 : memref<128x16xf32, #tpu.memory_space<vmem>>) offsets(%dma_start3A_65 : memref<128xi32, #tpu.memory_space<vmem>>) semaphore(%dma_start3A_70 : memref<!tpu.dma_semaphore, #tpu.memory_space<semaphore_mem>>)
    %scan3A = arith.constant 0 : i32
    %scan3A_71 = arith.constant 0 : i32
    %scan3A_72 = arith.constant 5 : i32
    %scan3A_73 = arith.addi %scan3A_71, %scan3A_72 : i32
    %scan3A_74 = arith.constant 1 : i32
    %scan3A_75 = scf.for %scan3A_141 = %scan3A_71 to %scan3A_73 step %scan3A_74 iter_args(%scan3A_142 = %scan3A) -> (i32)  : i32 {
      %mul3A_143 = arith.constant 8 : i32
      %mul3A_144 = arith.muli %scan3A_141, %mul3A_143 : i32
      %add3A_145 = arith.constant 0 : i32
      %add3A_146 = arith.addi %mul3A_144, %add3A_145 : i32
      %gt3A = arith.constant 0 : i32
      %gt3A_147 = arith.cmpi sgt, %scan3A_141, %gt3A : i32
      %convert_element_type3A_148 = arith.extui %gt3A_147 : i1 to i32
      %cond3A_149 = arith.constant 0 : i32
      %cond3A_150 = arith.cmpi ne, %convert_element_type3A_148, %cond3A_149 : i32
      scf.if %cond3A_150 {
        %add3A_502 = arith.constant 4 : i32
        %add3A_503 = arith.addi %add3A_146, %add3A_502 : i32
        %sub3A = arith.constant 8 : i32
        %sub3A_504 = arith.subi %add3A_503, %sub3A : i32
        %dma_wait3A_505 = arith.constant 4 : i32
        %dma_wait3A_506 = arith.constant 4 : i32
        %dma_wait3A_507 = arith.constant 0 : i32
        %dma_wait3A_508 = arith.constant 0 : i32
        %dma_wait3A_509 = tpu.memref_slice %arg7[%dma_wait3A_505, %dma_wait3A_507, %dma_wait3A_508] : memref<8x128x16xf32, #tpu.memory_space<vmem>> -> memref<1x128x16xf32, #tpu.memory_space<vmem>>
        %dma_wait3A_510 = tpu.memref_squeeze %dma_wait3A_509 : memref<1x128x16xf32, #tpu.memory_space<vmem>> -> memref<128x16xf32, #tpu.memory_space<vmem>>
        %dma_wait3A_511 = arith.constant 0 : i32
        %dma_wait3A_512 = tpu.memref_slice %arg6[%sub3A_504, %dma_wait3A_511] : memref<40x128xi32, #tpu.memory_space<vmem>> -> memref<1x128xi32, #tpu.memory_space<vmem>>
        %dma_wait3A_513 = tpu.memref_squeeze %dma_wait3A_512 : memref<1x128xi32, #tpu.memory_space<vmem>> -> memref<128xi32, #tpu.memory_space<vmem>>
        %dma_wait3A_514 = arith.constant 0 : i32
        %dma_wait3A_515 = arith.constant 0 : i32
        %dma_wait3A_516 = tpu.memref_slice %arg8[%dma_wait3A_514, %dma_wait3A_515] : memref<10240x16xf32, #tpu.memory_space<vmem_shared>> -> memref<10240x16xf32, #tpu.memory_space<vmem_shared>>
        %dma_wait3A_517 = tpu.memref_slice %arg10[%dma_wait3A_506] : memref<8x!tpu.dma_semaphore, #tpu.memory_space<semaphore_mem>> -> memref<1x!tpu.dma_semaphore, #tpu.memory_space<semaphore_mem>>
        %dma_wait3A_518 = tpu.memref_squeeze %dma_wait3A_517 : memref<1x!tpu.dma_semaphore, #tpu.memory_space<semaphore_mem>> -> memref<!tpu.dma_semaphore, #tpu.memory_space<semaphore_mem>>
        tpu.wait_indirect_dma semaphore(%dma_wait3A_518 : memref<!tpu.dma_semaphore, #tpu.memory_space<semaphore_mem>>) src(%dma_wait3A_510 : memref<128x16xf32, #tpu.memory_space<vmem>>) dst(%dma_wait3A_516 : memref<10240x16xf32, #tpu.memory_space<vmem_shared>>)
      } else {
      }
      %add3A_151 = arith.constant 4 : i32
      %add3A_152 = arith.addi %add3A_146, %add3A_151 : i32
      %dma_start3A_153 = arith.constant 4 : i32
      %dma_start3A_154 = arith.constant 4 : i32
      %dma_start3A_155 = arith.constant 0 : i32
      %dma_start3A_156 = arith.constant 0 : i32
      %dma_start3A_157 = tpu.memref_slice %arg7[%dma_start3A_153, %dma_start3A_155, %dma_start3A_156] : memref<8x128x16xf32, #tpu.memory_space<vmem>> -> memref<1x128x16xf32, #tpu.memory_space<vmem>>
      %dma_start3A_158 = tpu.memref_squeeze %dma_start3A_157 : memref<1x128x16xf32, #tpu.memory_space<vmem>> -> memref<128x16xf32, #tpu.memory_space<vmem>>
      %dma_start3A_159 = arith.constant 0 : i32
      %dma_start3A_160 = tpu.memref_slice %arg5[%add3A_152, %dma_start3A_159] : memref<40x128xi32, #tpu.memory_space<vmem>> -> memref<1x128xi32, #tpu.memory_space<vmem>>
      %dma_start3A_161 = tpu.memref_squeeze %dma_start3A_160 : memref<1x128xi32, #tpu.memory_space<vmem>> -> memref<128xi32, #tpu.memory_space<vmem>>
      %dma_start3A_162 = arith.constant 0 : i32
      %dma_start3A_163 = arith.constant 0 : i32
      %dma_start3A_164 = tpu.memref_slice %arg2[%dma_start3A_162, %dma_start3A_163] : memref<10240x16xf32, #tpu.memory_space<hbm>> -> memref<10240x16xf32, #tpu.memory_space<hbm>>
      %dma_start3A_165 = tpu.memref_slice %arg9[%dma_start3A_154] : memref<8x!tpu.dma_semaphore, #tpu.memory_space<semaphore_mem>> -> memref<1x!tpu.dma_semaphore, #tpu.memory_space<semaphore_mem>>
      %dma_start3A_166 = tpu.memref_squeeze %dma_start3A_165 : memref<1x!tpu.dma_semaphore, #tpu.memory_space<semaphore_mem>> -> memref<!tpu.dma_semaphore, #tpu.memory_space<semaphore_mem>>
      tpu.enqueue_indirect_dma source(%dma_start3A_164 : memref<10240x16xf32, #tpu.memory_space<hbm>>) target(%dma_start3A_158 : memref<128x16xf32, #tpu.memory_space<vmem>>) offsets(%dma_start3A_161 : memref<128xi32, #tpu.memory_space<vmem>>) semaphore(%dma_start3A_166 : memref<!tpu.dma_semaphore, #tpu.memory_space<semaphore_mem>>)
      %dma_wait3A_167 = arith.constant 0 : i32
      %dma_wait3A_168 = arith.constant 0 : i32
      %dma_wait3A_169 = arith.constant 0 : i32
      %dma_wait3A_170 = arith.constant 0 : i32
      %dma_wait3A_171 = tpu.memref_slice %arg7[%dma_wait3A_167, %dma_wait3A_169, %dma_wait3A_170] : memref<8x128x16xf32, #tpu.memory_space<vmem>> -> memref<1x128x16xf32, #tpu.memory_space<vmem>>
      %dma_wait3A_172 = tpu.memref_squeeze %dma_wait3A_171 : memref<1x128x16xf32, #tpu.memory_space<vmem>> -> memref<128x16xf32, #tpu.memory_space<vmem>>
      %dma_wait3A_173 = arith.constant 0 : i32
      %dma_wait3A_174 = tpu.memref_slice %arg5[%add3A_146, %dma_wait3A_173] : memref<40x128xi32, #tpu.memory_space<vmem>> -> memref<1x128xi32, #tpu.memory_space<vmem>>
      %dma_wait3A_175 = tpu.memref_squeeze %dma_wait3A_174 : memref<1x128xi32, #tpu.memory_space<vmem>> -> memref<128xi32, #tpu.memory_space<vmem>>
      %dma_wait3A_176 = arith.constant 0 : i32
      %dma_wait3A_177 = arith.constant 0 : i32
      %dma_wait3A_178 = tpu.memref_slice %arg2[%dma_wait3A_176, %dma_wait3A_177] : memref<10240x16xf32, #tpu.memory_space<hbm>> -> memref<10240x16xf32, #tpu.memory_space<hbm>>
      %dma_wait3A_179 = tpu.memref_slice %arg9[%dma_wait3A_168] : memref<8x!tpu.dma_semaphore, #tpu.memory_space<semaphore_mem>> -> memref<1x!tpu.dma_semaphore, #tpu.memory_space<semaphore_mem>>
      %dma_wait3A_180 = tpu.memref_squeeze %dma_wait3A_179 : memref<1x!tpu.dma_semaphore, #tpu.memory_space<semaphore_mem>> -> memref<!tpu.dma_semaphore, #tpu.memory_space<semaphore_mem>>
      tpu.wait_indirect_dma semaphore(%dma_wait3A_180 : memref<!tpu.dma_semaphore, #tpu.memory_space<semaphore_mem>>) src(%dma_wait3A_178 : memref<10240x16xf32, #tpu.memory_space<hbm>>) dst(%dma_wait3A_172 : memref<128x16xf32, #tpu.memory_space<vmem>>)
      %dma_start3A_181 = arith.constant 0 : i32
      %dma_start3A_182 = arith.constant 0 : i32
      %dma_start3A_183 = arith.constant 0 : i32
      %dma_start3A_184 = arith.constant 0 : i32
      %dma_start3A_185 = tpu.memref_slice %arg7[%dma_start3A_181, %dma_start3A_183, %dma_start3A_184] : memref<8x128x16xf32, #tpu.memory_space<vmem>> -> memref<1x128x16xf32, #tpu.memory_space<vmem>>
      %dma_start3A_186 = tpu.memref_squeeze %dma_start3A_185 : memref<1x128x16xf32, #tpu.memory_space<vmem>> -> memref<128x16xf32, #tpu.memory_space<vmem>>
      %dma_start3A_187 = arith.constant 0 : i32
      %dma_start3A_188 = tpu.memref_slice %arg6[%add3A_146, %dma_start3A_187] : memref<40x128xi32, #tpu.memory_space<vmem>> -> memref<1x128xi32, #tpu.memory_space<vmem>>
      %dma_start3A_189 = tpu.memref_squeeze %dma_start3A_188 : memref<1x128xi32, #tpu.memory_space<vmem>> -> memref<128xi32, #tpu.memory_space<vmem>>
      %dma_start3A_190 = arith.constant 0 : i32
      %dma_start3A_191 = arith.constant 0 : i32
      %dma_start3A_192 = tpu.memref_slice %arg8[%dma_start3A_190, %dma_start3A_191] : memref<10240x16xf32, #tpu.memory_space<vmem_shared>> -> memref<10240x16xf32, #tpu.memory_space<vmem_shared>>
      %dma_start3A_193 = tpu.memref_slice %arg10[%dma_start3A_182] : memref<8x!tpu.dma_semaphore, #tpu.memory_space<semaphore_mem>> -> memref<1x!tpu.dma_semaphore, #tpu.memory_space<semaphore_mem>>
      %dma_start3A_194 = tpu.memref_squeeze %dma_start3A_193 : memref<1x!tpu.dma_semaphore, #tpu.memory_space<semaphore_mem>> -> memref<!tpu.dma_semaphore, #tpu.memory_space<semaphore_mem>>
      tpu.enqueue_indirect_dma source(%dma_start3A_186 : memref<128x16xf32, #tpu.memory_space<vmem>>) target(%dma_start3A_192 : memref<10240x16xf32, #tpu.memory_space<vmem_shared>>) offsets(%dma_start3A_189 : memref<128xi32, #tpu.memory_space<vmem>>) semaphore(%dma_start3A_194 : memref<!tpu.dma_semaphore, #tpu.memory_space<semaphore_mem>>) {add = true}
      %mul3A_195 = arith.constant 8 : i32
      %mul3A_196 = arith.muli %scan3A_141, %mul3A_195 : i32
      %add3A_197 = arith.constant 1 : i32
      %add3A_198 = arith.addi %mul3A_196, %add3A_197 : i32
      %gt3A_199 = arith.constant 0 : i32
      %gt3A_200 = arith.cmpi sgt, %scan3A_141, %gt3A_199 : i32
      %convert_element_type3A_201 = arith.extui %gt3A_200 : i1 to i32
      %cond3A_202 = arith.constant 0 : i32
      %cond3A_203 = arith.cmpi ne, %convert_element_type3A_201, %cond3A_202 : i32
      scf.if %cond3A_203 {
        %add3A_502 = arith.constant 4 : i32
        %add3A_503 = arith.addi %add3A_198, %add3A_502 : i32
        %sub3A = arith.constant 8 : i32
        %sub3A_504 = arith.subi %add3A_503, %sub3A : i32
        %dma_wait3A_505 = arith.constant 5 : i32
        %dma_wait3A_506 = arith.constant 5 : i32
        %dma_wait3A_507 = arith.constant 0 : i32
        %dma_wait3A_508 = arith.constant 0 : i32
        %dma_wait3A_509 = tpu.memref_slice %arg7[%dma_wait3A_505, %dma_wait3A_507, %dma_wait3A_508] : memref<8x128x16xf32, #tpu.memory_space<vmem>> -> memref<1x128x16xf32, #tpu.memory_space<vmem>>
        %dma_wait3A_510 = tpu.memref_squeeze %dma_wait3A_509 : memref<1x128x16xf32, #tpu.memory_space<vmem>> -> memref<128x16xf32, #tpu.memory_space<vmem>>
        %dma_wait3A_511 = arith.constant 0 : i32
        %dma_wait3A_512 = tpu.memref_slice %arg6[%sub3A_504, %dma_wait3A_511] : memref<40x128xi32, #tpu.memory_space<vmem>> -> memref<1x128xi32, #tpu.memory_space<vmem>>
        %dma_wait3A_513 = tpu.memref_squeeze %dma_wait3A_512 : memref<1x128xi32, #tpu.memory_space<vmem>> -> memref<128xi32, #tpu.memory_space<vmem>>
        %dma_wait3A_514 = arith.constant 0 : i32
        %dma_wait3A_515 = arith.constant 0 : i32
        %dma_wait3A_516 = tpu.memref_slice %arg8[%dma_wait3A_514, %dma_wait3A_515] : memref<10240x16xf32, #tpu.memory_space<vmem_shared>> -> memref<10240x16xf32, #tpu.memory_space<vmem_shared>>
        %dma_wait3A_517 = tpu.memref_slice %arg10[%dma_wait3A_506] : memref<8x!tpu.dma_semaphore, #tpu.memory_space<semaphore_mem>> -> memref<1x!tpu.dma_semaphore, #tpu.memory_space<semaphore_mem>>
        %dma_wait3A_518 = tpu.memref_squeeze %dma_wait3A_517 : memref<1x!tpu.dma_semaphore, #tpu.memory_space<semaphore_mem>> -> memref<!tpu.dma_semaphore, #tpu.memory_space<semaphore_mem>>
        tpu.wait_indirect_dma semaphore(%dma_wait3A_518 : memref<!tpu.dma_semaphore, #tpu.memory_space<semaphore_mem>>) src(%dma_wait3A_510 : memref<128x16xf32, #tpu.memory_space<vmem>>) dst(%dma_wait3A_516 : memref<10240x16xf32, #tpu.memory_space<vmem_shared>>)
      } else {
      }
      %add3A_204 = arith.constant 4 : i32
      %add3A_205 = arith.addi %add3A_198, %add3A_204 : i32
      %dma_start3A_206 = arith.constant 5 : i32
      %dma_start3A_207 = arith.constant 5 : i32
      %dma_start3A_208 = arith.constant 0 : i32
      %dma_start3A_209 = arith.constant 0 : i32
      %dma_start3A_210 = tpu.memref_slice %arg7[%dma_start3A_206, %dma_start3A_208, %dma_start3A_209] : memref<8x128x16xf32, #tpu.memory_space<vmem>> -> memref<1x128x16xf32, #tpu.memory_space<vmem>>
      %dma_start3A_211 = tpu.memref_squeeze %dma_start3A_210 : memref<1x128x16xf32, #tpu.memory_space<vmem>> -> memref<128x16xf32, #tpu.memory_space<vmem>>
      %dma_start3A_212 = arith.constant 0 : i32
      %dma_start3A_213 = tpu.memref_slice %arg5[%add3A_205, %dma_start3A_212] : memref<40x128xi32, #tpu.memory_space<vmem>> -> memref<1x128xi32, #tpu.memory_space<vmem>>
      %dma_start3A_214 = tpu.memref_squeeze %dma_start3A_213 : memref<1x128xi32, #tpu.memory_space<vmem>> -> memref<128xi32, #tpu.memory_space<vmem>>
      %dma_start3A_215 = arith.constant 0 : i32
      %dma_start3A_216 = arith.constant 0 : i32
      %dma_start3A_217 = tpu.memref_slice %arg2[%dma_start3A_215, %dma_start3A_216] : memref<10240x16xf32, #tpu.memory_space<hbm>> -> memref<10240x16xf32, #tpu.memory_space<hbm>>
      %dma_start3A_218 = tpu.memref_slice %arg9[%dma_start3A_207] : memref<8x!tpu.dma_semaphore, #tpu.memory_space<semaphore_mem>> -> memref<1x!tpu.dma_semaphore, #tpu.memory_space<semaphore_mem>>
      %dma_start3A_219 = tpu.memref_squeeze %dma_start3A_218 : memref<1x!tpu.dma_semaphore, #tpu.memory_space<semaphore_mem>> -> memref<!tpu.dma_semaphore, #tpu.memory_space<semaphore_mem>>
      tpu.enqueue_indirect_dma source(%dma_start3A_217 : memref<10240x16xf32, #tpu.memory_space<hbm>>) target(%dma_start3A_211 : memref<128x16xf32, #tpu.memory_space<vmem>>) offsets(%dma_start3A_214 : memref<128xi32, #tpu.memory_space<vmem>>) semaphore(%dma_start3A_219 : memref<!tpu.dma_semaphore, #tpu.memory_space<semaphore_mem>>)
      %dma_wait3A_220 = arith.constant 1 : i32
      %dma_wait3A_221 = arith.constant 1 : i32
      %dma_wait3A_222 = arith.constant 0 : i32
      %dma_wait3A_223 = arith.constant 0 : i32
      %dma_wait3A_224 = tpu.memref_slice %arg7[%dma_wait3A_220, %dma_wait3A_222, %dma_wait3A_223] : memref<8x128x16xf32, #tpu.memory_space<vmem>> -> memref<1x128x16xf32, #tpu.memory_space<vmem>>
      %dma_wait3A_225 = tpu.memref_squeeze %dma_wait3A_224 : memref<1x128x16xf32, #tpu.memory_space<vmem>> -> memref<128x16xf32, #tpu.memory_space<vmem>>
      %dma_wait3A_226 = arith.constant 0 : i32
      %dma_wait3A_227 = tpu.memref_slice %arg5[%add3A_198, %dma_wait3A_226] : memref<40x128xi32, #tpu.memory_space<vmem>> -> memref<1x128xi32, #tpu.memory_space<vmem>>
      %dma_wait3A_228 = tpu.memref_squeeze %dma_wait3A_227 : memref<1x128xi32, #tpu.memory_space<vmem>> -> memref<128xi32, #tpu.memory_space<vmem>>
      %dma_wait3A_229 = arith.constant 0 : i32
      %dma_wait3A_230 = arith.constant 0 : i32
      %dma_wait3A_231 = tpu.memref_slice %arg2[%dma_wait3A_229, %dma_wait3A_230] : memref<10240x16xf32, #tpu.memory_space<hbm>> -> memref<10240x16xf32, #tpu.memory_space<hbm>>
      %dma_wait3A_232 = tpu.memref_slice %arg9[%dma_wait3A_221] : memref<8x!tpu.dma_semaphore, #tpu.memory_space<semaphore_mem>> -> memref<1x!tpu.dma_semaphore, #tpu.memory_space<semaphore_mem>>
      %dma_wait3A_233 = tpu.memref_squeeze %dma_wait3A_232 : memref<1x!tpu.dma_semaphore, #tpu.memory_space<semaphore_mem>> -> memref<!tpu.dma_semaphore, #tpu.memory_space<semaphore_mem>>
      tpu.wait_indirect_dma semaphore(%dma_wait3A_233 : memref<!tpu.dma_semaphore, #tpu.memory_space<semaphore_mem>>) src(%dma_wait3A_231 : memref<10240x16xf32, #tpu.memory_space<hbm>>) dst(%dma_wait3A_225 : memref<128x16xf32, #tpu.memory_space<vmem>>)
      %dma_start3A_234 = arith.constant 1 : i32
      %dma_start3A_235 = arith.constant 1 : i32
      %dma_start3A_236 = arith.constant 0 : i32
      %dma_start3A_237 = arith.constant 0 : i32
      %dma_start3A_238 = tpu.memref_slice %arg7[%dma_start3A_234, %dma_start3A_236, %dma_start3A_237] : memref<8x128x16xf32, #tpu.memory_space<vmem>> -> memref<1x128x16xf32, #tpu.memory_space<vmem>>
      %dma_start3A_239 = tpu.memref_squeeze %dma_start3A_238 : memref<1x128x16xf32, #tpu.memory_space<vmem>> -> memref<128x16xf32, #tpu.memory_space<vmem>>
      %dma_start3A_240 = arith.constant 0 : i32
      %dma_start3A_241 = tpu.memref_slice %arg6[%add3A_198, %dma_start3A_240] : memref<40x128xi32, #tpu.memory_space<vmem>> -> memref<1x128xi32, #tpu.memory_space<vmem>>
      %dma_start3A_242 = tpu.memref_squeeze %dma_start3A_241 : memref<1x128xi32, #tpu.memory_space<vmem>> -> memref<128xi32, #tpu.memory_space<vmem>>
      %dma_start3A_243 = arith.constant 0 : i32
      %dma_start3A_244 = arith.constant 0 : i32
      %dma_start3A_245 = tpu.memref_slice %arg8[%dma_start3A_243, %dma_start3A_244] : memref<10240x16xf32, #tpu.memory_space<vmem_shared>> -> memref<10240x16xf32, #tpu.memory_space<vmem_shared>>
      %dma_start3A_246 = tpu.memref_slice %arg10[%dma_start3A_235] : memref<8x!tpu.dma_semaphore, #tpu.memory_space<semaphore_mem>> -> memref<1x!tpu.dma_semaphore, #tpu.memory_space<semaphore_mem>>
      %dma_start3A_247 = tpu.memref_squeeze %dma_start3A_246 : memref<1x!tpu.dma_semaphore, #tpu.memory_space<semaphore_mem>> -> memref<!tpu.dma_semaphore, #tpu.memory_space<semaphore_mem>>
      tpu.enqueue_indirect_dma source(%dma_start3A_239 : memref<128x16xf32, #tpu.memory_space<vmem>>) target(%dma_start3A_245 : memref<10240x16xf32, #tpu.memory_space<vmem_shared>>) offsets(%dma_start3A_242 : memref<128xi32, #tpu.memory_space<vmem>>) semaphore(%dma_start3A_247 : memref<!tpu.dma_semaphore, #tpu.memory_space<semaphore_mem>>) {add = true}
      %mul3A_248 = arith.constant 8 : i32
      %mul3A_249 = arith.muli %scan3A_141, %mul3A_248 : i32
      %add3A_250 = arith.constant 2 : i32
      %add3A_251 = arith.addi %mul3A_249, %add3A_250 : i32
      %gt3A_252 = arith.constant 0 : i32
      %gt3A_253 = arith.cmpi sgt, %scan3A_141, %gt3A_252 : i32
      %convert_element_type3A_254 = arith.extui %gt3A_253 : i1 to i32
      %cond3A_255 = arith.constant 0 : i32
      %cond3A_256 = arith.cmpi ne, %convert_element_type3A_254, %cond3A_255 : i32
      scf.if %cond3A_256 {
        %add3A_502 = arith.constant 4 : i32
        %add3A_503 = arith.addi %add3A_251, %add3A_502 : i32
        %sub3A = arith.constant 8 : i32
        %sub3A_504 = arith.subi %add3A_503, %sub3A : i32
        %dma_wait3A_505 = arith.constant 6 : i32
        %dma_wait3A_506 = arith.constant 6 : i32
        %dma_wait3A_507 = arith.constant 0 : i32
        %dma_wait3A_508 = arith.constant 0 : i32
        %dma_wait3A_509 = tpu.memref_slice %arg7[%dma_wait3A_505, %dma_wait3A_507, %dma_wait3A_508] : memref<8x128x16xf32, #tpu.memory_space<vmem>> -> memref<1x128x16xf32, #tpu.memory_space<vmem>>
        %dma_wait3A_510 = tpu.memref_squeeze %dma_wait3A_509 : memref<1x128x16xf32, #tpu.memory_space<vmem>> -> memref<128x16xf32, #tpu.memory_space<vmem>>
        %dma_wait3A_511 = arith.constant 0 : i32
        %dma_wait3A_512 = tpu.memref_slice %arg6[%sub3A_504, %dma_wait3A_511] : memref<40x128xi32, #tpu.memory_space<vmem>> -> memref<1x128xi32, #tpu.memory_space<vmem>>
        %dma_wait3A_513 = tpu.memref_squeeze %dma_wait3A_512 : memref<1x128xi32, #tpu.memory_space<vmem>> -> memref<128xi32, #tpu.memory_space<vmem>>
        %dma_wait3A_514 = arith.constant 0 : i32
        %dma_wait3A_515 = arith.constant 0 : i32
        %dma_wait3A_516 = tpu.memref_slice %arg8[%dma_wait3A_514, %dma_wait3A_515] : memref<10240x16xf32, #tpu.memory_space<vmem_shared>> -> memref<10240x16xf32, #tpu.memory_space<vmem_shared>>
        %dma_wait3A_517 = tpu.memref_slice %arg10[%dma_wait3A_506] : memref<8x!tpu.dma_semaphore, #tpu.memory_space<semaphore_mem>> -> memref<1x!tpu.dma_semaphore, #tpu.memory_space<semaphore_mem>>
        %dma_wait3A_518 = tpu.memref_squeeze %dma_wait3A_517 : memref<1x!tpu.dma_semaphore, #tpu.memory_space<semaphore_mem>> -> memref<!tpu.dma_semaphore, #tpu.memory_space<semaphore_mem>>
        tpu.wait_indirect_dma semaphore(%dma_wait3A_518 : memref<!tpu.dma_semaphore, #tpu.memory_space<semaphore_mem>>) src(%dma_wait3A_510 : memref<128x16xf32, #tpu.memory_space<vmem>>) dst(%dma_wait3A_516 : memref<10240x16xf32, #tpu.memory_space<vmem_shared>>)
      } else {
      }
      %add3A_257 = arith.constant 4 : i32
      %add3A_258 = arith.addi %add3A_251, %add3A_257 : i32
      %dma_start3A_259 = arith.constant 6 : i32
      %dma_start3A_260 = arith.constant 6 : i32
      %dma_start3A_261 = arith.constant 0 : i32
      %dma_start3A_262 = arith.constant 0 : i32
      %dma_start3A_263 = tpu.memref_slice %arg7[%dma_start3A_259, %dma_start3A_261, %dma_start3A_262] : memref<8x128x16xf32, #tpu.memory_space<vmem>> -> memref<1x128x16xf32, #tpu.memory_space<vmem>>
      %dma_start3A_264 = tpu.memref_squeeze %dma_start3A_263 : memref<1x128x16xf32, #tpu.memory_space<vmem>> -> memref<128x16xf32, #tpu.memory_space<vmem>>
      %dma_start3A_265 = arith.constant 0 : i32
      %dma_start3A_266 = tpu.memref_slice %arg5[%add3A_258, %dma_start3A_265] : memref<40x128xi32, #tpu.memory_space<vmem>> -> memref<1x128xi32, #tpu.memory_space<vmem>>
      %dma_start3A_267 = tpu.memref_squeeze %dma_start3A_266 : memref<1x128xi32, #tpu.memory_space<vmem>> -> memref<128xi32, #tpu.memory_space<vmem>>
      %dma_start3A_268 = arith.constant 0 : i32
      %dma_start3A_269 = arith.constant 0 : i32
      %dma_start3A_270 = tpu.memref_slice %arg2[%dma_start3A_268, %dma_start3A_269] : memref<10240x16xf32, #tpu.memory_space<hbm>> -> memref<10240x16xf32, #tpu.memory_space<hbm>>
      %dma_start3A_271 = tpu.memref_slice %arg9[%dma_start3A_260] : memref<8x!tpu.dma_semaphore, #tpu.memory_space<semaphore_mem>> -> memref<1x!tpu.dma_semaphore, #tpu.memory_space<semaphore_mem>>
      %dma_start3A_272 = tpu.memref_squeeze %dma_start3A_271 : memref<1x!tpu.dma_semaphore, #tpu.memory_space<semaphore_mem>> -> memref<!tpu.dma_semaphore, #tpu.memory_space<semaphore_mem>>
      tpu.enqueue_indirect_dma source(%dma_start3A_270 : memref<10240x16xf32, #tpu.memory_space<hbm>>) target(%dma_start3A_264 : memref<128x16xf32, #tpu.memory_space<vmem>>) offsets(%dma_start3A_267 : memref<128xi32, #tpu.memory_space<vmem>>) semaphore(%dma_start3A_272 : memref<!tpu.dma_semaphore, #tpu.memory_space<semaphore_mem>>)
      %dma_wait3A_273 = arith.constant 2 : i32
      %dma_wait3A_274 = arith.constant 2 : i32
      %dma_wait3A_275 = arith.constant 0 : i32
      %dma_wait3A_276 = arith.constant 0 : i32
      %dma_wait3A_277 = tpu.memref_slice %arg7[%dma_wait3A_273, %dma_wait3A_275, %dma_wait3A_276] : memref<8x128x16xf32, #tpu.memory_space<vmem>> -> memref<1x128x16xf32, #tpu.memory_space<vmem>>
      %dma_wait3A_278 = tpu.memref_squeeze %dma_wait3A_277 : memref<1x128x16xf32, #tpu.memory_space<vmem>> -> memref<128x16xf32, #tpu.memory_space<vmem>>
      %dma_wait3A_279 = arith.constant 0 : i32
      %dma_wait3A_280 = tpu.memref_slice %arg5[%add3A_251, %dma_wait3A_279] : memref<40x128xi32, #tpu.memory_space<vmem>> -> memref<1x128xi32, #tpu.memory_space<vmem>>
      %dma_wait3A_281 = tpu.memref_squeeze %dma_wait3A_280 : memref<1x128xi32, #tpu.memory_space<vmem>> -> memref<128xi32, #tpu.memory_space<vmem>>
      %dma_wait3A_282 = arith.constant 0 : i32
      %dma_wait3A_283 = arith.constant 0 : i32
      %dma_wait3A_284 = tpu.memref_slice %arg2[%dma_wait3A_282, %dma_wait3A_283] : memref<10240x16xf32, #tpu.memory_space<hbm>> -> memref<10240x16xf32, #tpu.memory_space<hbm>>
      %dma_wait3A_285 = tpu.memref_slice %arg9[%dma_wait3A_274] : memref<8x!tpu.dma_semaphore, #tpu.memory_space<semaphore_mem>> -> memref<1x!tpu.dma_semaphore, #tpu.memory_space<semaphore_mem>>
      %dma_wait3A_286 = tpu.memref_squeeze %dma_wait3A_285 : memref<1x!tpu.dma_semaphore, #tpu.memory_space<semaphore_mem>> -> memref<!tpu.dma_semaphore, #tpu.memory_space<semaphore_mem>>
      tpu.wait_indirect_dma semaphore(%dma_wait3A_286 : memref<!tpu.dma_semaphore, #tpu.memory_space<semaphore_mem>>) src(%dma_wait3A_284 : memref<10240x16xf32, #tpu.memory_space<hbm>>) dst(%dma_wait3A_278 : memref<128x16xf32, #tpu.memory_space<vmem>>)
      %dma_start3A_287 = arith.constant 2 : i32
      %dma_start3A_288 = arith.constant 2 : i32
      %dma_start3A_289 = arith.constant 0 : i32
      %dma_start3A_290 = arith.constant 0 : i32
      %dma_start3A_291 = tpu.memref_slice %arg7[%dma_start3A_287, %dma_start3A_289, %dma_start3A_290] : memref<8x128x16xf32, #tpu.memory_space<vmem>> -> memref<1x128x16xf32, #tpu.memory_space<vmem>>
      %dma_start3A_292 = tpu.memref_squeeze %dma_start3A_291 : memref<1x128x16xf32, #tpu.memory_space<vmem>> -> memref<128x16xf32, #tpu.memory_space<vmem>>
      %dma_start3A_293 = arith.constant 0 : i32
      %dma_start3A_294 = tpu.memref_slice %arg6[%add3A_251, %dma_start3A_293] : memref<40x128xi32, #tpu.memory_space<vmem>> -> memref<1x128xi32, #tpu.memory_space<vmem>>
      %dma_start3A_295 = tpu.memref_squeeze %dma_start3A_294 : memref<1x128xi32, #tpu.memory_space<vmem>> -> memref<128xi32, #tpu.memory_space<vmem>>
      %dma_start3A_296 = arith.constant 0 : i32
      %dma_start3A_297 = arith.constant 0 : i32
      %dma_start3A_298 = tpu.memref_slice %arg8[%dma_start3A_296, %dma_start3A_297] : memref<10240x16xf32, #tpu.memory_space<vmem_shared>> -> memref<10240x16xf32, #tpu.memory_space<vmem_shared>>
      %dma_start3A_299 = tpu.memref_slice %arg10[%dma_start3A_288] : memref<8x!tpu.dma_semaphore, #tpu.memory_space<semaphore_mem>> -> memref<1x!tpu.dma_semaphore, #tpu.memory_space<semaphore_mem>>
      %dma_start3A_300 = tpu.memref_squeeze %dma_start3A_299 : memref<1x!tpu.dma_semaphore, #tpu.memory_space<semaphore_mem>> -> memref<!tpu.dma_semaphore, #tpu.memory_space<semaphore_mem>>
      tpu.enqueue_indirect_dma source(%dma_start3A_292 : memref<128x16xf32, #tpu.memory_space<vmem>>) target(%dma_start3A_298 : memref<10240x16xf32, #tpu.memory_space<vmem_shared>>) offsets(%dma_start3A_295 : memref<128xi32, #tpu.memory_space<vmem>>) semaphore(%dma_start3A_300 : memref<!tpu.dma_semaphore, #tpu.memory_space<semaphore_mem>>) {add = true}
      %mul3A_301 = arith.constant 8 : i32
      %mul3A_302 = arith.muli %scan3A_141, %mul3A_301 : i32
      %add3A_303 = arith.constant 3 : i32
      %add3A_304 = arith.addi %mul3A_302, %add3A_303 : i32
      %gt3A_305 = arith.constant 0 : i32
      %gt3A_306 = arith.cmpi sgt, %scan3A_141, %gt3A_305 : i32
      %convert_element_type3A_307 = arith.extui %gt3A_306 : i1 to i32
      %cond3A_308 = arith.constant 0 : i32
      %cond3A_309 = arith.cmpi ne, %convert_element_type3A_307, %cond3A_308 : i32
      scf.if %cond3A_309 {
        %add3A_502 = arith.constant 4 : i32
        %add3A_503 = arith.addi %add3A_304, %add3A_502 : i32
        %sub3A = arith.constant 8 : i32
        %sub3A_504 = arith.subi %add3A_503, %sub3A : i32
        %dma_wait3A_505 = arith.constant 7 : i32
        %dma_wait3A_506 = arith.constant 7 : i32
        %dma_wait3A_507 = arith.constant 0 : i32
        %dma_wait3A_508 = arith.constant 0 : i32
        %dma_wait3A_509 = tpu.memref_slice %arg7[%dma_wait3A_505, %dma_wait3A_507, %dma_wait3A_508] : memref<8x128x16xf32, #tpu.memory_space<vmem>> -> memref<1x128x16xf32, #tpu.memory_space<vmem>>
        %dma_wait3A_510 = tpu.memref_squeeze %dma_wait3A_509 : memref<1x128x16xf32, #tpu.memory_space<vmem>> -> memref<128x16xf32, #tpu.memory_space<vmem>>
        %dma_wait3A_511 = arith.constant 0 : i32
        %dma_wait3A_512 = tpu.memref_slice %arg6[%sub3A_504, %dma_wait3A_511] : memref<40x128xi32, #tpu.memory_space<vmem>> -> memref<1x128xi32, #tpu.memory_space<vmem>>
        %dma_wait3A_513 = tpu.memref_squeeze %dma_wait3A_512 : memref<1x128xi32, #tpu.memory_space<vmem>> -> memref<128xi32, #tpu.memory_space<vmem>>
        %dma_wait3A_514 = arith.constant 0 : i32
        %dma_wait3A_515 = arith.constant 0 : i32
        %dma_wait3A_516 = tpu.memref_slice %arg8[%dma_wait3A_514, %dma_wait3A_515] : memref<10240x16xf32, #tpu.memory_space<vmem_shared>> -> memref<10240x16xf32, #tpu.memory_space<vmem_shared>>
        %dma_wait3A_517 = tpu.memref_slice %arg10[%dma_wait3A_506] : memref<8x!tpu.dma_semaphore, #tpu.memory_space<semaphore_mem>> -> memref<1x!tpu.dma_semaphore, #tpu.memory_space<semaphore_mem>>
        %dma_wait3A_518 = tpu.memref_squeeze %dma_wait3A_517 : memref<1x!tpu.dma_semaphore, #tpu.memory_space<semaphore_mem>> -> memref<!tpu.dma_semaphore, #tpu.memory_space<semaphore_mem>>
        tpu.wait_indirect_dma semaphore(%dma_wait3A_518 : memref<!tpu.dma_semaphore, #tpu.memory_space<semaphore_mem>>) src(%dma_wait3A_510 : memref<128x16xf32, #tpu.memory_space<vmem>>) dst(%dma_wait3A_516 : memref<10240x16xf32, #tpu.memory_space<vmem_shared>>)
      } else {
      }
      %add3A_310 = arith.constant 4 : i32
      %add3A_311 = arith.addi %add3A_304, %add3A_310 : i32
      %dma_start3A_312 = arith.constant 7 : i32
      %dma_start3A_313 = arith.constant 7 : i32
      %dma_start3A_314 = arith.constant 0 : i32
      %dma_start3A_315 = arith.constant 0 : i32
      %dma_start3A_316 = tpu.memref_slice %arg7[%dma_start3A_312, %dma_start3A_314, %dma_start3A_315] : memref<8x128x16xf32, #tpu.memory_space<vmem>> -> memref<1x128x16xf32, #tpu.memory_space<vmem>>
      %dma_start3A_317 = tpu.memref_squeeze %dma_start3A_316 : memref<1x128x16xf32, #tpu.memory_space<vmem>> -> memref<128x16xf32, #tpu.memory_space<vmem>>
      %dma_start3A_318 = arith.constant 0 : i32
      %dma_start3A_319 = tpu.memref_slice %arg5[%add3A_311, %dma_start3A_318] : memref<40x128xi32, #tpu.memory_space<vmem>> -> memref<1x128xi32, #tpu.memory_space<vmem>>
      %dma_start3A_320 = tpu.memref_squeeze %dma_start3A_319 : memref<1x128xi32, #tpu.memory_space<vmem>> -> memref<128xi32, #tpu.memory_space<vmem>>
      %dma_start3A_321 = arith.constant 0 : i32
      %dma_start3A_322 = arith.constant 0 : i32
      %dma_start3A_323 = tpu.memref_slice %arg2[%dma_start3A_321, %dma_start3A_322] : memref<10240x16xf32, #tpu.memory_space<hbm>> -> memref<10240x16xf32, #tpu.memory_space<hbm>>
      %dma_start3A_324 = tpu.memref_slice %arg9[%dma_start3A_313] : memref<8x!tpu.dma_semaphore, #tpu.memory_space<semaphore_mem>> -> memref<1x!tpu.dma_semaphore, #tpu.memory_space<semaphore_mem>>
      %dma_start3A_325 = tpu.memref_squeeze %dma_start3A_324 : memref<1x!tpu.dma_semaphore, #tpu.memory_space<semaphore_mem>> -> memref<!tpu.dma_semaphore, #tpu.memory_space<semaphore_mem>>
      tpu.enqueue_indirect_dma source(%dma_start3A_323 : memref<10240x16xf32, #tpu.memory_space<hbm>>) target(%dma_start3A_317 : memref<128x16xf32, #tpu.memory_space<vmem>>) offsets(%dma_start3A_320 : memref<128xi32, #tpu.memory_space<vmem>>) semaphore(%dma_start3A_325 : memref<!tpu.dma_semaphore, #tpu.memory_space<semaphore_mem>>)
      %dma_wait3A_326 = arith.constant 3 : i32
      %dma_wait3A_327 = arith.constant 3 : i32
      %dma_wait3A_328 = arith.constant 0 : i32
      %dma_wait3A_329 = arith.constant 0 : i32
      %dma_wait3A_330 = tpu.memref_slice %arg7[%dma_wait3A_326, %dma_wait3A_328, %dma_wait3A_329] : memref<8x128x16xf32, #tpu.memory_space<vmem>> -> memref<1x128x16xf32, #tpu.memory_space<vmem>>
      %dma_wait3A_331 = tpu.memref_squeeze %dma_wait3A_330 : memref<1x128x16xf32, #tpu.memory_space<vmem>> -> memref<128x16xf32, #tpu.memory_space<vmem>>
      %dma_wait3A_332 = arith.constant 0 : i32
      %dma_wait3A_333 = tpu.memref_slice %arg5[%add3A_304, %dma_wait3A_332] : memref<40x128xi32, #tpu.memory_space<vmem>> -> memref<1x128xi32, #tpu.memory_space<vmem>>
      %dma_wait3A_334 = tpu.memref_squeeze %dma_wait3A_333 : memref<1x128xi32, #tpu.memory_space<vmem>> -> memref<128xi32, #tpu.memory_space<vmem>>
      %dma_wait3A_335 = arith.constant 0 : i32
      %dma_wait3A_336 = arith.constant 0 : i32
      %dma_wait3A_337 = tpu.memref_slice %arg2[%dma_wait3A_335, %dma_wait3A_336] : memref<10240x16xf32, #tpu.memory_space<hbm>> -> memref<10240x16xf32, #tpu.memory_space<hbm>>
      %dma_wait3A_338 = tpu.memref_slice %arg9[%dma_wait3A_327] : memref<8x!tpu.dma_semaphore, #tpu.memory_space<semaphore_mem>> -> memref<1x!tpu.dma_semaphore, #tpu.memory_space<semaphore_mem>>
      %dma_wait3A_339 = tpu.memref_squeeze %dma_wait3A_338 : memref<1x!tpu.dma_semaphore, #tpu.memory_space<semaphore_mem>> -> memref<!tpu.dma_semaphore, #tpu.memory_space<semaphore_mem>>
      tpu.wait_indirect_dma semaphore(%dma_wait3A_339 : memref<!tpu.dma_semaphore, #tpu.memory_space<semaphore_mem>>) src(%dma_wait3A_337 : memref<10240x16xf32, #tpu.memory_space<hbm>>) dst(%dma_wait3A_331 : memref<128x16xf32, #tpu.memory_space<vmem>>)
      %dma_start3A_340 = arith.constant 3 : i32
      %dma_start3A_341 = arith.constant 3 : i32
      %dma_start3A_342 = arith.constant 0 : i32
      %dma_start3A_343 = arith.constant 0 : i32
      %dma_start3A_344 = tpu.memref_slice %arg7[%dma_start3A_340, %dma_start3A_342, %dma_start3A_343] : memref<8x128x16xf32, #tpu.memory_space<vmem>> -> memref<1x128x16xf32, #tpu.memory_space<vmem>>
      %dma_start3A_345 = tpu.memref_squeeze %dma_start3A_344 : memref<1x128x16xf32, #tpu.memory_space<vmem>> -> memref<128x16xf32, #tpu.memory_space<vmem>>
      %dma_start3A_346 = arith.constant 0 : i32
      %dma_start3A_347 = tpu.memref_slice %arg6[%add3A_304, %dma_start3A_346] : memref<40x128xi32, #tpu.memory_space<vmem>> -> memref<1x128xi32, #tpu.memory_space<vmem>>
      %dma_start3A_348 = tpu.memref_squeeze %dma_start3A_347 : memref<1x128xi32, #tpu.memory_space<vmem>> -> memref<128xi32, #tpu.memory_space<vmem>>
      %dma_start3A_349 = arith.constant 0 : i32
      %dma_start3A_350 = arith.constant 0 : i32
      %dma_start3A_351 = tpu.memref_slice %arg8[%dma_start3A_349, %dma_start3A_350] : memref<10240x16xf32, #tpu.memory_space<vmem_shared>> -> memref<10240x16xf32, #tpu.memory_space<vmem_shared>>
      %dma_start3A_352 = tpu.memref_slice %arg10[%dma_start3A_341] : memref<8x!tpu.dma_semaphore, #tpu.memory_space<semaphore_mem>> -> memref<1x!tpu.dma_semaphore, #tpu.memory_space<semaphore_mem>>
      %dma_start3A_353 = tpu.memref_squeeze %dma_start3A_352 : memref<1x!tpu.dma_semaphore, #tpu.memory_space<semaphore_mem>> -> memref<!tpu.dma_semaphore, #tpu.memory_space<semaphore_mem>>
      tpu.enqueue_indirect_dma source(%dma_start3A_345 : memref<128x16xf32, #tpu.memory_space<vmem>>) target(%dma_start3A_351 : memref<10240x16xf32, #tpu.memory_space<vmem_shared>>) offsets(%dma_start3A_348 : memref<128xi32, #tpu.memory_space<vmem>>) semaphore(%dma_start3A_353 : memref<!tpu.dma_semaphore, #tpu.memory_space<semaphore_mem>>) {add = true}
      %mul3A_354 = arith.constant 8 : i32
      %mul3A_355 = arith.muli %scan3A_141, %mul3A_354 : i32
      %add3A_356 = arith.constant 4 : i32
      %add3A_357 = arith.addi %mul3A_355, %add3A_356 : i32
      %lt3A = arith.constant 4 : i32
      %lt3A_358 = arith.cmpi slt, %scan3A_141, %lt3A : i32
      %convert_element_type3A_359 = arith.extui %lt3A_358 : i1 to i32
      %cond3A_360 = arith.constant 0 : i32
      %cond3A_361 = arith.cmpi ne, %convert_element_type3A_359, %cond3A_360 : i32
      scf.if %cond3A_361 {
        %add3A_502 = arith.constant 4 : i32
        %add3A_503 = arith.addi %add3A_357, %add3A_502 : i32
        %sub3A = arith.constant 8 : i32
        %sub3A_504 = arith.subi %add3A_503, %sub3A : i32
        %dma_wait3A_505 = arith.constant 0 : i32
        %dma_wait3A_506 = arith.constant 0 : i32
        %dma_wait3A_507 = arith.constant 0 : i32
        %dma_wait3A_508 = arith.constant 0 : i32
        %dma_wait3A_509 = tpu.memref_slice %arg7[%dma_wait3A_505, %dma_wait3A_507, %dma_wait3A_508] : memref<8x128x16xf32, #tpu.memory_space<vmem>> -> memref<1x128x16xf32, #tpu.memory_space<vmem>>
        %dma_wait3A_510 = tpu.memref_squeeze %dma_wait3A_509 : memref<1x128x16xf32, #tpu.memory_space<vmem>> -> memref<128x16xf32, #tpu.memory_space<vmem>>
        %dma_wait3A_511 = arith.constant 0 : i32
        %dma_wait3A_512 = tpu.memref_slice %arg6[%sub3A_504, %dma_wait3A_511] : memref<40x128xi32, #tpu.memory_space<vmem>> -> memref<1x128xi32, #tpu.memory_space<vmem>>
        %dma_wait3A_513 = tpu.memref_squeeze %dma_wait3A_512 : memref<1x128xi32, #tpu.memory_space<vmem>> -> memref<128xi32, #tpu.memory_space<vmem>>
        %dma_wait3A_514 = arith.constant 0 : i32
        %dma_wait3A_515 = arith.constant 0 : i32
        %dma_wait3A_516 = tpu.memref_slice %arg8[%dma_wait3A_514, %dma_wait3A_515] : memref<10240x16xf32, #tpu.memory_space<vmem_shared>> -> memref<10240x16xf32, #tpu.memory_space<vmem_shared>>
        %dma_wait3A_517 = tpu.memref_slice %arg10[%dma_wait3A_506] : memref<8x!tpu.dma_semaphore, #tpu.memory_space<semaphore_mem>> -> memref<1x!tpu.dma_semaphore, #tpu.memory_space<semaphore_mem>>
        %dma_wait3A_518 = tpu.memref_squeeze %dma_wait3A_517 : memref<1x!tpu.dma_semaphore, #tpu.memory_space<semaphore_mem>> -> memref<!tpu.dma_semaphore, #tpu.memory_space<semaphore_mem>>
        tpu.wait_indirect_dma semaphore(%dma_wait3A_518 : memref<!tpu.dma_semaphore, #tpu.memory_space<semaphore_mem>>) src(%dma_wait3A_510 : memref<128x16xf32, #tpu.memory_space<vmem>>) dst(%dma_wait3A_516 : memref<10240x16xf32, #tpu.memory_space<vmem_shared>>)
        %add3A_519 = arith.constant 4 : i32
        %add3A_520 = arith.addi %add3A_357, %add3A_519 : i32
        %dma_start3A_521 = arith.constant 0 : i32
        %dma_start3A_522 = arith.constant 0 : i32
        %dma_start3A_523 = arith.constant 0 : i32
        %dma_start3A_524 = arith.constant 0 : i32
        %dma_start3A_525 = tpu.memref_slice %arg7[%dma_start3A_521, %dma_start3A_523, %dma_start3A_524] : memref<8x128x16xf32, #tpu.memory_space<vmem>> -> memref<1x128x16xf32, #tpu.memory_space<vmem>>
        %dma_start3A_526 = tpu.memref_squeeze %dma_start3A_525 : memref<1x128x16xf32, #tpu.memory_space<vmem>> -> memref<128x16xf32, #tpu.memory_space<vmem>>
        %dma_start3A_527 = arith.constant 0 : i32
        %dma_start3A_528 = tpu.memref_slice %arg5[%add3A_520, %dma_start3A_527] : memref<40x128xi32, #tpu.memory_space<vmem>> -> memref<1x128xi32, #tpu.memory_space<vmem>>
        %dma_start3A_529 = tpu.memref_squeeze %dma_start3A_528 : memref<1x128xi32, #tpu.memory_space<vmem>> -> memref<128xi32, #tpu.memory_space<vmem>>
        %dma_start3A_530 = arith.constant 0 : i32
        %dma_start3A_531 = arith.constant 0 : i32
        %dma_start3A_532 = tpu.memref_slice %arg2[%dma_start3A_530, %dma_start3A_531] : memref<10240x16xf32, #tpu.memory_space<hbm>> -> memref<10240x16xf32, #tpu.memory_space<hbm>>
        %dma_start3A_533 = tpu.memref_slice %arg9[%dma_start3A_522] : memref<8x!tpu.dma_semaphore, #tpu.memory_space<semaphore_mem>> -> memref<1x!tpu.dma_semaphore, #tpu.memory_space<semaphore_mem>>
        %dma_start3A_534 = tpu.memref_squeeze %dma_start3A_533 : memref<1x!tpu.dma_semaphore, #tpu.memory_space<semaphore_mem>> -> memref<!tpu.dma_semaphore, #tpu.memory_space<semaphore_mem>>
        tpu.enqueue_indirect_dma source(%dma_start3A_532 : memref<10240x16xf32, #tpu.memory_space<hbm>>) target(%dma_start3A_526 : memref<128x16xf32, #tpu.memory_space<vmem>>) offsets(%dma_start3A_529 : memref<128xi32, #tpu.memory_space<vmem>>) semaphore(%dma_start3A_534 : memref<!tpu.dma_semaphore, #tpu.memory_space<semaphore_mem>>)
      } else {
      }
      %dma_wait3A_362 = arith.constant 4 : i32
      %dma_wait3A_363 = arith.constant 4 : i32
      %dma_wait3A_364 = arith.constant 0 : i32
      %dma_wait3A_365 = arith.constant 0 : i32
      %dma_wait3A_366 = tpu.memref_slice %arg7[%dma_wait3A_362, %dma_wait3A_364, %dma_wait3A_365] : memref<8x128x16xf32, #tpu.memory_space<vmem>> -> memref<1x128x16xf32, #tpu.memory_space<vmem>>
      %dma_wait3A_367 = tpu.memref_squeeze %dma_wait3A_366 : memref<1x128x16xf32, #tpu.memory_space<vmem>> -> memref<128x16xf32, #tpu.memory_space<vmem>>
      %dma_wait3A_368 = arith.constant 0 : i32
      %dma_wait3A_369 = tpu.memref_slice %arg5[%add3A_357, %dma_wait3A_368] : memref<40x128xi32, #tpu.memory_space<vmem>> -> memref<1x128xi32, #tpu.memory_space<vmem>>
      %dma_wait3A_370 = tpu.memref_squeeze %dma_wait3A_369 : memref<1x128xi32, #tpu.memory_space<vmem>> -> memref<128xi32, #tpu.memory_space<vmem>>
      %dma_wait3A_371 = arith.constant 0 : i32
      %dma_wait3A_372 = arith.constant 0 : i32
      %dma_wait3A_373 = tpu.memref_slice %arg2[%dma_wait3A_371, %dma_wait3A_372] : memref<10240x16xf32, #tpu.memory_space<hbm>> -> memref<10240x16xf32, #tpu.memory_space<hbm>>
      %dma_wait3A_374 = tpu.memref_slice %arg9[%dma_wait3A_363] : memref<8x!tpu.dma_semaphore, #tpu.memory_space<semaphore_mem>> -> memref<1x!tpu.dma_semaphore, #tpu.memory_space<semaphore_mem>>
      %dma_wait3A_375 = tpu.memref_squeeze %dma_wait3A_374 : memref<1x!tpu.dma_semaphore, #tpu.memory_space<semaphore_mem>> -> memref<!tpu.dma_semaphore, #tpu.memory_space<semaphore_mem>>
      tpu.wait_indirect_dma semaphore(%dma_wait3A_375 : memref<!tpu.dma_semaphore, #tpu.memory_space<semaphore_mem>>) src(%dma_wait3A_373 : memref<10240x16xf32, #tpu.memory_space<hbm>>) dst(%dma_wait3A_367 : memref<128x16xf32, #tpu.memory_space<vmem>>)
      %dma_start3A_376 = arith.constant 4 : i32
      %dma_start3A_377 = arith.constant 4 : i32
      %dma_start3A_378 = arith.constant 0 : i32
      %dma_start3A_379 = arith.constant 0 : i32
      %dma_start3A_380 = tpu.memref_slice %arg7[%dma_start3A_376, %dma_start3A_378, %dma_start3A_379] : memref<8x128x16xf32, #tpu.memory_space<vmem>> -> memref<1x128x16xf32, #tpu.memory_space<vmem>>
      %dma_start3A_381 = tpu.memref_squeeze %dma_start3A_380 : memref<1x128x16xf32, #tpu.memory_space<vmem>> -> memref<128x16xf32, #tpu.memory_space<vmem>>
      %dma_start3A_382 = arith.constant 0 : i32
      %dma_start3A_383 = tpu.memref_slice %arg6[%add3A_357, %dma_start3A_382] : memref<40x128xi32, #tpu.memory_space<vmem>> -> memref<1x128xi32, #tpu.memory_space<vmem>>
      %dma_start3A_384 = tpu.memref_squeeze %dma_start3A_383 : memref<1x128xi32, #tpu.memory_space<vmem>> -> memref<128xi32, #tpu.memory_space<vmem>>
      %dma_start3A_385 = arith.constant 0 : i32
      %dma_start3A_386 = arith.constant 0 : i32
      %dma_start3A_387 = tpu.memref_slice %arg8[%dma_start3A_385, %dma_start3A_386] : memref<10240x16xf32, #tpu.memory_space<vmem_shared>> -> memref<10240x16xf32, #tpu.memory_space<vmem_shared>>
      %dma_start3A_388 = tpu.memref_slice %arg10[%dma_start3A_377] : memref<8x!tpu.dma_semaphore, #tpu.memory_space<semaphore_mem>> -> memref<1x!tpu.dma_semaphore, #tpu.memory_space<semaphore_mem>>
      %dma_start3A_389 = tpu.memref_squeeze %dma_start3A_388 : memref<1x!tpu.dma_semaphore, #tpu.memory_space<semaphore_mem>> -> memref<!tpu.dma_semaphore, #tpu.memory_space<semaphore_mem>>
      tpu.enqueue_indirect_dma source(%dma_start3A_381 : memref<128x16xf32, #tpu.memory_space<vmem>>) target(%dma_start3A_387 : memref<10240x16xf32, #tpu.memory_space<vmem_shared>>) offsets(%dma_start3A_384 : memref<128xi32, #tpu.memory_space<vmem>>) semaphore(%dma_start3A_389 : memref<!tpu.dma_semaphore, #tpu.memory_space<semaphore_mem>>) {add = true}
      %mul3A_390 = arith.constant 8 : i32
      %mul3A_391 = arith.muli %scan3A_141, %mul3A_390 : i32
      %add3A_392 = arith.constant 5 : i32
      %add3A_393 = arith.addi %mul3A_391, %add3A_392 : i32
      %lt3A_394 = arith.constant 4 : i32
      %lt3A_395 = arith.cmpi slt, %scan3A_141, %lt3A_394 : i32
      %convert_element_type3A_396 = arith.extui %lt3A_395 : i1 to i32
      %cond3A_397 = arith.constant 0 : i32
      %cond3A_398 = arith.cmpi ne, %convert_element_type3A_396, %cond3A_397 : i32
      scf.if %cond3A_398 {
        %add3A_502 = arith.constant 4 : i32
        %add3A_503 = arith.addi %add3A_393, %add3A_502 : i32
        %sub3A = arith.constant 8 : i32
        %sub3A_504 = arith.subi %add3A_503, %sub3A : i32
        %dma_wait3A_505 = arith.constant 1 : i32
        %dma_wait3A_506 = arith.constant 1 : i32
        %dma_wait3A_507 = arith.constant 0 : i32
        %dma_wait3A_508 = arith.constant 0 : i32
        %dma_wait3A_509 = tpu.memref_slice %arg7[%dma_wait3A_505, %dma_wait3A_507, %dma_wait3A_508] : memref<8x128x16xf32, #tpu.memory_space<vmem>> -> memref<1x128x16xf32, #tpu.memory_space<vmem>>
        %dma_wait3A_510 = tpu.memref_squeeze %dma_wait3A_509 : memref<1x128x16xf32, #tpu.memory_space<vmem>> -> memref<128x16xf32, #tpu.memory_space<vmem>>
        %dma_wait3A_511 = arith.constant 0 : i32
        %dma_wait3A_512 = tpu.memref_slice %arg6[%sub3A_504, %dma_wait3A_511] : memref<40x128xi32, #tpu.memory_space<vmem>> -> memref<1x128xi32, #tpu.memory_space<vmem>>
        %dma_wait3A_513 = tpu.memref_squeeze %dma_wait3A_512 : memref<1x128xi32, #tpu.memory_space<vmem>> -> memref<128xi32, #tpu.memory_space<vmem>>
        %dma_wait3A_514 = arith.constant 0 : i32
        %dma_wait3A_515 = arith.constant 0 : i32
        %dma_wait3A_516 = tpu.memref_slice %arg8[%dma_wait3A_514, %dma_wait3A_515] : memref<10240x16xf32, #tpu.memory_space<vmem_shared>> -> memref<10240x16xf32, #tpu.memory_space<vmem_shared>>
        %dma_wait3A_517 = tpu.memref_slice %arg10[%dma_wait3A_506] : memref<8x!tpu.dma_semaphore, #tpu.memory_space<semaphore_mem>> -> memref<1x!tpu.dma_semaphore, #tpu.memory_space<semaphore_mem>>
        %dma_wait3A_518 = tpu.memref_squeeze %dma_wait3A_517 : memref<1x!tpu.dma_semaphore, #tpu.memory_space<semaphore_mem>> -> memref<!tpu.dma_semaphore, #tpu.memory_space<semaphore_mem>>
        tpu.wait_indirect_dma semaphore(%dma_wait3A_518 : memref<!tpu.dma_semaphore, #tpu.memory_space<semaphore_mem>>) src(%dma_wait3A_510 : memref<128x16xf32, #tpu.memory_space<vmem>>) dst(%dma_wait3A_516 : memref<10240x16xf32, #tpu.memory_space<vmem_shared>>)
        %add3A_519 = arith.constant 4 : i32
        %add3A_520 = arith.addi %add3A_393, %add3A_519 : i32
        %dma_start3A_521 = arith.constant 1 : i32
        %dma_start3A_522 = arith.constant 1 : i32
        %dma_start3A_523 = arith.constant 0 : i32
        %dma_start3A_524 = arith.constant 0 : i32
        %dma_start3A_525 = tpu.memref_slice %arg7[%dma_start3A_521, %dma_start3A_523, %dma_start3A_524] : memref<8x128x16xf32, #tpu.memory_space<vmem>> -> memref<1x128x16xf32, #tpu.memory_space<vmem>>
        %dma_start3A_526 = tpu.memref_squeeze %dma_start3A_525 : memref<1x128x16xf32, #tpu.memory_space<vmem>> -> memref<128x16xf32, #tpu.memory_space<vmem>>
        %dma_start3A_527 = arith.constant 0 : i32
        %dma_start3A_528 = tpu.memref_slice %arg5[%add3A_520, %dma_start3A_527] : memref<40x128xi32, #tpu.memory_space<vmem>> -> memref<1x128xi32, #tpu.memory_space<vmem>>
        %dma_start3A_529 = tpu.memref_squeeze %dma_start3A_528 : memref<1x128xi32, #tpu.memory_space<vmem>> -> memref<128xi32, #tpu.memory_space<vmem>>
        %dma_start3A_530 = arith.constant 0 : i32
        %dma_start3A_531 = arith.constant 0 : i32
        %dma_start3A_532 = tpu.memref_slice %arg2[%dma_start3A_530, %dma_start3A_531] : memref<10240x16xf32, #tpu.memory_space<hbm>> -> memref<10240x16xf32, #tpu.memory_space<hbm>>
        %dma_start3A_533 = tpu.memref_slice %arg9[%dma_start3A_522] : memref<8x!tpu.dma_semaphore, #tpu.memory_space<semaphore_mem>> -> memref<1x!tpu.dma_semaphore, #tpu.memory_space<semaphore_mem>>
        %dma_start3A_534 = tpu.memref_squeeze %dma_start3A_533 : memref<1x!tpu.dma_semaphore, #tpu.memory_space<semaphore_mem>> -> memref<!tpu.dma_semaphore, #tpu.memory_space<semaphore_mem>>
        tpu.enqueue_indirect_dma source(%dma_start3A_532 : memref<10240x16xf32, #tpu.memory_space<hbm>>) target(%dma_start3A_526 : memref<128x16xf32, #tpu.memory_space<vmem>>) offsets(%dma_start3A_529 : memref<128xi32, #tpu.memory_space<vmem>>) semaphore(%dma_start3A_534 : memref<!tpu.dma_semaphore, #tpu.memory_space<semaphore_mem>>)
      } else {
      }
      %dma_wait3A_399 = arith.constant 5 : i32
      %dma_wait3A_400 = arith.constant 5 : i32
      %dma_wait3A_401 = arith.constant 0 : i32
      %dma_wait3A_402 = arith.constant 0 : i32
      %dma_wait3A_403 = tpu.memref_slice %arg7[%dma_wait3A_399, %dma_wait3A_401, %dma_wait3A_402] : memref<8x128x16xf32, #tpu.memory_space<vmem>> -> memref<1x128x16xf32, #tpu.memory_space<vmem>>
      %dma_wait3A_404 = tpu.memref_squeeze %dma_wait3A_403 : memref<1x128x16xf32, #tpu.memory_space<vmem>> -> memref<128x16xf32, #tpu.memory_space<vmem>>
      %dma_wait3A_405 = arith.constant 0 : i32
      %dma_wait3A_406 = tpu.memref_slice %arg5[%add3A_393, %dma_wait3A_405] : memref<40x128xi32, #tpu.memory_space<vmem>> -> memref<1x128xi32, #tpu.memory_space<vmem>>
      %dma_wait3A_407 = tpu.memref_squeeze %dma_wait3A_406 : memref<1x128xi32, #tpu.memory_space<vmem>> -> memref<128xi32, #tpu.memory_space<vmem>>
      %dma_wait3A_408 = arith.constant 0 : i32
      %dma_wait3A_409 = arith.constant 0 : i32
      %dma_wait3A_410 = tpu.memref_slice %arg2[%dma_wait3A_408, %dma_wait3A_409] : memref<10240x16xf32, #tpu.memory_space<hbm>> -> memref<10240x16xf32, #tpu.memory_space<hbm>>
      %dma_wait3A_411 = tpu.memref_slice %arg9[%dma_wait3A_400] : memref<8x!tpu.dma_semaphore, #tpu.memory_space<semaphore_mem>> -> memref<1x!tpu.dma_semaphore, #tpu.memory_space<semaphore_mem>>
      %dma_wait3A_412 = tpu.memref_squeeze %dma_wait3A_411 : memref<1x!tpu.dma_semaphore, #tpu.memory_space<semaphore_mem>> -> memref<!tpu.dma_semaphore, #tpu.memory_space<semaphore_mem>>
      tpu.wait_indirect_dma semaphore(%dma_wait3A_412 : memref<!tpu.dma_semaphore, #tpu.memory_space<semaphore_mem>>) src(%dma_wait3A_410 : memref<10240x16xf32, #tpu.memory_space<hbm>>) dst(%dma_wait3A_404 : memref<128x16xf32, #tpu.memory_space<vmem>>)
      %dma_start3A_413 = arith.constant 5 : i32
      %dma_start3A_414 = arith.constant 5 : i32
      %dma_start3A_415 = arith.constant 0 : i32
      %dma_start3A_416 = arith.constant 0 : i32
      %dma_start3A_417 = tpu.memref_slice %arg7[%dma_start3A_413, %dma_start3A_415, %dma_start3A_416] : memref<8x128x16xf32, #tpu.memory_space<vmem>> -> memref<1x128x16xf32, #tpu.memory_space<vmem>>
      %dma_start3A_418 = tpu.memref_squeeze %dma_start3A_417 : memref<1x128x16xf32, #tpu.memory_space<vmem>> -> memref<128x16xf32, #tpu.memory_space<vmem>>
      %dma_start3A_419 = arith.constant 0 : i32
      %dma_start3A_420 = tpu.memref_slice %arg6[%add3A_393, %dma_start3A_419] : memref<40x128xi32, #tpu.memory_space<vmem>> -> memref<1x128xi32, #tpu.memory_space<vmem>>
      %dma_start3A_421 = tpu.memref_squeeze %dma_start3A_420 : memref<1x128xi32, #tpu.memory_space<vmem>> -> memref<128xi32, #tpu.memory_space<vmem>>
      %dma_start3A_422 = arith.constant 0 : i32
      %dma_start3A_423 = arith.constant 0 : i32
      %dma_start3A_424 = tpu.memref_slice %arg8[%dma_start3A_422, %dma_start3A_423] : memref<10240x16xf32, #tpu.memory_space<vmem_shared>> -> memref<10240x16xf32, #tpu.memory_space<vmem_shared>>
      %dma_start3A_425 = tpu.memref_slice %arg10[%dma_start3A_414] : memref<8x!tpu.dma_semaphore, #tpu.memory_space<semaphore_mem>> -> memref<1x!tpu.dma_semaphore, #tpu.memory_space<semaphore_mem>>
      %dma_start3A_426 = tpu.memref_squeeze %dma_start3A_425 : memref<1x!tpu.dma_semaphore, #tpu.memory_space<semaphore_mem>> -> memref<!tpu.dma_semaphore, #tpu.memory_space<semaphore_mem>>
      tpu.enqueue_indirect_dma source(%dma_start3A_418 : memref<128x16xf32, #tpu.memory_space<vmem>>) target(%dma_start3A_424 : memref<10240x16xf32, #tpu.memory_space<vmem_shared>>) offsets(%dma_start3A_421 : memref<128xi32, #tpu.memory_space<vmem>>) semaphore(%dma_start3A_426 : memref<!tpu.dma_semaphore, #tpu.memory_space<semaphore_mem>>) {add = true}
      %mul3A_427 = arith.constant 8 : i32
      %mul3A_428 = arith.muli %scan3A_141, %mul3A_427 : i32
      %add3A_429 = arith.constant 6 : i32
      %add3A_430 = arith.addi %mul3A_428, %add3A_429 : i32
      %lt3A_431 = arith.constant 4 : i32
      %lt3A_432 = arith.cmpi slt, %scan3A_141, %lt3A_431 : i32
      %convert_element_type3A_433 = arith.extui %lt3A_432 : i1 to i32
      %cond3A_434 = arith.constant 0 : i32
      %cond3A_435 = arith.cmpi ne, %convert_element_type3A_433, %cond3A_434 : i32
      scf.if %cond3A_435 {
        %add3A_502 = arith.constant 4 : i32
        %add3A_503 = arith.addi %add3A_430, %add3A_502 : i32
        %sub3A = arith.constant 8 : i32
        %sub3A_504 = arith.subi %add3A_503, %sub3A : i32
        %dma_wait3A_505 = arith.constant 2 : i32
        %dma_wait3A_506 = arith.constant 2 : i32
        %dma_wait3A_507 = arith.constant 0 : i32
        %dma_wait3A_508 = arith.constant 0 : i32
        %dma_wait3A_509 = tpu.memref_slice %arg7[%dma_wait3A_505, %dma_wait3A_507, %dma_wait3A_508] : memref<8x128x16xf32, #tpu.memory_space<vmem>> -> memref<1x128x16xf32, #tpu.memory_space<vmem>>
        %dma_wait3A_510 = tpu.memref_squeeze %dma_wait3A_509 : memref<1x128x16xf32, #tpu.memory_space<vmem>> -> memref<128x16xf32, #tpu.memory_space<vmem>>
        %dma_wait3A_511 = arith.constant 0 : i32
        %dma_wait3A_512 = tpu.memref_slice %arg6[%sub3A_504, %dma_wait3A_511] : memref<40x128xi32, #tpu.memory_space<vmem>> -> memref<1x128xi32, #tpu.memory_space<vmem>>
        %dma_wait3A_513 = tpu.memref_squeeze %dma_wait3A_512 : memref<1x128xi32, #tpu.memory_space<vmem>> -> memref<128xi32, #tpu.memory_space<vmem>>
        %dma_wait3A_514 = arith.constant 0 : i32
        %dma_wait3A_515 = arith.constant 0 : i32
        %dma_wait3A_516 = tpu.memref_slice %arg8[%dma_wait3A_514, %dma_wait3A_515] : memref<10240x16xf32, #tpu.memory_space<vmem_shared>> -> memref<10240x16xf32, #tpu.memory_space<vmem_shared>>
        %dma_wait3A_517 = tpu.memref_slice %arg10[%dma_wait3A_506] : memref<8x!tpu.dma_semaphore, #tpu.memory_space<semaphore_mem>> -> memref<1x!tpu.dma_semaphore, #tpu.memory_space<semaphore_mem>>
        %dma_wait3A_518 = tpu.memref_squeeze %dma_wait3A_517 : memref<1x!tpu.dma_semaphore, #tpu.memory_space<semaphore_mem>> -> memref<!tpu.dma_semaphore, #tpu.memory_space<semaphore_mem>>
        tpu.wait_indirect_dma semaphore(%dma_wait3A_518 : memref<!tpu.dma_semaphore, #tpu.memory_space<semaphore_mem>>) src(%dma_wait3A_510 : memref<128x16xf32, #tpu.memory_space<vmem>>) dst(%dma_wait3A_516 : memref<10240x16xf32, #tpu.memory_space<vmem_shared>>)
        %add3A_519 = arith.constant 4 : i32
        %add3A_520 = arith.addi %add3A_430, %add3A_519 : i32
        %dma_start3A_521 = arith.constant 2 : i32
        %dma_start3A_522 = arith.constant 2 : i32
        %dma_start3A_523 = arith.constant 0 : i32
        %dma_start3A_524 = arith.constant 0 : i32
        %dma_start3A_525 = tpu.memref_slice %arg7[%dma_start3A_521, %dma_start3A_523, %dma_start3A_524] : memref<8x128x16xf32, #tpu.memory_space<vmem>> -> memref<1x128x16xf32, #tpu.memory_space<vmem>>
        %dma_start3A_526 = tpu.memref_squeeze %dma_start3A_525 : memref<1x128x16xf32, #tpu.memory_space<vmem>> -> memref<128x16xf32, #tpu.memory_space<vmem>>
        %dma_start3A_527 = arith.constant 0 : i32
        %dma_start3A_528 = tpu.memref_slice %arg5[%add3A_520, %dma_start3A_527] : memref<40x128xi32, #tpu.memory_space<vmem>> -> memref<1x128xi32, #tpu.memory_space<vmem>>
        %dma_start3A_529 = tpu.memref_squeeze %dma_start3A_528 : memref<1x128xi32, #tpu.memory_space<vmem>> -> memref<128xi32, #tpu.memory_space<vmem>>
        %dma_start3A_530 = arith.constant 0 : i32
        %dma_start3A_531 = arith.constant 0 : i32
        %dma_start3A_532 = tpu.memref_slice %arg2[%dma_start3A_530, %dma_start3A_531] : memref<10240x16xf32, #tpu.memory_space<hbm>> -> memref<10240x16xf32, #tpu.memory_space<hbm>>
        %dma_start3A_533 = tpu.memref_slice %arg9[%dma_start3A_522] : memref<8x!tpu.dma_semaphore, #tpu.memory_space<semaphore_mem>> -> memref<1x!tpu.dma_semaphore, #tpu.memory_space<semaphore_mem>>
        %dma_start3A_534 = tpu.memref_squeeze %dma_start3A_533 : memref<1x!tpu.dma_semaphore, #tpu.memory_space<semaphore_mem>> -> memref<!tpu.dma_semaphore, #tpu.memory_space<semaphore_mem>>
        tpu.enqueue_indirect_dma source(%dma_start3A_532 : memref<10240x16xf32, #tpu.memory_space<hbm>>) target(%dma_start3A_526 : memref<128x16xf32, #tpu.memory_space<vmem>>) offsets(%dma_start3A_529 : memref<128xi32, #tpu.memory_space<vmem>>) semaphore(%dma_start3A_534 : memref<!tpu.dma_semaphore, #tpu.memory_space<semaphore_mem>>)
      } else {
      }
      %dma_wait3A_436 = arith.constant 6 : i32
      %dma_wait3A_437 = arith.constant 6 : i32
      %dma_wait3A_438 = arith.constant 0 : i32
      %dma_wait3A_439 = arith.constant 0 : i32
      %dma_wait3A_440 = tpu.memref_slice %arg7[%dma_wait3A_436, %dma_wait3A_438, %dma_wait3A_439] : memref<8x128x16xf32, #tpu.memory_space<vmem>> -> memref<1x128x16xf32, #tpu.memory_space<vmem>>
      %dma_wait3A_441 = tpu.memref_squeeze %dma_wait3A_440 : memref<1x128x16xf32, #tpu.memory_space<vmem>> -> memref<128x16xf32, #tpu.memory_space<vmem>>
      %dma_wait3A_442 = arith.constant 0 : i32
      %dma_wait3A_443 = tpu.memref_slice %arg5[%add3A_430, %dma_wait3A_442] : memref<40x128xi32, #tpu.memory_space<vmem>> -> memref<1x128xi32, #tpu.memory_space<vmem>>
      %dma_wait3A_444 = tpu.memref_squeeze %dma_wait3A_443 : memref<1x128xi32, #tpu.memory_space<vmem>> -> memref<128xi32, #tpu.memory_space<vmem>>
      %dma_wait3A_445 = arith.constant 0 : i32
      %dma_wait3A_446 = arith.constant 0 : i32
      %dma_wait3A_447 = tpu.memref_slice %arg2[%dma_wait3A_445, %dma_wait3A_446] : memref<10240x16xf32, #tpu.memory_space<hbm>> -> memref<10240x16xf32, #tpu.memory_space<hbm>>
      %dma_wait3A_448 = tpu.memref_slice %arg9[%dma_wait3A_437] : memref<8x!tpu.dma_semaphore, #tpu.memory_space<semaphore_mem>> -> memref<1x!tpu.dma_semaphore, #tpu.memory_space<semaphore_mem>>
      %dma_wait3A_449 = tpu.memref_squeeze %dma_wait3A_448 : memref<1x!tpu.dma_semaphore, #tpu.memory_space<semaphore_mem>> -> memref<!tpu.dma_semaphore, #tpu.memory_space<semaphore_mem>>
      tpu.wait_indirect_dma semaphore(%dma_wait3A_449 : memref<!tpu.dma_semaphore, #tpu.memory_space<semaphore_mem>>) src(%dma_wait3A_447 : memref<10240x16xf32, #tpu.memory_space<hbm>>) dst(%dma_wait3A_441 : memref<128x16xf32, #tpu.memory_space<vmem>>)
      %dma_start3A_450 = arith.constant 6 : i32
      %dma_start3A_451 = arith.constant 6 : i32
      %dma_start3A_452 = arith.constant 0 : i32
      %dma_start3A_453 = arith.constant 0 : i32
      %dma_start3A_454 = tpu.memref_slice %arg7[%dma_start3A_450, %dma_start3A_452, %dma_start3A_453] : memref<8x128x16xf32, #tpu.memory_space<vmem>> -> memref<1x128x16xf32, #tpu.memory_space<vmem>>
      %dma_start3A_455 = tpu.memref_squeeze %dma_start3A_454 : memref<1x128x16xf32, #tpu.memory_space<vmem>> -> memref<128x16xf32, #tpu.memory_space<vmem>>
      %dma_start3A_456 = arith.constant 0 : i32
      %dma_start3A_457 = tpu.memref_slice %arg6[%add3A_430, %dma_start3A_456] : memref<40x128xi32, #tpu.memory_space<vmem>> -> memref<1x128xi32, #tpu.memory_space<vmem>>
      %dma_start3A_458 = tpu.memref_squeeze %dma_start3A_457 : memref<1x128xi32, #tpu.memory_space<vmem>> -> memref<128xi32, #tpu.memory_space<vmem>>
      %dma_start3A_459 = arith.constant 0 : i32
      %dma_start3A_460 = arith.constant 0 : i32
      %dma_start3A_461 = tpu.memref_slice %arg8[%dma_start3A_459, %dma_start3A_460] : memref<10240x16xf32, #tpu.memory_space<vmem_shared>> -> memref<10240x16xf32, #tpu.memory_space<vmem_shared>>
      %dma_start3A_462 = tpu.memref_slice %arg10[%dma_start3A_451] : memref<8x!tpu.dma_semaphore, #tpu.memory_space<semaphore_mem>> -> memref<1x!tpu.dma_semaphore, #tpu.memory_space<semaphore_mem>>
      %dma_start3A_463 = tpu.memref_squeeze %dma_start3A_462 : memref<1x!tpu.dma_semaphore, #tpu.memory_space<semaphore_mem>> -> memref<!tpu.dma_semaphore, #tpu.memory_space<semaphore_mem>>
      tpu.enqueue_indirect_dma source(%dma_start3A_455 : memref<128x16xf32, #tpu.memory_space<vmem>>) target(%dma_start3A_461 : memref<10240x16xf32, #tpu.memory_space<vmem_shared>>) offsets(%dma_start3A_458 : memref<128xi32, #tpu.memory_space<vmem>>) semaphore(%dma_start3A_463 : memref<!tpu.dma_semaphore, #tpu.memory_space<semaphore_mem>>) {add = true}
      %mul3A_464 = arith.constant 8 : i32
      %mul3A_465 = arith.muli %scan3A_141, %mul3A_464 : i32
      %add3A_466 = arith.constant 7 : i32
      %add3A_467 = arith.addi %mul3A_465, %add3A_466 : i32
      %lt3A_468 = arith.constant 4 : i32
      %lt3A_469 = arith.cmpi slt, %scan3A_141, %lt3A_468 : i32
      %convert_element_type3A_470 = arith.extui %lt3A_469 : i1 to i32
      %cond3A_471 = arith.constant 0 : i32
      %cond3A_472 = arith.cmpi ne, %convert_element_type3A_470, %cond3A_471 : i32
      scf.if %cond3A_472 {
        %add3A_502 = arith.constant 4 : i32
        %add3A_503 = arith.addi %add3A_467, %add3A_502 : i32
        %sub3A = arith.constant 8 : i32
        %sub3A_504 = arith.subi %add3A_503, %sub3A : i32
        %dma_wait3A_505 = arith.constant 3 : i32
        %dma_wait3A_506 = arith.constant 3 : i32
        %dma_wait3A_507 = arith.constant 0 : i32
        %dma_wait3A_508 = arith.constant 0 : i32
        %dma_wait3A_509 = tpu.memref_slice %arg7[%dma_wait3A_505, %dma_wait3A_507, %dma_wait3A_508] : memref<8x128x16xf32, #tpu.memory_space<vmem>> -> memref<1x128x16xf32, #tpu.memory_space<vmem>>
        %dma_wait3A_510 = tpu.memref_squeeze %dma_wait3A_509 : memref<1x128x16xf32, #tpu.memory_space<vmem>> -> memref<128x16xf32, #tpu.memory_space<vmem>>
        %dma_wait3A_511 = arith.constant 0 : i32
        %dma_wait3A_512 = tpu.memref_slice %arg6[%sub3A_504, %dma_wait3A_511] : memref<40x128xi32, #tpu.memory_space<vmem>> -> memref<1x128xi32, #tpu.memory_space<vmem>>
        %dma_wait3A_513 = tpu.memref_squeeze %dma_wait3A_512 : memref<1x128xi32, #tpu.memory_space<vmem>> -> memref<128xi32, #tpu.memory_space<vmem>>
        %dma_wait3A_514 = arith.constant 0 : i32
        %dma_wait3A_515 = arith.constant 0 : i32
        %dma_wait3A_516 = tpu.memref_slice %arg8[%dma_wait3A_514, %dma_wait3A_515] : memref<10240x16xf32, #tpu.memory_space<vmem_shared>> -> memref<10240x16xf32, #tpu.memory_space<vmem_shared>>
        %dma_wait3A_517 = tpu.memref_slice %arg10[%dma_wait3A_506] : memref<8x!tpu.dma_semaphore, #tpu.memory_space<semaphore_mem>> -> memref<1x!tpu.dma_semaphore, #tpu.memory_space<semaphore_mem>>
        %dma_wait3A_518 = tpu.memref_squeeze %dma_wait3A_517 : memref<1x!tpu.dma_semaphore, #tpu.memory_space<semaphore_mem>> -> memref<!tpu.dma_semaphore, #tpu.memory_space<semaphore_mem>>
        tpu.wait_indirect_dma semaphore(%dma_wait3A_518 : memref<!tpu.dma_semaphore, #tpu.memory_space<semaphore_mem>>) src(%dma_wait3A_510 : memref<128x16xf32, #tpu.memory_space<vmem>>) dst(%dma_wait3A_516 : memref<10240x16xf32, #tpu.memory_space<vmem_shared>>)
        %add3A_519 = arith.constant 4 : i32
        %add3A_520 = arith.addi %add3A_467, %add3A_519 : i32
        %dma_start3A_521 = arith.constant 3 : i32
        %dma_start3A_522 = arith.constant 3 : i32
        %dma_start3A_523 = arith.constant 0 : i32
        %dma_start3A_524 = arith.constant 0 : i32
        %dma_start3A_525 = tpu.memref_slice %arg7[%dma_start3A_521, %dma_start3A_523, %dma_start3A_524] : memref<8x128x16xf32, #tpu.memory_space<vmem>> -> memref<1x128x16xf32, #tpu.memory_space<vmem>>
        %dma_start3A_526 = tpu.memref_squeeze %dma_start3A_525 : memref<1x128x16xf32, #tpu.memory_space<vmem>> -> memref<128x16xf32, #tpu.memory_space<vmem>>
        %dma_start3A_527 = arith.constant 0 : i32
        %dma_start3A_528 = tpu.memref_slice %arg5[%add3A_520, %dma_start3A_527] : memref<40x128xi32, #tpu.memory_space<vmem>> -> memref<1x128xi32, #tpu.memory_space<vmem>>
        %dma_start3A_529 = tpu.memref_squeeze %dma_start3A_528 : memref<1x128xi32, #tpu.memory_space<vmem>> -> memref<128xi32, #tpu.memory_space<vmem>>
        %dma_start3A_530 = arith.constant 0 : i32
        %dma_start3A_531 = arith.constant 0 : i32
        %dma_start3A_532 = tpu.memref_slice %arg2[%dma_start3A_530, %dma_start3A_531] : memref<10240x16xf32, #tpu.memory_space<hbm>> -> memref<10240x16xf32, #tpu.memory_space<hbm>>
        %dma_start3A_533 = tpu.memref_slice %arg9[%dma_start3A_522] : memref<8x!tpu.dma_semaphore, #tpu.memory_space<semaphore_mem>> -> memref<1x!tpu.dma_semaphore, #tpu.memory_space<semaphore_mem>>
        %dma_start3A_534 = tpu.memref_squeeze %dma_start3A_533 : memref<1x!tpu.dma_semaphore, #tpu.memory_space<semaphore_mem>> -> memref<!tpu.dma_semaphore, #tpu.memory_space<semaphore_mem>>
        tpu.enqueue_indirect_dma source(%dma_start3A_532 : memref<10240x16xf32, #tpu.memory_space<hbm>>) target(%dma_start3A_526 : memref<128x16xf32, #tpu.memory_space<vmem>>) offsets(%dma_start3A_529 : memref<128xi32, #tpu.memory_space<vmem>>) semaphore(%dma_start3A_534 : memref<!tpu.dma_semaphore, #tpu.memory_space<semaphore_mem>>)
      } else {
      }
      %dma_wait3A_473 = arith.constant 7 : i32
      %dma_wait3A_474 = arith.constant 7 : i32
      %dma_wait3A_475 = arith.constant 0 : i32
      %dma_wait3A_476 = arith.constant 0 : i32
      %dma_wait3A_477 = tpu.memref_slice %arg7[%dma_wait3A_473, %dma_wait3A_475, %dma_wait3A_476] : memref<8x128x16xf32, #tpu.memory_space<vmem>> -> memref<1x128x16xf32, #tpu.memory_space<vmem>>
      %dma_wait3A_478 = tpu.memref_squeeze %dma_wait3A_477 : memref<1x128x16xf32, #tpu.memory_space<vmem>> -> memref<128x16xf32, #tpu.memory_space<vmem>>
      %dma_wait3A_479 = arith.constant 0 : i32
      %dma_wait3A_480 = tpu.memref_slice %arg5[%add3A_467, %dma_wait3A_479] : memref<40x128xi32, #tpu.memory_space<vmem>> -> memref<1x128xi32, #tpu.memory_space<vmem>>
      %dma_wait3A_481 = tpu.memref_squeeze %dma_wait3A_480 : memref<1x128xi32, #tpu.memory_space<vmem>> -> memref<128xi32, #tpu.memory_space<vmem>>
      %dma_wait3A_482 = arith.constant 0 : i32
      %dma_wait3A_483 = arith.constant 0 : i32
      %dma_wait3A_484 = tpu.memref_slice %arg2[%dma_wait3A_482, %dma_wait3A_483] : memref<10240x16xf32, #tpu.memory_space<hbm>> -> memref<10240x16xf32, #tpu.memory_space<hbm>>
      %dma_wait3A_485 = tpu.memref_slice %arg9[%dma_wait3A_474] : memref<8x!tpu.dma_semaphore, #tpu.memory_space<semaphore_mem>> -> memref<1x!tpu.dma_semaphore, #tpu.memory_space<semaphore_mem>>
      %dma_wait3A_486 = tpu.memref_squeeze %dma_wait3A_485 : memref<1x!tpu.dma_semaphore, #tpu.memory_space<semaphore_mem>> -> memref<!tpu.dma_semaphore, #tpu.memory_space<semaphore_mem>>
      tpu.wait_indirect_dma semaphore(%dma_wait3A_486 : memref<!tpu.dma_semaphore, #tpu.memory_space<semaphore_mem>>) src(%dma_wait3A_484 : memref<10240x16xf32, #tpu.memory_space<hbm>>) dst(%dma_wait3A_478 : memref<128x16xf32, #tpu.memory_space<vmem>>)
      %dma_start3A_487 = arith.constant 7 : i32
      %dma_start3A_488 = arith.constant 7 : i32
      %dma_start3A_489 = arith.constant 0 : i32
      %dma_start3A_490 = arith.constant 0 : i32
      %dma_start3A_491 = tpu.memref_slice %arg7[%dma_start3A_487, %dma_start3A_489, %dma_start3A_490] : memref<8x128x16xf32, #tpu.memory_space<vmem>> -> memref<1x128x16xf32, #tpu.memory_space<vmem>>
      %dma_start3A_492 = tpu.memref_squeeze %dma_start3A_491 : memref<1x128x16xf32, #tpu.memory_space<vmem>> -> memref<128x16xf32, #tpu.memory_space<vmem>>
      %dma_start3A_493 = arith.constant 0 : i32
      %dma_start3A_494 = tpu.memref_slice %arg6[%add3A_467, %dma_start3A_493] : memref<40x128xi32, #tpu.memory_space<vmem>> -> memref<1x128xi32, #tpu.memory_space<vmem>>
      %dma_start3A_495 = tpu.memref_squeeze %dma_start3A_494 : memref<1x128xi32, #tpu.memory_space<vmem>> -> memref<128xi32, #tpu.memory_space<vmem>>
      %dma_start3A_496 = arith.constant 0 : i32
      %dma_start3A_497 = arith.constant 0 : i32
      %dma_start3A_498 = tpu.memref_slice %arg8[%dma_start3A_496, %dma_start3A_497] : memref<10240x16xf32, #tpu.memory_space<vmem_shared>> -> memref<10240x16xf32, #tpu.memory_space<vmem_shared>>
      %dma_start3A_499 = tpu.memref_slice %arg10[%dma_start3A_488] : memref<8x!tpu.dma_semaphore, #tpu.memory_space<semaphore_mem>> -> memref<1x!tpu.dma_semaphore, #tpu.memory_space<semaphore_mem>>
      %dma_start3A_500 = tpu.memref_squeeze %dma_start3A_499 : memref<1x!tpu.dma_semaphore, #tpu.memory_space<semaphore_mem>> -> memref<!tpu.dma_semaphore, #tpu.memory_space<semaphore_mem>>
      tpu.enqueue_indirect_dma source(%dma_start3A_492 : memref<128x16xf32, #tpu.memory_space<vmem>>) target(%dma_start3A_498 : memref<10240x16xf32, #tpu.memory_space<vmem_shared>>) offsets(%dma_start3A_495 : memref<128xi32, #tpu.memory_space<vmem>>) semaphore(%dma_start3A_500 : memref<!tpu.dma_semaphore, #tpu.memory_space<semaphore_mem>>) {add = true}
      %scan3A_501 = arith.constant 0 : i32
      scf.yield %scan3A_501 : i32
    }
    %scan3A_76 = arith.constant 5 : i32
    %dma_wait3A = arith.constant 4 : i32
    %dma_wait3A_77 = arith.constant 36 : i32
    %dma_wait3A_78 = arith.constant 4 : i32
    %dma_wait3A_79 = arith.constant 0 : i32
    %dma_wait3A_80 = arith.constant 0 : i32
    %dma_wait3A_81 = tpu.memref_slice %arg7[%dma_wait3A, %dma_wait3A_79, %dma_wait3A_80] : memref<8x128x16xf32, #tpu.memory_space<vmem>> -> memref<1x128x16xf32, #tpu.memory_space<vmem>>
    %dma_wait3A_82 = tpu.memref_squeeze %dma_wait3A_81 : memref<1x128x16xf32, #tpu.memory_space<vmem>> -> memref<128x16xf32, #tpu.memory_space<vmem>>
    %dma_wait3A_83 = arith.constant 0 : i32
    %dma_wait3A_84 = tpu.memref_slice %arg6[%dma_wait3A_77, %dma_wait3A_83] : memref<40x128xi32, #tpu.memory_space<vmem>> -> memref<1x128xi32, #tpu.memory_space<vmem>>
    %dma_wait3A_85 = tpu.memref_squeeze %dma_wait3A_84 : memref<1x128xi32, #tpu.memory_space<vmem>> -> memref<128xi32, #tpu.memory_space<vmem>>
    %dma_wait3A_86 = arith.constant 0 : i32
    %dma_wait3A_87 = arith.constant 0 : i32
    %dma_wait3A_88 = tpu.memref_slice %arg8[%dma_wait3A_86, %dma_wait3A_87] : memref<10240x16xf32, #tpu.memory_space<vmem_shared>> -> memref<10240x16xf32, #tpu.memory_space<vmem_shared>>
    %dma_wait3A_89 = tpu.memref_slice %arg10[%dma_wait3A_78] : memref<8x!tpu.dma_semaphore, #tpu.memory_space<semaphore_mem>> -> memref<1x!tpu.dma_semaphore, #tpu.memory_space<semaphore_mem>>
    %dma_wait3A_90 = tpu.memref_squeeze %dma_wait3A_89 : memref<1x!tpu.dma_semaphore, #tpu.memory_space<semaphore_mem>> -> memref<!tpu.dma_semaphore, #tpu.memory_space<semaphore_mem>>
    tpu.wait_indirect_dma semaphore(%dma_wait3A_90 : memref<!tpu.dma_semaphore, #tpu.memory_space<semaphore_mem>>) src(%dma_wait3A_82 : memref<128x16xf32, #tpu.memory_space<vmem>>) dst(%dma_wait3A_88 : memref<10240x16xf32, #tpu.memory_space<vmem_shared>>)
    %dma_wait3A_91 = arith.constant 5 : i32
    %dma_wait3A_92 = arith.constant 37 : i32
    %dma_wait3A_93 = arith.constant 5 : i32
    %dma_wait3A_94 = arith.constant 0 : i32
    %dma_wait3A_95 = arith.constant 0 : i32
    %dma_wait3A_96 = tpu.memref_slice %arg7[%dma_wait3A_91, %dma_wait3A_94, %dma_wait3A_95] : memref<8x128x16xf32, #tpu.memory_space<vmem>> -> memref<1x128x16xf32, #tpu.memory_space<vmem>>
    %dma_wait3A_97 = tpu.memref_squeeze %dma_wait3A_96 : memref<1x128x16xf32, #tpu.memory_space<vmem>> -> memref<128x16xf32, #tpu.memory_space<vmem>>
    %dma_wait3A_98 = arith.constant 0 : i32
    %dma_wait3A_99 = tpu.memref_slice %arg6[%dma_wait3A_92, %dma_wait3A_98] : memref<40x128xi32, #tpu.memory_space<vmem>> -> memref<1x128xi32, #tpu.memory_space<vmem>>
    %dma_wait3A_100 = tpu.memref_squeeze %dma_wait3A_99 : memref<1x128xi32, #tpu.memory_space<vmem>> -> memref<128xi32, #tpu.memory_space<vmem>>
    %dma_wait3A_101 = arith.constant 0 : i32
    %dma_wait3A_102 = arith.constant 0 : i32
    %dma_wait3A_103 = tpu.memref_slice %arg8[%dma_wait3A_101, %dma_wait3A_102] : memref<10240x16xf32, #tpu.memory_space<vmem_shared>> -> memref<10240x16xf32, #tpu.memory_space<vmem_shared>>
    %dma_wait3A_104 = tpu.memref_slice %arg10[%dma_wait3A_93] : memref<8x!tpu.dma_semaphore, #tpu.memory_space<semaphore_mem>> -> memref<1x!tpu.dma_semaphore, #tpu.memory_space<semaphore_mem>>
    %dma_wait3A_105 = tpu.memref_squeeze %dma_wait3A_104 : memref<1x!tpu.dma_semaphore, #tpu.memory_space<semaphore_mem>> -> memref<!tpu.dma_semaphore, #tpu.memory_space<semaphore_mem>>
    tpu.wait_indirect_dma semaphore(%dma_wait3A_105 : memref<!tpu.dma_semaphore, #tpu.memory_space<semaphore_mem>>) src(%dma_wait3A_97 : memref<128x16xf32, #tpu.memory_space<vmem>>) dst(%dma_wait3A_103 : memref<10240x16xf32, #tpu.memory_space<vmem_shared>>)
    %dma_wait3A_106 = arith.constant 6 : i32
    %dma_wait3A_107 = arith.constant 38 : i32
    %dma_wait3A_108 = arith.constant 6 : i32
    %dma_wait3A_109 = arith.constant 0 : i32
    %dma_wait3A_110 = arith.constant 0 : i32
    %dma_wait3A_111 = tpu.memref_slice %arg7[%dma_wait3A_106, %dma_wait3A_109, %dma_wait3A_110] : memref<8x128x16xf32, #tpu.memory_space<vmem>> -> memref<1x128x16xf32, #tpu.memory_space<vmem>>
    %dma_wait3A_112 = tpu.memref_squeeze %dma_wait3A_111 : memref<1x128x16xf32, #tpu.memory_space<vmem>> -> memref<128x16xf32, #tpu.memory_space<vmem>>
    %dma_wait3A_113 = arith.constant 0 : i32
    %dma_wait3A_114 = tpu.memref_slice %arg6[%dma_wait3A_107, %dma_wait3A_113] : memref<40x128xi32, #tpu.memory_space<vmem>> -> memref<1x128xi32, #tpu.memory_space<vmem>>
    %dma_wait3A_115 = tpu.memref_squeeze %dma_wait3A_114 : memref<1x128xi32, #tpu.memory_space<vmem>> -> memref<128xi32, #tpu.memory_space<vmem>>
    %dma_wait3A_116 = arith.constant 0 : i32
    %dma_wait3A_117 = arith.constant 0 : i32
    %dma_wait3A_118 = tpu.memref_slice %arg8[%dma_wait3A_116, %dma_wait3A_117] : memref<10240x16xf32, #tpu.memory_space<vmem_shared>> -> memref<10240x16xf32, #tpu.memory_space<vmem_shared>>
    %dma_wait3A_119 = tpu.memref_slice %arg10[%dma_wait3A_108] : memref<8x!tpu.dma_semaphore, #tpu.memory_space<semaphore_mem>> -> memref<1x!tpu.dma_semaphore, #tpu.memory_space<semaphore_mem>>
    %dma_wait3A_120 = tpu.memref_squeeze %dma_wait3A_119 : memref<1x!tpu.dma_semaphore, #tpu.memory_space<semaphore_mem>> -> memref<!tpu.dma_semaphore, #tpu.memory_space<semaphore_mem>>
    tpu.wait_indirect_dma semaphore(%dma_wait3A_120 : memref<!tpu.dma_semaphore, #tpu.memory_space<semaphore_mem>>) src(%dma_wait3A_112 : memref<128x16xf32, #tpu.memory_space<vmem>>) dst(%dma_wait3A_118 : memref<10240x16xf32, #tpu.memory_space<vmem_shared>>)
    %dma_wait3A_121 = arith.constant 7 : i32
    %dma_wait3A_122 = arith.constant 39 : i32
    %dma_wait3A_123 = arith.constant 7 : i32
    %dma_wait3A_124 = arith.constant 0 : i32
    %dma_wait3A_125 = arith.constant 0 : i32
    %dma_wait3A_126 = tpu.memref_slice %arg7[%dma_wait3A_121, %dma_wait3A_124, %dma_wait3A_125] : memref<8x128x16xf32, #tpu.memory_space<vmem>> -> memref<1x128x16xf32, #tpu.memory_space<vmem>>
    %dma_wait3A_127 = tpu.memref_squeeze %dma_wait3A_126 : memref<1x128x16xf32, #tpu.memory_space<vmem>> -> memref<128x16xf32, #tpu.memory_space<vmem>>
    %dma_wait3A_128 = arith.constant 0 : i32
    %dma_wait3A_129 = tpu.memref_slice %arg6[%dma_wait3A_122, %dma_wait3A_128] : memref<40x128xi32, #tpu.memory_space<vmem>> -> memref<1x128xi32, #tpu.memory_space<vmem>>
    %dma_wait3A_130 = tpu.memref_squeeze %dma_wait3A_129 : memref<1x128xi32, #tpu.memory_space<vmem>> -> memref<128xi32, #tpu.memory_space<vmem>>
    %dma_wait3A_131 = arith.constant 0 : i32
    %dma_wait3A_132 = arith.constant 0 : i32
    %dma_wait3A_133 = tpu.memref_slice %arg8[%dma_wait3A_131, %dma_wait3A_132] : memref<10240x16xf32, #tpu.memory_space<vmem_shared>> -> memref<10240x16xf32, #tpu.memory_space<vmem_shared>>
    %dma_wait3A_134 = tpu.memref_slice %arg10[%dma_wait3A_123] : memref<8x!tpu.dma_semaphore, #tpu.memory_space<semaphore_mem>> -> memref<1x!tpu.dma_semaphore, #tpu.memory_space<semaphore_mem>>
    %dma_wait3A_135 = tpu.memref_squeeze %dma_wait3A_134 : memref<1x!tpu.dma_semaphore, #tpu.memory_space<semaphore_mem>> -> memref<!tpu.dma_semaphore, #tpu.memory_space<semaphore_mem>>
    tpu.wait_indirect_dma semaphore(%dma_wait3A_135 : memref<!tpu.dma_semaphore, #tpu.memory_space<semaphore_mem>>) src(%dma_wait3A_127 : memref<128x16xf32, #tpu.memory_space<vmem>>) dst(%dma_wait3A_133 : memref<10240x16xf32, #tpu.memory_space<vmem_shared>>)
    %barrier3A_136 = arith.constant 0 : index
    tpu.barrier barrier_id(%barrier3A_136)
    %mul3A_137 = arith.constant 640 : i32
    %mul3A_138 = arith.muli %arg1, %mul3A_137 : i32
    %mul3A_139 = arith.constant 640 : i32
    %mul3A_140 = arith.muli %arg1, %mul3A_139 : i32
    "tpu.region"() ({
      %run_scoped3A_141 = tpu.sem_alloc : memref<!tpu.dma_semaphore, #tpu.memory_space<semaphore_mem>>
      %dma_start3A_142 = arith.constant 0 : i32
      %dma_start3A_143 = tpu.memref_slice %arg4[%arg0, %mul3A_140, %dma_start3A_142] : memref<2x10240x16xf32, #tpu.memory_space<hbm>> -> memref<1x640x16xf32, #tpu.memory_space<hbm>>
      %dma_start3A_144 = tpu.memref_squeeze %dma_start3A_143 : memref<1x640x16xf32, #tpu.memory_space<hbm>> -> memref<640x16xf32, #tpu.memory_space<hbm>>
      %dma_start3A_145 = arith.constant 0 : i32
      %dma_start3A_146 = tpu.memref_slice %arg8[%mul3A_138, %dma_start3A_145] : memref<10240x16xf32, #tpu.memory_space<vmem_shared>> -> memref<640x16xf32, #tpu.memory_space<vmem_shared>>
      tpu.enqueue_dma source(%dma_start3A_146 : memref<640x16xf32, #tpu.memory_space<vmem_shared>>) target(%dma_start3A_144 : memref<640x16xf32, #tpu.memory_space<hbm>>) target_semaphore(%run_scoped3A_141 : memref<!tpu.dma_semaphore, #tpu.memory_space<semaphore_mem>>)
      %dma_wait3A_147 = arith.constant 0 : i32
      %dma_wait3A_148 = tpu.memref_slice %arg4[%arg0, %mul3A_140, %dma_wait3A_147] : memref<2x10240x16xf32, #tpu.memory_space<hbm>> -> memref<1x640x16xf32, #tpu.memory_space<hbm>>
      %dma_wait3A_149 = tpu.memref_squeeze %dma_wait3A_148 : memref<1x640x16xf32, #tpu.memory_space<hbm>> -> memref<640x16xf32, #tpu.memory_space<hbm>>
      %dma_wait3A_150 = arith.constant 0 : i32
      %dma_wait3A_151 = tpu.memref_slice %arg8[%mul3A_138, %dma_wait3A_150] : memref<10240x16xf32, #tpu.memory_space<vmem_shared>> -> memref<640x16xf32, #tpu.memory_space<vmem_shared>>
      tpu.wait_dma2 semaphore(%run_scoped3A_141 : memref<!tpu.dma_semaphore, #tpu.memory_space<semaphore_mem>>) src(%dma_wait3A_151 : memref<640x16xf32, #tpu.memory_space<vmem_shared>>) dst(%dma_wait3A_149 : memref<640x16xf32, #tpu.memory_space<hbm>>)
      tpu.yield
    }) : () -> ()
    return
  }
}

#map = affine_map<(d0, d1) -> (0, 0)>
#map1 = affine_map<(d0, d1) -> (0, 0, 0)>
module attributes {stable_mosaic.version = 14 : i64} {
  func.func @_agg1_kernel(%arg0: i32, %arg1: i32, %arg2: memref<20480x128xbf16, #tpu.memory_space<hbm>>, %arg3: memref<2x1280x128xi32, #tpu.memory_space<hbm>>, %arg4: memref<2x10240x128xbf16, #tpu.memory_space<hbm>>, %arg5: memref<80x128xi32, #tpu.memory_space<vmem>>, %arg6: memref<80x128xi32, #tpu.memory_space<vmem>>, %arg7: memref<8x128x128xbf16, #tpu.memory_space<vmem>>, %arg8: memref<10240x128xbf16, #tpu.memory_space<vmem_shared>>, %arg9: memref<8x!tpu.dma_semaphore, #tpu.memory_space<semaphore_mem>>, %arg10: memref<8x!tpu.dma_semaphore, #tpu.memory_space<semaphore_mem>>) attributes {dimension_semantics = [#tpu.dimension_semantics<core_parallel>, #tpu.dimension_semantics<subcore_parallel>], iteration_bounds = array<i64: 2, 16>, scalar_prefetch = 0 : i64, scratch_operands = 6 : i64, tpu.core_type = #tpu.core_type<sc_vector_subcore>, window_params = [{transform_indices = #map}, {transform_indices = #map1}, {transform_indices = #map1}]} {
    %mul3A = arith.constant 10240 : i32
    %mul3A_0 = arith.muli %arg0, %mul3A : i32
    %mul3A_1 = arith.constant 640 : i32
    %mul3A_2 = arith.muli %arg1, %mul3A_1 : i32
    %add3A = arith.addi %mul3A_0, %mul3A_2 : i32
    %mul3A_3 = arith.constant 640 : i32
    %mul3A_4 = arith.muli %arg1, %mul3A_3 : i32
    "tpu.region"() ({
      %run_scoped3A_141 = tpu.sem_alloc : memref<!tpu.dma_semaphore, #tpu.memory_space<semaphore_mem>>
      %dma_start3A_142 = arith.constant 0 : i32
      %dma_start3A_143 = tpu.memref_slice %arg8[%mul3A_4, %dma_start3A_142] : memref<10240x128xbf16, #tpu.memory_space<vmem_shared>> -> memref<640x128xbf16, #tpu.memory_space<vmem_shared>>
      %dma_start3A_144 = arith.constant 0 : i32
      %dma_start3A_145 = tpu.memref_slice %arg2[%add3A, %dma_start3A_144] : memref<20480x128xbf16, #tpu.memory_space<hbm>> -> memref<640x128xbf16, #tpu.memory_space<hbm>>
      tpu.enqueue_dma source(%dma_start3A_145 : memref<640x128xbf16, #tpu.memory_space<hbm>>) target(%dma_start3A_143 : memref<640x128xbf16, #tpu.memory_space<vmem_shared>>) target_semaphore(%run_scoped3A_141 : memref<!tpu.dma_semaphore, #tpu.memory_space<semaphore_mem>>)
      %dma_wait3A_146 = arith.constant 0 : i32
      %dma_wait3A_147 = tpu.memref_slice %arg8[%mul3A_4, %dma_wait3A_146] : memref<10240x128xbf16, #tpu.memory_space<vmem_shared>> -> memref<640x128xbf16, #tpu.memory_space<vmem_shared>>
      %dma_wait3A_148 = arith.constant 0 : i32
      %dma_wait3A_149 = tpu.memref_slice %arg2[%add3A, %dma_wait3A_148] : memref<20480x128xbf16, #tpu.memory_space<hbm>> -> memref<640x128xbf16, #tpu.memory_space<hbm>>
      tpu.wait_dma2 semaphore(%run_scoped3A_141 : memref<!tpu.dma_semaphore, #tpu.memory_space<semaphore_mem>>) src(%dma_wait3A_149 : memref<640x128xbf16, #tpu.memory_space<hbm>>) dst(%dma_wait3A_147 : memref<640x128xbf16, #tpu.memory_space<vmem_shared>>)
      tpu.yield
    }) : () -> ()
    %mul3A_5 = arith.constant 80 : i32
    %mul3A_6 = arith.muli %arg1, %mul3A_5 : i32
    %run_scoped3A = arith.constant 0 : i32
    "tpu.region"() ({
      %run_scoped3A_141 = tpu.sem_alloc : memref<!tpu.dma_semaphore, #tpu.memory_space<semaphore_mem>>
      %dma_start3A_142 = arith.constant 0 : i32
      %dma_start3A_143 = tpu.memref_slice %arg3[%run_scoped3A, %mul3A_6, %dma_start3A_142] : memref<2x1280x128xi32, #tpu.memory_space<hbm>> -> memref<1x80x128xi32, #tpu.memory_space<hbm>>
      %dma_start3A_144 = tpu.memref_squeeze %dma_start3A_143 : memref<1x80x128xi32, #tpu.memory_space<hbm>> -> memref<80x128xi32, #tpu.memory_space<hbm>>
      %dma_start3A_145 = arith.constant 0 : i32
      %dma_start3A_146 = tpu.memref_slice %arg3[%run_scoped3A, %mul3A_6, %dma_start3A_145] : memref<2x1280x128xi32, #tpu.memory_space<hbm>> -> memref<1x80x128xi32, #tpu.memory_space<hbm>>
      %dma_start3A_147 = tpu.memref_squeeze %dma_start3A_146 : memref<1x80x128xi32, #tpu.memory_space<hbm>> -> memref<80x128xi32, #tpu.memory_space<hbm>>
      tpu.enqueue_dma source(%dma_start3A_147 : memref<80x128xi32, #tpu.memory_space<hbm>>) target(%arg5 : memref<80x128xi32, #tpu.memory_space<vmem>>) target_semaphore(%run_scoped3A_141 : memref<!tpu.dma_semaphore, #tpu.memory_space<semaphore_mem>>)
      %dma_wait3A_148 = arith.constant 0 : i32
      %dma_wait3A_149 = tpu.memref_slice %arg3[%run_scoped3A, %mul3A_6, %dma_wait3A_148] : memref<2x1280x128xi32, #tpu.memory_space<hbm>> -> memref<1x80x128xi32, #tpu.memory_space<hbm>>
      %dma_wait3A_150 = tpu.memref_squeeze %dma_wait3A_149 : memref<1x80x128xi32, #tpu.memory_space<hbm>> -> memref<80x128xi32, #tpu.memory_space<hbm>>
      %dma_wait3A_151 = arith.constant 0 : i32
      %dma_wait3A_152 = tpu.memref_slice %arg3[%run_scoped3A, %mul3A_6, %dma_wait3A_151] : memref<2x1280x128xi32, #tpu.memory_space<hbm>> -> memref<1x80x128xi32, #tpu.memory_space<hbm>>
      %dma_wait3A_153 = tpu.memref_squeeze %dma_wait3A_152 : memref<1x80x128xi32, #tpu.memory_space<hbm>> -> memref<80x128xi32, #tpu.memory_space<hbm>>
      tpu.wait_dma2 semaphore(%run_scoped3A_141 : memref<!tpu.dma_semaphore, #tpu.memory_space<semaphore_mem>>) src(%dma_wait3A_153 : memref<80x128xi32, #tpu.memory_space<hbm>>) dst(%arg5 : memref<80x128xi32, #tpu.memory_space<vmem>>)
      tpu.yield
    }) : () -> ()
    %mul3A_7 = arith.constant 80 : i32
    %mul3A_8 = arith.muli %arg1, %mul3A_7 : i32
    %run_scoped3A_9 = arith.constant 1 : i32
    "tpu.region"() ({
      %run_scoped3A_141 = tpu.sem_alloc : memref<!tpu.dma_semaphore, #tpu.memory_space<semaphore_mem>>
      %dma_start3A_142 = arith.constant 0 : i32
      %dma_start3A_143 = tpu.memref_slice %arg3[%run_scoped3A_9, %mul3A_8, %dma_start3A_142] : memref<2x1280x128xi32, #tpu.memory_space<hbm>> -> memref<1x80x128xi32, #tpu.memory_space<hbm>>
      %dma_start3A_144 = tpu.memref_squeeze %dma_start3A_143 : memref<1x80x128xi32, #tpu.memory_space<hbm>> -> memref<80x128xi32, #tpu.memory_space<hbm>>
      %dma_start3A_145 = arith.constant 0 : i32
      %dma_start3A_146 = tpu.memref_slice %arg3[%run_scoped3A_9, %mul3A_8, %dma_start3A_145] : memref<2x1280x128xi32, #tpu.memory_space<hbm>> -> memref<1x80x128xi32, #tpu.memory_space<hbm>>
      %dma_start3A_147 = tpu.memref_squeeze %dma_start3A_146 : memref<1x80x128xi32, #tpu.memory_space<hbm>> -> memref<80x128xi32, #tpu.memory_space<hbm>>
      tpu.enqueue_dma source(%dma_start3A_147 : memref<80x128xi32, #tpu.memory_space<hbm>>) target(%arg6 : memref<80x128xi32, #tpu.memory_space<vmem>>) target_semaphore(%run_scoped3A_141 : memref<!tpu.dma_semaphore, #tpu.memory_space<semaphore_mem>>)
      %dma_wait3A_148 = arith.constant 0 : i32
      %dma_wait3A_149 = tpu.memref_slice %arg3[%run_scoped3A_9, %mul3A_8, %dma_wait3A_148] : memref<2x1280x128xi32, #tpu.memory_space<hbm>> -> memref<1x80x128xi32, #tpu.memory_space<hbm>>
      %dma_wait3A_150 = tpu.memref_squeeze %dma_wait3A_149 : memref<1x80x128xi32, #tpu.memory_space<hbm>> -> memref<80x128xi32, #tpu.memory_space<hbm>>
      %dma_wait3A_151 = arith.constant 0 : i32
      %dma_wait3A_152 = tpu.memref_slice %arg3[%run_scoped3A_9, %mul3A_8, %dma_wait3A_151] : memref<2x1280x128xi32, #tpu.memory_space<hbm>> -> memref<1x80x128xi32, #tpu.memory_space<hbm>>
      %dma_wait3A_153 = tpu.memref_squeeze %dma_wait3A_152 : memref<1x80x128xi32, #tpu.memory_space<hbm>> -> memref<80x128xi32, #tpu.memory_space<hbm>>
      tpu.wait_dma2 semaphore(%run_scoped3A_141 : memref<!tpu.dma_semaphore, #tpu.memory_space<semaphore_mem>>) src(%dma_wait3A_153 : memref<80x128xi32, #tpu.memory_space<hbm>>) dst(%arg6 : memref<80x128xi32, #tpu.memory_space<vmem>>)
      tpu.yield
    }) : () -> ()
    %eq3A = arith.constant 1 : i32
    %eq3A_10 = arith.cmpi eq, %arg0, %eq3A : i32
    %convert_element_type3A = arith.extui %eq3A_10 : i1 to i32
    %cond3A = arith.constant 0 : i32
    %cond3A_11 = arith.cmpi ne, %convert_element_type3A, %cond3A : i32
    scf.if %cond3A_11 {
      %scan3A_141 = arith.constant 0 : i32
      %scan3A_142 = arith.constant 0 : i32
      %scan3A_143 = arith.constant 640 : i32
      %scan3A_144 = arith.addi %scan3A_142, %scan3A_143 : i32
      %scan3A_145 = arith.constant 1 : i32
      %scan3A_146 = scf.for %scan3A_148 = %scan3A_142 to %scan3A_144 step %scan3A_145 iter_args(%scan3A_149 = %scan3A_141) -> (i32)  : i32 {
        %jit3A = arith.constant 8 : i32
        %div3A = arith.divsi %scan3A_148, %jit3A : i32
        %sign3A = arith.constant 0 : i32
        %sign3A_150 = arith.cmpi sgt, %scan3A_148, %sign3A : i32
        %sign3A_151 = arith.extui %sign3A_150 : i1 to i32
        %sign3A_152 = arith.constant 0 : i32
        %sign3A_153 = arith.cmpi slt, %scan3A_148, %sign3A_152 : i32
        %sign3A_154 = arith.extui %sign3A_153 : i1 to i32
        %sign3A_155 = arith.subi %sign3A_151, %sign3A_154 : i32
        %sign3A_156 = arith.constant 0 : i32
        %sign3A_157 = arith.cmpi sgt, %jit3A, %sign3A_156 : i32
        %sign3A_158 = arith.extui %sign3A_157 : i1 to i32
        %sign3A_159 = arith.constant 0 : i32
        %sign3A_160 = arith.cmpi slt, %jit3A, %sign3A_159 : i32
        %sign3A_161 = arith.extui %sign3A_160 : i1 to i32
        %sign3A_162 = arith.subi %sign3A_158, %sign3A_161 : i32
        %ne3A = arith.cmpi ne, %sign3A_155, %sign3A_162 : i32
        %rem3A = arith.remsi %scan3A_148, %jit3A : i32
        %ne3A_163 = arith.constant 0 : i32
        %ne3A_164 = arith.cmpi ne, %rem3A, %ne3A_163 : i32
        %and3A = arith.andi %ne3A, %ne3A_164 : i1
        %sub3A = arith.constant 1 : i32
        %sub3A_165 = arith.subi %div3A, %sub3A : i32
        %select_n3A = arith.select %and3A, %sub3A_165, %div3A : i32
        %jit3A_166 = arith.constant 8 : i32
        %eq3A_167 = arith.constant 0 : i32
        %eq3A_168 = arith.cmpi eq, %jit3A_166, %eq3A_167 : i32
        %jit3A_169 = arith.constant 1 : i32
        %select_n3A_170 = arith.select %eq3A_168, %jit3A_169, %jit3A_166 : i32
        %rem3A_171 = arith.remsi %scan3A_148, %select_n3A_170 : i32
        %ne3A_172 = arith.constant 0 : i32
        %ne3A_173 = arith.cmpi ne, %rem3A_171, %ne3A_172 : i32
        %lt3A = arith.constant 0 : i32
        %lt3A_174 = arith.cmpi slt, %rem3A_171, %lt3A : i32
        %lt3A_175 = arith.constant 0 : i32
        %lt3A_176 = arith.cmpi slt, %select_n3A_170, %lt3A_175 : i32
        %ne3A_177 = arith.xori %lt3A_174, %lt3A_176 : i1
        %and3A_178 = arith.andi %ne3A_177, %ne3A_173 : i1
        %add3A_179 = arith.addi %rem3A_171, %select_n3A_170 : i32
        %select_n3A_180 = arith.select %and3A_178, %add3A_179, %rem3A_171 : i32
        %mul3A_181 = arith.constant 16 : i32
        %mul3A_182 = arith.muli %select_n3A_180, %mul3A_181 : i32
        %get3A = arith.index_cast %select_n3A : i32 to index
        %get3A_183 = arith.index_cast %mul3A_182 : i32 to index
        %get3A_184 = tpu.vector_load %arg5[%get3A, %get3A_183] {strides = array<i32>} : memref<80x128xi32, #tpu.memory_space<vmem>>, vector<1x16xi32>,
        %get3A_185 = vector.shape_cast %get3A_184 : vector<1x16xi32> to vector<16xi32>
        %add3A_186 = arith.constant 10240 : i32
        %add3A_187 = vector.broadcast %add3A_186 : i32 to vector<16xi32>
        %add3A_188 = arith.addi %get3A_185, %add3A_187 : vector<16xi32>
        %swap3A = arith.index_cast %select_n3A : i32 to index
        %swap3A_189 = arith.index_cast %mul3A_182 : i32 to index
        %swap3A_190 = tpu.vector_load %arg5[%swap3A, %swap3A_189] {strides = array<i32>} : memref<80x128xi32, #tpu.memory_space<vmem>>, vector<1x16xi32>,
        %swap3A_191 = vector.shape_cast %swap3A_190 : vector<1x16xi32> to vector<16xi32>
        %swap3A_192 = vector.shape_cast %add3A_188 : vector<16xi32> to vector<1x16xi32>
        tpu.vector_store %arg5[%swap3A, %swap3A_189], %swap3A_192 {strides = array<i32>} : memref<80x128xi32, #tpu.memory_space<vmem>>, vector<1x16xi32>,
        %scan3A_193 = arith.constant 0 : i32
        scf.yield %scan3A_193 : i32
      }
      %scan3A_147 = arith.constant 640 : i32
    } else {
    }
    %barrier3A = arith.constant 0 : index
    tpu.barrier barrier_id(%barrier3A)
    %dma_start3A = arith.constant 0 : i32
    %dma_start3A_12 = arith.constant 0 : i32
    %dma_start3A_13 = arith.constant 0 : i32
    %dma_start3A_14 = arith.constant 0 : i32
    %dma_start3A_15 = arith.constant 0 : i32
    %dma_start3A_16 = tpu.memref_slice %arg7[%dma_start3A_12, %dma_start3A_14, %dma_start3A_15] : memref<8x128x128xbf16, #tpu.memory_space<vmem>> -> memref<1x128x128xbf16, #tpu.memory_space<vmem>>
    %dma_start3A_17 = tpu.memref_squeeze %dma_start3A_16 : memref<1x128x128xbf16, #tpu.memory_space<vmem>> -> memref<128x128xbf16, #tpu.memory_space<vmem>>
    %dma_start3A_18 = arith.constant 0 : i32
    %dma_start3A_19 = tpu.memref_slice %arg5[%dma_start3A, %dma_start3A_18] : memref<80x128xi32, #tpu.memory_space<vmem>> -> memref<1x128xi32, #tpu.memory_space<vmem>>
    %dma_start3A_20 = tpu.memref_squeeze %dma_start3A_19 : memref<1x128xi32, #tpu.memory_space<vmem>> -> memref<128xi32, #tpu.memory_space<vmem>>
    %dma_start3A_21 = arith.constant 0 : i32
    %dma_start3A_22 = arith.constant 0 : i32
    %dma_start3A_23 = tpu.memref_slice %arg2[%dma_start3A_21, %dma_start3A_22] : memref<20480x128xbf16, #tpu.memory_space<hbm>> -> memref<20480x128xbf16, #tpu.memory_space<hbm>>
    %dma_start3A_24 = tpu.memref_slice %arg9[%dma_start3A_13] : memref<8x!tpu.dma_semaphore, #tpu.memory_space<semaphore_mem>> -> memref<1x!tpu.dma_semaphore, #tpu.memory_space<semaphore_mem>>
    %dma_start3A_25 = tpu.memref_squeeze %dma_start3A_24 : memref<1x!tpu.dma_semaphore, #tpu.memory_space<semaphore_mem>> -> memref<!tpu.dma_semaphore, #tpu.memory_space<semaphore_mem>>
    tpu.enqueue_indirect_dma source(%dma_start3A_23 : memref<20480x128xbf16, #tpu.memory_space<hbm>>) target(%dma_start3A_17 : memref<128x128xbf16, #tpu.memory_space<vmem>>) offsets(%dma_start3A_20 : memref<128xi32, #tpu.memory_space<vmem>>) semaphore(%dma_start3A_25 : memref<!tpu.dma_semaphore, #tpu.memory_space<semaphore_mem>>)
    %dma_start3A_26 = arith.constant 1 : i32
    %dma_start3A_27 = arith.constant 1 : i32
    %dma_start3A_28 = arith.constant 1 : i32
    %dma_start3A_29 = arith.constant 0 : i32
    %dma_start3A_30 = arith.constant 0 : i32
    %dma_start3A_31 = tpu.memref_slice %arg7[%dma_start3A_27, %dma_start3A_29, %dma_start3A_30] : memref<8x128x128xbf16, #tpu.memory_space<vmem>> -> memref<1x128x128xbf16, #tpu.memory_space<vmem>>
    %dma_start3A_32 = tpu.memref_squeeze %dma_start3A_31 : memref<1x128x128xbf16, #tpu.memory_space<vmem>> -> memref<128x128xbf16, #tpu.memory_space<vmem>>
    %dma_start3A_33 = arith.constant 0 : i32
    %dma_start3A_34 = tpu.memref_slice %arg5[%dma_start3A_26, %dma_start3A_33] : memref<80x128xi32, #tpu.memory_space<vmem>> -> memref<1x128xi32, #tpu.memory_space<vmem>>
    %dma_start3A_35 = tpu.memref_squeeze %dma_start3A_34 : memref<1x128xi32, #tpu.memory_space<vmem>> -> memref<128xi32, #tpu.memory_space<vmem>>
    %dma_start3A_36 = arith.constant 0 : i32
    %dma_start3A_37 = arith.constant 0 : i32
    %dma_start3A_38 = tpu.memref_slice %arg2[%dma_start3A_36, %dma_start3A_37] : memref<20480x128xbf16, #tpu.memory_space<hbm>> -> memref<20480x128xbf16, #tpu.memory_space<hbm>>
    %dma_start3A_39 = tpu.memref_slice %arg9[%dma_start3A_28] : memref<8x!tpu.dma_semaphore, #tpu.memory_space<semaphore_mem>> -> memref<1x!tpu.dma_semaphore, #tpu.memory_space<semaphore_mem>>
    %dma_start3A_40 = tpu.memref_squeeze %dma_start3A_39 : memref<1x!tpu.dma_semaphore, #tpu.memory_space<semaphore_mem>> -> memref<!tpu.dma_semaphore, #tpu.memory_space<semaphore_mem>>
    tpu.enqueue_indirect_dma source(%dma_start3A_38 : memref<20480x128xbf16, #tpu.memory_space<hbm>>) target(%dma_start3A_32 : memref<128x128xbf16, #tpu.memory_space<vmem>>) offsets(%dma_start3A_35 : memref<128xi32, #tpu.memory_space<vmem>>) semaphore(%dma_start3A_40 : memref<!tpu.dma_semaphore, #tpu.memory_space<semaphore_mem>>)
    %dma_start3A_41 = arith.constant 2 : i32
    %dma_start3A_42 = arith.constant 2 : i32
    %dma_start3A_43 = arith.constant 2 : i32
    %dma_start3A_44 = arith.constant 0 : i32
    %dma_start3A_45 = arith.constant 0 : i32
    %dma_start3A_46 = tpu.memref_slice %arg7[%dma_start3A_42, %dma_start3A_44, %dma_start3A_45] : memref<8x128x128xbf16, #tpu.memory_space<vmem>> -> memref<1x128x128xbf16, #tpu.memory_space<vmem>>
    %dma_start3A_47 = tpu.memref_squeeze %dma_start3A_46 : memref<1x128x128xbf16, #tpu.memory_space<vmem>> -> memref<128x128xbf16, #tpu.memory_space<vmem>>
    %dma_start3A_48 = arith.constant 0 : i32
    %dma_start3A_49 = tpu.memref_slice %arg5[%dma_start3A_41, %dma_start3A_48] : memref<80x128xi32, #tpu.memory_space<vmem>> -> memref<1x128xi32, #tpu.memory_space<vmem>>
    %dma_start3A_50 = tpu.memref_squeeze %dma_start3A_49 : memref<1x128xi32, #tpu.memory_space<vmem>> -> memref<128xi32, #tpu.memory_space<vmem>>
    %dma_start3A_51 = arith.constant 0 : i32
    %dma_start3A_52 = arith.constant 0 : i32
    %dma_start3A_53 = tpu.memref_slice %arg2[%dma_start3A_51, %dma_start3A_52] : memref<20480x128xbf16, #tpu.memory_space<hbm>> -> memref<20480x128xbf16, #tpu.memory_space<hbm>>
    %dma_start3A_54 = tpu.memref_slice %arg9[%dma_start3A_43] : memref<8x!tpu.dma_semaphore, #tpu.memory_space<semaphore_mem>> -> memref<1x!tpu.dma_semaphore, #tpu.memory_space<semaphore_mem>>
    %dma_start3A_55 = tpu.memref_squeeze %dma_start3A_54 : memref<1x!tpu.dma_semaphore, #tpu.memory_space<semaphore_mem>> -> memref<!tpu.dma_semaphore, #tpu.memory_space<semaphore_mem>>
    tpu.enqueue_indirect_dma source(%dma_start3A_53 : memref<20480x128xbf16, #tpu.memory_space<hbm>>) target(%dma_start3A_47 : memref<128x128xbf16, #tpu.memory_space<vmem>>) offsets(%dma_start3A_50 : memref<128xi32, #tpu.memory_space<vmem>>) semaphore(%dma_start3A_55 : memref<!tpu.dma_semaphore, #tpu.memory_space<semaphore_mem>>)
    %dma_start3A_56 = arith.constant 3 : i32
    %dma_start3A_57 = arith.constant 3 : i32
    %dma_start3A_58 = arith.constant 3 : i32
    %dma_start3A_59 = arith.constant 0 : i32
    %dma_start3A_60 = arith.constant 0 : i32
    %dma_start3A_61 = tpu.memref_slice %arg7[%dma_start3A_57, %dma_start3A_59, %dma_start3A_60] : memref<8x128x128xbf16, #tpu.memory_space<vmem>> -> memref<1x128x128xbf16, #tpu.memory_space<vmem>>
    %dma_start3A_62 = tpu.memref_squeeze %dma_start3A_61 : memref<1x128x128xbf16, #tpu.memory_space<vmem>> -> memref<128x128xbf16, #tpu.memory_space<vmem>>
    %dma_start3A_63 = arith.constant 0 : i32
    %dma_start3A_64 = tpu.memref_slice %arg5[%dma_start3A_56, %dma_start3A_63] : memref<80x128xi32, #tpu.memory_space<vmem>> -> memref<1x128xi32, #tpu.memory_space<vmem>>
    %dma_start3A_65 = tpu.memref_squeeze %dma_start3A_64 : memref<1x128xi32, #tpu.memory_space<vmem>> -> memref<128xi32, #tpu.memory_space<vmem>>
    %dma_start3A_66 = arith.constant 0 : i32
    %dma_start3A_67 = arith.constant 0 : i32
    %dma_start3A_68 = tpu.memref_slice %arg2[%dma_start3A_66, %dma_start3A_67] : memref<20480x128xbf16, #tpu.memory_space<hbm>> -> memref<20480x128xbf16, #tpu.memory_space<hbm>>
    %dma_start3A_69 = tpu.memref_slice %arg9[%dma_start3A_58] : memref<8x!tpu.dma_semaphore, #tpu.memory_space<semaphore_mem>> -> memref<1x!tpu.dma_semaphore, #tpu.memory_space<semaphore_mem>>
    %dma_start3A_70 = tpu.memref_squeeze %dma_start3A_69 : memref<1x!tpu.dma_semaphore, #tpu.memory_space<semaphore_mem>> -> memref<!tpu.dma_semaphore, #tpu.memory_space<semaphore_mem>>
    tpu.enqueue_indirect_dma source(%dma_start3A_68 : memref<20480x128xbf16, #tpu.memory_space<hbm>>) target(%dma_start3A_62 : memref<128x128xbf16, #tpu.memory_space<vmem>>) offsets(%dma_start3A_65 : memref<128xi32, #tpu.memory_space<vmem>>) semaphore(%dma_start3A_70 : memref<!tpu.dma_semaphore, #tpu.memory_space<semaphore_mem>>)
    %scan3A = arith.constant 0 : i32
    %scan3A_71 = arith.constant 0 : i32
    %scan3A_72 = arith.constant 10 : i32
    %scan3A_73 = arith.addi %scan3A_71, %scan3A_72 : i32
    %scan3A_74 = arith.constant 1 : i32
    %scan3A_75 = scf.for %scan3A_141 = %scan3A_71 to %scan3A_73 step %scan3A_74 iter_args(%scan3A_142 = %scan3A) -> (i32)  : i32 {
      %mul3A_143 = arith.constant 8 : i32
      %mul3A_144 = arith.muli %scan3A_141, %mul3A_143 : i32
      %add3A_145 = arith.constant 0 : i32
      %add3A_146 = arith.addi %mul3A_144, %add3A_145 : i32
      %gt3A = arith.constant 0 : i32
      %gt3A_147 = arith.cmpi sgt, %scan3A_141, %gt3A : i32
      %convert_element_type3A_148 = arith.extui %gt3A_147 : i1 to i32
      %cond3A_149 = arith.constant 0 : i32
      %cond3A_150 = arith.cmpi ne, %convert_element_type3A_148, %cond3A_149 : i32
      scf.if %cond3A_150 {
        %add3A_502 = arith.constant 4 : i32
        %add3A_503 = arith.addi %add3A_146, %add3A_502 : i32
        %sub3A = arith.constant 8 : i32
        %sub3A_504 = arith.subi %add3A_503, %sub3A : i32
        %dma_wait3A_505 = arith.constant 4 : i32
        %dma_wait3A_506 = arith.constant 4 : i32
        %dma_wait3A_507 = arith.constant 0 : i32
        %dma_wait3A_508 = arith.constant 0 : i32
        %dma_wait3A_509 = tpu.memref_slice %arg7[%dma_wait3A_505, %dma_wait3A_507, %dma_wait3A_508] : memref<8x128x128xbf16, #tpu.memory_space<vmem>> -> memref<1x128x128xbf16, #tpu.memory_space<vmem>>
        %dma_wait3A_510 = tpu.memref_squeeze %dma_wait3A_509 : memref<1x128x128xbf16, #tpu.memory_space<vmem>> -> memref<128x128xbf16, #tpu.memory_space<vmem>>
        %dma_wait3A_511 = arith.constant 0 : i32
        %dma_wait3A_512 = tpu.memref_slice %arg6[%sub3A_504, %dma_wait3A_511] : memref<80x128xi32, #tpu.memory_space<vmem>> -> memref<1x128xi32, #tpu.memory_space<vmem>>
        %dma_wait3A_513 = tpu.memref_squeeze %dma_wait3A_512 : memref<1x128xi32, #tpu.memory_space<vmem>> -> memref<128xi32, #tpu.memory_space<vmem>>
        %dma_wait3A_514 = arith.constant 0 : i32
        %dma_wait3A_515 = arith.constant 0 : i32
        %dma_wait3A_516 = tpu.memref_slice %arg8[%dma_wait3A_514, %dma_wait3A_515] : memref<10240x128xbf16, #tpu.memory_space<vmem_shared>> -> memref<10240x128xbf16, #tpu.memory_space<vmem_shared>>
        %dma_wait3A_517 = tpu.memref_slice %arg10[%dma_wait3A_506] : memref<8x!tpu.dma_semaphore, #tpu.memory_space<semaphore_mem>> -> memref<1x!tpu.dma_semaphore, #tpu.memory_space<semaphore_mem>>
        %dma_wait3A_518 = tpu.memref_squeeze %dma_wait3A_517 : memref<1x!tpu.dma_semaphore, #tpu.memory_space<semaphore_mem>> -> memref<!tpu.dma_semaphore, #tpu.memory_space<semaphore_mem>>
        tpu.wait_indirect_dma semaphore(%dma_wait3A_518 : memref<!tpu.dma_semaphore, #tpu.memory_space<semaphore_mem>>) src(%dma_wait3A_510 : memref<128x128xbf16, #tpu.memory_space<vmem>>) dst(%dma_wait3A_516 : memref<10240x128xbf16, #tpu.memory_space<vmem_shared>>)
      } else {
      }
      %add3A_151 = arith.constant 4 : i32
      %add3A_152 = arith.addi %add3A_146, %add3A_151 : i32
      %dma_start3A_153 = arith.constant 4 : i32
      %dma_start3A_154 = arith.constant 4 : i32
      %dma_start3A_155 = arith.constant 0 : i32
      %dma_start3A_156 = arith.constant 0 : i32
      %dma_start3A_157 = tpu.memref_slice %arg7[%dma_start3A_153, %dma_start3A_155, %dma_start3A_156] : memref<8x128x128xbf16, #tpu.memory_space<vmem>> -> memref<1x128x128xbf16, #tpu.memory_space<vmem>>
      %dma_start3A_158 = tpu.memref_squeeze %dma_start3A_157 : memref<1x128x128xbf16, #tpu.memory_space<vmem>> -> memref<128x128xbf16, #tpu.memory_space<vmem>>
      %dma_start3A_159 = arith.constant 0 : i32
      %dma_start3A_160 = tpu.memref_slice %arg5[%add3A_152, %dma_start3A_159] : memref<80x128xi32, #tpu.memory_space<vmem>> -> memref<1x128xi32, #tpu.memory_space<vmem>>
      %dma_start3A_161 = tpu.memref_squeeze %dma_start3A_160 : memref<1x128xi32, #tpu.memory_space<vmem>> -> memref<128xi32, #tpu.memory_space<vmem>>
      %dma_start3A_162 = arith.constant 0 : i32
      %dma_start3A_163 = arith.constant 0 : i32
      %dma_start3A_164 = tpu.memref_slice %arg2[%dma_start3A_162, %dma_start3A_163] : memref<20480x128xbf16, #tpu.memory_space<hbm>> -> memref<20480x128xbf16, #tpu.memory_space<hbm>>
      %dma_start3A_165 = tpu.memref_slice %arg9[%dma_start3A_154] : memref<8x!tpu.dma_semaphore, #tpu.memory_space<semaphore_mem>> -> memref<1x!tpu.dma_semaphore, #tpu.memory_space<semaphore_mem>>
      %dma_start3A_166 = tpu.memref_squeeze %dma_start3A_165 : memref<1x!tpu.dma_semaphore, #tpu.memory_space<semaphore_mem>> -> memref<!tpu.dma_semaphore, #tpu.memory_space<semaphore_mem>>
      tpu.enqueue_indirect_dma source(%dma_start3A_164 : memref<20480x128xbf16, #tpu.memory_space<hbm>>) target(%dma_start3A_158 : memref<128x128xbf16, #tpu.memory_space<vmem>>) offsets(%dma_start3A_161 : memref<128xi32, #tpu.memory_space<vmem>>) semaphore(%dma_start3A_166 : memref<!tpu.dma_semaphore, #tpu.memory_space<semaphore_mem>>)
      %dma_wait3A_167 = arith.constant 0 : i32
      %dma_wait3A_168 = arith.constant 0 : i32
      %dma_wait3A_169 = arith.constant 0 : i32
      %dma_wait3A_170 = arith.constant 0 : i32
      %dma_wait3A_171 = tpu.memref_slice %arg7[%dma_wait3A_167, %dma_wait3A_169, %dma_wait3A_170] : memref<8x128x128xbf16, #tpu.memory_space<vmem>> -> memref<1x128x128xbf16, #tpu.memory_space<vmem>>
      %dma_wait3A_172 = tpu.memref_squeeze %dma_wait3A_171 : memref<1x128x128xbf16, #tpu.memory_space<vmem>> -> memref<128x128xbf16, #tpu.memory_space<vmem>>
      %dma_wait3A_173 = arith.constant 0 : i32
      %dma_wait3A_174 = tpu.memref_slice %arg5[%add3A_146, %dma_wait3A_173] : memref<80x128xi32, #tpu.memory_space<vmem>> -> memref<1x128xi32, #tpu.memory_space<vmem>>
      %dma_wait3A_175 = tpu.memref_squeeze %dma_wait3A_174 : memref<1x128xi32, #tpu.memory_space<vmem>> -> memref<128xi32, #tpu.memory_space<vmem>>
      %dma_wait3A_176 = arith.constant 0 : i32
      %dma_wait3A_177 = arith.constant 0 : i32
      %dma_wait3A_178 = tpu.memref_slice %arg2[%dma_wait3A_176, %dma_wait3A_177] : memref<20480x128xbf16, #tpu.memory_space<hbm>> -> memref<20480x128xbf16, #tpu.memory_space<hbm>>
      %dma_wait3A_179 = tpu.memref_slice %arg9[%dma_wait3A_168] : memref<8x!tpu.dma_semaphore, #tpu.memory_space<semaphore_mem>> -> memref<1x!tpu.dma_semaphore, #tpu.memory_space<semaphore_mem>>
      %dma_wait3A_180 = tpu.memref_squeeze %dma_wait3A_179 : memref<1x!tpu.dma_semaphore, #tpu.memory_space<semaphore_mem>> -> memref<!tpu.dma_semaphore, #tpu.memory_space<semaphore_mem>>
      tpu.wait_indirect_dma semaphore(%dma_wait3A_180 : memref<!tpu.dma_semaphore, #tpu.memory_space<semaphore_mem>>) src(%dma_wait3A_178 : memref<20480x128xbf16, #tpu.memory_space<hbm>>) dst(%dma_wait3A_172 : memref<128x128xbf16, #tpu.memory_space<vmem>>)
      %dma_start3A_181 = arith.constant 0 : i32
      %dma_start3A_182 = arith.constant 0 : i32
      %dma_start3A_183 = arith.constant 0 : i32
      %dma_start3A_184 = arith.constant 0 : i32
      %dma_start3A_185 = tpu.memref_slice %arg7[%dma_start3A_181, %dma_start3A_183, %dma_start3A_184] : memref<8x128x128xbf16, #tpu.memory_space<vmem>> -> memref<1x128x128xbf16, #tpu.memory_space<vmem>>
      %dma_start3A_186 = tpu.memref_squeeze %dma_start3A_185 : memref<1x128x128xbf16, #tpu.memory_space<vmem>> -> memref<128x128xbf16, #tpu.memory_space<vmem>>
      %dma_start3A_187 = arith.constant 0 : i32
      %dma_start3A_188 = tpu.memref_slice %arg6[%add3A_146, %dma_start3A_187] : memref<80x128xi32, #tpu.memory_space<vmem>> -> memref<1x128xi32, #tpu.memory_space<vmem>>
      %dma_start3A_189 = tpu.memref_squeeze %dma_start3A_188 : memref<1x128xi32, #tpu.memory_space<vmem>> -> memref<128xi32, #tpu.memory_space<vmem>>
      %dma_start3A_190 = arith.constant 0 : i32
      %dma_start3A_191 = arith.constant 0 : i32
      %dma_start3A_192 = tpu.memref_slice %arg8[%dma_start3A_190, %dma_start3A_191] : memref<10240x128xbf16, #tpu.memory_space<vmem_shared>> -> memref<10240x128xbf16, #tpu.memory_space<vmem_shared>>
      %dma_start3A_193 = tpu.memref_slice %arg10[%dma_start3A_182] : memref<8x!tpu.dma_semaphore, #tpu.memory_space<semaphore_mem>> -> memref<1x!tpu.dma_semaphore, #tpu.memory_space<semaphore_mem>>
      %dma_start3A_194 = tpu.memref_squeeze %dma_start3A_193 : memref<1x!tpu.dma_semaphore, #tpu.memory_space<semaphore_mem>> -> memref<!tpu.dma_semaphore, #tpu.memory_space<semaphore_mem>>
      tpu.enqueue_indirect_dma source(%dma_start3A_186 : memref<128x128xbf16, #tpu.memory_space<vmem>>) target(%dma_start3A_192 : memref<10240x128xbf16, #tpu.memory_space<vmem_shared>>) offsets(%dma_start3A_189 : memref<128xi32, #tpu.memory_space<vmem>>) semaphore(%dma_start3A_194 : memref<!tpu.dma_semaphore, #tpu.memory_space<semaphore_mem>>) {add = true}
      %mul3A_195 = arith.constant 8 : i32
      %mul3A_196 = arith.muli %scan3A_141, %mul3A_195 : i32
      %add3A_197 = arith.constant 1 : i32
      %add3A_198 = arith.addi %mul3A_196, %add3A_197 : i32
      %gt3A_199 = arith.constant 0 : i32
      %gt3A_200 = arith.cmpi sgt, %scan3A_141, %gt3A_199 : i32
      %convert_element_type3A_201 = arith.extui %gt3A_200 : i1 to i32
      %cond3A_202 = arith.constant 0 : i32
      %cond3A_203 = arith.cmpi ne, %convert_element_type3A_201, %cond3A_202 : i32
      scf.if %cond3A_203 {
        %add3A_502 = arith.constant 4 : i32
        %add3A_503 = arith.addi %add3A_198, %add3A_502 : i32
        %sub3A = arith.constant 8 : i32
        %sub3A_504 = arith.subi %add3A_503, %sub3A : i32
        %dma_wait3A_505 = arith.constant 5 : i32
        %dma_wait3A_506 = arith.constant 5 : i32
        %dma_wait3A_507 = arith.constant 0 : i32
        %dma_wait3A_508 = arith.constant 0 : i32
        %dma_wait3A_509 = tpu.memref_slice %arg7[%dma_wait3A_505, %dma_wait3A_507, %dma_wait3A_508] : memref<8x128x128xbf16, #tpu.memory_space<vmem>> -> memref<1x128x128xbf16, #tpu.memory_space<vmem>>
        %dma_wait3A_510 = tpu.memref_squeeze %dma_wait3A_509 : memref<1x128x128xbf16, #tpu.memory_space<vmem>> -> memref<128x128xbf16, #tpu.memory_space<vmem>>
        %dma_wait3A_511 = arith.constant 0 : i32
        %dma_wait3A_512 = tpu.memref_slice %arg6[%sub3A_504, %dma_wait3A_511] : memref<80x128xi32, #tpu.memory_space<vmem>> -> memref<1x128xi32, #tpu.memory_space<vmem>>
        %dma_wait3A_513 = tpu.memref_squeeze %dma_wait3A_512 : memref<1x128xi32, #tpu.memory_space<vmem>> -> memref<128xi32, #tpu.memory_space<vmem>>
        %dma_wait3A_514 = arith.constant 0 : i32
        %dma_wait3A_515 = arith.constant 0 : i32
        %dma_wait3A_516 = tpu.memref_slice %arg8[%dma_wait3A_514, %dma_wait3A_515] : memref<10240x128xbf16, #tpu.memory_space<vmem_shared>> -> memref<10240x128xbf16, #tpu.memory_space<vmem_shared>>
        %dma_wait3A_517 = tpu.memref_slice %arg10[%dma_wait3A_506] : memref<8x!tpu.dma_semaphore, #tpu.memory_space<semaphore_mem>> -> memref<1x!tpu.dma_semaphore, #tpu.memory_space<semaphore_mem>>
        %dma_wait3A_518 = tpu.memref_squeeze %dma_wait3A_517 : memref<1x!tpu.dma_semaphore, #tpu.memory_space<semaphore_mem>> -> memref<!tpu.dma_semaphore, #tpu.memory_space<semaphore_mem>>
        tpu.wait_indirect_dma semaphore(%dma_wait3A_518 : memref<!tpu.dma_semaphore, #tpu.memory_space<semaphore_mem>>) src(%dma_wait3A_510 : memref<128x128xbf16, #tpu.memory_space<vmem>>) dst(%dma_wait3A_516 : memref<10240x128xbf16, #tpu.memory_space<vmem_shared>>)
      } else {
      }
      %add3A_204 = arith.constant 4 : i32
      %add3A_205 = arith.addi %add3A_198, %add3A_204 : i32
      %dma_start3A_206 = arith.constant 5 : i32
      %dma_start3A_207 = arith.constant 5 : i32
      %dma_start3A_208 = arith.constant 0 : i32
      %dma_start3A_209 = arith.constant 0 : i32
      %dma_start3A_210 = tpu.memref_slice %arg7[%dma_start3A_206, %dma_start3A_208, %dma_start3A_209] : memref<8x128x128xbf16, #tpu.memory_space<vmem>> -> memref<1x128x128xbf16, #tpu.memory_space<vmem>>
      %dma_start3A_211 = tpu.memref_squeeze %dma_start3A_210 : memref<1x128x128xbf16, #tpu.memory_space<vmem>> -> memref<128x128xbf16, #tpu.memory_space<vmem>>
      %dma_start3A_212 = arith.constant 0 : i32
      %dma_start3A_213 = tpu.memref_slice %arg5[%add3A_205, %dma_start3A_212] : memref<80x128xi32, #tpu.memory_space<vmem>> -> memref<1x128xi32, #tpu.memory_space<vmem>>
      %dma_start3A_214 = tpu.memref_squeeze %dma_start3A_213 : memref<1x128xi32, #tpu.memory_space<vmem>> -> memref<128xi32, #tpu.memory_space<vmem>>
      %dma_start3A_215 = arith.constant 0 : i32
      %dma_start3A_216 = arith.constant 0 : i32
      %dma_start3A_217 = tpu.memref_slice %arg2[%dma_start3A_215, %dma_start3A_216] : memref<20480x128xbf16, #tpu.memory_space<hbm>> -> memref<20480x128xbf16, #tpu.memory_space<hbm>>
      %dma_start3A_218 = tpu.memref_slice %arg9[%dma_start3A_207] : memref<8x!tpu.dma_semaphore, #tpu.memory_space<semaphore_mem>> -> memref<1x!tpu.dma_semaphore, #tpu.memory_space<semaphore_mem>>
      %dma_start3A_219 = tpu.memref_squeeze %dma_start3A_218 : memref<1x!tpu.dma_semaphore, #tpu.memory_space<semaphore_mem>> -> memref<!tpu.dma_semaphore, #tpu.memory_space<semaphore_mem>>
      tpu.enqueue_indirect_dma source(%dma_start3A_217 : memref<20480x128xbf16, #tpu.memory_space<hbm>>) target(%dma_start3A_211 : memref<128x128xbf16, #tpu.memory_space<vmem>>) offsets(%dma_start3A_214 : memref<128xi32, #tpu.memory_space<vmem>>) semaphore(%dma_start3A_219 : memref<!tpu.dma_semaphore, #tpu.memory_space<semaphore_mem>>)
      %dma_wait3A_220 = arith.constant 1 : i32
      %dma_wait3A_221 = arith.constant 1 : i32
      %dma_wait3A_222 = arith.constant 0 : i32
      %dma_wait3A_223 = arith.constant 0 : i32
      %dma_wait3A_224 = tpu.memref_slice %arg7[%dma_wait3A_220, %dma_wait3A_222, %dma_wait3A_223] : memref<8x128x128xbf16, #tpu.memory_space<vmem>> -> memref<1x128x128xbf16, #tpu.memory_space<vmem>>
      %dma_wait3A_225 = tpu.memref_squeeze %dma_wait3A_224 : memref<1x128x128xbf16, #tpu.memory_space<vmem>> -> memref<128x128xbf16, #tpu.memory_space<vmem>>
      %dma_wait3A_226 = arith.constant 0 : i32
      %dma_wait3A_227 = tpu.memref_slice %arg5[%add3A_198, %dma_wait3A_226] : memref<80x128xi32, #tpu.memory_space<vmem>> -> memref<1x128xi32, #tpu.memory_space<vmem>>
      %dma_wait3A_228 = tpu.memref_squeeze %dma_wait3A_227 : memref<1x128xi32, #tpu.memory_space<vmem>> -> memref<128xi32, #tpu.memory_space<vmem>>
      %dma_wait3A_229 = arith.constant 0 : i32
      %dma_wait3A_230 = arith.constant 0 : i32
      %dma_wait3A_231 = tpu.memref_slice %arg2[%dma_wait3A_229, %dma_wait3A_230] : memref<20480x128xbf16, #tpu.memory_space<hbm>> -> memref<20480x128xbf16, #tpu.memory_space<hbm>>
      %dma_wait3A_232 = tpu.memref_slice %arg9[%dma_wait3A_221] : memref<8x!tpu.dma_semaphore, #tpu.memory_space<semaphore_mem>> -> memref<1x!tpu.dma_semaphore, #tpu.memory_space<semaphore_mem>>
      %dma_wait3A_233 = tpu.memref_squeeze %dma_wait3A_232 : memref<1x!tpu.dma_semaphore, #tpu.memory_space<semaphore_mem>> -> memref<!tpu.dma_semaphore, #tpu.memory_space<semaphore_mem>>
      tpu.wait_indirect_dma semaphore(%dma_wait3A_233 : memref<!tpu.dma_semaphore, #tpu.memory_space<semaphore_mem>>) src(%dma_wait3A_231 : memref<20480x128xbf16, #tpu.memory_space<hbm>>) dst(%dma_wait3A_225 : memref<128x128xbf16, #tpu.memory_space<vmem>>)
      %dma_start3A_234 = arith.constant 1 : i32
      %dma_start3A_235 = arith.constant 1 : i32
      %dma_start3A_236 = arith.constant 0 : i32
      %dma_start3A_237 = arith.constant 0 : i32
      %dma_start3A_238 = tpu.memref_slice %arg7[%dma_start3A_234, %dma_start3A_236, %dma_start3A_237] : memref<8x128x128xbf16, #tpu.memory_space<vmem>> -> memref<1x128x128xbf16, #tpu.memory_space<vmem>>
      %dma_start3A_239 = tpu.memref_squeeze %dma_start3A_238 : memref<1x128x128xbf16, #tpu.memory_space<vmem>> -> memref<128x128xbf16, #tpu.memory_space<vmem>>
      %dma_start3A_240 = arith.constant 0 : i32
      %dma_start3A_241 = tpu.memref_slice %arg6[%add3A_198, %dma_start3A_240] : memref<80x128xi32, #tpu.memory_space<vmem>> -> memref<1x128xi32, #tpu.memory_space<vmem>>
      %dma_start3A_242 = tpu.memref_squeeze %dma_start3A_241 : memref<1x128xi32, #tpu.memory_space<vmem>> -> memref<128xi32, #tpu.memory_space<vmem>>
      %dma_start3A_243 = arith.constant 0 : i32
      %dma_start3A_244 = arith.constant 0 : i32
      %dma_start3A_245 = tpu.memref_slice %arg8[%dma_start3A_243, %dma_start3A_244] : memref<10240x128xbf16, #tpu.memory_space<vmem_shared>> -> memref<10240x128xbf16, #tpu.memory_space<vmem_shared>>
      %dma_start3A_246 = tpu.memref_slice %arg10[%dma_start3A_235] : memref<8x!tpu.dma_semaphore, #tpu.memory_space<semaphore_mem>> -> memref<1x!tpu.dma_semaphore, #tpu.memory_space<semaphore_mem>>
      %dma_start3A_247 = tpu.memref_squeeze %dma_start3A_246 : memref<1x!tpu.dma_semaphore, #tpu.memory_space<semaphore_mem>> -> memref<!tpu.dma_semaphore, #tpu.memory_space<semaphore_mem>>
      tpu.enqueue_indirect_dma source(%dma_start3A_239 : memref<128x128xbf16, #tpu.memory_space<vmem>>) target(%dma_start3A_245 : memref<10240x128xbf16, #tpu.memory_space<vmem_shared>>) offsets(%dma_start3A_242 : memref<128xi32, #tpu.memory_space<vmem>>) semaphore(%dma_start3A_247 : memref<!tpu.dma_semaphore, #tpu.memory_space<semaphore_mem>>) {add = true}
      %mul3A_248 = arith.constant 8 : i32
      %mul3A_249 = arith.muli %scan3A_141, %mul3A_248 : i32
      %add3A_250 = arith.constant 2 : i32
      %add3A_251 = arith.addi %mul3A_249, %add3A_250 : i32
      %gt3A_252 = arith.constant 0 : i32
      %gt3A_253 = arith.cmpi sgt, %scan3A_141, %gt3A_252 : i32
      %convert_element_type3A_254 = arith.extui %gt3A_253 : i1 to i32
      %cond3A_255 = arith.constant 0 : i32
      %cond3A_256 = arith.cmpi ne, %convert_element_type3A_254, %cond3A_255 : i32
      scf.if %cond3A_256 {
        %add3A_502 = arith.constant 4 : i32
        %add3A_503 = arith.addi %add3A_251, %add3A_502 : i32
        %sub3A = arith.constant 8 : i32
        %sub3A_504 = arith.subi %add3A_503, %sub3A : i32
        %dma_wait3A_505 = arith.constant 6 : i32
        %dma_wait3A_506 = arith.constant 6 : i32
        %dma_wait3A_507 = arith.constant 0 : i32
        %dma_wait3A_508 = arith.constant 0 : i32
        %dma_wait3A_509 = tpu.memref_slice %arg7[%dma_wait3A_505, %dma_wait3A_507, %dma_wait3A_508] : memref<8x128x128xbf16, #tpu.memory_space<vmem>> -> memref<1x128x128xbf16, #tpu.memory_space<vmem>>
        %dma_wait3A_510 = tpu.memref_squeeze %dma_wait3A_509 : memref<1x128x128xbf16, #tpu.memory_space<vmem>> -> memref<128x128xbf16, #tpu.memory_space<vmem>>
        %dma_wait3A_511 = arith.constant 0 : i32
        %dma_wait3A_512 = tpu.memref_slice %arg6[%sub3A_504, %dma_wait3A_511] : memref<80x128xi32, #tpu.memory_space<vmem>> -> memref<1x128xi32, #tpu.memory_space<vmem>>
        %dma_wait3A_513 = tpu.memref_squeeze %dma_wait3A_512 : memref<1x128xi32, #tpu.memory_space<vmem>> -> memref<128xi32, #tpu.memory_space<vmem>>
        %dma_wait3A_514 = arith.constant 0 : i32
        %dma_wait3A_515 = arith.constant 0 : i32
        %dma_wait3A_516 = tpu.memref_slice %arg8[%dma_wait3A_514, %dma_wait3A_515] : memref<10240x128xbf16, #tpu.memory_space<vmem_shared>> -> memref<10240x128xbf16, #tpu.memory_space<vmem_shared>>
        %dma_wait3A_517 = tpu.memref_slice %arg10[%dma_wait3A_506] : memref<8x!tpu.dma_semaphore, #tpu.memory_space<semaphore_mem>> -> memref<1x!tpu.dma_semaphore, #tpu.memory_space<semaphore_mem>>
        %dma_wait3A_518 = tpu.memref_squeeze %dma_wait3A_517 : memref<1x!tpu.dma_semaphore, #tpu.memory_space<semaphore_mem>> -> memref<!tpu.dma_semaphore, #tpu.memory_space<semaphore_mem>>
        tpu.wait_indirect_dma semaphore(%dma_wait3A_518 : memref<!tpu.dma_semaphore, #tpu.memory_space<semaphore_mem>>) src(%dma_wait3A_510 : memref<128x128xbf16, #tpu.memory_space<vmem>>) dst(%dma_wait3A_516 : memref<10240x128xbf16, #tpu.memory_space<vmem_shared>>)
      } else {
      }
      %add3A_257 = arith.constant 4 : i32
      %add3A_258 = arith.addi %add3A_251, %add3A_257 : i32
      %dma_start3A_259 = arith.constant 6 : i32
      %dma_start3A_260 = arith.constant 6 : i32
      %dma_start3A_261 = arith.constant 0 : i32
      %dma_start3A_262 = arith.constant 0 : i32
      %dma_start3A_263 = tpu.memref_slice %arg7[%dma_start3A_259, %dma_start3A_261, %dma_start3A_262] : memref<8x128x128xbf16, #tpu.memory_space<vmem>> -> memref<1x128x128xbf16, #tpu.memory_space<vmem>>
      %dma_start3A_264 = tpu.memref_squeeze %dma_start3A_263 : memref<1x128x128xbf16, #tpu.memory_space<vmem>> -> memref<128x128xbf16, #tpu.memory_space<vmem>>
      %dma_start3A_265 = arith.constant 0 : i32
      %dma_start3A_266 = tpu.memref_slice %arg5[%add3A_258, %dma_start3A_265] : memref<80x128xi32, #tpu.memory_space<vmem>> -> memref<1x128xi32, #tpu.memory_space<vmem>>
      %dma_start3A_267 = tpu.memref_squeeze %dma_start3A_266 : memref<1x128xi32, #tpu.memory_space<vmem>> -> memref<128xi32, #tpu.memory_space<vmem>>
      %dma_start3A_268 = arith.constant 0 : i32
      %dma_start3A_269 = arith.constant 0 : i32
      %dma_start3A_270 = tpu.memref_slice %arg2[%dma_start3A_268, %dma_start3A_269] : memref<20480x128xbf16, #tpu.memory_space<hbm>> -> memref<20480x128xbf16, #tpu.memory_space<hbm>>
      %dma_start3A_271 = tpu.memref_slice %arg9[%dma_start3A_260] : memref<8x!tpu.dma_semaphore, #tpu.memory_space<semaphore_mem>> -> memref<1x!tpu.dma_semaphore, #tpu.memory_space<semaphore_mem>>
      %dma_start3A_272 = tpu.memref_squeeze %dma_start3A_271 : memref<1x!tpu.dma_semaphore, #tpu.memory_space<semaphore_mem>> -> memref<!tpu.dma_semaphore, #tpu.memory_space<semaphore_mem>>
      tpu.enqueue_indirect_dma source(%dma_start3A_270 : memref<20480x128xbf16, #tpu.memory_space<hbm>>) target(%dma_start3A_264 : memref<128x128xbf16, #tpu.memory_space<vmem>>) offsets(%dma_start3A_267 : memref<128xi32, #tpu.memory_space<vmem>>) semaphore(%dma_start3A_272 : memref<!tpu.dma_semaphore, #tpu.memory_space<semaphore_mem>>)
      %dma_wait3A_273 = arith.constant 2 : i32
      %dma_wait3A_274 = arith.constant 2 : i32
      %dma_wait3A_275 = arith.constant 0 : i32
      %dma_wait3A_276 = arith.constant 0 : i32
      %dma_wait3A_277 = tpu.memref_slice %arg7[%dma_wait3A_273, %dma_wait3A_275, %dma_wait3A_276] : memref<8x128x128xbf16, #tpu.memory_space<vmem>> -> memref<1x128x128xbf16, #tpu.memory_space<vmem>>
      %dma_wait3A_278 = tpu.memref_squeeze %dma_wait3A_277 : memref<1x128x128xbf16, #tpu.memory_space<vmem>> -> memref<128x128xbf16, #tpu.memory_space<vmem>>
      %dma_wait3A_279 = arith.constant 0 : i32
      %dma_wait3A_280 = tpu.memref_slice %arg5[%add3A_251, %dma_wait3A_279] : memref<80x128xi32, #tpu.memory_space<vmem>> -> memref<1x128xi32, #tpu.memory_space<vmem>>
      %dma_wait3A_281 = tpu.memref_squeeze %dma_wait3A_280 : memref<1x128xi32, #tpu.memory_space<vmem>> -> memref<128xi32, #tpu.memory_space<vmem>>
      %dma_wait3A_282 = arith.constant 0 : i32
      %dma_wait3A_283 = arith.constant 0 : i32
      %dma_wait3A_284 = tpu.memref_slice %arg2[%dma_wait3A_282, %dma_wait3A_283] : memref<20480x128xbf16, #tpu.memory_space<hbm>> -> memref<20480x128xbf16, #tpu.memory_space<hbm>>
      %dma_wait3A_285 = tpu.memref_slice %arg9[%dma_wait3A_274] : memref<8x!tpu.dma_semaphore, #tpu.memory_space<semaphore_mem>> -> memref<1x!tpu.dma_semaphore, #tpu.memory_space<semaphore_mem>>
      %dma_wait3A_286 = tpu.memref_squeeze %dma_wait3A_285 : memref<1x!tpu.dma_semaphore, #tpu.memory_space<semaphore_mem>> -> memref<!tpu.dma_semaphore, #tpu.memory_space<semaphore_mem>>
      tpu.wait_indirect_dma semaphore(%dma_wait3A_286 : memref<!tpu.dma_semaphore, #tpu.memory_space<semaphore_mem>>) src(%dma_wait3A_284 : memref<20480x128xbf16, #tpu.memory_space<hbm>>) dst(%dma_wait3A_278 : memref<128x128xbf16, #tpu.memory_space<vmem>>)
      %dma_start3A_287 = arith.constant 2 : i32
      %dma_start3A_288 = arith.constant 2 : i32
      %dma_start3A_289 = arith.constant 0 : i32
      %dma_start3A_290 = arith.constant 0 : i32
      %dma_start3A_291 = tpu.memref_slice %arg7[%dma_start3A_287, %dma_start3A_289, %dma_start3A_290] : memref<8x128x128xbf16, #tpu.memory_space<vmem>> -> memref<1x128x128xbf16, #tpu.memory_space<vmem>>
      %dma_start3A_292 = tpu.memref_squeeze %dma_start3A_291 : memref<1x128x128xbf16, #tpu.memory_space<vmem>> -> memref<128x128xbf16, #tpu.memory_space<vmem>>
      %dma_start3A_293 = arith.constant 0 : i32
      %dma_start3A_294 = tpu.memref_slice %arg6[%add3A_251, %dma_start3A_293] : memref<80x128xi32, #tpu.memory_space<vmem>> -> memref<1x128xi32, #tpu.memory_space<vmem>>
      %dma_start3A_295 = tpu.memref_squeeze %dma_start3A_294 : memref<1x128xi32, #tpu.memory_space<vmem>> -> memref<128xi32, #tpu.memory_space<vmem>>
      %dma_start3A_296 = arith.constant 0 : i32
      %dma_start3A_297 = arith.constant 0 : i32
      %dma_start3A_298 = tpu.memref_slice %arg8[%dma_start3A_296, %dma_start3A_297] : memref<10240x128xbf16, #tpu.memory_space<vmem_shared>> -> memref<10240x128xbf16, #tpu.memory_space<vmem_shared>>
      %dma_start3A_299 = tpu.memref_slice %arg10[%dma_start3A_288] : memref<8x!tpu.dma_semaphore, #tpu.memory_space<semaphore_mem>> -> memref<1x!tpu.dma_semaphore, #tpu.memory_space<semaphore_mem>>
      %dma_start3A_300 = tpu.memref_squeeze %dma_start3A_299 : memref<1x!tpu.dma_semaphore, #tpu.memory_space<semaphore_mem>> -> memref<!tpu.dma_semaphore, #tpu.memory_space<semaphore_mem>>
      tpu.enqueue_indirect_dma source(%dma_start3A_292 : memref<128x128xbf16, #tpu.memory_space<vmem>>) target(%dma_start3A_298 : memref<10240x128xbf16, #tpu.memory_space<vmem_shared>>) offsets(%dma_start3A_295 : memref<128xi32, #tpu.memory_space<vmem>>) semaphore(%dma_start3A_300 : memref<!tpu.dma_semaphore, #tpu.memory_space<semaphore_mem>>) {add = true}
      %mul3A_301 = arith.constant 8 : i32
      %mul3A_302 = arith.muli %scan3A_141, %mul3A_301 : i32
      %add3A_303 = arith.constant 3 : i32
      %add3A_304 = arith.addi %mul3A_302, %add3A_303 : i32
      %gt3A_305 = arith.constant 0 : i32
      %gt3A_306 = arith.cmpi sgt, %scan3A_141, %gt3A_305 : i32
      %convert_element_type3A_307 = arith.extui %gt3A_306 : i1 to i32
      %cond3A_308 = arith.constant 0 : i32
      %cond3A_309 = arith.cmpi ne, %convert_element_type3A_307, %cond3A_308 : i32
      scf.if %cond3A_309 {
        %add3A_502 = arith.constant 4 : i32
        %add3A_503 = arith.addi %add3A_304, %add3A_502 : i32
        %sub3A = arith.constant 8 : i32
        %sub3A_504 = arith.subi %add3A_503, %sub3A : i32
        %dma_wait3A_505 = arith.constant 7 : i32
        %dma_wait3A_506 = arith.constant 7 : i32
        %dma_wait3A_507 = arith.constant 0 : i32
        %dma_wait3A_508 = arith.constant 0 : i32
        %dma_wait3A_509 = tpu.memref_slice %arg7[%dma_wait3A_505, %dma_wait3A_507, %dma_wait3A_508] : memref<8x128x128xbf16, #tpu.memory_space<vmem>> -> memref<1x128x128xbf16, #tpu.memory_space<vmem>>
        %dma_wait3A_510 = tpu.memref_squeeze %dma_wait3A_509 : memref<1x128x128xbf16, #tpu.memory_space<vmem>> -> memref<128x128xbf16, #tpu.memory_space<vmem>>
        %dma_wait3A_511 = arith.constant 0 : i32
        %dma_wait3A_512 = tpu.memref_slice %arg6[%sub3A_504, %dma_wait3A_511] : memref<80x128xi32, #tpu.memory_space<vmem>> -> memref<1x128xi32, #tpu.memory_space<vmem>>
        %dma_wait3A_513 = tpu.memref_squeeze %dma_wait3A_512 : memref<1x128xi32, #tpu.memory_space<vmem>> -> memref<128xi32, #tpu.memory_space<vmem>>
        %dma_wait3A_514 = arith.constant 0 : i32
        %dma_wait3A_515 = arith.constant 0 : i32
        %dma_wait3A_516 = tpu.memref_slice %arg8[%dma_wait3A_514, %dma_wait3A_515] : memref<10240x128xbf16, #tpu.memory_space<vmem_shared>> -> memref<10240x128xbf16, #tpu.memory_space<vmem_shared>>
        %dma_wait3A_517 = tpu.memref_slice %arg10[%dma_wait3A_506] : memref<8x!tpu.dma_semaphore, #tpu.memory_space<semaphore_mem>> -> memref<1x!tpu.dma_semaphore, #tpu.memory_space<semaphore_mem>>
        %dma_wait3A_518 = tpu.memref_squeeze %dma_wait3A_517 : memref<1x!tpu.dma_semaphore, #tpu.memory_space<semaphore_mem>> -> memref<!tpu.dma_semaphore, #tpu.memory_space<semaphore_mem>>
        tpu.wait_indirect_dma semaphore(%dma_wait3A_518 : memref<!tpu.dma_semaphore, #tpu.memory_space<semaphore_mem>>) src(%dma_wait3A_510 : memref<128x128xbf16, #tpu.memory_space<vmem>>) dst(%dma_wait3A_516 : memref<10240x128xbf16, #tpu.memory_space<vmem_shared>>)
      } else {
      }
      %add3A_310 = arith.constant 4 : i32
      %add3A_311 = arith.addi %add3A_304, %add3A_310 : i32
      %dma_start3A_312 = arith.constant 7 : i32
      %dma_start3A_313 = arith.constant 7 : i32
      %dma_start3A_314 = arith.constant 0 : i32
      %dma_start3A_315 = arith.constant 0 : i32
      %dma_start3A_316 = tpu.memref_slice %arg7[%dma_start3A_312, %dma_start3A_314, %dma_start3A_315] : memref<8x128x128xbf16, #tpu.memory_space<vmem>> -> memref<1x128x128xbf16, #tpu.memory_space<vmem>>
      %dma_start3A_317 = tpu.memref_squeeze %dma_start3A_316 : memref<1x128x128xbf16, #tpu.memory_space<vmem>> -> memref<128x128xbf16, #tpu.memory_space<vmem>>
      %dma_start3A_318 = arith.constant 0 : i32
      %dma_start3A_319 = tpu.memref_slice %arg5[%add3A_311, %dma_start3A_318] : memref<80x128xi32, #tpu.memory_space<vmem>> -> memref<1x128xi32, #tpu.memory_space<vmem>>
      %dma_start3A_320 = tpu.memref_squeeze %dma_start3A_319 : memref<1x128xi32, #tpu.memory_space<vmem>> -> memref<128xi32, #tpu.memory_space<vmem>>
      %dma_start3A_321 = arith.constant 0 : i32
      %dma_start3A_322 = arith.constant 0 : i32
      %dma_start3A_323 = tpu.memref_slice %arg2[%dma_start3A_321, %dma_start3A_322] : memref<20480x128xbf16, #tpu.memory_space<hbm>> -> memref<20480x128xbf16, #tpu.memory_space<hbm>>
      %dma_start3A_324 = tpu.memref_slice %arg9[%dma_start3A_313] : memref<8x!tpu.dma_semaphore, #tpu.memory_space<semaphore_mem>> -> memref<1x!tpu.dma_semaphore, #tpu.memory_space<semaphore_mem>>
      %dma_start3A_325 = tpu.memref_squeeze %dma_start3A_324 : memref<1x!tpu.dma_semaphore, #tpu.memory_space<semaphore_mem>> -> memref<!tpu.dma_semaphore, #tpu.memory_space<semaphore_mem>>
      tpu.enqueue_indirect_dma source(%dma_start3A_323 : memref<20480x128xbf16, #tpu.memory_space<hbm>>) target(%dma_start3A_317 : memref<128x128xbf16, #tpu.memory_space<vmem>>) offsets(%dma_start3A_320 : memref<128xi32, #tpu.memory_space<vmem>>) semaphore(%dma_start3A_325 : memref<!tpu.dma_semaphore, #tpu.memory_space<semaphore_mem>>)
      %dma_wait3A_326 = arith.constant 3 : i32
      %dma_wait3A_327 = arith.constant 3 : i32
      %dma_wait3A_328 = arith.constant 0 : i32
      %dma_wait3A_329 = arith.constant 0 : i32
      %dma_wait3A_330 = tpu.memref_slice %arg7[%dma_wait3A_326, %dma_wait3A_328, %dma_wait3A_329] : memref<8x128x128xbf16, #tpu.memory_space<vmem>> -> memref<1x128x128xbf16, #tpu.memory_space<vmem>>
      %dma_wait3A_331 = tpu.memref_squeeze %dma_wait3A_330 : memref<1x128x128xbf16, #tpu.memory_space<vmem>> -> memref<128x128xbf16, #tpu.memory_space<vmem>>
      %dma_wait3A_332 = arith.constant 0 : i32
      %dma_wait3A_333 = tpu.memref_slice %arg5[%add3A_304, %dma_wait3A_332] : memref<80x128xi32, #tpu.memory_space<vmem>> -> memref<1x128xi32, #tpu.memory_space<vmem>>
      %dma_wait3A_334 = tpu.memref_squeeze %dma_wait3A_333 : memref<1x128xi32, #tpu.memory_space<vmem>> -> memref<128xi32, #tpu.memory_space<vmem>>
      %dma_wait3A_335 = arith.constant 0 : i32
      %dma_wait3A_336 = arith.constant 0 : i32
      %dma_wait3A_337 = tpu.memref_slice %arg2[%dma_wait3A_335, %dma_wait3A_336] : memref<20480x128xbf16, #tpu.memory_space<hbm>> -> memref<20480x128xbf16, #tpu.memory_space<hbm>>
      %dma_wait3A_338 = tpu.memref_slice %arg9[%dma_wait3A_327] : memref<8x!tpu.dma_semaphore, #tpu.memory_space<semaphore_mem>> -> memref<1x!tpu.dma_semaphore, #tpu.memory_space<semaphore_mem>>
      %dma_wait3A_339 = tpu.memref_squeeze %dma_wait3A_338 : memref<1x!tpu.dma_semaphore, #tpu.memory_space<semaphore_mem>> -> memref<!tpu.dma_semaphore, #tpu.memory_space<semaphore_mem>>
      tpu.wait_indirect_dma semaphore(%dma_wait3A_339 : memref<!tpu.dma_semaphore, #tpu.memory_space<semaphore_mem>>) src(%dma_wait3A_337 : memref<20480x128xbf16, #tpu.memory_space<hbm>>) dst(%dma_wait3A_331 : memref<128x128xbf16, #tpu.memory_space<vmem>>)
      %dma_start3A_340 = arith.constant 3 : i32
      %dma_start3A_341 = arith.constant 3 : i32
      %dma_start3A_342 = arith.constant 0 : i32
      %dma_start3A_343 = arith.constant 0 : i32
      %dma_start3A_344 = tpu.memref_slice %arg7[%dma_start3A_340, %dma_start3A_342, %dma_start3A_343] : memref<8x128x128xbf16, #tpu.memory_space<vmem>> -> memref<1x128x128xbf16, #tpu.memory_space<vmem>>
      %dma_start3A_345 = tpu.memref_squeeze %dma_start3A_344 : memref<1x128x128xbf16, #tpu.memory_space<vmem>> -> memref<128x128xbf16, #tpu.memory_space<vmem>>
      %dma_start3A_346 = arith.constant 0 : i32
      %dma_start3A_347 = tpu.memref_slice %arg6[%add3A_304, %dma_start3A_346] : memref<80x128xi32, #tpu.memory_space<vmem>> -> memref<1x128xi32, #tpu.memory_space<vmem>>
      %dma_start3A_348 = tpu.memref_squeeze %dma_start3A_347 : memref<1x128xi32, #tpu.memory_space<vmem>> -> memref<128xi32, #tpu.memory_space<vmem>>
      %dma_start3A_349 = arith.constant 0 : i32
      %dma_start3A_350 = arith.constant 0 : i32
      %dma_start3A_351 = tpu.memref_slice %arg8[%dma_start3A_349, %dma_start3A_350] : memref<10240x128xbf16, #tpu.memory_space<vmem_shared>> -> memref<10240x128xbf16, #tpu.memory_space<vmem_shared>>
      %dma_start3A_352 = tpu.memref_slice %arg10[%dma_start3A_341] : memref<8x!tpu.dma_semaphore, #tpu.memory_space<semaphore_mem>> -> memref<1x!tpu.dma_semaphore, #tpu.memory_space<semaphore_mem>>
      %dma_start3A_353 = tpu.memref_squeeze %dma_start3A_352 : memref<1x!tpu.dma_semaphore, #tpu.memory_space<semaphore_mem>> -> memref<!tpu.dma_semaphore, #tpu.memory_space<semaphore_mem>>
      tpu.enqueue_indirect_dma source(%dma_start3A_345 : memref<128x128xbf16, #tpu.memory_space<vmem>>) target(%dma_start3A_351 : memref<10240x128xbf16, #tpu.memory_space<vmem_shared>>) offsets(%dma_start3A_348 : memref<128xi32, #tpu.memory_space<vmem>>) semaphore(%dma_start3A_353 : memref<!tpu.dma_semaphore, #tpu.memory_space<semaphore_mem>>) {add = true}
      %mul3A_354 = arith.constant 8 : i32
      %mul3A_355 = arith.muli %scan3A_141, %mul3A_354 : i32
      %add3A_356 = arith.constant 4 : i32
      %add3A_357 = arith.addi %mul3A_355, %add3A_356 : i32
      %lt3A = arith.constant 9 : i32
      %lt3A_358 = arith.cmpi slt, %scan3A_141, %lt3A : i32
      %convert_element_type3A_359 = arith.extui %lt3A_358 : i1 to i32
      %cond3A_360 = arith.constant 0 : i32
      %cond3A_361 = arith.cmpi ne, %convert_element_type3A_359, %cond3A_360 : i32
      scf.if %cond3A_361 {
        %add3A_502 = arith.constant 4 : i32
        %add3A_503 = arith.addi %add3A_357, %add3A_502 : i32
        %sub3A = arith.constant 8 : i32
        %sub3A_504 = arith.subi %add3A_503, %sub3A : i32
        %dma_wait3A_505 = arith.constant 0 : i32
        %dma_wait3A_506 = arith.constant 0 : i32
        %dma_wait3A_507 = arith.constant 0 : i32
        %dma_wait3A_508 = arith.constant 0 : i32
        %dma_wait3A_509 = tpu.memref_slice %arg7[%dma_wait3A_505, %dma_wait3A_507, %dma_wait3A_508] : memref<8x128x128xbf16, #tpu.memory_space<vmem>> -> memref<1x128x128xbf16, #tpu.memory_space<vmem>>
        %dma_wait3A_510 = tpu.memref_squeeze %dma_wait3A_509 : memref<1x128x128xbf16, #tpu.memory_space<vmem>> -> memref<128x128xbf16, #tpu.memory_space<vmem>>
        %dma_wait3A_511 = arith.constant 0 : i32
        %dma_wait3A_512 = tpu.memref_slice %arg6[%sub3A_504, %dma_wait3A_511] : memref<80x128xi32, #tpu.memory_space<vmem>> -> memref<1x128xi32, #tpu.memory_space<vmem>>
        %dma_wait3A_513 = tpu.memref_squeeze %dma_wait3A_512 : memref<1x128xi32, #tpu.memory_space<vmem>> -> memref<128xi32, #tpu.memory_space<vmem>>
        %dma_wait3A_514 = arith.constant 0 : i32
        %dma_wait3A_515 = arith.constant 0 : i32
        %dma_wait3A_516 = tpu.memref_slice %arg8[%dma_wait3A_514, %dma_wait3A_515] : memref<10240x128xbf16, #tpu.memory_space<vmem_shared>> -> memref<10240x128xbf16, #tpu.memory_space<vmem_shared>>
        %dma_wait3A_517 = tpu.memref_slice %arg10[%dma_wait3A_506] : memref<8x!tpu.dma_semaphore, #tpu.memory_space<semaphore_mem>> -> memref<1x!tpu.dma_semaphore, #tpu.memory_space<semaphore_mem>>
        %dma_wait3A_518 = tpu.memref_squeeze %dma_wait3A_517 : memref<1x!tpu.dma_semaphore, #tpu.memory_space<semaphore_mem>> -> memref<!tpu.dma_semaphore, #tpu.memory_space<semaphore_mem>>
        tpu.wait_indirect_dma semaphore(%dma_wait3A_518 : memref<!tpu.dma_semaphore, #tpu.memory_space<semaphore_mem>>) src(%dma_wait3A_510 : memref<128x128xbf16, #tpu.memory_space<vmem>>) dst(%dma_wait3A_516 : memref<10240x128xbf16, #tpu.memory_space<vmem_shared>>)
        %add3A_519 = arith.constant 4 : i32
        %add3A_520 = arith.addi %add3A_357, %add3A_519 : i32
        %dma_start3A_521 = arith.constant 0 : i32
        %dma_start3A_522 = arith.constant 0 : i32
        %dma_start3A_523 = arith.constant 0 : i32
        %dma_start3A_524 = arith.constant 0 : i32
        %dma_start3A_525 = tpu.memref_slice %arg7[%dma_start3A_521, %dma_start3A_523, %dma_start3A_524] : memref<8x128x128xbf16, #tpu.memory_space<vmem>> -> memref<1x128x128xbf16, #tpu.memory_space<vmem>>
        %dma_start3A_526 = tpu.memref_squeeze %dma_start3A_525 : memref<1x128x128xbf16, #tpu.memory_space<vmem>> -> memref<128x128xbf16, #tpu.memory_space<vmem>>
        %dma_start3A_527 = arith.constant 0 : i32
        %dma_start3A_528 = tpu.memref_slice %arg5[%add3A_520, %dma_start3A_527] : memref<80x128xi32, #tpu.memory_space<vmem>> -> memref<1x128xi32, #tpu.memory_space<vmem>>
        %dma_start3A_529 = tpu.memref_squeeze %dma_start3A_528 : memref<1x128xi32, #tpu.memory_space<vmem>> -> memref<128xi32, #tpu.memory_space<vmem>>
        %dma_start3A_530 = arith.constant 0 : i32
        %dma_start3A_531 = arith.constant 0 : i32
        %dma_start3A_532 = tpu.memref_slice %arg2[%dma_start3A_530, %dma_start3A_531] : memref<20480x128xbf16, #tpu.memory_space<hbm>> -> memref<20480x128xbf16, #tpu.memory_space<hbm>>
        %dma_start3A_533 = tpu.memref_slice %arg9[%dma_start3A_522] : memref<8x!tpu.dma_semaphore, #tpu.memory_space<semaphore_mem>> -> memref<1x!tpu.dma_semaphore, #tpu.memory_space<semaphore_mem>>
        %dma_start3A_534 = tpu.memref_squeeze %dma_start3A_533 : memref<1x!tpu.dma_semaphore, #tpu.memory_space<semaphore_mem>> -> memref<!tpu.dma_semaphore, #tpu.memory_space<semaphore_mem>>
        tpu.enqueue_indirect_dma source(%dma_start3A_532 : memref<20480x128xbf16, #tpu.memory_space<hbm>>) target(%dma_start3A_526 : memref<128x128xbf16, #tpu.memory_space<vmem>>) offsets(%dma_start3A_529 : memref<128xi32, #tpu.memory_space<vmem>>) semaphore(%dma_start3A_534 : memref<!tpu.dma_semaphore, #tpu.memory_space<semaphore_mem>>)
      } else {
      }
      %dma_wait3A_362 = arith.constant 4 : i32
      %dma_wait3A_363 = arith.constant 4 : i32
      %dma_wait3A_364 = arith.constant 0 : i32
      %dma_wait3A_365 = arith.constant 0 : i32
      %dma_wait3A_366 = tpu.memref_slice %arg7[%dma_wait3A_362, %dma_wait3A_364, %dma_wait3A_365] : memref<8x128x128xbf16, #tpu.memory_space<vmem>> -> memref<1x128x128xbf16, #tpu.memory_space<vmem>>
      %dma_wait3A_367 = tpu.memref_squeeze %dma_wait3A_366 : memref<1x128x128xbf16, #tpu.memory_space<vmem>> -> memref<128x128xbf16, #tpu.memory_space<vmem>>
      %dma_wait3A_368 = arith.constant 0 : i32
      %dma_wait3A_369 = tpu.memref_slice %arg5[%add3A_357, %dma_wait3A_368] : memref<80x128xi32, #tpu.memory_space<vmem>> -> memref<1x128xi32, #tpu.memory_space<vmem>>
      %dma_wait3A_370 = tpu.memref_squeeze %dma_wait3A_369 : memref<1x128xi32, #tpu.memory_space<vmem>> -> memref<128xi32, #tpu.memory_space<vmem>>
      %dma_wait3A_371 = arith.constant 0 : i32
      %dma_wait3A_372 = arith.constant 0 : i32
      %dma_wait3A_373 = tpu.memref_slice %arg2[%dma_wait3A_371, %dma_wait3A_372] : memref<20480x128xbf16, #tpu.memory_space<hbm>> -> memref<20480x128xbf16, #tpu.memory_space<hbm>>
      %dma_wait3A_374 = tpu.memref_slice %arg9[%dma_wait3A_363] : memref<8x!tpu.dma_semaphore, #tpu.memory_space<semaphore_mem>> -> memref<1x!tpu.dma_semaphore, #tpu.memory_space<semaphore_mem>>
      %dma_wait3A_375 = tpu.memref_squeeze %dma_wait3A_374 : memref<1x!tpu.dma_semaphore, #tpu.memory_space<semaphore_mem>> -> memref<!tpu.dma_semaphore, #tpu.memory_space<semaphore_mem>>
      tpu.wait_indirect_dma semaphore(%dma_wait3A_375 : memref<!tpu.dma_semaphore, #tpu.memory_space<semaphore_mem>>) src(%dma_wait3A_373 : memref<20480x128xbf16, #tpu.memory_space<hbm>>) dst(%dma_wait3A_367 : memref<128x128xbf16, #tpu.memory_space<vmem>>)
      %dma_start3A_376 = arith.constant 4 : i32
      %dma_start3A_377 = arith.constant 4 : i32
      %dma_start3A_378 = arith.constant 0 : i32
      %dma_start3A_379 = arith.constant 0 : i32
      %dma_start3A_380 = tpu.memref_slice %arg7[%dma_start3A_376, %dma_start3A_378, %dma_start3A_379] : memref<8x128x128xbf16, #tpu.memory_space<vmem>> -> memref<1x128x128xbf16, #tpu.memory_space<vmem>>
      %dma_start3A_381 = tpu.memref_squeeze %dma_start3A_380 : memref<1x128x128xbf16, #tpu.memory_space<vmem>> -> memref<128x128xbf16, #tpu.memory_space<vmem>>
      %dma_start3A_382 = arith.constant 0 : i32
      %dma_start3A_383 = tpu.memref_slice %arg6[%add3A_357, %dma_start3A_382] : memref<80x128xi32, #tpu.memory_space<vmem>> -> memref<1x128xi32, #tpu.memory_space<vmem>>
      %dma_start3A_384 = tpu.memref_squeeze %dma_start3A_383 : memref<1x128xi32, #tpu.memory_space<vmem>> -> memref<128xi32, #tpu.memory_space<vmem>>
      %dma_start3A_385 = arith.constant 0 : i32
      %dma_start3A_386 = arith.constant 0 : i32
      %dma_start3A_387 = tpu.memref_slice %arg8[%dma_start3A_385, %dma_start3A_386] : memref<10240x128xbf16, #tpu.memory_space<vmem_shared>> -> memref<10240x128xbf16, #tpu.memory_space<vmem_shared>>
      %dma_start3A_388 = tpu.memref_slice %arg10[%dma_start3A_377] : memref<8x!tpu.dma_semaphore, #tpu.memory_space<semaphore_mem>> -> memref<1x!tpu.dma_semaphore, #tpu.memory_space<semaphore_mem>>
      %dma_start3A_389 = tpu.memref_squeeze %dma_start3A_388 : memref<1x!tpu.dma_semaphore, #tpu.memory_space<semaphore_mem>> -> memref<!tpu.dma_semaphore, #tpu.memory_space<semaphore_mem>>
      tpu.enqueue_indirect_dma source(%dma_start3A_381 : memref<128x128xbf16, #tpu.memory_space<vmem>>) target(%dma_start3A_387 : memref<10240x128xbf16, #tpu.memory_space<vmem_shared>>) offsets(%dma_start3A_384 : memref<128xi32, #tpu.memory_space<vmem>>) semaphore(%dma_start3A_389 : memref<!tpu.dma_semaphore, #tpu.memory_space<semaphore_mem>>) {add = true}
      %mul3A_390 = arith.constant 8 : i32
      %mul3A_391 = arith.muli %scan3A_141, %mul3A_390 : i32
      %add3A_392 = arith.constant 5 : i32
      %add3A_393 = arith.addi %mul3A_391, %add3A_392 : i32
      %lt3A_394 = arith.constant 9 : i32
      %lt3A_395 = arith.cmpi slt, %scan3A_141, %lt3A_394 : i32
      %convert_element_type3A_396 = arith.extui %lt3A_395 : i1 to i32
      %cond3A_397 = arith.constant 0 : i32
      %cond3A_398 = arith.cmpi ne, %convert_element_type3A_396, %cond3A_397 : i32
      scf.if %cond3A_398 {
        %add3A_502 = arith.constant 4 : i32
        %add3A_503 = arith.addi %add3A_393, %add3A_502 : i32
        %sub3A = arith.constant 8 : i32
        %sub3A_504 = arith.subi %add3A_503, %sub3A : i32
        %dma_wait3A_505 = arith.constant 1 : i32
        %dma_wait3A_506 = arith.constant 1 : i32
        %dma_wait3A_507 = arith.constant 0 : i32
        %dma_wait3A_508 = arith.constant 0 : i32
        %dma_wait3A_509 = tpu.memref_slice %arg7[%dma_wait3A_505, %dma_wait3A_507, %dma_wait3A_508] : memref<8x128x128xbf16, #tpu.memory_space<vmem>> -> memref<1x128x128xbf16, #tpu.memory_space<vmem>>
        %dma_wait3A_510 = tpu.memref_squeeze %dma_wait3A_509 : memref<1x128x128xbf16, #tpu.memory_space<vmem>> -> memref<128x128xbf16, #tpu.memory_space<vmem>>
        %dma_wait3A_511 = arith.constant 0 : i32
        %dma_wait3A_512 = tpu.memref_slice %arg6[%sub3A_504, %dma_wait3A_511] : memref<80x128xi32, #tpu.memory_space<vmem>> -> memref<1x128xi32, #tpu.memory_space<vmem>>
        %dma_wait3A_513 = tpu.memref_squeeze %dma_wait3A_512 : memref<1x128xi32, #tpu.memory_space<vmem>> -> memref<128xi32, #tpu.memory_space<vmem>>
        %dma_wait3A_514 = arith.constant 0 : i32
        %dma_wait3A_515 = arith.constant 0 : i32
        %dma_wait3A_516 = tpu.memref_slice %arg8[%dma_wait3A_514, %dma_wait3A_515] : memref<10240x128xbf16, #tpu.memory_space<vmem_shared>> -> memref<10240x128xbf16, #tpu.memory_space<vmem_shared>>
        %dma_wait3A_517 = tpu.memref_slice %arg10[%dma_wait3A_506] : memref<8x!tpu.dma_semaphore, #tpu.memory_space<semaphore_mem>> -> memref<1x!tpu.dma_semaphore, #tpu.memory_space<semaphore_mem>>
        %dma_wait3A_518 = tpu.memref_squeeze %dma_wait3A_517 : memref<1x!tpu.dma_semaphore, #tpu.memory_space<semaphore_mem>> -> memref<!tpu.dma_semaphore, #tpu.memory_space<semaphore_mem>>
        tpu.wait_indirect_dma semaphore(%dma_wait3A_518 : memref<!tpu.dma_semaphore, #tpu.memory_space<semaphore_mem>>) src(%dma_wait3A_510 : memref<128x128xbf16, #tpu.memory_space<vmem>>) dst(%dma_wait3A_516 : memref<10240x128xbf16, #tpu.memory_space<vmem_shared>>)
        %add3A_519 = arith.constant 4 : i32
        %add3A_520 = arith.addi %add3A_393, %add3A_519 : i32
        %dma_start3A_521 = arith.constant 1 : i32
        %dma_start3A_522 = arith.constant 1 : i32
        %dma_start3A_523 = arith.constant 0 : i32
        %dma_start3A_524 = arith.constant 0 : i32
        %dma_start3A_525 = tpu.memref_slice %arg7[%dma_start3A_521, %dma_start3A_523, %dma_start3A_524] : memref<8x128x128xbf16, #tpu.memory_space<vmem>> -> memref<1x128x128xbf16, #tpu.memory_space<vmem>>
        %dma_start3A_526 = tpu.memref_squeeze %dma_start3A_525 : memref<1x128x128xbf16, #tpu.memory_space<vmem>> -> memref<128x128xbf16, #tpu.memory_space<vmem>>
        %dma_start3A_527 = arith.constant 0 : i32
        %dma_start3A_528 = tpu.memref_slice %arg5[%add3A_520, %dma_start3A_527] : memref<80x128xi32, #tpu.memory_space<vmem>> -> memref<1x128xi32, #tpu.memory_space<vmem>>
        %dma_start3A_529 = tpu.memref_squeeze %dma_start3A_528 : memref<1x128xi32, #tpu.memory_space<vmem>> -> memref<128xi32, #tpu.memory_space<vmem>>
        %dma_start3A_530 = arith.constant 0 : i32
        %dma_start3A_531 = arith.constant 0 : i32
        %dma_start3A_532 = tpu.memref_slice %arg2[%dma_start3A_530, %dma_start3A_531] : memref<20480x128xbf16, #tpu.memory_space<hbm>> -> memref<20480x128xbf16, #tpu.memory_space<hbm>>
        %dma_start3A_533 = tpu.memref_slice %arg9[%dma_start3A_522] : memref<8x!tpu.dma_semaphore, #tpu.memory_space<semaphore_mem>> -> memref<1x!tpu.dma_semaphore, #tpu.memory_space<semaphore_mem>>
        %dma_start3A_534 = tpu.memref_squeeze %dma_start3A_533 : memref<1x!tpu.dma_semaphore, #tpu.memory_space<semaphore_mem>> -> memref<!tpu.dma_semaphore, #tpu.memory_space<semaphore_mem>>
        tpu.enqueue_indirect_dma source(%dma_start3A_532 : memref<20480x128xbf16, #tpu.memory_space<hbm>>) target(%dma_start3A_526 : memref<128x128xbf16, #tpu.memory_space<vmem>>) offsets(%dma_start3A_529 : memref<128xi32, #tpu.memory_space<vmem>>) semaphore(%dma_start3A_534 : memref<!tpu.dma_semaphore, #tpu.memory_space<semaphore_mem>>)
      } else {
      }
      %dma_wait3A_399 = arith.constant 5 : i32
      %dma_wait3A_400 = arith.constant 5 : i32
      %dma_wait3A_401 = arith.constant 0 : i32
      %dma_wait3A_402 = arith.constant 0 : i32
      %dma_wait3A_403 = tpu.memref_slice %arg7[%dma_wait3A_399, %dma_wait3A_401, %dma_wait3A_402] : memref<8x128x128xbf16, #tpu.memory_space<vmem>> -> memref<1x128x128xbf16, #tpu.memory_space<vmem>>
      %dma_wait3A_404 = tpu.memref_squeeze %dma_wait3A_403 : memref<1x128x128xbf16, #tpu.memory_space<vmem>> -> memref<128x128xbf16, #tpu.memory_space<vmem>>
      %dma_wait3A_405 = arith.constant 0 : i32
      %dma_wait3A_406 = tpu.memref_slice %arg5[%add3A_393, %dma_wait3A_405] : memref<80x128xi32, #tpu.memory_space<vmem>> -> memref<1x128xi32, #tpu.memory_space<vmem>>
      %dma_wait3A_407 = tpu.memref_squeeze %dma_wait3A_406 : memref<1x128xi32, #tpu.memory_space<vmem>> -> memref<128xi32, #tpu.memory_space<vmem>>
      %dma_wait3A_408 = arith.constant 0 : i32
      %dma_wait3A_409 = arith.constant 0 : i32
      %dma_wait3A_410 = tpu.memref_slice %arg2[%dma_wait3A_408, %dma_wait3A_409] : memref<20480x128xbf16, #tpu.memory_space<hbm>> -> memref<20480x128xbf16, #tpu.memory_space<hbm>>
      %dma_wait3A_411 = tpu.memref_slice %arg9[%dma_wait3A_400] : memref<8x!tpu.dma_semaphore, #tpu.memory_space<semaphore_mem>> -> memref<1x!tpu.dma_semaphore, #tpu.memory_space<semaphore_mem>>
      %dma_wait3A_412 = tpu.memref_squeeze %dma_wait3A_411 : memref<1x!tpu.dma_semaphore, #tpu.memory_space<semaphore_mem>> -> memref<!tpu.dma_semaphore, #tpu.memory_space<semaphore_mem>>
      tpu.wait_indirect_dma semaphore(%dma_wait3A_412 : memref<!tpu.dma_semaphore, #tpu.memory_space<semaphore_mem>>) src(%dma_wait3A_410 : memref<20480x128xbf16, #tpu.memory_space<hbm>>) dst(%dma_wait3A_404 : memref<128x128xbf16, #tpu.memory_space<vmem>>)
      %dma_start3A_413 = arith.constant 5 : i32
      %dma_start3A_414 = arith.constant 5 : i32
      %dma_start3A_415 = arith.constant 0 : i32
      %dma_start3A_416 = arith.constant 0 : i32
      %dma_start3A_417 = tpu.memref_slice %arg7[%dma_start3A_413, %dma_start3A_415, %dma_start3A_416] : memref<8x128x128xbf16, #tpu.memory_space<vmem>> -> memref<1x128x128xbf16, #tpu.memory_space<vmem>>
      %dma_start3A_418 = tpu.memref_squeeze %dma_start3A_417 : memref<1x128x128xbf16, #tpu.memory_space<vmem>> -> memref<128x128xbf16, #tpu.memory_space<vmem>>
      %dma_start3A_419 = arith.constant 0 : i32
      %dma_start3A_420 = tpu.memref_slice %arg6[%add3A_393, %dma_start3A_419] : memref<80x128xi32, #tpu.memory_space<vmem>> -> memref<1x128xi32, #tpu.memory_space<vmem>>
      %dma_start3A_421 = tpu.memref_squeeze %dma_start3A_420 : memref<1x128xi32, #tpu.memory_space<vmem>> -> memref<128xi32, #tpu.memory_space<vmem>>
      %dma_start3A_422 = arith.constant 0 : i32
      %dma_start3A_423 = arith.constant 0 : i32
      %dma_start3A_424 = tpu.memref_slice %arg8[%dma_start3A_422, %dma_start3A_423] : memref<10240x128xbf16, #tpu.memory_space<vmem_shared>> -> memref<10240x128xbf16, #tpu.memory_space<vmem_shared>>
      %dma_start3A_425 = tpu.memref_slice %arg10[%dma_start3A_414] : memref<8x!tpu.dma_semaphore, #tpu.memory_space<semaphore_mem>> -> memref<1x!tpu.dma_semaphore, #tpu.memory_space<semaphore_mem>>
      %dma_start3A_426 = tpu.memref_squeeze %dma_start3A_425 : memref<1x!tpu.dma_semaphore, #tpu.memory_space<semaphore_mem>> -> memref<!tpu.dma_semaphore, #tpu.memory_space<semaphore_mem>>
      tpu.enqueue_indirect_dma source(%dma_start3A_418 : memref<128x128xbf16, #tpu.memory_space<vmem>>) target(%dma_start3A_424 : memref<10240x128xbf16, #tpu.memory_space<vmem_shared>>) offsets(%dma_start3A_421 : memref<128xi32, #tpu.memory_space<vmem>>) semaphore(%dma_start3A_426 : memref<!tpu.dma_semaphore, #tpu.memory_space<semaphore_mem>>) {add = true}
      %mul3A_427 = arith.constant 8 : i32
      %mul3A_428 = arith.muli %scan3A_141, %mul3A_427 : i32
      %add3A_429 = arith.constant 6 : i32
      %add3A_430 = arith.addi %mul3A_428, %add3A_429 : i32
      %lt3A_431 = arith.constant 9 : i32
      %lt3A_432 = arith.cmpi slt, %scan3A_141, %lt3A_431 : i32
      %convert_element_type3A_433 = arith.extui %lt3A_432 : i1 to i32
      %cond3A_434 = arith.constant 0 : i32
      %cond3A_435 = arith.cmpi ne, %convert_element_type3A_433, %cond3A_434 : i32
      scf.if %cond3A_435 {
        %add3A_502 = arith.constant 4 : i32
        %add3A_503 = arith.addi %add3A_430, %add3A_502 : i32
        %sub3A = arith.constant 8 : i32
        %sub3A_504 = arith.subi %add3A_503, %sub3A : i32
        %dma_wait3A_505 = arith.constant 2 : i32
        %dma_wait3A_506 = arith.constant 2 : i32
        %dma_wait3A_507 = arith.constant 0 : i32
        %dma_wait3A_508 = arith.constant 0 : i32
        %dma_wait3A_509 = tpu.memref_slice %arg7[%dma_wait3A_505, %dma_wait3A_507, %dma_wait3A_508] : memref<8x128x128xbf16, #tpu.memory_space<vmem>> -> memref<1x128x128xbf16, #tpu.memory_space<vmem>>
        %dma_wait3A_510 = tpu.memref_squeeze %dma_wait3A_509 : memref<1x128x128xbf16, #tpu.memory_space<vmem>> -> memref<128x128xbf16, #tpu.memory_space<vmem>>
        %dma_wait3A_511 = arith.constant 0 : i32
        %dma_wait3A_512 = tpu.memref_slice %arg6[%sub3A_504, %dma_wait3A_511] : memref<80x128xi32, #tpu.memory_space<vmem>> -> memref<1x128xi32, #tpu.memory_space<vmem>>
        %dma_wait3A_513 = tpu.memref_squeeze %dma_wait3A_512 : memref<1x128xi32, #tpu.memory_space<vmem>> -> memref<128xi32, #tpu.memory_space<vmem>>
        %dma_wait3A_514 = arith.constant 0 : i32
        %dma_wait3A_515 = arith.constant 0 : i32
        %dma_wait3A_516 = tpu.memref_slice %arg8[%dma_wait3A_514, %dma_wait3A_515] : memref<10240x128xbf16, #tpu.memory_space<vmem_shared>> -> memref<10240x128xbf16, #tpu.memory_space<vmem_shared>>
        %dma_wait3A_517 = tpu.memref_slice %arg10[%dma_wait3A_506] : memref<8x!tpu.dma_semaphore, #tpu.memory_space<semaphore_mem>> -> memref<1x!tpu.dma_semaphore, #tpu.memory_space<semaphore_mem>>
        %dma_wait3A_518 = tpu.memref_squeeze %dma_wait3A_517 : memref<1x!tpu.dma_semaphore, #tpu.memory_space<semaphore_mem>> -> memref<!tpu.dma_semaphore, #tpu.memory_space<semaphore_mem>>
        tpu.wait_indirect_dma semaphore(%dma_wait3A_518 : memref<!tpu.dma_semaphore, #tpu.memory_space<semaphore_mem>>) src(%dma_wait3A_510 : memref<128x128xbf16, #tpu.memory_space<vmem>>) dst(%dma_wait3A_516 : memref<10240x128xbf16, #tpu.memory_space<vmem_shared>>)
        %add3A_519 = arith.constant 4 : i32
        %add3A_520 = arith.addi %add3A_430, %add3A_519 : i32
        %dma_start3A_521 = arith.constant 2 : i32
        %dma_start3A_522 = arith.constant 2 : i32
        %dma_start3A_523 = arith.constant 0 : i32
        %dma_start3A_524 = arith.constant 0 : i32
        %dma_start3A_525 = tpu.memref_slice %arg7[%dma_start3A_521, %dma_start3A_523, %dma_start3A_524] : memref<8x128x128xbf16, #tpu.memory_space<vmem>> -> memref<1x128x128xbf16, #tpu.memory_space<vmem>>
        %dma_start3A_526 = tpu.memref_squeeze %dma_start3A_525 : memref<1x128x128xbf16, #tpu.memory_space<vmem>> -> memref<128x128xbf16, #tpu.memory_space<vmem>>
        %dma_start3A_527 = arith.constant 0 : i32
        %dma_start3A_528 = tpu.memref_slice %arg5[%add3A_520, %dma_start3A_527] : memref<80x128xi32, #tpu.memory_space<vmem>> -> memref<1x128xi32, #tpu.memory_space<vmem>>
        %dma_start3A_529 = tpu.memref_squeeze %dma_start3A_528 : memref<1x128xi32, #tpu.memory_space<vmem>> -> memref<128xi32, #tpu.memory_space<vmem>>
        %dma_start3A_530 = arith.constant 0 : i32
        %dma_start3A_531 = arith.constant 0 : i32
        %dma_start3A_532 = tpu.memref_slice %arg2[%dma_start3A_530, %dma_start3A_531] : memref<20480x128xbf16, #tpu.memory_space<hbm>> -> memref<20480x128xbf16, #tpu.memory_space<hbm>>
        %dma_start3A_533 = tpu.memref_slice %arg9[%dma_start3A_522] : memref<8x!tpu.dma_semaphore, #tpu.memory_space<semaphore_mem>> -> memref<1x!tpu.dma_semaphore, #tpu.memory_space<semaphore_mem>>
        %dma_start3A_534 = tpu.memref_squeeze %dma_start3A_533 : memref<1x!tpu.dma_semaphore, #tpu.memory_space<semaphore_mem>> -> memref<!tpu.dma_semaphore, #tpu.memory_space<semaphore_mem>>
        tpu.enqueue_indirect_dma source(%dma_start3A_532 : memref<20480x128xbf16, #tpu.memory_space<hbm>>) target(%dma_start3A_526 : memref<128x128xbf16, #tpu.memory_space<vmem>>) offsets(%dma_start3A_529 : memref<128xi32, #tpu.memory_space<vmem>>) semaphore(%dma_start3A_534 : memref<!tpu.dma_semaphore, #tpu.memory_space<semaphore_mem>>)
      } else {
      }
      %dma_wait3A_436 = arith.constant 6 : i32
      %dma_wait3A_437 = arith.constant 6 : i32
      %dma_wait3A_438 = arith.constant 0 : i32
      %dma_wait3A_439 = arith.constant 0 : i32
      %dma_wait3A_440 = tpu.memref_slice %arg7[%dma_wait3A_436, %dma_wait3A_438, %dma_wait3A_439] : memref<8x128x128xbf16, #tpu.memory_space<vmem>> -> memref<1x128x128xbf16, #tpu.memory_space<vmem>>
      %dma_wait3A_441 = tpu.memref_squeeze %dma_wait3A_440 : memref<1x128x128xbf16, #tpu.memory_space<vmem>> -> memref<128x128xbf16, #tpu.memory_space<vmem>>
      %dma_wait3A_442 = arith.constant 0 : i32
      %dma_wait3A_443 = tpu.memref_slice %arg5[%add3A_430, %dma_wait3A_442] : memref<80x128xi32, #tpu.memory_space<vmem>> -> memref<1x128xi32, #tpu.memory_space<vmem>>
      %dma_wait3A_444 = tpu.memref_squeeze %dma_wait3A_443 : memref<1x128xi32, #tpu.memory_space<vmem>> -> memref<128xi32, #tpu.memory_space<vmem>>
      %dma_wait3A_445 = arith.constant 0 : i32
      %dma_wait3A_446 = arith.constant 0 : i32
      %dma_wait3A_447 = tpu.memref_slice %arg2[%dma_wait3A_445, %dma_wait3A_446] : memref<20480x128xbf16, #tpu.memory_space<hbm>> -> memref<20480x128xbf16, #tpu.memory_space<hbm>>
      %dma_wait3A_448 = tpu.memref_slice %arg9[%dma_wait3A_437] : memref<8x!tpu.dma_semaphore, #tpu.memory_space<semaphore_mem>> -> memref<1x!tpu.dma_semaphore, #tpu.memory_space<semaphore_mem>>
      %dma_wait3A_449 = tpu.memref_squeeze %dma_wait3A_448 : memref<1x!tpu.dma_semaphore, #tpu.memory_space<semaphore_mem>> -> memref<!tpu.dma_semaphore, #tpu.memory_space<semaphore_mem>>
      tpu.wait_indirect_dma semaphore(%dma_wait3A_449 : memref<!tpu.dma_semaphore, #tpu.memory_space<semaphore_mem>>) src(%dma_wait3A_447 : memref<20480x128xbf16, #tpu.memory_space<hbm>>) dst(%dma_wait3A_441 : memref<128x128xbf16, #tpu.memory_space<vmem>>)
      %dma_start3A_450 = arith.constant 6 : i32
      %dma_start3A_451 = arith.constant 6 : i32
      %dma_start3A_452 = arith.constant 0 : i32
      %dma_start3A_453 = arith.constant 0 : i32
      %dma_start3A_454 = tpu.memref_slice %arg7[%dma_start3A_450, %dma_start3A_452, %dma_start3A_453] : memref<8x128x128xbf16, #tpu.memory_space<vmem>> -> memref<1x128x128xbf16, #tpu.memory_space<vmem>>
      %dma_start3A_455 = tpu.memref_squeeze %dma_start3A_454 : memref<1x128x128xbf16, #tpu.memory_space<vmem>> -> memref<128x128xbf16, #tpu.memory_space<vmem>>
      %dma_start3A_456 = arith.constant 0 : i32
      %dma_start3A_457 = tpu.memref_slice %arg6[%add3A_430, %dma_start3A_456] : memref<80x128xi32, #tpu.memory_space<vmem>> -> memref<1x128xi32, #tpu.memory_space<vmem>>
      %dma_start3A_458 = tpu.memref_squeeze %dma_start3A_457 : memref<1x128xi32, #tpu.memory_space<vmem>> -> memref<128xi32, #tpu.memory_space<vmem>>
      %dma_start3A_459 = arith.constant 0 : i32
      %dma_start3A_460 = arith.constant 0 : i32
      %dma_start3A_461 = tpu.memref_slice %arg8[%dma_start3A_459, %dma_start3A_460] : memref<10240x128xbf16, #tpu.memory_space<vmem_shared>> -> memref<10240x128xbf16, #tpu.memory_space<vmem_shared>>
      %dma_start3A_462 = tpu.memref_slice %arg10[%dma_start3A_451] : memref<8x!tpu.dma_semaphore, #tpu.memory_space<semaphore_mem>> -> memref<1x!tpu.dma_semaphore, #tpu.memory_space<semaphore_mem>>
      %dma_start3A_463 = tpu.memref_squeeze %dma_start3A_462 : memref<1x!tpu.dma_semaphore, #tpu.memory_space<semaphore_mem>> -> memref<!tpu.dma_semaphore, #tpu.memory_space<semaphore_mem>>
      tpu.enqueue_indirect_dma source(%dma_start3A_455 : memref<128x128xbf16, #tpu.memory_space<vmem>>) target(%dma_start3A_461 : memref<10240x128xbf16, #tpu.memory_space<vmem_shared>>) offsets(%dma_start3A_458 : memref<128xi32, #tpu.memory_space<vmem>>) semaphore(%dma_start3A_463 : memref<!tpu.dma_semaphore, #tpu.memory_space<semaphore_mem>>) {add = true}
      %mul3A_464 = arith.constant 8 : i32
      %mul3A_465 = arith.muli %scan3A_141, %mul3A_464 : i32
      %add3A_466 = arith.constant 7 : i32
      %add3A_467 = arith.addi %mul3A_465, %add3A_466 : i32
      %lt3A_468 = arith.constant 9 : i32
      %lt3A_469 = arith.cmpi slt, %scan3A_141, %lt3A_468 : i32
      %convert_element_type3A_470 = arith.extui %lt3A_469 : i1 to i32
      %cond3A_471 = arith.constant 0 : i32
      %cond3A_472 = arith.cmpi ne, %convert_element_type3A_470, %cond3A_471 : i32
      scf.if %cond3A_472 {
        %add3A_502 = arith.constant 4 : i32
        %add3A_503 = arith.addi %add3A_467, %add3A_502 : i32
        %sub3A = arith.constant 8 : i32
        %sub3A_504 = arith.subi %add3A_503, %sub3A : i32
        %dma_wait3A_505 = arith.constant 3 : i32
        %dma_wait3A_506 = arith.constant 3 : i32
        %dma_wait3A_507 = arith.constant 0 : i32
        %dma_wait3A_508 = arith.constant 0 : i32
        %dma_wait3A_509 = tpu.memref_slice %arg7[%dma_wait3A_505, %dma_wait3A_507, %dma_wait3A_508] : memref<8x128x128xbf16, #tpu.memory_space<vmem>> -> memref<1x128x128xbf16, #tpu.memory_space<vmem>>
        %dma_wait3A_510 = tpu.memref_squeeze %dma_wait3A_509 : memref<1x128x128xbf16, #tpu.memory_space<vmem>> -> memref<128x128xbf16, #tpu.memory_space<vmem>>
        %dma_wait3A_511 = arith.constant 0 : i32
        %dma_wait3A_512 = tpu.memref_slice %arg6[%sub3A_504, %dma_wait3A_511] : memref<80x128xi32, #tpu.memory_space<vmem>> -> memref<1x128xi32, #tpu.memory_space<vmem>>
        %dma_wait3A_513 = tpu.memref_squeeze %dma_wait3A_512 : memref<1x128xi32, #tpu.memory_space<vmem>> -> memref<128xi32, #tpu.memory_space<vmem>>
        %dma_wait3A_514 = arith.constant 0 : i32
        %dma_wait3A_515 = arith.constant 0 : i32
        %dma_wait3A_516 = tpu.memref_slice %arg8[%dma_wait3A_514, %dma_wait3A_515] : memref<10240x128xbf16, #tpu.memory_space<vmem_shared>> -> memref<10240x128xbf16, #tpu.memory_space<vmem_shared>>
        %dma_wait3A_517 = tpu.memref_slice %arg10[%dma_wait3A_506] : memref<8x!tpu.dma_semaphore, #tpu.memory_space<semaphore_mem>> -> memref<1x!tpu.dma_semaphore, #tpu.memory_space<semaphore_mem>>
        %dma_wait3A_518 = tpu.memref_squeeze %dma_wait3A_517 : memref<1x!tpu.dma_semaphore, #tpu.memory_space<semaphore_mem>> -> memref<!tpu.dma_semaphore, #tpu.memory_space<semaphore_mem>>
        tpu.wait_indirect_dma semaphore(%dma_wait3A_518 : memref<!tpu.dma_semaphore, #tpu.memory_space<semaphore_mem>>) src(%dma_wait3A_510 : memref<128x128xbf16, #tpu.memory_space<vmem>>) dst(%dma_wait3A_516 : memref<10240x128xbf16, #tpu.memory_space<vmem_shared>>)
        %add3A_519 = arith.constant 4 : i32
        %add3A_520 = arith.addi %add3A_467, %add3A_519 : i32
        %dma_start3A_521 = arith.constant 3 : i32
        %dma_start3A_522 = arith.constant 3 : i32
        %dma_start3A_523 = arith.constant 0 : i32
        %dma_start3A_524 = arith.constant 0 : i32
        %dma_start3A_525 = tpu.memref_slice %arg7[%dma_start3A_521, %dma_start3A_523, %dma_start3A_524] : memref<8x128x128xbf16, #tpu.memory_space<vmem>> -> memref<1x128x128xbf16, #tpu.memory_space<vmem>>
        %dma_start3A_526 = tpu.memref_squeeze %dma_start3A_525 : memref<1x128x128xbf16, #tpu.memory_space<vmem>> -> memref<128x128xbf16, #tpu.memory_space<vmem>>
        %dma_start3A_527 = arith.constant 0 : i32
        %dma_start3A_528 = tpu.memref_slice %arg5[%add3A_520, %dma_start3A_527] : memref<80x128xi32, #tpu.memory_space<vmem>> -> memref<1x128xi32, #tpu.memory_space<vmem>>
        %dma_start3A_529 = tpu.memref_squeeze %dma_start3A_528 : memref<1x128xi32, #tpu.memory_space<vmem>> -> memref<128xi32, #tpu.memory_space<vmem>>
        %dma_start3A_530 = arith.constant 0 : i32
        %dma_start3A_531 = arith.constant 0 : i32
        %dma_start3A_532 = tpu.memref_slice %arg2[%dma_start3A_530, %dma_start3A_531] : memref<20480x128xbf16, #tpu.memory_space<hbm>> -> memref<20480x128xbf16, #tpu.memory_space<hbm>>
        %dma_start3A_533 = tpu.memref_slice %arg9[%dma_start3A_522] : memref<8x!tpu.dma_semaphore, #tpu.memory_space<semaphore_mem>> -> memref<1x!tpu.dma_semaphore, #tpu.memory_space<semaphore_mem>>
        %dma_start3A_534 = tpu.memref_squeeze %dma_start3A_533 : memref<1x!tpu.dma_semaphore, #tpu.memory_space<semaphore_mem>> -> memref<!tpu.dma_semaphore, #tpu.memory_space<semaphore_mem>>
        tpu.enqueue_indirect_dma source(%dma_start3A_532 : memref<20480x128xbf16, #tpu.memory_space<hbm>>) target(%dma_start3A_526 : memref<128x128xbf16, #tpu.memory_space<vmem>>) offsets(%dma_start3A_529 : memref<128xi32, #tpu.memory_space<vmem>>) semaphore(%dma_start3A_534 : memref<!tpu.dma_semaphore, #tpu.memory_space<semaphore_mem>>)
      } else {
      }
      %dma_wait3A_473 = arith.constant 7 : i32
      %dma_wait3A_474 = arith.constant 7 : i32
      %dma_wait3A_475 = arith.constant 0 : i32
      %dma_wait3A_476 = arith.constant 0 : i32
      %dma_wait3A_477 = tpu.memref_slice %arg7[%dma_wait3A_473, %dma_wait3A_475, %dma_wait3A_476] : memref<8x128x128xbf16, #tpu.memory_space<vmem>> -> memref<1x128x128xbf16, #tpu.memory_space<vmem>>
      %dma_wait3A_478 = tpu.memref_squeeze %dma_wait3A_477 : memref<1x128x128xbf16, #tpu.memory_space<vmem>> -> memref<128x128xbf16, #tpu.memory_space<vmem>>
      %dma_wait3A_479 = arith.constant 0 : i32
      %dma_wait3A_480 = tpu.memref_slice %arg5[%add3A_467, %dma_wait3A_479] : memref<80x128xi32, #tpu.memory_space<vmem>> -> memref<1x128xi32, #tpu.memory_space<vmem>>
      %dma_wait3A_481 = tpu.memref_squeeze %dma_wait3A_480 : memref<1x128xi32, #tpu.memory_space<vmem>> -> memref<128xi32, #tpu.memory_space<vmem>>
      %dma_wait3A_482 = arith.constant 0 : i32
      %dma_wait3A_483 = arith.constant 0 : i32
      %dma_wait3A_484 = tpu.memref_slice %arg2[%dma_wait3A_482, %dma_wait3A_483] : memref<20480x128xbf16, #tpu.memory_space<hbm>> -> memref<20480x128xbf16, #tpu.memory_space<hbm>>
      %dma_wait3A_485 = tpu.memref_slice %arg9[%dma_wait3A_474] : memref<8x!tpu.dma_semaphore, #tpu.memory_space<semaphore_mem>> -> memref<1x!tpu.dma_semaphore, #tpu.memory_space<semaphore_mem>>
      %dma_wait3A_486 = tpu.memref_squeeze %dma_wait3A_485 : memref<1x!tpu.dma_semaphore, #tpu.memory_space<semaphore_mem>> -> memref<!tpu.dma_semaphore, #tpu.memory_space<semaphore_mem>>
      tpu.wait_indirect_dma semaphore(%dma_wait3A_486 : memref<!tpu.dma_semaphore, #tpu.memory_space<semaphore_mem>>) src(%dma_wait3A_484 : memref<20480x128xbf16, #tpu.memory_space<hbm>>) dst(%dma_wait3A_478 : memref<128x128xbf16, #tpu.memory_space<vmem>>)
      %dma_start3A_487 = arith.constant 7 : i32
      %dma_start3A_488 = arith.constant 7 : i32
      %dma_start3A_489 = arith.constant 0 : i32
      %dma_start3A_490 = arith.constant 0 : i32
      %dma_start3A_491 = tpu.memref_slice %arg7[%dma_start3A_487, %dma_start3A_489, %dma_start3A_490] : memref<8x128x128xbf16, #tpu.memory_space<vmem>> -> memref<1x128x128xbf16, #tpu.memory_space<vmem>>
      %dma_start3A_492 = tpu.memref_squeeze %dma_start3A_491 : memref<1x128x128xbf16, #tpu.memory_space<vmem>> -> memref<128x128xbf16, #tpu.memory_space<vmem>>
      %dma_start3A_493 = arith.constant 0 : i32
      %dma_start3A_494 = tpu.memref_slice %arg6[%add3A_467, %dma_start3A_493] : memref<80x128xi32, #tpu.memory_space<vmem>> -> memref<1x128xi32, #tpu.memory_space<vmem>>
      %dma_start3A_495 = tpu.memref_squeeze %dma_start3A_494 : memref<1x128xi32, #tpu.memory_space<vmem>> -> memref<128xi32, #tpu.memory_space<vmem>>
      %dma_start3A_496 = arith.constant 0 : i32
      %dma_start3A_497 = arith.constant 0 : i32
      %dma_start3A_498 = tpu.memref_slice %arg8[%dma_start3A_496, %dma_start3A_497] : memref<10240x128xbf16, #tpu.memory_space<vmem_shared>> -> memref<10240x128xbf16, #tpu.memory_space<vmem_shared>>
      %dma_start3A_499 = tpu.memref_slice %arg10[%dma_start3A_488] : memref<8x!tpu.dma_semaphore, #tpu.memory_space<semaphore_mem>> -> memref<1x!tpu.dma_semaphore, #tpu.memory_space<semaphore_mem>>
      %dma_start3A_500 = tpu.memref_squeeze %dma_start3A_499 : memref<1x!tpu.dma_semaphore, #tpu.memory_space<semaphore_mem>> -> memref<!tpu.dma_semaphore, #tpu.memory_space<semaphore_mem>>
      tpu.enqueue_indirect_dma source(%dma_start3A_492 : memref<128x128xbf16, #tpu.memory_space<vmem>>) target(%dma_start3A_498 : memref<10240x128xbf16, #tpu.memory_space<vmem_shared>>) offsets(%dma_start3A_495 : memref<128xi32, #tpu.memory_space<vmem>>) semaphore(%dma_start3A_500 : memref<!tpu.dma_semaphore, #tpu.memory_space<semaphore_mem>>) {add = true}
      %scan3A_501 = arith.constant 0 : i32
      scf.yield %scan3A_501 : i32
    }
    %scan3A_76 = arith.constant 10 : i32
    %dma_wait3A = arith.constant 4 : i32
    %dma_wait3A_77 = arith.constant 76 : i32
    %dma_wait3A_78 = arith.constant 4 : i32
    %dma_wait3A_79 = arith.constant 0 : i32
    %dma_wait3A_80 = arith.constant 0 : i32
    %dma_wait3A_81 = tpu.memref_slice %arg7[%dma_wait3A, %dma_wait3A_79, %dma_wait3A_80] : memref<8x128x128xbf16, #tpu.memory_space<vmem>> -> memref<1x128x128xbf16, #tpu.memory_space<vmem>>
    %dma_wait3A_82 = tpu.memref_squeeze %dma_wait3A_81 : memref<1x128x128xbf16, #tpu.memory_space<vmem>> -> memref<128x128xbf16, #tpu.memory_space<vmem>>
    %dma_wait3A_83 = arith.constant 0 : i32
    %dma_wait3A_84 = tpu.memref_slice %arg6[%dma_wait3A_77, %dma_wait3A_83] : memref<80x128xi32, #tpu.memory_space<vmem>> -> memref<1x128xi32, #tpu.memory_space<vmem>>
    %dma_wait3A_85 = tpu.memref_squeeze %dma_wait3A_84 : memref<1x128xi32, #tpu.memory_space<vmem>> -> memref<128xi32, #tpu.memory_space<vmem>>
    %dma_wait3A_86 = arith.constant 0 : i32
    %dma_wait3A_87 = arith.constant 0 : i32
    %dma_wait3A_88 = tpu.memref_slice %arg8[%dma_wait3A_86, %dma_wait3A_87] : memref<10240x128xbf16, #tpu.memory_space<vmem_shared>> -> memref<10240x128xbf16, #tpu.memory_space<vmem_shared>>
    %dma_wait3A_89 = tpu.memref_slice %arg10[%dma_wait3A_78] : memref<8x!tpu.dma_semaphore, #tpu.memory_space<semaphore_mem>> -> memref<1x!tpu.dma_semaphore, #tpu.memory_space<semaphore_mem>>
    %dma_wait3A_90 = tpu.memref_squeeze %dma_wait3A_89 : memref<1x!tpu.dma_semaphore, #tpu.memory_space<semaphore_mem>> -> memref<!tpu.dma_semaphore, #tpu.memory_space<semaphore_mem>>
    tpu.wait_indirect_dma semaphore(%dma_wait3A_90 : memref<!tpu.dma_semaphore, #tpu.memory_space<semaphore_mem>>) src(%dma_wait3A_82 : memref<128x128xbf16, #tpu.memory_space<vmem>>) dst(%dma_wait3A_88 : memref<10240x128xbf16, #tpu.memory_space<vmem_shared>>)
    %dma_wait3A_91 = arith.constant 5 : i32
    %dma_wait3A_92 = arith.constant 77 : i32
    %dma_wait3A_93 = arith.constant 5 : i32
    %dma_wait3A_94 = arith.constant 0 : i32
    %dma_wait3A_95 = arith.constant 0 : i32
    %dma_wait3A_96 = tpu.memref_slice %arg7[%dma_wait3A_91, %dma_wait3A_94, %dma_wait3A_95] : memref<8x128x128xbf16, #tpu.memory_space<vmem>> -> memref<1x128x128xbf16, #tpu.memory_space<vmem>>
    %dma_wait3A_97 = tpu.memref_squeeze %dma_wait3A_96 : memref<1x128x128xbf16, #tpu.memory_space<vmem>> -> memref<128x128xbf16, #tpu.memory_space<vmem>>
    %dma_wait3A_98 = arith.constant 0 : i32
    %dma_wait3A_99 = tpu.memref_slice %arg6[%dma_wait3A_92, %dma_wait3A_98] : memref<80x128xi32, #tpu.memory_space<vmem>> -> memref<1x128xi32, #tpu.memory_space<vmem>>
    %dma_wait3A_100 = tpu.memref_squeeze %dma_wait3A_99 : memref<1x128xi32, #tpu.memory_space<vmem>> -> memref<128xi32, #tpu.memory_space<vmem>>
    %dma_wait3A_101 = arith.constant 0 : i32
    %dma_wait3A_102 = arith.constant 0 : i32
    %dma_wait3A_103 = tpu.memref_slice %arg8[%dma_wait3A_101, %dma_wait3A_102] : memref<10240x128xbf16, #tpu.memory_space<vmem_shared>> -> memref<10240x128xbf16, #tpu.memory_space<vmem_shared>>
    %dma_wait3A_104 = tpu.memref_slice %arg10[%dma_wait3A_93] : memref<8x!tpu.dma_semaphore, #tpu.memory_space<semaphore_mem>> -> memref<1x!tpu.dma_semaphore, #tpu.memory_space<semaphore_mem>>
    %dma_wait3A_105 = tpu.memref_squeeze %dma_wait3A_104 : memref<1x!tpu.dma_semaphore, #tpu.memory_space<semaphore_mem>> -> memref<!tpu.dma_semaphore, #tpu.memory_space<semaphore_mem>>
    tpu.wait_indirect_dma semaphore(%dma_wait3A_105 : memref<!tpu.dma_semaphore, #tpu.memory_space<semaphore_mem>>) src(%dma_wait3A_97 : memref<128x128xbf16, #tpu.memory_space<vmem>>) dst(%dma_wait3A_103 : memref<10240x128xbf16, #tpu.memory_space<vmem_shared>>)
    %dma_wait3A_106 = arith.constant 6 : i32
    %dma_wait3A_107 = arith.constant 78 : i32
    %dma_wait3A_108 = arith.constant 6 : i32
    %dma_wait3A_109 = arith.constant 0 : i32
    %dma_wait3A_110 = arith.constant 0 : i32
    %dma_wait3A_111 = tpu.memref_slice %arg7[%dma_wait3A_106, %dma_wait3A_109, %dma_wait3A_110] : memref<8x128x128xbf16, #tpu.memory_space<vmem>> -> memref<1x128x128xbf16, #tpu.memory_space<vmem>>
    %dma_wait3A_112 = tpu.memref_squeeze %dma_wait3A_111 : memref<1x128x128xbf16, #tpu.memory_space<vmem>> -> memref<128x128xbf16, #tpu.memory_space<vmem>>
    %dma_wait3A_113 = arith.constant 0 : i32
    %dma_wait3A_114 = tpu.memref_slice %arg6[%dma_wait3A_107, %dma_wait3A_113] : memref<80x128xi32, #tpu.memory_space<vmem>> -> memref<1x128xi32, #tpu.memory_space<vmem>>
    %dma_wait3A_115 = tpu.memref_squeeze %dma_wait3A_114 : memref<1x128xi32, #tpu.memory_space<vmem>> -> memref<128xi32, #tpu.memory_space<vmem>>
    %dma_wait3A_116 = arith.constant 0 : i32
    %dma_wait3A_117 = arith.constant 0 : i32
    %dma_wait3A_118 = tpu.memref_slice %arg8[%dma_wait3A_116, %dma_wait3A_117] : memref<10240x128xbf16, #tpu.memory_space<vmem_shared>> -> memref<10240x128xbf16, #tpu.memory_space<vmem_shared>>
    %dma_wait3A_119 = tpu.memref_slice %arg10[%dma_wait3A_108] : memref<8x!tpu.dma_semaphore, #tpu.memory_space<semaphore_mem>> -> memref<1x!tpu.dma_semaphore, #tpu.memory_space<semaphore_mem>>
    %dma_wait3A_120 = tpu.memref_squeeze %dma_wait3A_119 : memref<1x!tpu.dma_semaphore, #tpu.memory_space<semaphore_mem>> -> memref<!tpu.dma_semaphore, #tpu.memory_space<semaphore_mem>>
    tpu.wait_indirect_dma semaphore(%dma_wait3A_120 : memref<!tpu.dma_semaphore, #tpu.memory_space<semaphore_mem>>) src(%dma_wait3A_112 : memref<128x128xbf16, #tpu.memory_space<vmem>>) dst(%dma_wait3A_118 : memref<10240x128xbf16, #tpu.memory_space<vmem_shared>>)
    %dma_wait3A_121 = arith.constant 7 : i32
    %dma_wait3A_122 = arith.constant 79 : i32
    %dma_wait3A_123 = arith.constant 7 : i32
    %dma_wait3A_124 = arith.constant 0 : i32
    %dma_wait3A_125 = arith.constant 0 : i32
    %dma_wait3A_126 = tpu.memref_slice %arg7[%dma_wait3A_121, %dma_wait3A_124, %dma_wait3A_125] : memref<8x128x128xbf16, #tpu.memory_space<vmem>> -> memref<1x128x128xbf16, #tpu.memory_space<vmem>>
    %dma_wait3A_127 = tpu.memref_squeeze %dma_wait3A_126 : memref<1x128x128xbf16, #tpu.memory_space<vmem>> -> memref<128x128xbf16, #tpu.memory_space<vmem>>
    %dma_wait3A_128 = arith.constant 0 : i32
    %dma_wait3A_129 = tpu.memref_slice %arg6[%dma_wait3A_122, %dma_wait3A_128] : memref<80x128xi32, #tpu.memory_space<vmem>> -> memref<1x128xi32, #tpu.memory_space<vmem>>
    %dma_wait3A_130 = tpu.memref_squeeze %dma_wait3A_129 : memref<1x128xi32, #tpu.memory_space<vmem>> -> memref<128xi32, #tpu.memory_space<vmem>>
    %dma_wait3A_131 = arith.constant 0 : i32
    %dma_wait3A_132 = arith.constant 0 : i32
    %dma_wait3A_133 = tpu.memref_slice %arg8[%dma_wait3A_131, %dma_wait3A_132] : memref<10240x128xbf16, #tpu.memory_space<vmem_shared>> -> memref<10240x128xbf16, #tpu.memory_space<vmem_shared>>
    %dma_wait3A_134 = tpu.memref_slice %arg10[%dma_wait3A_123] : memref<8x!tpu.dma_semaphore, #tpu.memory_space<semaphore_mem>> -> memref<1x!tpu.dma_semaphore, #tpu.memory_space<semaphore_mem>>
    %dma_wait3A_135 = tpu.memref_squeeze %dma_wait3A_134 : memref<1x!tpu.dma_semaphore, #tpu.memory_space<semaphore_mem>> -> memref<!tpu.dma_semaphore, #tpu.memory_space<semaphore_mem>>
    tpu.wait_indirect_dma semaphore(%dma_wait3A_135 : memref<!tpu.dma_semaphore, #tpu.memory_space<semaphore_mem>>) src(%dma_wait3A_127 : memref<128x128xbf16, #tpu.memory_space<vmem>>) dst(%dma_wait3A_133 : memref<10240x128xbf16, #tpu.memory_space<vmem_shared>>)
    %barrier3A_136 = arith.constant 0 : index
    tpu.barrier barrier_id(%barrier3A_136)
    %mul3A_137 = arith.constant 640 : i32
    %mul3A_138 = arith.muli %arg1, %mul3A_137 : i32
    %mul3A_139 = arith.constant 640 : i32
    %mul3A_140 = arith.muli %arg1, %mul3A_139 : i32
    "tpu.region"() ({
      %run_scoped3A_141 = tpu.sem_alloc : memref<!tpu.dma_semaphore, #tpu.memory_space<semaphore_mem>>
      %dma_start3A_142 = arith.constant 0 : i32
      %dma_start3A_143 = tpu.memref_slice %arg4[%arg0, %mul3A_140, %dma_start3A_142] : memref<2x10240x128xbf16, #tpu.memory_space<hbm>> -> memref<1x640x128xbf16, #tpu.memory_space<hbm>>
      %dma_start3A_144 = tpu.memref_squeeze %dma_start3A_143 : memref<1x640x128xbf16, #tpu.memory_space<hbm>> -> memref<640x128xbf16, #tpu.memory_space<hbm>>
      %dma_start3A_145 = arith.constant 0 : i32
      %dma_start3A_146 = tpu.memref_slice %arg8[%mul3A_138, %dma_start3A_145] : memref<10240x128xbf16, #tpu.memory_space<vmem_shared>> -> memref<640x128xbf16, #tpu.memory_space<vmem_shared>>
      tpu.enqueue_dma source(%dma_start3A_146 : memref<640x128xbf16, #tpu.memory_space<vmem_shared>>) target(%dma_start3A_144 : memref<640x128xbf16, #tpu.memory_space<hbm>>) target_semaphore(%run_scoped3A_141 : memref<!tpu.dma_semaphore, #tpu.memory_space<semaphore_mem>>)
      %dma_wait3A_147 = arith.constant 0 : i32
      %dma_wait3A_148 = tpu.memref_slice %arg4[%arg0, %mul3A_140, %dma_wait3A_147] : memref<2x10240x128xbf16, #tpu.memory_space<hbm>> -> memref<1x640x128xbf16, #tpu.memory_space<hbm>>
      %dma_wait3A_149 = tpu.memref_squeeze %dma_wait3A_148 : memref<1x640x128xbf16, #tpu.memory_space<hbm>> -> memref<640x128xbf16, #tpu.memory_space<hbm>>
      %dma_wait3A_150 = arith.constant 0 : i32
      %dma_wait3A_151 = tpu.memref_slice %arg8[%mul3A_138, %dma_wait3A_150] : memref<10240x128xbf16, #tpu.memory_space<vmem_shared>> -> memref<640x128xbf16, #tpu.memory_space<vmem_shared>>
      tpu.wait_dma2 semaphore(%run_scoped3A_141 : memref<!tpu.dma_semaphore, #tpu.memory_space<semaphore_mem>>) src(%dma_wait3A_151 : memref<640x128xbf16, #tpu.memory_space<vmem_shared>>) dst(%dma_wait3A_149 : memref<640x128xbf16, #tpu.memory_space<hbm>>)
      tpu.yield
    }) : () -> ()
    return
  }
}

module attributes {stable_mosaic.version = 14 : i64} {
  func.func @_mm1_body(%arg0: i32, %arg1: memref<2048x256xf32, #tpu.memory_space<vmem>>, %arg2: memref<256x256xf32, #tpu.memory_space<vmem>>, %arg3: memref<2x2048x16xf32, #tpu.memory_space<vmem>>, %arg4: memref<2x2048x128xbf16, #tpu.memory_space<vmem>>) attributes {dimension_semantics = [#tpu.dimension_semantics<arbitrary>], iteration_bounds = array<i64: 5>, scalar_prefetch = 0 : i64, scratch_operands = 0 : i64, tpu.core_type = #tpu.core_type<tc>, window_params = [{transform_indices = @transform_0, window_bounds = array<i64: 2048, 256>}, {pipeline_mode = #tpu.pipeline_mode<synchronous>, transform_indices = @transform_1, window_bounds = array<i64: 256, 256>}, {transform_indices = @transform_2, window_bounds = array<i64: 2, 2048, 16>}, {transform_indices = @transform_3, window_bounds = array<i64: 2, 2048, 128>}]} {
    %get3A = arith.constant 0 : index
    %get3A_0 = arith.constant 0 : index
    %get3A_1 = arith.constant 0 : index
    %get3A_2 = vector.load %arg3[%get3A, %get3A_0, %get3A_1] : memref<2x2048x16xf32, #tpu.memory_space<vmem>>, vector<1x2048x1xf32>
    %get3A_3 = vector.shape_cast %get3A_2 : vector<1x2048x1xf32> to vector<2048xf32>
    %get3A_4 = arith.constant 1 : index
    %get3A_5 = arith.constant 0 : index
    %get3A_6 = arith.constant 0 : index
    %get3A_7 = vector.load %arg3[%get3A_4, %get3A_5, %get3A_6] : memref<2x2048x16xf32, #tpu.memory_space<vmem>>, vector<1x2048x1xf32>
    %get3A_8 = vector.shape_cast %get3A_7 : vector<1x2048x1xf32> to vector<2048xf32>
    %add3A = arith.addf %get3A_3, %get3A_8 : vector<2048xf32>
    %rsqrt3A = math.rsqrt %add3A : vector<2048xf32>
    %broadcast_in_dim3A = vector.shape_cast %rsqrt3A : vector<2048xf32> to vector<2048x1xf32>
    %get3A_9 = arith.constant 0 : index
    %get3A_10 = arith.constant 0 : index
    %get3A_11 = vector.load %arg1[%get3A_9, %get3A_10] : memref<2048x256xf32, #tpu.memory_space<vmem>>, vector<2048x256xf32>
    %convert_element_type3A = arith.truncf %get3A_11 : vector<2048x256xf32> to vector<2048x256xbf16>
    %get3A_12 = arith.constant 0 : index
    %get3A_13 = arith.constant 0 : index
    %get3A_14 = vector.load %arg2[%get3A_12, %get3A_13] : memref<256x256xf32, #tpu.memory_space<vmem>>, vector<256x256xf32>
    %convert_element_type3A_15 = arith.truncf %get3A_14 : vector<256x256xf32> to vector<256x256xbf16>
    %dot_general3A = arith.constant dense<0.000000e+00> : vector<2048x256xf32>
    %dot_general3A_16 = tpu.matmul %convert_element_type3A, %convert_element_type3A_15, %dot_general3A {dimension_numbers = #tpu.dot_dimension_numbers<[1], [0], [0], [1], [0, 0, 1, 1], [], []>, transpose_lhs_hint = false} : vector<2048x256xbf16>, vector<256x256xbf16>, vector<2048x256xf32> -> vector<2048x256xf32>
    %mul3A = vector.broadcast %broadcast_in_dim3A : vector<2048x1xf32> to vector<2048x256xf32>
    %mul3A_17 = arith.mulf %dot_general3A_16, %mul3A : vector<2048x256xf32>
    %convert_element_type3A_18 = arith.truncf %mul3A_17 : vector<2048x256xf32> to vector<2048x256xbf16>
    %slice3A = vector.extract_strided_slice %convert_element_type3A_18 {offsets = [0, 0], sizes = [2048, 128], strides = [1, 1]} : vector<2048x256xbf16> to vector<2048x128xbf16>
    %swap3A = arith.constant 0 : index
    %swap3A_19 = arith.constant 0 : index
    %swap3A_20 = arith.constant 0 : index
    %swap3A_21 = vector.load %arg4[%swap3A, %swap3A_19, %swap3A_20] : memref<2x2048x128xbf16, #tpu.memory_space<vmem>>, vector<1x2048x128xbf16>
    %swap3A_22 = vector.shape_cast %swap3A_21 : vector<1x2048x128xbf16> to vector<2048x128xbf16>
    %swap3A_23 = vector.shape_cast %slice3A : vector<2048x128xbf16> to vector<1x2048x128xbf16>
    tpu.vector_store %arg4[%swap3A, %swap3A_19, %swap3A_20], %swap3A_23 {strides = array<i32>} : memref<2x2048x128xbf16, #tpu.memory_space<vmem>>, vector<1x2048x128xbf16>,
    %slice3A_24 = vector.extract_strided_slice %convert_element_type3A_18 {offsets = [0, 128], sizes = [2048, 128], strides = [1, 1]} : vector<2048x256xbf16> to vector<2048x128xbf16>
    %swap3A_25 = arith.constant 1 : index
    %swap3A_26 = arith.constant 0 : index
    %swap3A_27 = arith.constant 0 : index
    %swap3A_28 = vector.load %arg4[%swap3A_25, %swap3A_26, %swap3A_27] : memref<2x2048x128xbf16, #tpu.memory_space<vmem>>, vector<1x2048x128xbf16>
    %swap3A_29 = vector.shape_cast %swap3A_28 : vector<1x2048x128xbf16> to vector<2048x128xbf16>
    %swap3A_30 = vector.shape_cast %slice3A_24 : vector<2048x128xbf16> to vector<1x2048x128xbf16>
    tpu.vector_store %arg4[%swap3A_25, %swap3A_26, %swap3A_27], %swap3A_30 {strides = array<i32>} : memref<2x2048x128xbf16, #tpu.memory_space<vmem>>, vector<1x2048x128xbf16>,
    return
  }
  func.func @transform_0(%arg0: i32) -> (i32, i32) {
    %c0_i32 = arith.constant 0 : i32
    %c0_i32_0 = arith.constant 0 : i32
    return %arg0, %c0_i32 : i32, i32
  }
  func.func @transform_1(%arg0: i32) -> (i32, i32) {
    %c0_i32 = arith.constant 0 : i32
    %c0_i32_0 = arith.constant 0 : i32
    %c0_i32_1 = arith.constant 0 : i32
    return %c0_i32, %c0_i32_0 : i32, i32
  }
  func.func @transform_2(%arg0: i32) -> (i32, i32, i32) {
    %c0_i32 = arith.constant 0 : i32
    %c0_i32_0 = arith.constant 0 : i32
    %c0_i32_1 = arith.constant 0 : i32
    return %c0_i32, %arg0, %c0_i32_0 : i32, i32, i32
  }
  func.func @transform_3(%arg0: i32) -> (i32, i32, i32) {
    %c0_i32 = arith.constant 0 : i32
    %c0_i32_0 = arith.constant 0 : i32
    %c0_i32_1 = arith.constant 0 : i32
    return %c0_i32, %arg0, %c0_i32_0 : i32, i32, i32
  }
}

module attributes {stable_mosaic.version = 14 : i64} {
  func.func @_mm2_body(%arg0: i32, %arg1: memref<2x2048x128xbf16, #tpu.memory_space<vmem>>, %arg2: memref<2x2048x16xf32, #tpu.memory_space<vmem>>, %arg3: memref<256x16xf32, #tpu.memory_space<vmem>>, %arg4: memref<1x256xf32, #tpu.memory_space<vmem>>, %arg5: memref<2048x16xf32, #tpu.memory_space<vmem>>) attributes {dimension_semantics = [#tpu.dimension_semantics<arbitrary>], iteration_bounds = array<i64: 5>, scalar_prefetch = 0 : i64, scratch_operands = 0 : i64, tpu.core_type = #tpu.core_type<tc>, window_params = [{transform_indices = @transform_0, window_bounds = array<i64: 2, 2048, 128>}, {transform_indices = @transform_1, window_bounds = array<i64: 2, 2048, 16>}, {pipeline_mode = #tpu.pipeline_mode<synchronous>, transform_indices = @transform_2, window_bounds = array<i64: 256, 16>}, {pipeline_mode = #tpu.pipeline_mode<synchronous>, transform_indices = @transform_3, window_bounds = array<i64: 1, 256>}, {transform_indices = @transform_4, window_bounds = array<i64: 2048, 16>}]} {
    %get3A = arith.constant 0 : index
    %get3A_0 = arith.constant 0 : index
    %get3A_1 = arith.constant 0 : index
    %get3A_2 = vector.load %arg2[%get3A, %get3A_0, %get3A_1] : memref<2x2048x16xf32, #tpu.memory_space<vmem>>, vector<1x2048x1xf32>
    %get3A_3 = vector.shape_cast %get3A_2 : vector<1x2048x1xf32> to vector<2048xf32>
    %get3A_4 = arith.constant 1 : index
    %get3A_5 = arith.constant 0 : index
    %get3A_6 = arith.constant 0 : index
    %get3A_7 = vector.load %arg2[%get3A_4, %get3A_5, %get3A_6] : memref<2x2048x16xf32, #tpu.memory_space<vmem>>, vector<1x2048x1xf32>
    %get3A_8 = vector.shape_cast %get3A_7 : vector<1x2048x1xf32> to vector<2048xf32>
    %add3A = arith.addf %get3A_3, %get3A_8 : vector<2048xf32>
    %rsqrt3A = math.rsqrt %add3A : vector<2048xf32>
    %broadcast_in_dim3A = vector.shape_cast %rsqrt3A : vector<2048xf32> to vector<2048x1xf32>
    %get3A_9 = arith.constant 0 : index
    %get3A_10 = arith.constant 0 : index
    %get3A_11 = arith.constant 0 : index
    %get3A_12 = vector.load %arg1[%get3A_9, %get3A_10, %get3A_11] : memref<2x2048x128xbf16, #tpu.memory_space<vmem>>, vector<1x2048x128xbf16>
    %get3A_13 = vector.shape_cast %get3A_12 : vector<1x2048x128xbf16> to vector<2048x128xbf16>
    %get3A_14 = arith.constant 1 : index
    %get3A_15 = arith.constant 0 : index
    %get3A_16 = arith.constant 0 : index
    %get3A_17 = vector.load %arg1[%get3A_14, %get3A_15, %get3A_16] : memref<2x2048x128xbf16, #tpu.memory_space<vmem>>, vector<1x2048x128xbf16>
    %get3A_18 = vector.shape_cast %get3A_17 : vector<1x2048x128xbf16> to vector<2048x128xbf16>
    %concatenate3A = tpu.concatenate %get3A_13, %get3A_18 in 1 : vector<2048x128xbf16>, vector<2048x128xbf16> -> vector<2048x256xbf16>
    %convert_element_type3A = arith.extf %concatenate3A : vector<2048x256xbf16> to vector<2048x256xf32>
    %mul3A = vector.broadcast %broadcast_in_dim3A : vector<2048x1xf32> to vector<2048x256xf32>
    %mul3A_19 = arith.mulf %convert_element_type3A, %mul3A : vector<2048x256xf32>
    %get3A_20 = arith.constant 0 : index
    %get3A_21 = arith.constant 0 : index
    %get3A_22 = vector.load %arg4[%get3A_20, %get3A_21] : memref<1x256xf32, #tpu.memory_space<vmem>>, vector<1x256xf32>
    %add3A_23 = vector.broadcast %get3A_22 : vector<1x256xf32> to vector<2048x256xf32>
    %add3A_24 = arith.addf %mul3A_19, %add3A_23 : vector<2048x256xf32>
    %max3A = arith.constant 0.000000e+00 : f32
    %max3A_25 = vector.broadcast %max3A : f32 to vector<2048x256xf32>
    %max3A_26 = arith.maximumf %add3A_24, %max3A_25 : vector<2048x256xf32>
    %convert_element_type3A_27 = arith.truncf %max3A_26 : vector<2048x256xf32> to vector<2048x256xbf16>
    %get3A_28 = arith.constant 0 : index
    %get3A_29 = arith.constant 0 : index
    %get3A_30 = vector.load %arg3[%get3A_28, %get3A_29] : memref<256x16xf32, #tpu.memory_space<vmem>>, vector<256x16xf32>
    %convert_element_type3A_31 = arith.truncf %get3A_30 : vector<256x16xf32> to vector<256x16xbf16>
    %dot_general3A = arith.constant dense<0.000000e+00> : vector<2048x16xf32>
    %dot_general3A_32 = tpu.matmul %convert_element_type3A_27, %convert_element_type3A_31, %dot_general3A {dimension_numbers = #tpu.dot_dimension_numbers<[1], [0], [0], [1], [0, 0, 1, 1], [], []>, transpose_lhs_hint = false} : vector<2048x256xbf16>, vector<256x16xbf16>, vector<2048x16xf32> -> vector<2048x16xf32>
    %mul3A_33 = vector.broadcast %broadcast_in_dim3A : vector<2048x1xf32> to vector<2048x16xf32>
    %mul3A_34 = arith.mulf %dot_general3A_32, %mul3A_33 : vector<2048x16xf32>
    %swap3A = arith.constant 0 : index
    %swap3A_35 = arith.constant 0 : index
    %swap3A_36 = vector.load %arg5[%swap3A, %swap3A_35] : memref<2048x16xf32, #tpu.memory_space<vmem>>, vector<2048x16xf32>
    tpu.vector_store %arg5[%swap3A, %swap3A_35], %mul3A_34 {strides = array<i32>} : memref<2048x16xf32, #tpu.memory_space<vmem>>, vector<2048x16xf32>,
    return
  }
  func.func @transform_0(%arg0: i32) -> (i32, i32, i32) {
    %c0_i32 = arith.constant 0 : i32
    %c0_i32_0 = arith.constant 0 : i32
    %c0_i32_1 = arith.constant 0 : i32
    return %c0_i32, %arg0, %c0_i32_0 : i32, i32, i32
  }
  func.func @transform_1(%arg0: i32) -> (i32, i32, i32) {
    %c0_i32 = arith.constant 0 : i32
    %c0_i32_0 = arith.constant 0 : i32
    %c0_i32_1 = arith.constant 0 : i32
    return %c0_i32, %arg0, %c0_i32_0 : i32, i32, i32
  }
  func.func @transform_2(%arg0: i32) -> (i32, i32) {
    %c0_i32 = arith.constant 0 : i32
    %c0_i32_0 = arith.constant 0 : i32
    %c0_i32_1 = arith.constant 0 : i32
    return %c0_i32, %c0_i32_0 : i32, i32
  }
  func.func @transform_3(%arg0: i32) -> (i32, i32) {
    %c0_i32 = arith.constant 0 : i32
    %c0_i32_0 = arith.constant 0 : i32
    %c0_i32_1 = arith.constant 0 : i32
    return %c0_i32, %c0_i32_0 : i32, i32
  }
  func.func @transform_4(%arg0: i32) -> (i32, i32) {
    %c0_i32 = arith.constant 0 : i32
    %c0_i32_0 = arith.constant 0 : i32
    return %arg0, %c0_i32 : i32, i32
  }
}

module attributes {stable_mosaic.version = 14 : i64} {
  func.func @_fin_body(%arg0: i32, %arg1: memref<2x2048x16xf32, #tpu.memory_space<vmem>>, %arg2: memref<2x2048x16xf32, #tpu.memory_space<vmem>>, %arg3: memref<1x16xf32, #tpu.memory_space<vmem>>, %arg4: memref<2048x16xf32, #tpu.memory_space<vmem>>) attributes {dimension_semantics = [#tpu.dimension_semantics<arbitrary>], iteration_bounds = array<i64: 5>, scalar_prefetch = 0 : i64, scratch_operands = 0 : i64, tpu.core_type = #tpu.core_type<tc>, window_params = [{transform_indices = @transform_0, window_bounds = array<i64: 2, 2048, 16>}, {transform_indices = @transform_1, window_bounds = array<i64: 2, 2048, 16>}, {pipeline_mode = #tpu.pipeline_mode<synchronous>, transform_indices = @transform_2, window_bounds = array<i64: 1, 16>}, {transform_indices = @transform_3, window_bounds = array<i64: 2048, 16>}]} {
    %get3A = arith.constant 0 : index
    %get3A_0 = arith.constant 0 : index
    %get3A_1 = arith.constant 0 : index
    %get3A_2 = vector.load %arg2[%get3A, %get3A_0, %get3A_1] : memref<2x2048x16xf32, #tpu.memory_space<vmem>>, vector<1x2048x1xf32>
    %get3A_3 = vector.shape_cast %get3A_2 : vector<1x2048x1xf32> to vector<2048xf32>
    %get3A_4 = arith.constant 1 : index
    %get3A_5 = arith.constant 0 : index
    %get3A_6 = arith.constant 0 : index
    %get3A_7 = vector.load %arg2[%get3A_4, %get3A_5, %get3A_6] : memref<2x2048x16xf32, #tpu.memory_space<vmem>>, vector<1x2048x1xf32>
    %get3A_8 = vector.shape_cast %get3A_7 : vector<1x2048x1xf32> to vector<2048xf32>
    %add3A = arith.addf %get3A_3, %get3A_8 : vector<2048xf32>
    %rsqrt3A = math.rsqrt %add3A : vector<2048xf32>
    %broadcast_in_dim3A = vector.shape_cast %rsqrt3A : vector<2048xf32> to vector<2048x1xf32>
    %get3A_9 = arith.constant 0 : index
    %get3A_10 = arith.constant 0 : index
    %get3A_11 = arith.constant 0 : index
    %get3A_12 = vector.load %arg1[%get3A_9, %get3A_10, %get3A_11] : memref<2x2048x16xf32, #tpu.memory_space<vmem>>, vector<1x2048x16xf32>
    %get3A_13 = vector.shape_cast %get3A_12 : vector<1x2048x16xf32> to vector<2048x16xf32>
    %get3A_14 = arith.constant 1 : index
    %get3A_15 = arith.constant 0 : index
    %get3A_16 = arith.constant 0 : index
    %get3A_17 = vector.load %arg1[%get3A_14, %get3A_15, %get3A_16] : memref<2x2048x16xf32, #tpu.memory_space<vmem>>, vector<1x2048x16xf32>
    %get3A_18 = vector.shape_cast %get3A_17 : vector<1x2048x16xf32> to vector<2048x16xf32>
    %add3A_19 = arith.addf %get3A_13, %get3A_18 : vector<2048x16xf32>
    %mul3A = vector.broadcast %broadcast_in_dim3A : vector<2048x1xf32> to vector<2048x16xf32>
    %mul3A_20 = arith.mulf %add3A_19, %mul3A : vector<2048x16xf32>
    %get3A_21 = arith.constant 0 : index
    %get3A_22 = arith.constant 0 : index
    %get3A_23 = vector.load %arg3[%get3A_21, %get3A_22] : memref<1x16xf32, #tpu.memory_space<vmem>>, vector<1x16xf32>
    %add3A_24 = vector.broadcast %get3A_23 : vector<1x16xf32> to vector<2048x16xf32>
    %add3A_25 = arith.addf %mul3A_20, %add3A_24 : vector<2048x16xf32>
    %swap3A = arith.constant 0 : index
    %swap3A_26 = arith.constant 0 : index
    %swap3A_27 = vector.load %arg4[%swap3A, %swap3A_26] : memref<2048x16xf32, #tpu.memory_space<vmem>>, vector<2048x16xf32>
    tpu.vector_store %arg4[%swap3A, %swap3A_26], %add3A_25 {strides = array<i32>} : memref<2048x16xf32, #tpu.memory_space<vmem>>, vector<2048x16xf32>,
    return
  }
  func.func @transform_0(%arg0: i32) -> (i32, i32, i32) {
    %c0_i32 = arith.constant 0 : i32
    %c0_i32_0 = arith.constant 0 : i32
    %c0_i32_1 = arith.constant 0 : i32
    return %c0_i32, %arg0, %c0_i32_0 : i32, i32, i32
  }
  func.func @transform_1(%arg0: i32) -> (i32, i32, i32) {
    %c0_i32 = arith.constant 0 : i32
    %c0_i32_0 = arith.constant 0 : i32
    %c0_i32_1 = arith.constant 0 : i32
    return %c0_i32, %arg0, %c0_i32_0 : i32, i32, i32
  }
  func.func @transform_2(%arg0: i32) -> (i32, i32) {
    %c0_i32 = arith.constant 0 : i32
    %c0_i32_0 = arith.constant 0 : i32
    %c0_i32_1 = arith.constant 0 : i32
    return %c0_i32, %c0_i32_0 : i32, i32
  }
  func.func @transform_3(%arg0: i32) -> (i32, i32) {
    %c0_i32 = arith.constant 0 : i32
    %c0_i32_0 = arith.constant 0 : i32
    return %arg0, %c0_i32 : i32, i32
  }
}

</mosaic_0001>

<sc_bundles>
// kernel: kernel.11.cloned.1.call-start
scs
__scs_entry_jumppad:
0x0: {  	(pc) =	sbr.rel $0x88, $3  }
0x1: {  	(tag) =	ssettag $0x0;
	lr =	simm.s32 $0x1  }
0x2: {  	[smem:$0x3F9B] =	sst lr;
	_ =	strace $0xD0000000  }
0x3: {  	_ = 	snop  }
0x4: {  	_ = 	snop  }
0x5: {  	_ = 	snop  }
0x6: {  	_ = 	snop  }
0x7: {  	_ = 	snop  }
__scs_overlays_trampoline_lowered:
0x8: {  	[smem:$0x3FAA] =	sst s0  }
0x9: {  	[smem:$0x3FAB] =	sst s1  }
0xa: {  	[smem:$0x3FAC] =	sst s2  }
0xb: {  	[smem:$0x3FAD] =	sst s3  }
0xc: {  	[smem:$0x3FAE] =	sst s4  }
0xd: {  	[smem:$0x3FAF] =	sst s5  }
0xe: {  	[smem:$0x3FB0] =	sst s6  }
0xf: {  	[smem:$0x3FB1] =	sst s7  }
0x10: {  	[smem:$0x3FB2] =	sst s8  }
0x11: {  	[smem:$0x3FB3] =	sst s9;
	s0 =	simm.s32 @!p0 $0x0  }
0x12: {  	s1 =	sld [smem:$0x3F99];
	s0 =	simm.s32 @p0 $0x1  }
0x13: {  	[smem:$0x3FB4] =	sst s0;
	s0 =	simm.s32 @!p1 $0x0  }
0x14: {  	s2 =	sld [smem:$0x3F98];
	s0 =	simm.s32 @p1 $0x1  }
0x15: {  	[smem:$0x3FB5] =	sst s0;
	s0 =	simm.s32 @!p2 $0x0  }
0x16: {  	s3 =	sld [smem:$0x3FDB];
	s0 =	simm.s32 @p2 $0x1  }
0x17: {  	s4 =	simm.s32 $0x1BF5;
	[smem:$0x3FB7] =	sst s0  }
0x18: {  	s0 =	sld [smem:$0x3F9A];
	_ =	swait.ge [sflag:s4], $0x0  }
0x19: {  	s7 =	sld [smem:$0x3F9B]  }
0x1a: {  	s8 =	sadd.s32 $0xFFFFE003, lr  }
0x1b: {  	s9 =	sadd.s32 $0xFFFFFEF7, lr;
	s5 =	simm.s32 $0xFFFFFFFF;
	p2 =	slt.u32 s8, $0xFFFFF086  }
0x1c: {  	p1 =	slt.u32 s9, $0xF7A;
	s5 =	simm.s32 @!p2 $0x0  }
0x1d: {  	s5 =	simm.s32 @p1 $0x1;
	p0 =	seq.s32 s7, s2  }
0x1e: {  	s7 =	smul.u32 @!p0 $0xF7A, s2;
	p2 =	seq.s32 @!p0 s5, $0x0  }
0x1f: {  	s9 =	smul.u32 $0xF7A, s1;
	s8 =	simm.s32 @!p0 $0x1BF5;
	p2 =	por !p2, p0  }
0x20: {  	[sflag:s8] =	ssyncset.s32 @!p0 $0xFFFFF086;
	s6 =	sadd.s32 @!p0 s3, s7;
	s7 =	simm.s32 @!p0 $0x108  }
0x21: {  	s3 =	sadd.s32 s3, s9;
	s6 =	sadd.s32 @!p0 $0x88, s6;
	s7 =	simm.s32 @p2 $0x1082  }
0x22: {  	[simem:s7], [sflag:s8] =	dma.local @!p0 [hbm:s6], $0xF7A  }
0x23: {  	s9 =	sor.u32 $0xD0000000, s2;
	s6 =	simm.s32 $0x108;
	_ =	swait.ge @!p0 [sflag:s8], $0x0  }
0x24: {  	s3 =	sadd.s32 $0x88, s3;
	s6 =	simm.s32 @!p1 $0x1082;
	[sflag:s4] =	ssyncset.s32 $0xFFFFF086  }
0x25: {  	[simem:s6], [sflag:s4] =	dma.local [hbm:s3], $0xF7A  }
0x26: {  	[smem:$0x3F9B] =	sst s1;
	(tag) =	ssettag s2;
	_ =	strace s9  }
0x27: {  	s1 =	sld [smem:$0x3FAB]  }
0x28: {  	s2 =	sld [smem:$0x3FAC]  }
0x29: {  	s4 =	sld [smem:$0x3FAE]  }
0x2a: {  	p0 =	seq.s32 s5, $0x0;
	s5 =	sld [smem:$0x3FAF]  }
0x2b: {  	s6 =	sld [smem:$0x3FB0]  }
0x2c: {  	s7 =	sld [smem:$0x3FB1]  }
0x2d: {  	s3 =	simm.s32 $0x108;
	s8 =	sld [smem:$0x3FB2]  }
0x2e: {  	s3 =	simm.s32 @!p0 $0x1082;
	s9 =	sld [smem:$0x3FB3]  }
0x2f: {  	lr =	sadd.s32 s0, s3;
	s0 =	sld [smem:$0x3FAA]  }
0x30: {  	s3 =	sld [smem:$0x3FAD]  }
0x31: {  	[smem:$0x3FB6] =	sst s10  }
0x32: {  	s10 =	sld [smem:$0x3FB4];
	_ =	sdelay $0x3  }
0x33: {  	p0 =	seq.s32 s10, $0x1;
	s10 =	sld [smem:$0x3FB6];
	_ =	sdelay $0x3  }
0x34: {  	[smem:$0x3FB6] =	sst s10  }
0x35: {  	s10 =	sld [smem:$0x3FB5];
	_ =	sdelay $0x3  }
0x36: {  	p1 =	seq.s32 s10, $0x1;
	s10 =	sld [smem:$0x3FB6];
	_ =	sdelay $0x3  }
0x37: {  	[smem:$0x3FB6] =	sst s10  }
0x38: {  	s10 =	sld [smem:$0x3FB7]  }
0x39: {  	_ = 	snop;
	(pc) =	sbr.ind lr, $3  }
0x3a: {  	_ = 	snop  }
0x3b: {  	_ = 	snop  }
0x3c: {  	p2 =	seq.s32 s10, $0x1;
	s10 =	sld [smem:$0x3FB6]  }
0x3d: {  	_ =	shalt  }
0x3e: {  	_ =	shalt  }
0x3f: {  	_ =	shalt  }
0x40: {  	_ =	shalt  }
0x41: {  	_ =	shalt  }
0x42: {  	_ =	shalt  }
0x43: {  	_ =	shalt  }
0x44: {  	_ =	shalt  }
0x45: {  	_ =	shalt  }
0x46: {  	_ =	shalt  }
0x47: {  	_ =	shalt  }
0x48: {  	_ =	shalt  }
0x49: {  	_ =	shalt  }
0x4a: {  	_ =	shalt  }
0x4b: {  	_ =	shalt  }
0x4c: {  	_ =	shalt  }
0x4d: {  	_ =	shalt  }
0x4e: {  	_ =	shalt  }
0x4f: {  	_ =	shalt  }
0x50: {  	_ =	shalt  }
0x51: {  	_ =	shalt  }
0x52: {  	_ =	shalt  }
0x53: {  	_ =	shalt  }
0x54: {  	_ =	shalt  }
0x55: {  	_ =	shalt  }
0x56: {  	_ =	shalt  }
0x57: {  	_ =	shalt  }
0x58: {  	_ =	shalt  }
0x59: {  	_ =	shalt  }
0x5a: {  	_ =	shalt  }
0x5b: {  	_ =	shalt  }
0x5c: {  	_ =	shalt  }
0x5d: {  	_ =	shalt  }
0x5e: {  	_ =	shalt  }
0x5f: {  	_ =	shalt  }
0x60: {  	_ =	shalt  }
0x61: {  	_ =	shalt  }
0x62: {  	_ =	shalt  }
0x63: {  	_ =	shalt  }
0x64: {  	_ =	shalt  }
0x65: {  	_ =	shalt  }
0x66: {  	_ =	shalt  }
0x67: {  	_ =	shalt  }
0x68: {  	_ =	shalt  }
0x69: {  	_ =	shalt  }
0x6a: {  	_ =	shalt  }
0x6b: {  	_ =	shalt  }
0x6c: {  	_ =	shalt  }
0x6d: {  	_ =	shalt  }
0x6e: {  	_ =	shalt  }
0x6f: {  	_ =	shalt  }
0x70: {  	_ =	shalt  }
0x71: {  	_ =	shalt  }
0x72: {  	_ =	shalt  }
0x73: {  	_ =	shalt  }
0x74: {  	_ =	shalt  }
0x75: {  	_ =	shalt  }
0x76: {  	_ =	shalt  }
0x77: {  	_ =	shalt  }
0x78: {  	_ =	shalt  }
0x79: {  	_ =	shalt  }
0x7a: {  	_ =	shalt  }
0x7b: {  	_ =	shalt  }
0x7c: {  	_ =	shalt  }
0x7d: {  	_ =	shalt  }
0x7e: {  	_ =	shalt  }
0x7f: {  	_ =	shalt  }
0x80: {  	_ =	shalt  }
0x81: {  	_ =	shalt  }
0x82: {  	_ =	shalt  }
0x83: {  	_ =	shalt  }
0x84: {  	_ =	shalt  }
0x85: {  	_ =	shalt  }
0x86: {  	_ =	shalt  }
0x87: {  	_ =	shalt  }
.Lfunc_end0:
.L_simem_size_0:
called_computation.1_lowered:
.L_overlay_start_0:
0x88: {  	s2 =	sld [smem:$0x3FD9]  }
0x89: {  	s3 =	sld [smem:$0x3FFE];
	_ =	sdelay $0x1  }
0x8a: {  	s1 =	srdreg.scid  }
0x8b: {  	s0 =	sand.u32 $0x1, s1  }
0x8c: {  	s16 =	sshll.u32 s0, $0xA;
	s2 =	sadd.s32 s3, s2  }
0x8d: {  	s2 =	sadd.s32 s2, s16  }
0x8e: {  	[smem:$0x3FC2] =	sst s2  }
0x8f: {  	_ = 	snop  }
0x90: {  	(tm) =	ssettm $0x1  }
0x91: {  	s17 =	sld [smem:$0x3FFB];
	_ =	sdelay $0x3  }
0x92: {  	_ =	strace s17  }
0x93: {  	s2 =	sld [smem:$0x3FFC];
	_ =	sdelay $0x3  }
0x94: {  	_ =	strace s2  }
0x95: {  	s2 =	sld [smem:$0x3FFD];
	_ =	sdelay $0x3  }
0x96: {  	_ =	strace s2  }
0x97: {  	_ =	strace $0x8FFFFFFF  }
0x98: {  	s18 =	sld [smem:$0x3FDB];
	_ =	sdelay $0x1  }
0x99: {  	s19 =	simm.s32 $_scs_section_size  }
0x9a: {  	s4 =	simm.s32 $_size__tile_overlayer_lowered;
	s5 =	simm.s32 $_tile_overlayer_lowered  }
0x9b: {  	s22 =	simm.s32 $0x1BFF;
	s21 =	sshll.u32 s5, $0x1;
	s2 =	sadd.s32 s19, s18  }
0x9c: {  	s6 =	simm.s32 $0x0;
	s20 =	sshll.u32 s4, $0x1;
	s4 =	sadd.s32 s21, s2  }
0x9d: {  	[timem:s6], [sflag:s22] =	dma.local [hbm:s4], s20  }
0x9e: {  	_ =	swait.ge [sflag:s22], s20  }
0x9f: {  	s3 =	ssub.s32 $0x0, s20;
	[sflag:s22] =	ssyncset.done $0x0  }
0xa0: {  	[sflag:s22] =	ssyncadd.s32 s3;
	_ =	sdelay $0x1  }
0xa1: {  	s23 =	simm.s32 $0x1B8B  }
0xa2: {  	_ =	swait.ge [sflag:s23], $0x1  }
0xa3: {  	[sflag:s23] =	ssyncset.done $0x0  }
0xa4: {  	s25 =	simm.s32 $0x1B8E;
	s24 =	sld [smem:$0x3FFE];
	[sflag:s23] =	ssyncadd.s32 $0xFFFFFFFF  }
0xa5: {  	s26 =	simm.s32 $execute0_lowered;
	[smem:$0x3FD2] =	sst s25  }
0xa6: {  	s4 =	sshll.u32 s26, $0x1;
	_ =	strace $0x80000049;
	[dreg:$0x1] =	wrdreg $0xFFFFFFFF  }
0xa7: {  	s28 =	simm.s32 $_size_execute0_lowered;
	s2 =	sadd.s32 s2, s4;
	[dreg:$0x0] =	wrdreg $0x0  }
0xa8: {  	s4 =	sshll.u32 s28, $0x1;
	[dreg:$0x2] =	wrdreg s2  }
0xa9: {  	[dreg:$0x3] =	wrdreg s4  }
0xaa: {  	[dreg:$0x4] =	wrdreg $0xC0  }
0xab: {  	_ =	task [dreg:s6], $0x5FFFF  }
0xac: {  	[dreg:$0x1] =	wrdreg $0xFFFFFFFF  }
0xad: {  	[dreg:$0x0] =	wrdreg $0x60  }
0xae: {  	[dreg:$0x2] =	wrdreg s24  }
0xaf: {  	[dreg:$0x3] =	wrdreg $0x150000  }
0xb0: {  	[dreg:$0x4] =	wrdreg $0x9  }
0xb1: {  	_ =	task.clear_ibuf [dreg:s6], $0x5FFFF;
	_ =	strace $0x90000049  }
0xb2: {  	s29 =	simm.s32 $0x9;
	_ =	strace $0x8000004B  }
0xb3: {  	_ =	swait.ge [sflag:s29], $0x1  }
0xb4: {  	[sflag:s29] =	ssyncadd.s32 $0xFFFFFFFF  }
0xb5: {  	_ =	strace $0x9000004B  }
0xb6: {  	_ =	sfence  }
0xb7: {  	s30 =	sld [smem:$0x0];
	_ =	sdelay $0x2  }
0xb8: {  	s31 =	sshll.u32 s1, $0xD;
	s1 =	sshrl.u32 s1, $0x2  }
0xb9: {  	s3 =	sand.u32 $0x4000, s31;
	s1 =	sadd.s32 s1, s30  }
0xba: {  	s0 =	sor.u32 s3, s0;
	s1 =	sshll.u32 s1, $0x11  }
0xbb: {  	s0 =	sor.u32 s1, s0  }
0xbc: {  	s0 =	sadd.s32 $0x8F2B, s0  }
0xbd: {  	[sflag:s0] =	ssyncadd.remote.s32 $0x1  }
0xbe: {  	_ =	sfence.sel $0xFFFF  }
0xbf: {  	[dreg:$0x0] =	wrdreg $0xFFFFFFFF;
	(pc) =	sbr.abs _section_cstart, $3  }
0xc0: {  	[dreg:$0x1] =	wrdreg $0xFFFFFFFF  }
0xc1: {  	_ =	task.clear_ibuf [dreg:s6], $0x2FFFF;
	_ =	strace $0x9FFFFFFF  }
0xc2: {  	(tm) =	ssettm $0x7FFFFFFF  }
0xc3: {  	_ =	shalt  }
tec
execute0_lowered:
.L_overlay_start_1:
0x0: {  	(tag) =	ssettag $0x1  }
0x1: {  	s0 =	rddreg [dreg:$0x0]  }
0x2: {  	s2 =	rddreg [dreg:$0x1];
	s3 =	stileid.u32  }
0x3: {  	s4 =	srdreg.scid;
	s7 =	simm.s32 $0x0;
	s14 =	simm.s32 $0x80  }
0x4: {  	s15 =	simm.s32 $0x5000;
	s16 =	simm.s32 $0x7000;
	s18 =	simm.s32 $0x9000  }
0x5: {  	s30 =	simm.s32 $0xD000;
	s31 =	simm.s32 $0x11000;
	s1 =	smul.u32 $0x2800, s3  }
0x6: {  	s28 =	simm.s32 $0x6;
	s29 =	simm.s32 $0x8;
	s6 =	smul.u32 $0x14000, s3  }
0x7: {  	s13 =	simm.s32 $0x0;
	s5 =	sand.u32 $0x1, s4;
	s10 =	smul.u32 $0x1400, s3  }
0x8: {  	[smem:$0x7FF] =	sst s7;
	s4 =	sadd.s32 $0x66C00, s0;
	s20 =	smul.u32 $0x140000, s5  }
0x9: {  	s24 =	sshll.u32 s3, $0x6;
	_ =	strace $0x8000004A;
	s8 =	smul.u32 $0x14000, s5  }
0xa: {  	s9 =	ssub.s32 $0x2, s5;
	s3 =	sor.u32 $0x1C11, s24;
	[dreg:$0x3] =	wrdreg s30  }
0xb: {  	p0 =	seq.s32 s5, $0x0;
	s5 =	simm.s32 $0x11;
	[dreg:$0x4] =	wrdreg s31  }
0xc: {  	s24 =	simm.s32 $0x3;
	s1 =	sshrl.u32 s1, $0x3;
	s21 =	sshrl.u32 s9, $0x1  }
0xd: {  	[dreg:$0x6] =	wrdreg s3;
	s7 =	sadd.s32 s6, s20;
	s1 =	sadd.s32 s1, s0  }
0xe: {  	s6 =	sshrl.u32 s6, $0x1;
	s8 =	sadd.s32 s10, s8;
	s20 =	simm.s32 $0xB000  }
0xf: {  	s7 =	sshrl.u32 s7, $0x4;
	s22 =	sadd.s32 s6, s2;
	s23 =	sadd.s32 s4, s8  }
0x10: {  	s25 =	sadd.s32 $0x2C00, s1;
	s1 =	sadd.s32 $0x7C00, s1;
	[dreg:$0x5] =	wrdreg s23  }
0x11: {  	s0 =	sadd.s32 s7, s0;
	s7 =	ssub.s32 s9, s21;
	[dreg:$0x7] =	wrdreg s25  }
0x12: {  	[dreg:$0x8] =	wrdreg s1;
	s1 =	sshrl.u32 s22, $0x3;
	s21 =	simm.s32 $0x1  }
0x13: {  	s22 =	simm.s32 $0xF000;
	s0 =	sadd.s32 $0x8EC00, s0;
	[dreg:$0xb] =	wrdreg s1  }
0x14: {  	s23 =	simm.s32 $0x2;
	s26 =	smax.u32 s7, $0x1;
	[dreg:$0x9] =	wrdreg s0  }
0x15: {  	s25 =	simm.s32 $0x13000;
	[dreg:$0xa] =	wrdreg s26;
	s26 =	simm.s32 $0x4  }
.LBB2_1:
0x16: {  	s0 =	rddreg [dreg:$0x5]  }
0x17: {  	[spmem:s1], [sflag:s3] =	dma.local [hbm:s0], $0x1400  }
0x18: {  	_ =	swait.ge [sflag:s5], $0x1400  }
0x19: {  	[sflag:s5] =	ssyncset.done $0x0  }
0x1a: {  	s19 =	simm.s32 $0x0;
	s30 =	rddreg [dreg:$0x7];
	[sflag:s5] =	ssyncadd.s32 $0xFFFFEC00  }
0x1b: {  	[tilespmem:s19], [sflag:$0x11] =	stream.linear.gather [hbm4b:s30+s19], $0x2800, $0x38;
	[tilespmem:$0x1F000] =	vst v63  }
0x1c: {  	_ =	swait.ge [sflag:s5], $0x2800  }
0x1d: {  	s6 =	simm.s32 $0x2800;
	[sflag:s5] =	ssyncset.done $0x0  }
.Ltmp0:
0x1e: {  	s31 =	rddreg [dreg:$0x8];
	[sflag:s5] =	ssyncadd.s32 $0xFFFFD800;
	(pc) =	sbr.rel @p0 .LBB2_5-.Ltmp0, $4  }
0x1f: {  	[tilespmem:s6], [sflag:$0x11] =	stream.linear.gather [hbm4b:s31+s19], $0x2800, $0x38;
	[tilespmem:$0x1F000] =	vst v63  }
0x20: {  	_ =	swait.ge [sflag:s5], $0x2800  }
0x21: {  	[sflag:s5] =	ssyncset.done $0x0  }
0x22: {  	[sflag:s5] =	ssyncadd.s32 $0xFFFFD800  }
0x23: {  	s0 =	simm.s32 $0x0  }
0x24: {  	s5 =	sand.u32 $0xFE00, s0  }
0x25: {  	s7 =	sand.u32 $0x70, s0;
	s5 =	sshrl.u32 s5, $0x2  }
0x26: {  	s5 =	sor.u32 s7, s5  }
0x27: {  	v0 =	vld [tilespmem:s5+$0x0];
	_ =	sdelay $0x2  }
0x28: {  	s8 =	sadd.s32 $0x40, s0  }
0x29: {  	s9 =	sand.u32 $0xFE00, s8;
	s8 =	sadd.s32 $0x40, s8;
	s7 =	sadd.s32 $0x10, s0  }
.LBB2_3:
0x2a: {  	p1 =	sne.s32 s8, $0x9FC0;
	s10 =	sand.u32 $0x70, s7;
	s9 =	sshrl.u32 s9, $0x2;
	v0 =	vadd.s32 $0x2800, v0  }
0x2b: {  	[tilespmem:s5+$0x0] =	vst v0;
	s5 =	sor.u32 s10, s9  }
.Ltmp1:
0x2c: {  	v0 =	vld [tilespmem:s5+$0x0];
	(pc) =	sbr.rel @p1 .LBB2_3-.Ltmp1, $2  }
0x2d: {  	_ =	sdelay $0x2  }
0x2e: {  	s7 =	sadd.s32 $0x10, s7;
	s9 =	sand.u32 $0xFE00, s8;
	s8 =	sadd.s32 $0x40, s8  }
0x2f: {  	s7 =	sand.u32 $0x70, s7;
	s8 =	sshrl.u32 s9, $0x2;
	v0 =	vadd.s32 $0x2800, v0  }
0x30: {  	s7 =	sor.u32 s7, s8;
	[tilespmem:s5+$0x0] =	vst v0  }
0x31: {  	v0 =	vld [tilespmem:s7+$0x0];
	_ =	sdelay $0x4  }
0x32: {  	v0 =	vadd.s32 $0x2800, v0  }
0x33: {  	[tilespmem:s7+$0x0] =	vst v0  }
.LBB2_5:
0x34: {  	[bflag:$0x0] =	sbarrier.arrive $0xFFFF;
	s5 =	simm.s32 $0x0  }
0x35: {  	[tilespmem:s15], [sflag:$0x1] =	stream.indirect.gather [hbm4b:s4+s14], $0x40, s5, s14, $0xb8;
	[tilespmem:$0x1F000] =	vst v63  }
0x36: {  	_ = 	snop  }
0x37: {  	[tilespmem:s16], [sflag:$0x2] =	stream.indirect.gather [hbm4b:s4+s14], $0x40, s14, s14, $0xb8;
	[tilespmem:$0x1F000] =	vst v63  }
0x38: {  	s0 =	simm.s32 $0x100  }
0x39: {  	[tilespmem:s18], [sflag:$0x3] =	stream.indirect.gather [hbm4b:s4+s14], $0x40, s0, s14, $0xb8;
	[tilespmem:$0x1F000] =	vst v63  }
0x3a: {  	p1 =	por $0x1, $0x1;
	s5 =	simm.s32 $0x180  }
0x3b: {  	[tilespmem:s20], [sflag:$0x4] =	stream.indirect.gather [hbm4b:s4+s14], $0x40, s5, s14, $0xb8;
	[tilespmem:$0x1F000] =	vst v63  }
0x3c: {  	s5 =	simm.s32 @!p1 $0xD  }
0x3d: {  	_ =	swait.ge @!p1 [sflag:s5], $0x2000  }
0x3e: {  	[sflag:s5] =	ssyncset.done @!p1 $0x0  }
0x3f: {  	s6 =	simm.s32 $0x200;
	s7 =	rddreg [dreg:$0x3];
	[sflag:s5] =	ssyncadd.s32 @!p1 $0xFFFFE000  }
0x40: {  	[tilespmem:s7], [sflag:$0x5] =	stream.indirect.gather [hbm4b:s4+s14], $0x40, s6, s14, $0xb8;
	[tilespmem:$0x1F000] =	vst v63  }
0x41: {  	_ =	swait.ge [sflag:s21], $0x2000  }
0x42: {  	[sflag:s21] =	ssyncset.done $0x0  }
0x43: {  	s8 =	simm.s32 $0x2800;
	s7 =	simm.s32 @!p1 $0xE;
	[sflag:s21] =	ssyncadd.s32 $0xFFFFE000  }
0x44: {  	[spmem:s2] =	stream.indirect.scatter.add.bf16 [tilespmem:s15], [sflag:$0x9], $0x40, s8, s14, $0xb8;
	[tilespmem:$0x1F000] =	vst v63  }
0x45: {  	_ =	swait.ge @!p1 [sflag:s7], $0x2000  }
0x46: {  	[sflag:s7] =	ssyncset.done @!p1 $0x0  }
0x47: {  	s9 =	simm.s32 $0x280;
	[sflag:s7] =	ssyncadd.s32 @!p1 $0xFFFFE000  }
0x48: {  	[tilespmem:s22], [sflag:$0x6] =	stream.indirect.gather [hbm4b:s4+s14], $0x40, s9, s14, $0xb8;
	[tilespmem:$0x1F000] =	vst v63  }
0x49: {  	_ =	swait.ge [sflag:s23], $0x2000  }
0x4a: {  	[sflag:s23] =	ssyncset.done $0x0  }
0x4b: {  	s10 =	simm.s32 $0x2880;
	s7 =	simm.s32 @!p1 $0xF;
	[sflag:s23] =	ssyncadd.s32 $0xFFFFE000  }
0x4c: {  	[spmem:s2] =	stream.indirect.scatter.add.bf16 [tilespmem:s16], [sflag:$0xA], $0x40, s10, s14, $0xb8;
	[tilespmem:$0x1F000] =	vst v63  }
0x4d: {  	_ =	swait.ge @!p1 [sflag:s7], $0x2000  }
0x4e: {  	[sflag:s7] =	ssyncset.done @!p1 $0x0  }
0x4f: {  	s12 =	simm.s32 $0x300;
	s11 =	rddreg [dreg:$0x4];
	[sflag:s7] =	ssyncadd.s32 @!p1 $0xFFFFE000  }
0x50: {  	[tilespmem:s11], [sflag:$0x7] =	stream.indirect.gather [hbm4b:s4+s14], $0x40, s12, s14, $0xb8;
	[tilespmem:$0x1F000] =	vst v63  }
0x51: {  	_ =	swait.ge [sflag:s24], $0x2000  }
0x52: {  	[sflag:s24] =	ssyncset.done $0x0  }
0x53: {  	s17 =	simm.s32 $0x2900;
	s7 =	simm.s32 @!p1 $0x10;
	[sflag:s24] =	ssyncadd.s32 $0xFFFFE000  }
0x54: {  	[spmem:s2] =	stream.indirect.scatter.add.bf16 [tilespmem:s18], [sflag:$0xB], $0x40, s17, s14, $0xb8;
	[tilespmem:$0x1F000] =	vst v63  }
0x55: {  	_ =	swait.ge @!p1 [sflag:s7], $0x2000  }
0x56: {  	[sflag:s7] =	ssyncset.done @!p1 $0x0  }
0x57: {  	s19 =	simm.s32 $0x380;
	[sflag:s7] =	ssyncadd.s32 @!p1 $0xFFFFE000  }
0x58: {  	[tilespmem:s25], [sflag:$0x8] =	stream.indirect.gather [hbm4b:s4+s14], $0x40, s19, s14, $0xb8;
	[tilespmem:$0x1F000] =	vst v63  }
0x59: {  	_ =	swait.ge [sflag:s26], $0x2000  }
0x5a: {  	p1 =	por $0x0, $0x0;
	[sflag:s26] =	ssyncset.done $0x0  }
0x5b: {  	s30 =	simm.s32 $0x2980;
	s7 =	simm.s32 @p1 $0x5;
	[sflag:s26] =	ssyncadd.s32 $0xFFFFE000  }
0x5c: {  	[spmem:s2] =	stream.indirect.scatter.add.bf16 [tilespmem:s20], [sflag:$0xC], $0x40, s30, s14, $0xb8;
	[tilespmem:$0x1F000] =	vst v63  }
0x5d: {  	_ =	swait.ge @p1 [sflag:s7], $0x2000  }
0x5e: {  	s5 =	simm.s32 @p1 $0x2A00;
	s8 =	simm.s32 @p1 $0x80;
	[sflag:s7] =	ssyncset.done @p1 $0x0  }
0x5f: {  	s9 =	simm.s32 @p1 $0xD000;
	[sflag:s7] =	ssyncadd.s32 @p1 $0xFFFFE000;
	s7 =	simm.s32 @!p1 $0x9  }
0x60: {  	[spmem:s2] =	stream.indirect.scatter.add.bf16 @p1 [tilespmem:s9], [sflag:$0xD], $0x40, s5, s8, $0xb8;
	[tilespmem:$0x1F000] =	vst v63  }
0x61: {  	_ =	swait.ge @!p1 [sflag:s7], $0x2000  }
0x62: {  	s5 =	simm.s32 @!p1 $0x400;
	[sflag:s7] =	ssyncset.done @!p1 $0x0  }
0x63: {  	s9 =	simm.s32 @!p1 $0x80;
	[sflag:s7] =	ssyncadd.s32 @!p1 $0xFFFFE000;
	s7 =	simm.s32 @!p1 $0x5000  }
0x64: {  	[tilespmem:s7], [sflag:$0x1] =	stream.indirect.gather @!p1 [hbm4b:s4+s9], $0x40, s5, s9, $0xb8;
	[tilespmem:$0x1F000] =	vst v63  }
0x65: {  	s5 =	simm.s32 @!p1 $0x5  }
0x66: {  	_ =	swait.ge @!p1 [sflag:s5], $0x2000  }
0x67: {  	[sflag:s5] =	ssyncset.done @!p1 $0x0  }
0x68: {  	s7 =	simm.s32 @!p1 $0x2A00;
	[sflag:s5] =	ssyncadd.s32 @!p1 $0xFFFFE000;
	s5 =	simm.s32 @!p1 $0xD000  }
0x69: {  	[spmem:s2] =	stream.indirect.scatter.add.bf16 @!p1 [tilespmem:s5], [sflag:$0xD], $0x40, s7, s9, $0xb8;
	[tilespmem:$0x1F000] =	vst v63  }
0x6a: {  	s5 =	simm.s32 @!p1 $0xA  }
0x6b: {  	_ =	swait.ge @!p1 [sflag:s5], $0x2000  }
0x6c: {  	[sflag:s5] =	ssyncset.done @!p1 $0x0  }
0x6d: {  	s7 =	simm.s32 @!p1 $0x480;
	[sflag:s5] =	ssyncadd.s32 @!p1 $0xFFFFE000;
	s5 =	simm.s32 @!p1 $0x7000  }
0x6e: {  	[tilespmem:s5], [sflag:$0x2] =	stream.indirect.gather @!p1 [hbm4b:s4+s9], $0x40, s7, s9, $0xb8;
	[tilespmem:$0x1F000] =	vst v63  }
0x6f: {  	_ =	swait.ge [sflag:s28], $0x2000  }
0x70: {  	[sflag:s28] =	ssyncset.done $0x0  }
0x71: {  	s31 =	simm.s32 $0x2A80;
	s7 =	simm.s32 @p1 $0x7;
	[sflag:s28] =	ssyncadd.s32 $0xFFFFE000  }
0x72: {  	[spmem:s2] =	stream.indirect.scatter.add.bf16 [tilespmem:s22], [sflag:$0xE], $0x40, s31, s14, $0xb8;
	[tilespmem:$0x1F000] =	vst v63  }
0x73: {  	_ =	swait.ge @p1 [sflag:s7], $0x2000  }
0x74: {  	[sflag:s7] =	ssyncset.done @p1 $0x0  }
0x75: {  	s5 =	simm.s32 @p1 $0x2B00;
	[sflag:s7] =	ssyncadd.s32 @p1 $0xFFFFE000;
	s7 =	simm.s32 @p1 $0x11000  }
0x76: {  	[spmem:s2] =	stream.indirect.scatter.add.bf16 @p1 [tilespmem:s7], [sflag:$0xF], $0x40, s5, s8, $0xb8;
	[tilespmem:$0x1F000] =	vst v63  }
0x77: {  	s5 =	simm.s32 @!p1 $0xB  }
0x78: {  	_ =	swait.ge @!p1 [sflag:s5], $0x2000  }
0x79: {  	[sflag:s5] =	ssyncset.done @!p1 $0x0  }
0x7a: {  	s7 =	simm.s32 @!p1 $0x500;
	[sflag:s5] =	ssyncadd.s32 @!p1 $0xFFFFE000;
	s5 =	simm.s32 @!p1 $0x9000  }
0x7b: {  	[tilespmem:s5], [sflag:$0x3] =	stream.indirect.gather @!p1 [hbm4b:s4+s9], $0x40, s7, s9, $0xb8;
	[tilespmem:$0x1F000] =	vst v63  }
0x7c: {  	s5 =	simm.s32 @!p1 $0x7  }
0x7d: {  	_ =	swait.ge @!p1 [sflag:s5], $0x2000  }
0x7e: {  	[sflag:s5] =	ssyncset.done @!p1 $0x0  }
0x7f: {  	s7 =	simm.s32 @!p1 $0x2B00;
	[sflag:s5] =	ssyncadd.s32 @!p1 $0xFFFFE000;
	s5 =	simm.s32 @!p1 $0x11000  }
0x80: {  	[spmem:s2] =	stream.indirect.scatter.add.bf16 @!p1 [tilespmem:s5], [sflag:$0xF], $0x40, s7, s9, $0xb8;
	[tilespmem:$0x1F000] =	vst v63  }
0x81: {  	s5 =	simm.s32 @!p1 $0xC  }
0x82: {  	_ =	swait.ge @!p1 [sflag:s5], $0x2000  }
0x83: {  	p2 =	por $0x0, $0x0;
	s17 =	simm.s32 $0x1000;
	[sflag:s5] =	ssyncset.done @!p1 $0x0  }
0x84: {  	s7 =	simm.s32 @!p1 $0x580;
	[sflag:s5] =	ssyncadd.s32 @!p1 $0xFFFFE000;
	s5 =	simm.s32 @!p1 $0xB000  }
0x85: {  	[tilespmem:s5], [sflag:$0x4] =	stream.indirect.gather @!p1 [hbm4b:s4+s9], $0x40, s7, s9, $0xb8;
	[tilespmem:$0x1F000] =	vst v63  }
0x86: {  	s19 =	simm.s32 $0x2000;
	s5 =	simm.s32 $0x2B80;
	_ =	swait.ge [sflag:s29], $0x2000  }
.LBB2_6:
0x87: {  	[sflag:s29] =	ssyncset.done $0x0  }
0x88: {  	s9 =	simm.s32 @!p2 $0xD;
	[sflag:s29] =	ssyncadd.s32 $0xFFFFE000  }
0x89: {  	[spmem:s2] =	stream.indirect.scatter.add.bf16 [tilespmem:s25], [sflag:$0x10], $0x40, s5, s14, $0xb8;
	[tilespmem:$0x1F000] =	vst v63  }
0x8a: {  	_ =	swait.ge @!p2 [sflag:s9], $0x2000  }
0x8b: {  	s7 =	sshra.s32 s17, $0x2;
	[sflag:s9] =	ssyncset.done @!p2 $0x0  }
0x8c: {  	s11 =	sadd.s32 $0x200, s7;
	s10 =	rddreg [dreg:$0x3];
	[sflag:s9] =	ssyncadd.s32 @!p2 $0xFFFFE000  }
0x8d: {  	[tilespmem:s10], [sflag:$0x5] =	stream.indirect.gather [hbm4b:s4+s14], $0x40, s11, s14, $0xb8;
	[tilespmem:$0x1F000] =	vst v63  }
0x8e: {  	_ =	swait.ge [sflag:s21], $0x2000  }
0x8f: {  	[sflag:s21] =	ssyncset.done $0x0  }
0x90: {  	s12 =	sadd.s32 $0x2800, s7;
	s10 =	simm.s32 @!p2 $0xE;
	[sflag:s21] =	ssyncadd.s32 $0xFFFFE000  }
0x91: {  	[spmem:s2] =	stream.indirect.scatter.add.bf16 [tilespmem:s15], [sflag:$0x9], $0x40, s12, s14, $0xb8;
	[tilespmem:$0x1F000] =	vst v63  }
0x92: {  	_ =	swait.ge @!p2 [sflag:s10], $0x2000  }
0x93: {  	[sflag:s10] =	ssyncset.done @!p2 $0x0  }
0x94: {  	s30 =	sadd.s32 $0x280, s7;
	[sflag:s10] =	ssyncadd.s32 @!p2 $0xFFFFE000  }
0x95: {  	[tilespmem:s22], [sflag:$0x6] =	stream.indirect.gather [hbm4b:s4+s14], $0x40, s30, s14, $0xb8;
	[tilespmem:$0x1F000] =	vst v63  }
0x96: {  	_ =	swait.ge [sflag:s23], $0x2000  }
0x97: {  	[sflag:s23] =	ssyncset.done $0x0  }
0x98: {  	s31 =	sadd.s32 $0x2880, s7;
	s10 =	simm.s32 @!p2 $0xF;
	[sflag:s23] =	ssyncadd.s32 $0xFFFFE000  }
0x99: {  	[spmem:s2] =	stream.indirect.scatter.add.bf16 [tilespmem:s16], [sflag:$0xA], $0x40, s31, s14, $0xb8;
	[tilespmem:$0x1F000] =	vst v63  }
0x9a: {  	_ =	swait.ge @!p2 [sflag:s10], $0x2000  }
0x9b: {  	[sflag:s10] =	ssyncset.done @!p2 $0x0  }
0x9c: {  	s1 =	sadd.s32 $0x300, s7;
	s0 =	rddreg [dreg:$0x4];
	[sflag:s10] =	ssyncadd.s32 @!p2 $0xFFFFE000  }
0x9d: {  	[tilespmem:s0], [sflag:$0x7] =	stream.indirect.gather [hbm4b:s4+s14], $0x40, s1, s14, $0xb8;
	[tilespmem:$0x1F000] =	vst v63  }
0x9e: {  	_ =	swait.ge [sflag:s24], $0x2000  }
0x9f: {  	[sflag:s24] =	ssyncset.done $0x0  }
0xa0: {  	s3 =	sadd.s32 $0x2900, s7;
	s10 =	simm.s32 @!p2 $0x10;
	[sflag:s24] =	ssyncadd.s32 $0xFFFFE000  }
0xa1: {  	[spmem:s2] =	stream.indirect.scatter.add.bf16 [tilespmem:s18], [sflag:$0xB], $0x40, s3, s14, $0xb8;
	[tilespmem:$0x1F000] =	vst v63  }
0xa2: {  	_ =	swait.ge @!p2 [sflag:s10], $0x2000  }
0xa3: {  	[sflag:s10] =	ssyncset.done @!p2 $0x0  }
0xa4: {  	s6 =	sadd.s32 $0x380, s7;
	[sflag:s10] =	ssyncadd.s32 @!p2 $0xFFFFE000  }
0xa5: {  	[tilespmem:s25], [sflag:$0x8] =	stream.indirect.gather [hbm4b:s4+s14], $0x40, s6, s14, $0xb8;
	[tilespmem:$0x1F000] =	vst v63  }
0xa6: {  	_ =	swait.ge [sflag:s26], $0x2000  }
0xa7: {  	p2 =	seq.s32 s17, $0x9000;
	[sflag:s26] =	ssyncset.done $0x0  }
0xa8: {  	s11 =	sadd.s32 $0x2980, s7;
	s30 =	simm.s32 @p2 $0x5;
	[sflag:s26] =	ssyncadd.s32 $0xFFFFE000  }
0xa9: {  	[spmem:s2] =	stream.indirect.scatter.add.bf16 [tilespmem:s20], [sflag:$0xC], $0x40, s11, s14, $0xb8;
	[tilespmem:$0x1F000] =	vst v63  }
0xaa: {  	s31 =	sshra.s32 @p2 s17, $0x2;
	_ =	swait.ge @p2 [sflag:s30], $0x2000  }
0xab: {  	s10 =	simm.s32 @p2 $0x80;
	s0 =	simm.s32 @p2 $0xD000;
	[sflag:s30] =	ssyncset.done @p2 $0x0  }
0xac: {  	s9 =	sadd.s32 @p2 $0x2A00, s31;
	[sflag:s30] =	ssyncadd.s32 @p2 $0xFFFFE000;
	s30 =	simm.s32 @!p2 $0x9  }
0xad: {  	[spmem:s2] =	stream.indirect.scatter.add.bf16 @p2 [tilespmem:s0], [sflag:$0xD], $0x40, s9, s10, $0xb8;
	[tilespmem:$0x1F000] =	vst v63  }
0xae: {  	s17 =	sshra.s32 @!p2 s17, $0x2;
	_ =	swait.ge @!p2 [sflag:s30], $0x2000  }
0xaf: {  	s6 =	simm.s32 @!p2 $0x5000;
	s1 =	sadd.s32 @!p2 $0x400, s17;
	[sflag:s30] =	ssyncset.done @!p2 $0x0  }
0xb0: {  	s11 =	simm.s32 @!p2 $0x5;
	s9 =	simm.s32 @!p2 $0x80;
	[sflag:s30] =	ssyncadd.s32 @!p2 $0xFFFFE000  }
0xb1: {  	[tilespmem:s6], [sflag:$0x1] =	stream.indirect.gather @!p2 [hbm4b:s4+s9], $0x40, s1, s9, $0xb8;
	[tilespmem:$0x1F000] =	vst v63  }
0xb2: {  	_ =	swait.ge @!p2 [sflag:s11], $0x2000  }
0xb3: {  	s12 =	simm.s32 @!p2 $0xD000;
	[sflag:s11] =	ssyncset.done @!p2 $0x0  }
0xb4: {  	s0 =	sadd.s32 @!p2 $0x2A00, s17;
	[sflag:s11] =	ssyncadd.s32 @!p2 $0xFFFFE000;
	s11 =	simm.s32 @!p2 $0xA  }
0xb5: {  	[spmem:s2] =	stream.indirect.scatter.add.bf16 @!p2 [tilespmem:s12], [sflag:$0xD], $0x40, s0, s9, $0xb8;
	[tilespmem:$0x1F000] =	vst v63  }
0xb6: {  	_ =	swait.ge @!p2 [sflag:s11], $0x2000  }
0xb7: {  	[sflag:s11] =	ssyncset.done @!p2 $0x0  }
0xb8: {  	s3 =	sadd.s32 @!p2 $0x480, s17;
	s0 =	simm.s32 @!p2 $0x7000;
	[sflag:s11] =	ssyncadd.s32 @!p2 $0xFFFFE000  }
0xb9: {  	[tilespmem:s0], [sflag:$0x2] =	stream.indirect.gather @!p2 [hbm4b:s4+s9], $0x40, s3, s9, $0xb8;
	[tilespmem:$0x1F000] =	vst v63  }
0xba: {  	_ =	swait.ge [sflag:s28], $0x2000  }
0xbb: {  	[sflag:s28] =	ssyncset.done $0x0  }
0xbc: {  	s12 =	sadd.s32 $0x2A80, s7;
	s3 =	simm.s32 @p2 $0x7;
	[sflag:s28] =	ssyncadd.s32 $0xFFFFE000  }
0xbd: {  	[spmem:s2] =	stream.indirect.scatter.add.bf16 [tilespmem:s22], [sflag:$0xE], $0x40, s12, s14, $0xb8;
	[tilespmem:$0x1F000] =	vst v63  }
0xbe: {  	_ =	swait.ge @p2 [sflag:s3], $0x2000  }
0xbf: {  	s31 =	sadd.s32 @p2 $0x2B00, s31;
	[sflag:s3] =	ssyncset.done @p2 $0x0  }
0xc0: {  	s0 =	simm.s32 @p2 $0x11000;
	[sflag:s3] =	ssyncadd.s32 @p2 $0xFFFFE000;
	s3 =	simm.s32 @!p2 $0xB  }
0xc1: {  	[spmem:s2] =	stream.indirect.scatter.add.bf16 @p2 [tilespmem:s0], [sflag:$0xF], $0x40, s31, s10, $0xb8;
	[tilespmem:$0x1F000] =	vst v63  }
0xc2: {  	_ =	swait.ge @!p2 [sflag:s3], $0x2000  }
0xc3: {  	s1 =	sadd.s32 @!p2 $0x500, s17;
	[sflag:s3] =	ssyncset.done @!p2 $0x0  }
0xc4: {  	s0 =	simm.s32 @!p2 $0x9000;
	[sflag:s3] =	ssyncadd.s32 @!p2 $0xFFFFE000;
	s3 =	simm.s32 @!p2 $0x7  }
0xc5: {  	[tilespmem:s0], [sflag:$0x3] =	stream.indirect.gather @!p2 [hbm4b:s4+s9], $0x40, s1, s9, $0xb8;
	[tilespmem:$0x1F000] =	vst v63  }
0xc6: {  	s8 =	smov.u32 s19;
	s19 =	sadd.s32 $0x1000, s19;
	_ =	swait.ge @!p2 [sflag:s3], $0x2000  }
0xc7: {  	p1 =	sne.s32 s19, $0xA000;
	s6 =	sadd.s32 @!p2 $0x2B00, s17;
	[sflag:s3] =	ssyncset.done @!p2 $0x0  }
0xc8: {  	s0 =	simm.s32 @!p2 $0x11000;
	s1 =	simm.s32 @!p2 $0xC;
	[sflag:s3] =	ssyncadd.s32 @!p2 $0xFFFFE000  }
0xc9: {  	[spmem:s2] =	stream.indirect.scatter.add.bf16 @!p2 [tilespmem:s0], [sflag:$0xF], $0x40, s6, s9, $0xb8;
	[tilespmem:$0x1F000] =	vst v63  }
.Ltmp2:
0xca: {  	_ =	swait.ge @!p2 [sflag:s1], $0x2000;
	(pc) =	sbr.rel @p1 .LBB2_6-.Ltmp2, $4  }
0xcb: {  	s30 =	sadd.s32 @!p2 $0x580, s17;
	[sflag:s1] =	ssyncset.done @!p2 $0x0  }
0xcc: {  	s17 =	smov.u32 s8;
	s0 =	simm.s32 @!p2 $0xB000;
	[sflag:s1] =	ssyncadd.s32 @!p2 $0xFFFFE000  }
0xcd: {  	[tilespmem:s0], [sflag:$0x4] =	stream.indirect.gather @!p2 [hbm4b:s4+s9], $0x40, s30, s9, $0xb8;
	[tilespmem:$0x1F000] =	vst v63  }
0xce: {  	s5 =	sadd.s32 $0x2B80, s7;
	p2 =	seq.s32 s17, $0x0;
	_ =	swait.ge [sflag:s29], $0x2000  }
0xcf: {  	[sflag:s29] =	ssyncset.done $0x0  }
0xd0: {  	s0 =	simm.s32 @!p2 $0xD;
	[sflag:s29] =	ssyncadd.s32 $0xFFFFE000  }
0xd1: {  	[spmem:s2] =	stream.indirect.scatter.add.bf16 [tilespmem:s25], [sflag:$0x10], $0x40, s5, s14, $0xb8;
	[tilespmem:$0x1F000] =	vst v63  }
0xd2: {  	_ =	swait.ge @!p2 [sflag:s0], $0x2000  }
0xd3: {  	s10 =	sshra.s32 s17, $0x2;
	[sflag:s0] =	ssyncset.done @!p2 $0x0  }
0xd4: {  	s11 =	sadd.s32 $0x200, s10;
	s1 =	rddreg [dreg:$0x3];
	[sflag:s0] =	ssyncadd.s32 @!p2 $0xFFFFE000  }
0xd5: {  	[tilespmem:s1], [sflag:$0x5] =	stream.indirect.gather [hbm4b:s4+s14], $0x40, s11, s14, $0xb8;
	[tilespmem:$0x1F000] =	vst v63  }
0xd6: {  	_ =	swait.ge [sflag:s21], $0x2000  }
0xd7: {  	[sflag:s21] =	ssyncset.done $0x0  }
0xd8: {  	s12 =	sadd.s32 $0x2800, s10;
	s1 =	simm.s32 @!p2 $0xE;
	[sflag:s21] =	ssyncadd.s32 $0xFFFFE000  }
0xd9: {  	[spmem:s2] =	stream.indirect.scatter.add.bf16 [tilespmem:s15], [sflag:$0x9], $0x40, s12, s14, $0xb8;
	[tilespmem:$0x1F000] =	vst v63  }
0xda: {  	_ =	swait.ge @!p2 [sflag:s1], $0x2000  }
0xdb: {  	[sflag:s1] =	ssyncset.done @!p2 $0x0  }
0xdc: {  	s19 =	sadd.s32 $0x280, s10;
	[sflag:s1] =	ssyncadd.s32 @!p2 $0xFFFFE000  }
0xdd: {  	[tilespmem:s22], [sflag:$0x6] =	stream.indirect.gather [hbm4b:s4+s14], $0x40, s19, s14, $0xb8;
	[tilespmem:$0x1F000] =	vst v63  }
0xde: {  	_ =	swait.ge [sflag:s23], $0x2000  }
0xdf: {  	[sflag:s23] =	ssyncset.done $0x0  }
0xe0: {  	s30 =	sadd.s32 $0x2880, s10;
	s1 =	simm.s32 @!p2 $0xF;
	[sflag:s23] =	ssyncadd.s32 $0xFFFFE000  }
0xe1: {  	[spmem:s2] =	stream.indirect.scatter.add.bf16 [tilespmem:s16], [sflag:$0xA], $0x40, s30, s14, $0xb8;
	[tilespmem:$0x1F000] =	vst v63  }
0xe2: {  	_ =	swait.ge @!p2 [sflag:s1], $0x2000  }
0xe3: {  	[sflag:s1] =	ssyncset.done @!p2 $0x0  }
0xe4: {  	s3 =	sadd.s32 $0x300, s10;
	s31 =	rddreg [dreg:$0x4];
	[sflag:s1] =	ssyncadd.s32 @!p2 $0xFFFFE000  }
0xe5: {  	[tilespmem:s31], [sflag:$0x7] =	stream.indirect.gather [hbm4b:s4+s14], $0x40, s3, s14, $0xb8;
	[tilespmem:$0x1F000] =	vst v63  }
0xe6: {  	_ =	swait.ge [sflag:s24], $0x2000  }
0xe7: {  	[sflag:s24] =	ssyncset.done $0x0  }
0xe8: {  	s6 =	sadd.s32 $0x2900, s10;
	s1 =	simm.s32 @!p2 $0x10;
	[sflag:s24] =	ssyncadd.s32 $0xFFFFE000  }
0xe9: {  	[spmem:s2] =	stream.indirect.scatter.add.bf16 [tilespmem:s18], [sflag:$0xB], $0x40, s6, s14, $0xb8;
	[tilespmem:$0x1F000] =	vst v63  }
0xea: {  	_ =	swait.ge @!p2 [sflag:s1], $0x2000  }
0xeb: {  	[sflag:s1] =	ssyncset.done @!p2 $0x0  }
0xec: {  	s7 =	sadd.s32 $0x380, s10;
	[sflag:s1] =	ssyncadd.s32 @!p2 $0xFFFFE000  }
0xed: {  	[tilespmem:s25], [sflag:$0x8] =	stream.indirect.gather [hbm4b:s4+s14], $0x40, s7, s14, $0xb8;
	[tilespmem:$0x1F000] =	vst v63  }
0xee: {  	_ =	swait.ge [sflag:s26], $0x2000  }
0xef: {  	p1 =	seq.s32 s17, $0x9000;
	[sflag:s26] =	ssyncset.done $0x0  }
0xf0: {  	s8 =	sadd.s32 $0x2980, s10;
	s1 =	simm.s32 @p1 $0x5;
	[sflag:s26] =	ssyncadd.s32 $0xFFFFE000  }
0xf1: {  	[spmem:s2] =	stream.indirect.scatter.add.bf16 [tilespmem:s20], [sflag:$0xC], $0x40, s8, s14, $0xb8;
	[tilespmem:$0x1F000] =	vst v63  }
0xf2: {  	s0 =	sshra.s32 @p1 s17, $0x2;
	_ =	swait.ge @p1 [sflag:s1], $0x2000  }
0xf3: {  	s3 =	sadd.s32 @p1 $0x2A00, s0;
	s6 =	simm.s32 @p1 $0x80;
	[sflag:s1] =	ssyncset.done @p1 $0x0  }
0xf4: {  	s7 =	simm.s32 @p1 $0xD000;
	[sflag:s1] =	ssyncadd.s32 @p1 $0xFFFFE000;
	s1 =	simm.s32 @!p1 $0x9  }
0xf5: {  	[spmem:s2] =	stream.indirect.scatter.add.bf16 @p1 [tilespmem:s7], [sflag:$0xD], $0x40, s3, s6, $0xb8;
	[tilespmem:$0x1F000] =	vst v63  }
0xf6: {  	_ =	swait.ge @!p1 [sflag:s1], $0x2000  }
0xf7: {  	s8 =	simm.s32 @!p1 $0x80;
	s3 =	sshra.s32 @!p1 s17, $0x2;
	[sflag:s1] =	ssyncset.done @!p1 $0x0  }
0xf8: {  	s7 =	sadd.s32 @!p1 $0x400, s3;
	[sflag:s1] =	ssyncadd.s32 @!p1 $0xFFFFE000;
	s1 =	simm.s32 @!p1 $0x5000  }
0xf9: {  	[tilespmem:s1], [sflag:$0x1] =	stream.indirect.gather @!p1 [hbm4b:s4+s8], $0x40, s7, s8, $0xb8;
	[tilespmem:$0x1F000] =	vst v63  }
0xfa: {  	s1 =	simm.s32 @!p1 $0x5  }
0xfb: {  	_ =	swait.ge @!p1 [sflag:s1], $0x2000  }
0xfc: {  	[sflag:s1] =	ssyncset.done @!p1 $0x0  }
0xfd: {  	s7 =	sadd.s32 @!p1 $0x2A00, s3;
	[sflag:s1] =	ssyncadd.s32 @!p1 $0xFFFFE000;
	s1 =	simm.s32 @!p1 $0xD000  }
0xfe: {  	[spmem:s2] =	stream.indirect.scatter.add.bf16 @!p1 [tilespmem:s1], [sflag:$0xD], $0x40, s7, s8, $0xb8;
	[tilespmem:$0x1F000] =	vst v63  }
0xff: {  	s1 =	simm.s32 @!p1 $0xA  }
0x100: {  	_ =	swait.ge @!p1 [sflag:s1], $0x2000  }
0x101: {  	[sflag:s1] =	ssyncset.done @!p1 $0x0  }
0x102: {  	s7 =	sadd.s32 @!p1 $0x480, s3;
	[sflag:s1] =	ssyncadd.s32 @!p1 $0xFFFFE000;
	s1 =	simm.s32 @!p1 $0x7000  }
0x103: {  	[tilespmem:s1], [sflag:$0x2] =	stream.indirect.gather @!p1 [hbm4b:s4+s8], $0x40, s7, s8, $0xb8;
	[tilespmem:$0x1F000] =	vst v63  }
0x104: {  	_ =	swait.ge [sflag:s28], $0x2000  }
0x105: {  	[sflag:s28] =	ssyncset.done $0x0  }
0x106: {  	s9 =	sadd.s32 $0x2A80, s10;
	s1 =	simm.s32 @p1 $0x7;
	[sflag:s28] =	ssyncadd.s32 $0xFFFFE000  }
0x107: {  	[spmem:s2] =	stream.indirect.scatter.add.bf16 [tilespmem:s22], [sflag:$0xE], $0x40, s9, s14, $0xb8;
	[tilespmem:$0x1F000] =	vst v63  }
0x108: {  	_ =	swait.ge @p1 [sflag:s1], $0x2000  }
0x109: {  	[sflag:s1] =	ssyncset.done @p1 $0x0  }
0x10a: {  	s0 =	sadd.s32 @p1 $0x2B00, s0;
	[sflag:s1] =	ssyncadd.s32 @p1 $0xFFFFE000;
	s1 =	simm.s32 @p1 $0x11000  }
0x10b: {  	[spmem:s2] =	stream.indirect.scatter.add.bf16 @p1 [tilespmem:s1], [sflag:$0xF], $0x40, s0, s6, $0xb8;
	[tilespmem:$0x1F000] =	vst v63  }
0x10c: {  	s0 =	simm.s32 @!p1 $0xB  }
0x10d: {  	_ =	swait.ge @!p1 [sflag:s0], $0x2000  }
0x10e: {  	[sflag:s0] =	ssyncset.done @!p1 $0x0  }
0x10f: {  	s1 =	sadd.s32 @!p1 $0x500, s3;
	[sflag:s0] =	ssyncadd.s32 @!p1 $0xFFFFE000;
	s0 =	simm.s32 @!p1 $0x9000  }
0x110: {  	[tilespmem:s0], [sflag:$0x3] =	stream.indirect.gather @!p1 [hbm4b:s4+s8], $0x40, s1, s8, $0xb8;
	[tilespmem:$0x1F000] =	vst v63  }
0x111: {  	s0 =	simm.s32 @!p1 $0x7  }
0x112: {  	_ =	swait.ge @!p1 [sflag:s0], $0x2000  }
0x113: {  	[sflag:s0] =	ssyncset.done @!p1 $0x0  }
0x114: {  	s1 =	sadd.s32 @!p1 $0x2B00, s3;
	[sflag:s0] =	ssyncadd.s32 @!p1 $0xFFFFE000;
	s0 =	simm.s32 @!p1 $0x11000  }
0x115: {  	[spmem:s2] =	stream.indirect.scatter.add.bf16 @!p1 [tilespmem:s0], [sflag:$0xF], $0x40, s1, s8, $0xb8;
	[tilespmem:$0x1F000] =	vst v63  }
0x116: {  	s0 =	simm.s32 @!p1 $0xC  }
0x117: {  	_ =	swait.ge @!p1 [sflag:s0], $0x2000  }
0x118: {  	[sflag:s0] =	ssyncset.done @!p1 $0x0  }
0x119: {  	s1 =	sadd.s32 @!p1 $0x580, s3;
	[sflag:s0] =	ssyncadd.s32 @!p1 $0xFFFFE000;
	s0 =	simm.s32 @!p1 $0xB000  }
0x11a: {  	[tilespmem:s0], [sflag:$0x4] =	stream.indirect.gather @!p1 [hbm4b:s4+s8], $0x40, s1, s8, $0xb8;
	[tilespmem:$0x1F000] =	vst v63  }
0x11b: {  	_ =	swait.ge [sflag:s29], $0x2000  }
0x11c: {  	[sflag:s29] =	ssyncset.done $0x0  }
0x11d: {  	s10 =	sadd.s32 $0x2B80, s10;
	s11 =	simm.s32 $0xD;
	[sflag:s29] =	ssyncadd.s32 $0xFFFFE000  }
0x11e: {  	[spmem:s2] =	stream.indirect.scatter.add.bf16 [tilespmem:s25], [sflag:$0x10], $0x40, s10, s14, $0xb8;
	[tilespmem:$0x1F000] =	vst v63  }
0x11f: {  	_ =	swait.ge [sflag:s11], $0x2000  }
0x120: {  	[sflag:s11] =	ssyncset.done $0x0  }
0x121: {  	s12 =	simm.s32 $0xE;
	[sflag:s11] =	ssyncadd.s32 $0xFFFFE000  }
0x122: {  	_ =	swait.ge [sflag:s12], $0x2000  }
0x123: {  	[sflag:s12] =	ssyncset.done $0x0  }
0x124: {  	s17 =	simm.s32 $0xF;
	[sflag:s12] =	ssyncadd.s32 $0xFFFFE000  }
0x125: {  	_ =	swait.ge [sflag:s17], $0x2000  }
0x126: {  	[sflag:s17] =	ssyncset.done $0x0  }
0x127: {  	s19 =	simm.s32 $0x10;
	[sflag:s17] =	ssyncadd.s32 $0xFFFFE000  }
0x128: {  	_ =	swait.ge [sflag:s19], $0x2000  }
0x129: {  	[sflag:s19] =	ssyncset.done $0x0  }
0x12a: {  	[sflag:s19] =	ssyncadd.s32 $0xFFFFE000  }
0x12b: {  	[bflag:$0x0] =	sbarrier.arrive $0xFFFF  }
0x12c: {  	s3 =	rddreg [dreg:$0x6]  }
0x12d: {  	s30 =	rddreg [dreg:$0x9]  }
0x12e: {  	s5 =	simm.s32 $0x11;
	s1 =	rddreg [dreg:$0xb]  }
0x12f: {  	[hbm:s30], [sflag:s3] =	dma.local [spmem:s1], $0x1400  }
0x130: {  	_ =	swait.ge [sflag:s5], $0x1400  }
0x131: {  	s13 =	sadd.s32 $0x1, s13;
	s31 =	rddreg [dreg:$0xa]  }
0x132: {  	p1 =	sne.s32 s13, s31  }
.Ltmp3:
0x133: {  	_ = 	snop;
	(pc) =	sbr.rel @p1 .LBB2_1-.Ltmp3, $3  }
0x134: {  	_ =	sdelay $0x1  }
0x135: {  	[sflag:s5] =	ssyncset.done $0x0  }
0x136: {  	[sflag:s5] =	ssyncadd.s32 $0xFFFFEC00  }
0x137: {  	_ =	sfence.sel $0x180000  }
0x138: {  	[bflag:$0x0] =	sbarrier.arrive $0xFFFF  }
0x139: {  	_ =	strace $0x9000004A  }
0x13a: {  	s0 =	stileid.u32;
	[bflag:$0x2] =	sbarrier.arrive $0xFFFF  }
0x13b: {  	p0 =	sne.s32 s0, $0x0;
	s0 =	rddreg [dreg:$0x2]  }
0x13c: {  	s0 =	sadd.s32 @!p0 $0x100000, s0  }
0x13d: {  	[sflag:s0] =	ssyncadd.tile.s32 @!p0 $0x1;
	_ =	shalt  }
.Lfunc_end2:
_tile_overlayer_lowered:
.L_overlay_start_2:
0x13e: {  	(tag) =	ssettag $0x2  }
0x13f: {  	s0 =	rddreg [dreg:$0x0];
	s2 =	stileid.u32  }
0x140: {  	s1 =	rddreg [dreg:$0x1];
	p0 =	sne.s32 s2, $0x0  }
0x141: {  	s3 =	rddreg [dreg:$0x2];
	[bflag:$0x3] =	sbarrier.arrive $0xFFFF;
	s2 =	simm.s32 @!p0 $0x1C11  }
0x142: {  	[timem:s3], [sflag:s2] =	dma.local @!p0 [hbm:s0], s1  }
0x143: {  	s0 =	simm.s32 @!p0 $0x11  }
0x144: {  	_ =	swait.ge @!p0 [sflag:s0], s1  }
0x145: {  	s1 =	ssub.s32 @!p0 $0x0, s1;
	[sflag:s0] =	ssyncset.done @!p0 $0x0  }
0x146: {  	[sflag:s0] =	ssyncadd.s32 @!p0 s1  }
0x147: {  	[bflag:$0x3] =	sbarrier.arrive $0xFFFF  }
0x148: {  	_ =	shalt  }

// kernel: kernel.14.cloned.1.call-start
scs
__scs_entry_jumppad:
0x0: {  	(pc) =	sbr.rel $0x88, $3  }
0x1: {  	(tag) =	ssettag $0x0;
	lr =	simm.s32 $0x1  }
0x2: {  	[smem:$0x3F9B] =	sst lr;
	_ =	strace $0xD0000000  }
0x3: {  	_ = 	snop  }
0x4: {  	_ = 	snop  }
0x5: {  	_ = 	snop  }
0x6: {  	_ = 	snop  }
0x7: {  	_ = 	snop  }
__scs_overlays_trampoline_lowered:
0x8: {  	[smem:$0x3FAA] =	sst s0  }
0x9: {  	[smem:$0x3FAB] =	sst s1  }
0xa: {  	[smem:$0x3FAC] =	sst s2  }
0xb: {  	[smem:$0x3FAD] =	sst s3  }
0xc: {  	[smem:$0x3FAE] =	sst s4  }
0xd: {  	[smem:$0x3FAF] =	sst s5  }
0xe: {  	[smem:$0x3FB0] =	sst s6  }
0xf: {  	[smem:$0x3FB1] =	sst s7  }
0x10: {  	[smem:$0x3FB2] =	sst s8  }
0x11: {  	[smem:$0x3FB3] =	sst s9;
	s0 =	simm.s32 @!p0 $0x0  }
0x12: {  	s1 =	sld [smem:$0x3F99];
	s0 =	simm.s32 @p0 $0x1  }
0x13: {  	[smem:$0x3FB4] =	sst s0;
	s0 =	simm.s32 @!p1 $0x0  }
0x14: {  	s2 =	sld [smem:$0x3F98];
	s0 =	simm.s32 @p1 $0x1  }
0x15: {  	[smem:$0x3FB5] =	sst s0;
	s0 =	simm.s32 @!p2 $0x0  }
0x16: {  	s3 =	sld [smem:$0x3FDB];
	s0 =	simm.s32 @p2 $0x1  }
0x17: {  	s4 =	simm.s32 $0x1BF5;
	[smem:$0x3FB7] =	sst s0  }
0x18: {  	s0 =	sld [smem:$0x3F9A];
	_ =	swait.ge [sflag:s4], $0x0  }
0x19: {  	s7 =	sld [smem:$0x3F9B]  }
0x1a: {  	s8 =	sadd.s32 $0xFFFFE003, lr  }
0x1b: {  	s9 =	sadd.s32 $0xFFFFFEF7, lr;
	s5 =	simm.s32 $0xFFFFFFFF;
	p2 =	slt.u32 s8, $0xFFFFF086  }
0x1c: {  	p1 =	slt.u32 s9, $0xF7A;
	s5 =	simm.s32 @!p2 $0x0  }
0x1d: {  	s5 =	simm.s32 @p1 $0x1;
	p0 =	seq.s32 s7, s2  }
0x1e: {  	s7 =	smul.u32 @!p0 $0xF7A, s2;
	p2 =	seq.s32 @!p0 s5, $0x0  }
0x1f: {  	s9 =	smul.u32 $0xF7A, s1;
	s8 =	simm.s32 @!p0 $0x1BF5;
	p2 =	por !p2, p0  }
0x20: {  	[sflag:s8] =	ssyncset.s32 @!p0 $0xFFFFF086;
	s6 =	sadd.s32 @!p0 s3, s7;
	s7 =	simm.s32 @!p0 $0x108  }
0x21: {  	s3 =	sadd.s32 s3, s9;
	s6 =	sadd.s32 @!p0 $0x88, s6;
	s7 =	simm.s32 @p2 $0x1082  }
0x22: {  	[simem:s7], [sflag:s8] =	dma.local @!p0 [hbm:s6], $0xF7A  }
0x23: {  	s9 =	sor.u32 $0xD0000000, s2;
	s6 =	simm.s32 $0x108;
	_ =	swait.ge @!p0 [sflag:s8], $0x0  }
0x24: {  	s3 =	sadd.s32 $0x88, s3;
	s6 =	simm.s32 @!p1 $0x1082;
	[sflag:s4] =	ssyncset.s32 $0xFFFFF086  }
0x25: {  	[simem:s6], [sflag:s4] =	dma.local [hbm:s3], $0xF7A  }
0x26: {  	[smem:$0x3F9B] =	sst s1;
	(tag) =	ssettag s2;
	_ =	strace s9  }
0x27: {  	s1 =	sld [smem:$0x3FAB]  }
0x28: {  	s2 =	sld [smem:$0x3FAC]  }
0x29: {  	s4 =	sld [smem:$0x3FAE]  }
0x2a: {  	p0 =	seq.s32 s5, $0x0;
	s5 =	sld [smem:$0x3FAF]  }
0x2b: {  	s6 =	sld [smem:$0x3FB0]  }
0x2c: {  	s7 =	sld [smem:$0x3FB1]  }
0x2d: {  	s3 =	simm.s32 $0x108;
	s8 =	sld [smem:$0x3FB2]  }
0x2e: {  	s3 =	simm.s32 @!p0 $0x1082;
	s9 =	sld [smem:$0x3FB3]  }
0x2f: {  	lr =	sadd.s32 s0, s3;
	s0 =	sld [smem:$0x3FAA]  }
0x30: {  	s3 =	sld [smem:$0x3FAD]  }
0x31: {  	[smem:$0x3FB6] =	sst s10  }
0x32: {  	s10 =	sld [smem:$0x3FB4];
	_ =	sdelay $0x3  }
0x33: {  	p0 =	seq.s32 s10, $0x1;
	s10 =	sld [smem:$0x3FB6];
	_ =	sdelay $0x3  }
0x34: {  	[smem:$0x3FB6] =	sst s10  }
0x35: {  	s10 =	sld [smem:$0x3FB5];
	_ =	sdelay $0x3  }
0x36: {  	p1 =	seq.s32 s10, $0x1;
	s10 =	sld [smem:$0x3FB6];
	_ =	sdelay $0x3  }
0x37: {  	[smem:$0x3FB6] =	sst s10  }
0x38: {  	s10 =	sld [smem:$0x3FB7]  }
0x39: {  	_ = 	snop;
	(pc) =	sbr.ind lr, $3  }
0x3a: {  	_ = 	snop  }
0x3b: {  	_ = 	snop  }
0x3c: {  	p2 =	seq.s32 s10, $0x1;
	s10 =	sld [smem:$0x3FB6]  }
0x3d: {  	_ =	shalt  }
0x3e: {  	_ =	shalt  }
0x3f: {  	_ =	shalt  }
0x40: {  	_ =	shalt  }
0x41: {  	_ =	shalt  }
0x42: {  	_ =	shalt  }
0x43: {  	_ =	shalt  }
0x44: {  	_ =	shalt  }
0x45: {  	_ =	shalt  }
0x46: {  	_ =	shalt  }
0x47: {  	_ =	shalt  }
0x48: {  	_ =	shalt  }
0x49: {  	_ =	shalt  }
0x4a: {  	_ =	shalt  }
0x4b: {  	_ =	shalt  }
0x4c: {  	_ =	shalt  }
0x4d: {  	_ =	shalt  }
0x4e: {  	_ =	shalt  }
0x4f: {  	_ =	shalt  }
0x50: {  	_ =	shalt  }
0x51: {  	_ =	shalt  }
0x52: {  	_ =	shalt  }
0x53: {  	_ =	shalt  }
0x54: {  	_ =	shalt  }
0x55: {  	_ =	shalt  }
0x56: {  	_ =	shalt  }
0x57: {  	_ =	shalt  }
0x58: {  	_ =	shalt  }
0x59: {  	_ =	shalt  }
0x5a: {  	_ =	shalt  }
0x5b: {  	_ =	shalt  }
0x5c: {  	_ =	shalt  }
0x5d: {  	_ =	shalt  }
0x5e: {  	_ =	shalt  }
0x5f: {  	_ =	shalt  }
0x60: {  	_ =	shalt  }
0x61: {  	_ =	shalt  }
0x62: {  	_ =	shalt  }
0x63: {  	_ =	shalt  }
0x64: {  	_ =	shalt  }
0x65: {  	_ =	shalt  }
0x66: {  	_ =	shalt  }
0x67: {  	_ =	shalt  }
0x68: {  	_ =	shalt  }
0x69: {  	_ =	shalt  }
0x6a: {  	_ =	shalt  }
0x6b: {  	_ =	shalt  }
0x6c: {  	_ =	shalt  }
0x6d: {  	_ =	shalt  }
0x6e: {  	_ =	shalt  }
0x6f: {  	_ =	shalt  }
0x70: {  	_ =	shalt  }
0x71: {  	_ =	shalt  }
0x72: {  	_ =	shalt  }
0x73: {  	_ =	shalt  }
0x74: {  	_ =	shalt  }
0x75: {  	_ =	shalt  }
0x76: {  	_ =	shalt  }
0x77: {  	_ =	shalt  }
0x78: {  	_ =	shalt  }
0x79: {  	_ =	shalt  }
0x7a: {  	_ =	shalt  }
0x7b: {  	_ =	shalt  }
0x7c: {  	_ =	shalt  }
0x7d: {  	_ =	shalt  }
0x7e: {  	_ =	shalt  }
0x7f: {  	_ =	shalt  }
0x80: {  	_ =	shalt  }
0x81: {  	_ =	shalt  }
0x82: {  	_ =	shalt  }
0x83: {  	_ =	shalt  }
0x84: {  	_ =	shalt  }
0x85: {  	_ =	shalt  }
0x86: {  	_ =	shalt  }
0x87: {  	_ =	shalt  }
.Lfunc_end0:
.L_simem_size_0:
called_computation.2_lowered:
.L_overlay_start_0:
0x88: {  	s2 =	sld [smem:$0x3FD9]  }
0x89: {  	s3 =	sld [smem:$0x3FFE];
	_ =	sdelay $0x1  }
0x8a: {  	s1 =	srdreg.scid  }
0x8b: {  	s0 =	sand.u32 $0x1, s1  }
0x8c: {  	s16 =	sshll.u32 s0, $0xA;
	s2 =	sadd.s32 s3, s2  }
0x8d: {  	s2 =	sadd.s32 s2, s16  }
0x8e: {  	[smem:$0x3FC2] =	sst s2  }
0x8f: {  	_ = 	snop  }
0x90: {  	(tm) =	ssettm $0x1  }
0x91: {  	s17 =	sld [smem:$0x3FFB];
	_ =	sdelay $0x3  }
0x92: {  	_ =	strace s17  }
0x93: {  	s2 =	sld [smem:$0x3FFC];
	_ =	sdelay $0x3  }
0x94: {  	_ =	strace s2  }
0x95: {  	s2 =	sld [smem:$0x3FFD];
	_ =	sdelay $0x3  }
0x96: {  	_ =	strace s2  }
0x97: {  	_ =	strace $0x8FFFFFFF  }
0x98: {  	s18 =	sld [smem:$0x3FDB];
	_ =	sdelay $0x1  }
0x99: {  	s19 =	simm.s32 $_scs_section_size  }
0x9a: {  	s4 =	simm.s32 $_size__tile_overlayer_lowered;
	s5 =	simm.s32 $_tile_overlayer_lowered  }
0x9b: {  	s22 =	simm.s32 $0x1BFF;
	s21 =	sshll.u32 s5, $0x1;
	s2 =	sadd.s32 s19, s18  }
0x9c: {  	s6 =	simm.s32 $0x0;
	s20 =	sshll.u32 s4, $0x1;
	s4 =	sadd.s32 s21, s2  }
0x9d: {  	[timem:s6], [sflag:s22] =	dma.local [hbm:s4], s20  }
0x9e: {  	_ =	swait.ge [sflag:s22], s20  }
0x9f: {  	s3 =	ssub.s32 $0x0, s20;
	[sflag:s22] =	ssyncset.done $0x0  }
0xa0: {  	[sflag:s22] =	ssyncadd.s32 s3;
	_ =	sdelay $0x1  }
0xa1: {  	s23 =	simm.s32 $0x1B8B  }
0xa2: {  	_ =	swait.ge [sflag:s23], $0x1  }
0xa3: {  	[sflag:s23] =	ssyncset.done $0x0  }
0xa4: {  	s25 =	simm.s32 $0x1B8E;
	s24 =	sld [smem:$0x3FFE];
	[sflag:s23] =	ssyncadd.s32 $0xFFFFFFFF  }
0xa5: {  	s26 =	simm.s32 $execute0_lowered;
	[smem:$0x3FD2] =	sst s25  }
0xa6: {  	s4 =	sshll.u32 s26, $0x1;
	_ =	strace $0x8000004C;
	[dreg:$0x1] =	wrdreg $0xFFFFFFFF  }
0xa7: {  	s28 =	simm.s32 $_size_execute0_lowered;
	s2 =	sadd.s32 s2, s4;
	[dreg:$0x0] =	wrdreg $0x0  }
0xa8: {  	s4 =	sshll.u32 s28, $0x1;
	[dreg:$0x2] =	wrdreg s2  }
0xa9: {  	[dreg:$0x3] =	wrdreg s4  }
0xaa: {  	[dreg:$0x4] =	wrdreg $0xC0  }
0xab: {  	_ =	task [dreg:s6], $0x5FFFF  }
0xac: {  	[dreg:$0x1] =	wrdreg $0xFFFFFFFF  }
0xad: {  	[dreg:$0x0] =	wrdreg $0x60  }
0xae: {  	[dreg:$0x2] =	wrdreg s24  }
0xaf: {  	[dreg:$0x3] =	wrdreg $0x68000  }
0xb0: {  	[dreg:$0x4] =	wrdreg $0x9  }
0xb1: {  	_ =	task.clear_ibuf [dreg:s6], $0x5FFFF;
	_ =	strace $0x9000004C  }
0xb2: {  	s29 =	simm.s32 $0x9;
	_ =	strace $0x8000004E  }
0xb3: {  	_ =	swait.ge [sflag:s29], $0x1  }
0xb4: {  	[sflag:s29] =	ssyncadd.s32 $0xFFFFFFFF  }
0xb5: {  	_ =	strace $0x9000004E  }
0xb6: {  	_ =	sfence  }
0xb7: {  	s30 =	sld [smem:$0x0];
	_ =	sdelay $0x2  }
0xb8: {  	s31 =	sshll.u32 s1, $0xD;
	s1 =	sshrl.u32 s1, $0x2  }
0xb9: {  	s3 =	sand.u32 $0x4000, s31;
	s1 =	sadd.s32 s1, s30  }
0xba: {  	s0 =	sor.u32 s3, s0;
	s1 =	sshll.u32 s1, $0x11  }
0xbb: {  	s0 =	sor.u32 s1, s0  }
0xbc: {  	s0 =	sadd.s32 $0x8F2B, s0  }
0xbd: {  	[sflag:s0] =	ssyncadd.remote.s32 $0x1  }
0xbe: {  	_ =	sfence.sel $0xFFFF  }
0xbf: {  	[dreg:$0x0] =	wrdreg $0xFFFFFFFF;
	(pc) =	sbr.abs _section_cstart, $3  }
0xc0: {  	[dreg:$0x1] =	wrdreg $0xFFFFFFFF  }
0xc1: {  	_ =	task.clear_ibuf [dreg:s6], $0x2FFFF;
	_ =	strace $0x9FFFFFFF  }
0xc2: {  	(tm) =	ssettm $0x7FFFFFFF  }
0xc3: {  	_ =	shalt  }
tec
execute0_lowered:
.L_overlay_start_1:
0x0: {  	(tag) =	ssettag $0x1  }
0x1: {  	s0 =	srdreg.scid;
	s5 =	rddreg [dreg:$0x0]  }
0x2: {  	s3 =	stileid.u32;
	s2 =	rddreg [dreg:$0x1]  }
0x3: {  	s11 =	simm.s32 $0x0;
	s25 =	simm.s32 $0x4800;
	s26 =	simm.s32 $0x5800  }
0x4: {  	s28 =	simm.s32 $0x5000;
	s29 =	simm.s32 $0x2;
	s30 =	simm.s32 $0x3  }
0x5: {  	s31 =	simm.s32 $0x6000;
	s0 =	sand.u32 $0x1, s0;
	s6 =	smul.u32 $0x2800, s3  }
0x6: {  	[smem:$0x7FF] =	sst s11;
	s8 =	smul.u32 $0xA000, s3;
	s4 =	sadd.s32 $0xCC00, s5  }
0x7: {  	s23 =	sshll.u32 s3, $0x6;
	s1 =	sshll.u32 s0, $0x4;
	s7 =	smul.u32 $0x28000, s0  }
0x8: {  	_ =	strace $0x8000004D;
	s9 =	ssub.s32 $0x2, s0;
	p0 =	sne.s32 s0, $0x0  }
0x9: {  	s0 =	sor.u32 $0x1C11, s23;
	s23 =	simm.s32 $0x3800;
	[dreg:$0x3] =	wrdreg s25  }
0xa: {  	[dreg:$0x4] =	wrdreg s26;
	s25 =	simm.s32 $0x4000;
	s26 =	simm.s32 $0x1  }
0xb: {  	s1 =	sor.u32 s3, s1;
	s8 =	sshrl.u32 s8, $0x2;
	s10 =	sshrl.u32 s9, $0x1  }
0xc: {  	s18 =	sshrl.u32 s6, $0x3;
	[dreg:$0x10] =	wrdreg s0;
	s12 =	sadd.s32 s8, s2  }
0xd: {  	s0 =	simm.s32 $0x6;
	s8 =	sadd.s32 $0x800, s12;
	[dreg:$0x6] =	wrdreg s12  }
0xe: {  	s1 =	smul.u32 $0x1400, s1;
	s16 =	sadd.s32 $0x1000, s12;
	[dreg:$0x7] =	wrdreg s8  }
0xf: {  	s7 =	sadd.s32 s6, s7;
	s17 =	sadd.s32 $0x1800, s12;
	[dreg:$0x8] =	wrdreg s16  }
0x10: {  	s15 =	ssub.s32 s9, s10;
	s19 =	sadd.s32 $0x2000, s12;
	[dreg:$0x9] =	wrdreg s17  }
0x11: {  	s6 =	sadd.s32 s6, s2;
	s22 =	smax.u32 s15, $0x1;
	[dreg:$0xa] =	wrdreg s19  }
0x12: {  	s24 =	sshrl.u32 s6, $0x3;
	s1 =	sshrl.u32 s1, $0x3;
	[dreg:$0xf] =	wrdreg s22  }
0x13: {  	s8 =	sadd.s32 s4, s18;
	[dreg:$0x11] =	wrdreg s24;
	s1 =	sadd.s32 s1, s5  }
0x14: {  	s7 =	sshrl.u32 s7, $0x3;
	[dreg:$0xb] =	wrdreg s8;
	s20 =	sadd.s32 $0x2C00, s1  }
0x15: {  	s5 =	sadd.s32 s7, s5;
	s1 =	sadd.s32 $0x7C00, s1;
	[dreg:$0xc] =	wrdreg s20  }
0x16: {  	s17 =	simm.s32 $0x11;
	s21 =	sadd.s32 $0x66C00, s5;
	[dreg:$0xd] =	wrdreg s1  }
0x17: {  	s19 =	simm.s32 $0x80;
	s18 =	simm.s32 $0x8;
	[dreg:$0xe] =	wrdreg s21  }
0x18: {  	v0 =	vimm.f32 $0.0e+00;
	s20 =	simm.s32 $0x2800;
	s21 =	simm.s32 $0x3000;
	s1 =	simm.s32 $0x4  }
.LBB2_1:
.Ltmp0:
0x19: {  	(pc) =	sbr.rel @p0 .LBB2_3-.Ltmp0, $2  }
0x1a: {  	_ =	sdelay $0x2  }
0x1b: {  	[dreg:$0x5] =	wrdreg s11  }
0x1c: {  	s3 =	rddreg [dreg:$0xb]  }
0x1d: {  	s5 =	rddreg [dreg:$0x10]  }
.Ltmp1:
0x1e: {  	s6 =	rddreg [dreg:$0x11];
	(pc) =	sbr.rel .LBB2_6-.Ltmp1, $4  }
0x1f: {  	[spmem:s6], [sflag:s5] =	dma.local [hbm:s3], $0x500  }
0x20: {  	_ =	swait.ge [sflag:s17], $0x500  }
0x21: {  	[sflag:s17] =	ssyncset.done $0x0  }
0x22: {  	[sflag:s17] =	ssyncadd.s32 $0xFFFFFB00  }
.LBB2_3:
0x23: {  	s5 =	simm.s32 $0x40;
	s9 =	simm.s32 $0x0  }
.LBB2_4:
0x24: {  	p1 =	sne.s32 s5, $0x1FC0;
	[tilespmem:s9+$0x2800] =	vst v0;
	s9 =	smov.u32 s5;
	s5 =	sadd.s32 $0x40, s5  }
.Ltmp2:
0x25: {  	(pc) =	sbr.rel @p1 .LBB2_4-.Ltmp2, $2  }
0x26: {  	_ =	sdelay $0x2  }
0x27: {  	s9 =	sshra.s32 s9, $0x2  }
0x28: {  	[tilespmem:s9+$0x2800] =	vst v0;
	s3 =	rddreg [dreg:$0x6]  }
0x29: {  	[spmem:s3] =	stream.linear.scatter [tilespmem:s20], [sflag:$0x11], $0x800, $0x38;
	[tilespmem:$0x9000] =	vst v63  }
0x2a: {  	_ =	swait.ge [sflag:s17], $0x800  }
0x2b: {  	[sflag:s17] =	ssyncset.done $0x0  }
0x2c: {  	s15 =	rddreg [dreg:$0x7];
	[sflag:s17] =	ssyncadd.s32 $0xFFFFF800  }
0x2d: {  	[spmem:s15] =	stream.linear.scatter [tilespmem:s20], [sflag:$0x11], $0x800, $0x38;
	[tilespmem:$0x9000] =	vst v63  }
0x2e: {  	_ =	swait.ge [sflag:s17], $0x800  }
0x2f: {  	[sflag:s17] =	ssyncset.done $0x0  }
0x30: {  	s16 =	rddreg [dreg:$0x8];
	[sflag:s17] =	ssyncadd.s32 $0xFFFFF800  }
0x31: {  	[spmem:s16] =	stream.linear.scatter [tilespmem:s20], [sflag:$0x11], $0x800, $0x38;
	[tilespmem:$0x9000] =	vst v63  }
0x32: {  	_ =	swait.ge [sflag:s17], $0x800  }
0x33: {  	[sflag:s17] =	ssyncset.done $0x0  }
0x34: {  	s22 =	rddreg [dreg:$0x9];
	[sflag:s17] =	ssyncadd.s32 $0xFFFFF800  }
0x35: {  	[spmem:s22] =	stream.linear.scatter [tilespmem:s20], [sflag:$0x11], $0x800, $0x38;
	[tilespmem:$0x9000] =	vst v63  }
0x36: {  	_ =	swait.ge [sflag:s17], $0x800  }
0x37: {  	[sflag:s17] =	ssyncset.done $0x0  }
0x38: {  	s24 =	rddreg [dreg:$0xa];
	[sflag:s17] =	ssyncadd.s32 $0xFFFFF800  }
0x39: {  	[spmem:s24] =	stream.linear.scatter [tilespmem:s20], [sflag:$0x11], $0x800, $0x38;
	[tilespmem:$0x9000] =	vst v63  }
0x3a: {  	_ =	swait.ge [sflag:s17], $0x800  }
0x3b: {  	[sflag:s17] =	ssyncset.done $0x0  }
0x3c: {  	[sflag:s17] =	ssyncadd.s32 $0xFFFFF800  }
.LBB2_6:
0x3d: {  	s5 =	simm.s32 $0x0;
	s3 =	rddreg [dreg:$0xc]  }
0x3e: {  	[tilespmem:s5], [sflag:$0x11] =	stream.linear.gather [hbm4b:s3+s5], $0x1400, $0x38;
	[tilespmem:$0x9000] =	vst v63  }
0x3f: {  	_ =	swait.ge [sflag:s17], $0x1400  }
0x40: {  	[sflag:s17] =	ssyncset.done $0x0  }
0x41: {  	s6 =	simm.s32 $0x1400;
	s24 =	rddreg [dreg:$0xd];
	[sflag:s17] =	ssyncadd.s32 $0xFFFFEC00  }
0x42: {  	[tilespmem:s6], [sflag:$0x11] =	stream.linear.gather [hbm4b:s24+s5], $0x1400, $0x38;
	[tilespmem:$0x9000] =	vst v63  }
0x43: {  	_ =	swait.ge [sflag:s17], $0x1400  }
0x44: {  	[sflag:s17] =	ssyncset.done $0x0  }
0x45: {  	[sflag:s17] =	ssyncadd.s32 $0xFFFFEC00  }
0x46: {  	[bflag:$0x0] =	sbarrier.arrive $0xFFFF  }
0x47: {  	[tilespmem:s20], [sflag:$0x1] =	stream.indirect.gather [hbm4b:s4+s19], $0x10, s5, s19, $0xb8;
	[tilespmem:$0x9000] =	vst v63  }
0x48: {  	_ = 	snop  }
0x49: {  	[tilespmem:s21], [sflag:$0x2] =	stream.indirect.gather [hbm4b:s4+s19], $0x10, s19, s19, $0xb8;
	[tilespmem:$0x9000] =	vst v63  }
0x4a: {  	p1 =	por $0x1, $0x1;
	s6 =	simm.s32 $0x100  }
0x4b: {  	[tilespmem:s23], [sflag:$0x3] =	stream.indirect.gather [hbm4b:s4+s19], $0x10, s6, s19, $0xb8;
	[tilespmem:$0x9000] =	vst v63  }
0x4c: {  	s7 =	simm.s32 $0x180;
	s5 =	simm.s32 @!p1 $0xD  }
0x4d: {  	[tilespmem:s25], [sflag:$0x4] =	stream.indirect.gather [hbm4b:s4+s19], $0x10, s7, s19, $0xb8;
	[tilespmem:$0x9000] =	vst v63  }
0x4e: {  	_ =	swait.ge @!p1 [sflag:s5], $0x800  }
0x4f: {  	[sflag:s5] =	ssyncset.done @!p1 $0x0  }
0x50: {  	s8 =	simm.s32 $0x200;
	s9 =	rddreg [dreg:$0x3];
	[sflag:s5] =	ssyncadd.s32 @!p1 $0xFFFFF800  }
0x51: {  	[tilespmem:s9], [sflag:$0x5] =	stream.indirect.gather [hbm4b:s4+s19], $0x10, s8, s19, $0xb8;
	[tilespmem:$0x9000] =	vst v63  }
0x52: {  	_ =	swait.ge [sflag:s26], $0x800  }
0x53: {  	[sflag:s26] =	ssyncset.done $0x0  }
0x54: {  	s10 =	simm.s32 $0x1400;
	s9 =	simm.s32 @!p1 $0xE;
	[sflag:s26] =	ssyncadd.s32 $0xFFFFF800  }
0x55: {  	[spmem:s2] =	stream.indirect.scatter.add.f32 [tilespmem:s20], [sflag:$0x9], $0x10, s10, s19, $0xb8;
	[tilespmem:$0x9000] =	vst v63  }
0x56: {  	_ =	swait.ge @!p1 [sflag:s9], $0x800  }
0x57: {  	[sflag:s9] =	ssyncset.done @!p1 $0x0  }
0x58: {  	s11 =	simm.s32 $0x280;
	[sflag:s9] =	ssyncadd.s32 @!p1 $0xFFFFF800  }
0x59: {  	[tilespmem:s28], [sflag:$0x6] =	stream.indirect.gather [hbm4b:s4+s19], $0x10, s11, s19, $0xb8;
	[tilespmem:$0x9000] =	vst v63  }
0x5a: {  	_ =	swait.ge [sflag:s29], $0x800  }
0x5b: {  	[sflag:s29] =	ssyncset.done $0x0  }
0x5c: {  	s12 =	simm.s32 $0x1480;
	s9 =	simm.s32 @!p1 $0xF;
	[sflag:s29] =	ssyncadd.s32 $0xFFFFF800  }
0x5d: {  	[spmem:s2] =	stream.indirect.scatter.add.f32 [tilespmem:s21], [sflag:$0xA], $0x10, s12, s19, $0xb8;
	[tilespmem:$0x9000] =	vst v63  }
0x5e: {  	_ =	swait.ge @!p1 [sflag:s9], $0x800  }
0x5f: {  	[sflag:s9] =	ssyncset.done @!p1 $0x0  }
0x60: {  	s14 =	simm.s32 $0x300;
	s13 =	rddreg [dreg:$0x4];
	[sflag:s9] =	ssyncadd.s32 @!p1 $0xFFFFF800  }
0x61: {  	[tilespmem:s13], [sflag:$0x7] =	stream.indirect.gather [hbm4b:s4+s19], $0x10, s14, s19, $0xb8;
	[tilespmem:$0x9000] =	vst v63  }
0x62: {  	_ =	swait.ge [sflag:s30], $0x800  }
0x63: {  	[sflag:s30] =	ssyncset.done $0x0  }
0x64: {  	s15 =	simm.s32 $0x1500;
	s9 =	simm.s32 @!p1 $0x10;
	[sflag:s30] =	ssyncadd.s32 $0xFFFFF800  }
0x65: {  	[spmem:s2] =	stream.indirect.scatter.add.f32 [tilespmem:s23], [sflag:$0xB], $0x10, s15, s19, $0xb8;
	[tilespmem:$0x9000] =	vst v63  }
0x66: {  	_ =	swait.ge @!p1 [sflag:s9], $0x800  }
0x67: {  	[sflag:s9] =	ssyncset.done @!p1 $0x0  }
0x68: {  	s16 =	simm.s32 $0x380;
	[sflag:s9] =	ssyncadd.s32 @!p1 $0xFFFFF800  }
0x69: {  	[tilespmem:s31], [sflag:$0x8] =	stream.indirect.gather [hbm4b:s4+s19], $0x10, s16, s19, $0xb8;
	[tilespmem:$0x9000] =	vst v63  }
0x6a: {  	_ =	swait.ge [sflag:s1], $0x800  }
0x6b: {  	p1 =	por $0x0, $0x0;
	[sflag:s1] =	ssyncset.done $0x0  }
0x6c: {  	s22 =	simm.s32 $0x1580;
	s9 =	simm.s32 @p1 $0x5;
	[sflag:s1] =	ssyncadd.s32 $0xFFFFF800  }
0x6d: {  	[spmem:s2] =	stream.indirect.scatter.add.f32 [tilespmem:s25], [sflag:$0xC], $0x10, s22, s19, $0xb8;
	[tilespmem:$0x9000] =	vst v63  }
0x6e: {  	_ =	swait.ge @p1 [sflag:s9], $0x800  }
0x6f: {  	s5 =	simm.s32 @p1 $0x1600;
	s10 =	simm.s32 @p1 $0x80;
	[sflag:s9] =	ssyncset.done @p1 $0x0  }
0x70: {  	s11 =	simm.s32 @p1 $0x4800;
	[sflag:s9] =	ssyncadd.s32 @p1 $0xFFFFF800;
	s9 =	simm.s32 @!p1 $0x9  }
0x71: {  	[spmem:s2] =	stream.indirect.scatter.add.f32 @p1 [tilespmem:s11], [sflag:$0xD], $0x10, s5, s10, $0xb8;
	[tilespmem:$0x9000] =	vst v63  }
0x72: {  	_ =	swait.ge @!p1 [sflag:s9], $0x800  }
0x73: {  	s5 =	simm.s32 @!p1 $0x400;
	[sflag:s9] =	ssyncset.done @!p1 $0x0  }
0x74: {  	s11 =	simm.s32 @!p1 $0x80;
	[sflag:s9] =	ssyncadd.s32 @!p1 $0xFFFFF800;
	s9 =	simm.s32 @!p1 $0x2800  }
0x75: {  	[tilespmem:s9], [sflag:$0x1] =	stream.indirect.gather @!p1 [hbm4b:s4+s11], $0x10, s5, s11, $0xb8;
	[tilespmem:$0x9000] =	vst v63  }
0x76: {  	s5 =	simm.s32 @!p1 $0x5  }
0x77: {  	_ =	swait.ge @!p1 [sflag:s5], $0x800  }
0x78: {  	[sflag:s5] =	ssyncset.done @!p1 $0x0  }
0x79: {  	s9 =	simm.s32 @!p1 $0x1600;
	[sflag:s5] =	ssyncadd.s32 @!p1 $0xFFFFF800;
	s5 =	simm.s32 @!p1 $0x4800  }
0x7a: {  	[spmem:s2] =	stream.indirect.scatter.add.f32 @!p1 [tilespmem:s5], [sflag:$0xD], $0x10, s9, s11, $0xb8;
	[tilespmem:$0x9000] =	vst v63  }
0x7b: {  	s5 =	simm.s32 @!p1 $0xA  }
0x7c: {  	_ =	swait.ge @!p1 [sflag:s5], $0x800  }
0x7d: {  	[sflag:s5] =	ssyncset.done @!p1 $0x0  }
0x7e: {  	s9 =	simm.s32 @!p1 $0x480;
	[sflag:s5] =	ssyncadd.s32 @!p1 $0xFFFFF800;
	s5 =	simm.s32 @!p1 $0x3000  }
0x7f: {  	[tilespmem:s5], [sflag:$0x2] =	stream.indirect.gather @!p1 [hbm4b:s4+s11], $0x10, s9, s11, $0xb8;
	[tilespmem:$0x9000] =	vst v63  }
0x80: {  	_ =	swait.ge [sflag:s0], $0x800  }
0x81: {  	[sflag:s0] =	ssyncset.done $0x0  }
0x82: {  	s24 =	simm.s32 $0x1680;
	s9 =	simm.s32 @p1 $0x7;
	[sflag:s0] =	ssyncadd.s32 $0xFFFFF800  }
0x83: {  	[spmem:s2] =	stream.indirect.scatter.add.f32 [tilespmem:s28], [sflag:$0xE], $0x10, s24, s19, $0xb8;
	[tilespmem:$0x9000] =	vst v63  }
0x84: {  	_ =	swait.ge @p1 [sflag:s9], $0x800  }
0x85: {  	[sflag:s9] =	ssyncset.done @p1 $0x0  }
0x86: {  	s5 =	simm.s32 @p1 $0x1700;
	[sflag:s9] =	ssyncadd.s32 @p1 $0xFFFFF800;
	s9 =	simm.s32 @p1 $0x5800  }
0x87: {  	[spmem:s2] =	stream.indirect.scatter.add.f32 @p1 [tilespmem:s9], [sflag:$0xF], $0x10, s5, s10, $0xb8;
	[tilespmem:$0x9000] =	vst v63  }
0x88: {  	s5 =	simm.s32 @!p1 $0xB  }
0x89: {  	_ =	swait.ge @!p1 [sflag:s5], $0x800  }
0x8a: {  	[sflag:s5] =	ssyncset.done @!p1 $0x0  }
0x8b: {  	s9 =	simm.s32 @!p1 $0x500;
	[sflag:s5] =	ssyncadd.s32 @!p1 $0xFFFFF800;
	s5 =	simm.s32 @!p1 $0x3800  }
0x8c: {  	[tilespmem:s5], [sflag:$0x3] =	stream.indirect.gather @!p1 [hbm4b:s4+s11], $0x10, s9, s11, $0xb8;
	[tilespmem:$0x9000] =	vst v63  }
0x8d: {  	s5 =	simm.s32 @!p1 $0x7  }
0x8e: {  	_ =	swait.ge @!p1 [sflag:s5], $0x800  }
0x8f: {  	[sflag:s5] =	ssyncset.done @!p1 $0x0  }
0x90: {  	s9 =	simm.s32 @!p1 $0x1700;
	[sflag:s5] =	ssyncadd.s32 @!p1 $0xFFFFF800;
	s5 =	simm.s32 @!p1 $0x5800  }
0x91: {  	[spmem:s2] =	stream.indirect.scatter.add.f32 @!p1 [tilespmem:s5], [sflag:$0xF], $0x10, s9, s11, $0xb8;
	[tilespmem:$0x9000] =	vst v63  }
0x92: {  	s5 =	simm.s32 @!p1 $0xC  }
0x93: {  	_ =	swait.ge @!p1 [sflag:s5], $0x800  }
0x94: {  	p2 =	por $0x0, $0x0;
	s24 =	simm.s32 $0x1780;
	[sflag:s5] =	ssyncset.done @!p1 $0x0  }
0x95: {  	s9 =	simm.s32 @!p1 $0x580;
	[sflag:s5] =	ssyncadd.s32 @!p1 $0xFFFFF800;
	s5 =	simm.s32 @!p1 $0x4000  }
0x96: {  	[tilespmem:s5], [sflag:$0x4] =	stream.indirect.gather @!p1 [hbm4b:s4+s11], $0x10, s9, s11, $0xb8;
	[tilespmem:$0x9000] =	vst v63  }
0x97: {  	s10 =	simm.s32 $0x2000;
	s9 =	simm.s32 $0x1000;
	_ =	swait.ge [sflag:s18], $0x800  }
.LBB2_7:
0x98: {  	[sflag:s18] =	ssyncset.done $0x0  }
0x99: {  	s12 =	simm.s32 @!p2 $0xD;
	[sflag:s18] =	ssyncadd.s32 $0xFFFFF800  }
0x9a: {  	[spmem:s2] =	stream.indirect.scatter.add.f32 [tilespmem:s31], [sflag:$0x10], $0x10, s24, s19, $0xb8;
	[tilespmem:$0x9000] =	vst v63  }
0x9b: {  	_ =	swait.ge @!p2 [sflag:s12], $0x800  }
0x9c: {  	s5 =	sshra.s32 s9, $0x2;
	[sflag:s12] =	ssyncset.done @!p2 $0x0  }
0x9d: {  	s16 =	sadd.s32 $0x200, s5;
	s13 =	rddreg [dreg:$0x3];
	[sflag:s12] =	ssyncadd.s32 @!p2 $0xFFFFF800  }
0x9e: {  	[tilespmem:s13], [sflag:$0x5] =	stream.indirect.gather [hbm4b:s4+s19], $0x10, s16, s19, $0xb8;
	[tilespmem:$0x9000] =	vst v63  }
0x9f: {  	_ =	swait.ge [sflag:s26], $0x800  }
0xa0: {  	[sflag:s26] =	ssyncset.done $0x0  }
0xa1: {  	s22 =	sadd.s32 $0x1400, s5;
	s13 =	simm.s32 @!p2 $0xE;
	[sflag:s26] =	ssyncadd.s32 $0xFFFFF800  }
0xa2: {  	[spmem:s2] =	stream.indirect.scatter.add.f32 [tilespmem:s20], [sflag:$0x9], $0x10, s22, s19, $0xb8;
	[tilespmem:$0x9000] =	vst v63  }
0xa3: {  	_ =	swait.ge @!p2 [sflag:s13], $0x800  }
0xa4: {  	[sflag:s13] =	ssyncset.done @!p2 $0x0  }
0xa5: {  	s3 =	sadd.s32 $0x280, s5;
	[sflag:s13] =	ssyncadd.s32 @!p2 $0xFFFFF800  }
0xa6: {  	[tilespmem:s28], [sflag:$0x6] =	stream.indirect.gather [hbm4b:s4+s19], $0x10, s3, s19, $0xb8;
	[tilespmem:$0x9000] =	vst v63  }
0xa7: {  	_ =	swait.ge [sflag:s29], $0x800  }
0xa8: {  	[sflag:s29] =	ssyncset.done $0x0  }
0xa9: {  	s6 =	sadd.s32 $0x1480, s5;
	s13 =	simm.s32 @!p2 $0xF;
	[sflag:s29] =	ssyncadd.s32 $0xFFFFF800  }
0xaa: {  	[spmem:s2] =	stream.indirect.scatter.add.f32 [tilespmem:s21], [sflag:$0xA], $0x10, s6, s19, $0xb8;
	[tilespmem:$0x9000] =	vst v63  }
0xab: {  	_ =	swait.ge @!p2 [sflag:s13], $0x800  }
0xac: {  	[sflag:s13] =	ssyncset.done @!p2 $0x0  }
0xad: {  	s8 =	sadd.s32 $0x300, s5;
	s7 =	rddreg [dreg:$0x4];
	[sflag:s13] =	ssyncadd.s32 @!p2 $0xFFFFF800  }
0xae: {  	[tilespmem:s7], [sflag:$0x7] =	stream.indirect.gather [hbm4b:s4+s19], $0x10, s8, s19, $0xb8;
	[tilespmem:$0x9000] =	vst v63  }
0xaf: {  	_ =	swait.ge [sflag:s30], $0x800  }
0xb0: {  	[sflag:s30] =	ssyncset.done $0x0  }
0xb1: {  	s14 =	sadd.s32 $0x1500, s5;
	s13 =	simm.s32 @!p2 $0x10;
	[sflag:s30] =	ssyncadd.s32 $0xFFFFF800  }
0xb2: {  	[spmem:s2] =	stream.indirect.scatter.add.f32 [tilespmem:s23], [sflag:$0xB], $0x10, s14, s19, $0xb8;
	[tilespmem:$0x9000] =	vst v63  }
0xb3: {  	_ =	swait.ge @!p2 [sflag:s13], $0x800  }
0xb4: {  	[sflag:s13] =	ssyncset.done @!p2 $0x0  }
0xb5: {  	s15 =	sadd.s32 $0x380, s5;
	[sflag:s13] =	ssyncadd.s32 @!p2 $0xFFFFF800  }
0xb6: {  	[tilespmem:s31], [sflag:$0x8] =	stream.indirect.gather [hbm4b:s4+s19], $0x10, s15, s19, $0xb8;
	[tilespmem:$0x9000] =	vst v63  }
0xb7: {  	_ =	swait.ge [sflag:s1], $0x800  }
0xb8: {  	p2 =	seq.s32 s9, $0x4000;
	[sflag:s1] =	ssyncset.done $0x0  }
0xb9: {  	s16 =	sadd.s32 $0x1580, s5;
	s14 =	simm.s32 @p2 $0x5;
	[sflag:s1] =	ssyncadd.s32 $0xFFFFF800  }
0xba: {  	[spmem:s2] =	stream.indirect.scatter.add.f32 [tilespmem:s25], [sflag:$0xC], $0x10, s16, s19, $0xb8;
	[tilespmem:$0x9000] =	vst v63  }
0xbb: {  	s15 =	sshra.s32 @p2 s9, $0x2;
	_ =	swait.ge @p2 [sflag:s14], $0x800  }
0xbc: {  	s13 =	simm.s32 @p2 $0x80;
	s12 =	sadd.s32 @p2 $0x1600, s15;
	[sflag:s14] =	ssyncset.done @p2 $0x0  }
0xbd: {  	s16 =	simm.s32 @p2 $0x4800;
	[sflag:s14] =	ssyncadd.s32 @p2 $0xFFFFF800;
	s14 =	simm.s32 @!p2 $0x9  }
0xbe: {  	[spmem:s2] =	stream.indirect.scatter.add.f32 @p2 [tilespmem:s16], [sflag:$0xD], $0x10, s12, s13, $0xb8;
	[tilespmem:$0x9000] =	vst v63  }
0xbf: {  	s9 =	sshra.s32 @!p2 s9, $0x2;
	_ =	swait.ge @!p2 [sflag:s14], $0x800  }
0xc0: {  	s8 =	simm.s32 @!p2 $0x2800;
	s22 =	simm.s32 @!p2 $0x5;
	[sflag:s14] =	ssyncset.done @!p2 $0x0  }
0xc1: {  	s6 =	sadd.s32 @!p2 $0x400, s9;
	s12 =	simm.s32 @!p2 $0x80;
	[sflag:s14] =	ssyncadd.s32 @!p2 $0xFFFFF800  }
0xc2: {  	[tilespmem:s8], [sflag:$0x1] =	stream.indirect.gather @!p2 [hbm4b:s4+s12], $0x10, s6, s12, $0xb8;
	[tilespmem:$0x9000] =	vst v63  }
0xc3: {  	_ =	swait.ge @!p2 [sflag:s22], $0x800  }
0xc4: {  	s3 =	simm.s32 @!p2 $0x4800;
	[sflag:s22] =	ssyncset.done @!p2 $0x0  }
0xc5: {  	s16 =	sadd.s32 @!p2 $0x1600, s9;
	[sflag:s22] =	ssyncadd.s32 @!p2 $0xFFFFF800;
	s22 =	simm.s32 @!p2 $0xA  }
0xc6: {  	[spmem:s2] =	stream.indirect.scatter.add.f32 @!p2 [tilespmem:s3], [sflag:$0xD], $0x10, s16, s12, $0xb8;
	[tilespmem:$0x9000] =	vst v63  }
0xc7: {  	_ =	swait.ge @!p2 [sflag:s22], $0x800  }
0xc8: {  	[sflag:s22] =	ssyncset.done @!p2 $0x0  }
0xc9: {  	s7 =	sadd.s32 @!p2 $0x480, s9;
	s3 =	simm.s32 @!p2 $0x3000;
	[sflag:s22] =	ssyncadd.s32 @!p2 $0xFFFFF800  }
0xca: {  	[tilespmem:s3], [sflag:$0x2] =	stream.indirect.gather @!p2 [hbm4b:s4+s12], $0x10, s7, s12, $0xb8;
	[tilespmem:$0x9000] =	vst v63  }
0xcb: {  	_ =	swait.ge [sflag:s0], $0x800  }
0xcc: {  	s24 =	sadd.s32 $0x1780, s5;
	[sflag:s0] =	ssyncset.done $0x0  }
0xcd: {  	s22 =	sadd.s32 $0x1680, s5;
	s5 =	simm.s32 @p2 $0x7;
	[sflag:s0] =	ssyncadd.s32 $0xFFFFF800  }
0xce: {  	[spmem:s2] =	stream.indirect.scatter.add.f32 [tilespmem:s28], [sflag:$0xE], $0x10, s22, s19, $0xb8;
	[tilespmem:$0x9000] =	vst v63  }
0xcf: {  	_ =	swait.ge @p2 [sflag:s5], $0x800  }
0xd0: {  	s15 =	sadd.s32 @p2 $0x1700, s15;
	[sflag:s5] =	ssyncset.done @p2 $0x0  }
0xd1: {  	s3 =	simm.s32 @p2 $0x5800;
	[sflag:s5] =	ssyncadd.s32 @p2 $0xFFFFF800;
	s5 =	simm.s32 @!p2 $0xB  }
0xd2: {  	[spmem:s2] =	stream.indirect.scatter.add.f32 @p2 [tilespmem:s3], [sflag:$0xF], $0x10, s15, s13, $0xb8;
	[tilespmem:$0x9000] =	vst v63  }
0xd3: {  	_ =	swait.ge @!p2 [sflag:s5], $0x800  }
0xd4: {  	s6 =	sadd.s32 @!p2 $0x500, s9;
	[sflag:s5] =	ssyncset.done @!p2 $0x0  }
0xd5: {  	s3 =	simm.s32 @!p2 $0x3800;
	[sflag:s5] =	ssyncadd.s32 @!p2 $0xFFFFF800;
	s5 =	simm.s32 @!p2 $0x7  }
0xd6: {  	[tilespmem:s3], [sflag:$0x3] =	stream.indirect.gather @!p2 [hbm4b:s4+s12], $0x10, s6, s12, $0xb8;
	[tilespmem:$0x9000] =	vst v63  }
0xd7: {  	s11 =	smov.u32 s10;
	s10 =	sadd.s32 $0x1000, s10;
	_ =	swait.ge @!p2 [sflag:s5], $0x800  }
0xd8: {  	p1 =	sne.s32 s10, $0x5000;
	s8 =	sadd.s32 @!p2 $0x1700, s9;
	[sflag:s5] =	ssyncset.done @!p2 $0x0  }
0xd9: {  	s3 =	simm.s32 @!p2 $0x5800;
	[sflag:s5] =	ssyncadd.s32 @!p2 $0xFFFFF800;
	s5 =	simm.s32 @!p2 $0xC  }
0xda: {  	[spmem:s2] =	stream.indirect.scatter.add.f32 @!p2 [tilespmem:s3], [sflag:$0xF], $0x10, s8, s12, $0xb8;
	[tilespmem:$0x9000] =	vst v63  }
.Ltmp3:
0xdb: {  	_ =	swait.ge @!p2 [sflag:s5], $0x800;
	(pc) =	sbr.rel @p1 .LBB2_7-.Ltmp3, $4  }
0xdc: {  	s14 =	sadd.s32 @!p2 $0x580, s9;
	[sflag:s5] =	ssyncset.done @!p2 $0x0  }
0xdd: {  	s9 =	smov.u32 s11;
	s3 =	simm.s32 @!p2 $0x4000;
	[sflag:s5] =	ssyncadd.s32 @!p2 $0xFFFFF800  }
0xde: {  	[tilespmem:s3], [sflag:$0x4] =	stream.indirect.gather @!p2 [hbm4b:s4+s12], $0x10, s14, s12, $0xb8;
	[tilespmem:$0x9000] =	vst v63  }
0xdf: {  	p2 =	seq.s32 s9, $0x0;
	_ =	swait.ge [sflag:s18], $0x800  }
0xe0: {  	[sflag:s18] =	ssyncset.done $0x0  }
0xe1: {  	s3 =	simm.s32 @!p2 $0xD;
	[sflag:s18] =	ssyncadd.s32 $0xFFFFF800  }
0xe2: {  	[spmem:s2] =	stream.indirect.scatter.add.f32 [tilespmem:s31], [sflag:$0x10], $0x10, s24, s19, $0xb8;
	[tilespmem:$0x9000] =	vst v63  }
0xe3: {  	_ =	swait.ge @!p2 [sflag:s3], $0x800  }
0xe4: {  	s5 =	sshra.s32 s9, $0x2;
	[sflag:s3] =	ssyncset.done @!p2 $0x0  }
0xe5: {  	s12 =	sadd.s32 $0x200, s5;
	s6 =	rddreg [dreg:$0x3];
	[sflag:s3] =	ssyncadd.s32 @!p2 $0xFFFFF800  }
0xe6: {  	[tilespmem:s6], [sflag:$0x5] =	stream.indirect.gather [hbm4b:s4+s19], $0x10, s12, s19, $0xb8;
	[tilespmem:$0x9000] =	vst v63  }
0xe7: {  	_ =	swait.ge [sflag:s26], $0x800  }
0xe8: {  	[sflag:s26] =	ssyncset.done $0x0  }
0xe9: {  	s13 =	sadd.s32 $0x1400, s5;
	s6 =	simm.s32 @!p2 $0xE;
	[sflag:s26] =	ssyncadd.s32 $0xFFFFF800  }
0xea: {  	[spmem:s2] =	stream.indirect.scatter.add.f32 [tilespmem:s20], [sflag:$0x9], $0x10, s13, s19, $0xb8;
	[tilespmem:$0x9000] =	vst v63  }
0xeb: {  	_ =	swait.ge @!p2 [sflag:s6], $0x800  }
0xec: {  	[sflag:s6] =	ssyncset.done @!p2 $0x0  }
0xed: {  	s14 =	sadd.s32 $0x280, s5;
	[sflag:s6] =	ssyncadd.s32 @!p2 $0xFFFFF800  }
0xee: {  	[tilespmem:s28], [sflag:$0x6] =	stream.indirect.gather [hbm4b:s4+s19], $0x10, s14, s19, $0xb8;
	[tilespmem:$0x9000] =	vst v63  }
0xef: {  	_ =	swait.ge [sflag:s29], $0x800  }
0xf0: {  	[sflag:s29] =	ssyncset.done $0x0  }
0xf1: {  	s15 =	sadd.s32 $0x1480, s5;
	s6 =	simm.s32 @!p2 $0xF;
	[sflag:s29] =	ssyncadd.s32 $0xFFFFF800  }
0xf2: {  	[spmem:s2] =	stream.indirect.scatter.add.f32 [tilespmem:s21], [sflag:$0xA], $0x10, s15, s19, $0xb8;
	[tilespmem:$0x9000] =	vst v63  }
0xf3: {  	_ =	swait.ge @!p2 [sflag:s6], $0x800  }
0xf4: {  	[sflag:s6] =	ssyncset.done @!p2 $0x0  }
0xf5: {  	s22 =	sadd.s32 $0x300, s5;
	s16 =	rddreg [dreg:$0x4];
	[sflag:s6] =	ssyncadd.s32 @!p2 $0xFFFFF800  }
0xf6: {  	[tilespmem:s16], [sflag:$0x7] =	stream.indirect.gather [hbm4b:s4+s19], $0x10, s22, s19, $0xb8;
	[tilespmem:$0x9000] =	vst v63  }
0xf7: {  	_ =	swait.ge [sflag:s30], $0x800  }
0xf8: {  	[sflag:s30] =	ssyncset.done $0x0  }
0xf9: {  	s24 =	sadd.s32 $0x1500, s5;
	s6 =	simm.s32 @!p2 $0x10;
	[sflag:s30] =	ssyncadd.s32 $0xFFFFF800  }
0xfa: {  	[spmem:s2] =	stream.indirect.scatter.add.f32 [tilespmem:s23], [sflag:$0xB], $0x10, s24, s19, $0xb8;
	[tilespmem:$0x9000] =	vst v63  }
0xfb: {  	_ =	swait.ge @!p2 [sflag:s6], $0x800  }
0xfc: {  	[sflag:s6] =	ssyncset.done @!p2 $0x0  }
0xfd: {  	s7 =	sadd.s32 $0x380, s5;
	[sflag:s6] =	ssyncadd.s32 @!p2 $0xFFFFF800  }
0xfe: {  	[tilespmem:s31], [sflag:$0x8] =	stream.indirect.gather [hbm4b:s4+s19], $0x10, s7, s19, $0xb8;
	[tilespmem:$0x9000] =	vst v63  }
0xff: {  	_ =	swait.ge [sflag:s1], $0x800  }
0x100: {  	p1 =	seq.s32 s9, $0x4000;
	[sflag:s1] =	ssyncset.done $0x0  }
0x101: {  	s8 =	sadd.s32 $0x1580, s5;
	s6 =	simm.s32 @p1 $0x5;
	[sflag:s1] =	ssyncadd.s32 $0xFFFFF800  }
0x102: {  	[spmem:s2] =	stream.indirect.scatter.add.f32 [tilespmem:s25], [sflag:$0xC], $0x10, s8, s19, $0xb8;
	[tilespmem:$0x9000] =	vst v63  }
0x103: {  	s3 =	sshra.s32 @p1 s9, $0x2;
	_ =	swait.ge @p1 [sflag:s6], $0x800  }
0x104: {  	s10 =	simm.s32 @p1 $0x4800;
	s7 =	sadd.s32 @p1 $0x1600, s3;
	[sflag:s6] =	ssyncset.done @p1 $0x0  }
0x105: {  	s8 =	simm.s32 @p1 $0x80;
	[sflag:s6] =	ssyncadd.s32 @p1 $0xFFFFF800;
	s6 =	simm.s32 @!p1 $0x9  }
0x106: {  	[spmem:s2] =	stream.indirect.scatter.add.f32 @p1 [tilespmem:s10], [sflag:$0xD], $0x10, s7, s8, $0xb8;
	[tilespmem:$0x9000] =	vst v63  }
0x107: {  	_ =	swait.ge @!p1 [sflag:s6], $0x800  }
0x108: {  	s7 =	sshra.s32 @!p1 s9, $0x2;
	s10 =	simm.s32 @!p1 $0x80;
	[sflag:s6] =	ssyncset.done @!p1 $0x0  }
0x109: {  	s9 =	sadd.s32 @!p1 $0x400, s7;
	[sflag:s6] =	ssyncadd.s32 @!p1 $0xFFFFF800;
	s6 =	simm.s32 @!p1 $0x2800  }
0x10a: {  	[tilespmem:s6], [sflag:$0x1] =	stream.indirect.gather @!p1 [hbm4b:s4+s10], $0x10, s9, s10, $0xb8;
	[tilespmem:$0x9000] =	vst v63  }
0x10b: {  	s6 =	simm.s32 @!p1 $0x5  }
0x10c: {  	_ =	swait.ge @!p1 [sflag:s6], $0x800  }
0x10d: {  	[sflag:s6] =	ssyncset.done @!p1 $0x0  }
0x10e: {  	s9 =	sadd.s32 @!p1 $0x1600, s7;
	[sflag:s6] =	ssyncadd.s32 @!p1 $0xFFFFF800;
	s6 =	simm.s32 @!p1 $0x4800  }
0x10f: {  	[spmem:s2] =	stream.indirect.scatter.add.f32 @!p1 [tilespmem:s6], [sflag:$0xD], $0x10, s9, s10, $0xb8;
	[tilespmem:$0x9000] =	vst v63  }
0x110: {  	s6 =	simm.s32 @!p1 $0xA  }
0x111: {  	_ =	swait.ge @!p1 [sflag:s6], $0x800  }
0x112: {  	[sflag:s6] =	ssyncset.done @!p1 $0x0  }
0x113: {  	s9 =	sadd.s32 @!p1 $0x480, s7;
	[sflag:s6] =	ssyncadd.s32 @!p1 $0xFFFFF800;
	s6 =	simm.s32 @!p1 $0x3000  }
0x114: {  	[tilespmem:s6], [sflag:$0x2] =	stream.indirect.gather @!p1 [hbm4b:s4+s10], $0x10, s9, s10, $0xb8;
	[tilespmem:$0x9000] =	vst v63  }
0x115: {  	_ =	swait.ge [sflag:s0], $0x800  }
0x116: {  	[sflag:s0] =	ssyncset.done $0x0  }
0x117: {  	s9 =	sadd.s32 $0x1680, s5;
	s6 =	simm.s32 @p1 $0x7;
	[sflag:s0] =	ssyncadd.s32 $0xFFFFF800  }
0x118: {  	[spmem:s2] =	stream.indirect.scatter.add.f32 [tilespmem:s28], [sflag:$0xE], $0x10, s9, s19, $0xb8;
	[tilespmem:$0x9000] =	vst v63  }
0x119: {  	_ =	swait.ge @p1 [sflag:s6], $0x800  }
0x11a: {  	[sflag:s6] =	ssyncset.done @p1 $0x0  }
0x11b: {  	s3 =	sadd.s32 @p1 $0x1700, s3;
	[sflag:s6] =	ssyncadd.s32 @p1 $0xFFFFF800;
	s6 =	simm.s32 @p1 $0x5800  }
0x11c: {  	[spmem:s2] =	stream.indirect.scatter.add.f32 @p1 [tilespmem:s6], [sflag:$0xF], $0x10, s3, s8, $0xb8;
	[tilespmem:$0x9000] =	vst v63  }
0x11d: {  	s3 =	simm.s32 @!p1 $0xB  }
0x11e: {  	_ =	swait.ge @!p1 [sflag:s3], $0x800  }
0x11f: {  	[sflag:s3] =	ssyncset.done @!p1 $0x0  }
0x120: {  	s6 =	sadd.s32 @!p1 $0x500, s7;
	[sflag:s3] =	ssyncadd.s32 @!p1 $0xFFFFF800;
	s3 =	simm.s32 @!p1 $0x3800  }
0x121: {  	[tilespmem:s3], [sflag:$0x3] =	stream.indirect.gather @!p1 [hbm4b:s4+s10], $0x10, s6, s10, $0xb8;
	[tilespmem:$0x9000] =	vst v63  }
0x122: {  	s3 =	simm.s32 @!p1 $0x7  }
0x123: {  	_ =	swait.ge @!p1 [sflag:s3], $0x800  }
0x124: {  	[sflag:s3] =	ssyncset.done @!p1 $0x0  }
0x125: {  	s6 =	sadd.s32 @!p1 $0x1700, s7;
	[sflag:s3] =	ssyncadd.s32 @!p1 $0xFFFFF800;
	s3 =	simm.s32 @!p1 $0x5800  }
0x126: {  	[spmem:s2] =	stream.indirect.scatter.add.f32 @!p1 [tilespmem:s3], [sflag:$0xF], $0x10, s6, s10, $0xb8;
	[tilespmem:$0x9000] =	vst v63  }
0x127: {  	s3 =	simm.s32 @!p1 $0xC  }
0x128: {  	_ =	swait.ge @!p1 [sflag:s3], $0x800  }
0x129: {  	[sflag:s3] =	ssyncset.done @!p1 $0x0  }
0x12a: {  	s6 =	sadd.s32 @!p1 $0x580, s7;
	[sflag:s3] =	ssyncadd.s32 @!p1 $0xFFFFF800;
	s3 =	simm.s32 @!p1 $0x4000  }
0x12b: {  	[tilespmem:s3], [sflag:$0x4] =	stream.indirect.gather @!p1 [hbm4b:s4+s10], $0x10, s6, s10, $0xb8;
	[tilespmem:$0x9000] =	vst v63  }
0x12c: {  	_ =	swait.ge [sflag:s18], $0x800  }
0x12d: {  	[sflag:s18] =	ssyncset.done $0x0  }
0x12e: {  	s11 =	simm.s32 $0xD;
	s10 =	sadd.s32 $0x1780, s5;
	[sflag:s18] =	ssyncadd.s32 $0xFFFFF800  }
0x12f: {  	[spmem:s2] =	stream.indirect.scatter.add.f32 [tilespmem:s31], [sflag:$0x10], $0x10, s10, s19, $0xb8;
	[tilespmem:$0x9000] =	vst v63  }
0x130: {  	_ =	swait.ge [sflag:s11], $0x800  }
0x131: {  	[sflag:s11] =	ssyncset.done $0x0  }
0x132: {  	s12 =	simm.s32 $0xE;
	[sflag:s11] =	ssyncadd.s32 $0xFFFFF800  }
0x133: {  	_ =	swait.ge [sflag:s12], $0x800  }
0x134: {  	[sflag:s12] =	ssyncset.done $0x0  }
0x135: {  	s13 =	simm.s32 $0xF;
	[sflag:s12] =	ssyncadd.s32 $0xFFFFF800  }
0x136: {  	_ =	swait.ge [sflag:s13], $0x800  }
0x137: {  	[sflag:s13] =	ssyncset.done $0x0  }
0x138: {  	s14 =	simm.s32 $0x10;
	[sflag:s13] =	ssyncadd.s32 $0xFFFFF800  }
0x139: {  	_ =	swait.ge [sflag:s14], $0x800  }
0x13a: {  	[sflag:s14] =	ssyncset.done $0x0  }
0x13b: {  	[sflag:s14] =	ssyncadd.s32 $0xFFFFF800  }
0x13c: {  	[bflag:$0x0] =	sbarrier.arrive $0xFFFF  }
0x13d: {  	s15 =	rddreg [dreg:$0xe]  }
0x13e: {  	s16 =	rddreg [dreg:$0x10]  }
0x13f: {  	s22 =	rddreg [dreg:$0x11]  }
0x140: {  	[hbm:s15], [sflag:s16] =	dma.local [spmem:s22], $0x500  }
0x141: {  	_ =	swait.ge [sflag:s17], $0x500  }
0x142: {  	s11 =	rddreg [dreg:$0x5]  }
0x143: {  	s24 =	rddreg [dreg:$0xf];
	s11 =	sadd.s32 $0x1, s11  }
0x144: {  	p1 =	sne.s32 s11, s24  }
.Ltmp4:
0x145: {  	_ = 	snop;
	(pc) =	sbr.rel @p1 .LBB2_1-.Ltmp4, $3  }
0x146: {  	_ =	sdelay $0x1  }
0x147: {  	[sflag:s17] =	ssyncset.done $0x0  }
0x148: {  	[sflag:s17] =	ssyncadd.s32 $0xFFFFFB00  }
0x149: {  	_ =	sfence.sel $0x180000  }
0x14a: {  	[bflag:$0x0] =	sbarrier.arrive $0xFFFF  }
0x14b: {  	_ =	strace $0x9000004D  }
0x14c: {  	s0 =	stileid.u32;
	[bflag:$0x2] =	sbarrier.arrive $0xFFFF  }
0x14d: {  	p0 =	sne.s32 s0, $0x0;
	s0 =	rddreg [dreg:$0x2]  }
0x14e: {  	s0 =	sadd.s32 @!p0 $0x100000, s0  }
0x14f: {  	[sflag:s0] =	ssyncadd.tile.s32 @!p0 $0x1;
	_ =	shalt  }
.Lfunc_end2:
_tile_overlayer_lowered:
.L_overlay_start_2:
0x150: {  	(tag) =	ssettag $0x2  }
0x151: {  	s0 =	rddreg [dreg:$0x0];
	s2 =	stileid.u32  }
0x152: {  	s1 =	rddreg [dreg:$0x1];
	p0 =	sne.s32 s2, $0x0  }
0x153: {  	s3 =	rddreg [dreg:$0x2];
	[bflag:$0x3] =	sbarrier.arrive $0xFFFF;
	s2 =	simm.s32 @!p0 $0x1C11  }
0x154: {  	[timem:s3], [sflag:s2] =	dma.local @!p0 [hbm:s0], s1  }
0x155: {  	s0 =	simm.s32 @!p0 $0x11  }
0x156: {  	_ =	swait.ge @!p0 [sflag:s0], s1  }
0x157: {  	s1 =	ssub.s32 @!p0 $0x0, s1;
	[sflag:s0] =	ssyncset.done @!p0 $0x0  }
0x158: {  	[sflag:s0] =	ssyncadd.s32 @!p0 s1  }
0x159: {  	[bflag:$0x3] =	sbarrier.arrive $0xFFFF  }
0x15a: {  	_ =	shalt  }

// kernel: kernel.8.cloned.1.call-start
scs
__scs_entry_jumppad:
0x0: {  	(pc) =	sbr.rel $0x88, $3  }
0x1: {  	(tag) =	ssettag $0x0;
	lr =	simm.s32 $0x1  }
0x2: {  	[smem:$0x3F9B] =	sst lr;
	_ =	strace $0xD0000000  }
0x3: {  	_ = 	snop  }
0x4: {  	_ = 	snop  }
0x5: {  	_ = 	snop  }
0x6: {  	_ = 	snop  }
0x7: {  	_ = 	snop  }
__scs_overlays_trampoline_lowered:
0x8: {  	[smem:$0x3FAA] =	sst s0  }
0x9: {  	[smem:$0x3FAB] =	sst s1  }
0xa: {  	[smem:$0x3FAC] =	sst s2  }
0xb: {  	[smem:$0x3FAD] =	sst s3  }
0xc: {  	[smem:$0x3FAE] =	sst s4  }
0xd: {  	[smem:$0x3FAF] =	sst s5  }
0xe: {  	[smem:$0x3FB0] =	sst s6  }
0xf: {  	[smem:$0x3FB1] =	sst s7  }
0x10: {  	[smem:$0x3FB2] =	sst s8  }
0x11: {  	[smem:$0x3FB3] =	sst s9;
	s0 =	simm.s32 @!p0 $0x0  }
0x12: {  	s1 =	sld [smem:$0x3F99];
	s0 =	simm.s32 @p0 $0x1  }
0x13: {  	[smem:$0x3FB4] =	sst s0;
	s0 =	simm.s32 @!p1 $0x0  }
0x14: {  	s2 =	sld [smem:$0x3F98];
	s0 =	simm.s32 @p1 $0x1  }
0x15: {  	[smem:$0x3FB5] =	sst s0;
	s0 =	simm.s32 @!p2 $0x0  }
0x16: {  	s3 =	sld [smem:$0x3FDB];
	s0 =	simm.s32 @p2 $0x1  }
0x17: {  	s4 =	simm.s32 $0x1BF5;
	[smem:$0x3FB7] =	sst s0  }
0x18: {  	s0 =	sld [smem:$0x3F9A];
	_ =	swait.ge [sflag:s4], $0x0  }
0x19: {  	s7 =	sld [smem:$0x3F9B]  }
0x1a: {  	s8 =	sadd.s32 $0xFFFFE003, lr  }
0x1b: {  	s9 =	sadd.s32 $0xFFFFFEF7, lr;
	s5 =	simm.s32 $0xFFFFFFFF;
	p2 =	slt.u32 s8, $0xFFFFF086  }
0x1c: {  	p1 =	slt.u32 s9, $0xF7A;
	s5 =	simm.s32 @!p2 $0x0  }
0x1d: {  	s5 =	simm.s32 @p1 $0x1;
	p0 =	seq.s32 s7, s2  }
0x1e: {  	s7 =	smul.u32 @!p0 $0xF7A, s2;
	p2 =	seq.s32 @!p0 s5, $0x0  }
0x1f: {  	s9 =	smul.u32 $0xF7A, s1;
	s8 =	simm.s32 @!p0 $0x1BF5;
	p2 =	por !p2, p0  }
0x20: {  	[sflag:s8] =	ssyncset.s32 @!p0 $0xFFFFF086;
	s6 =	sadd.s32 @!p0 s3, s7;
	s7 =	simm.s32 @!p0 $0x108  }
0x21: {  	s3 =	sadd.s32 s3, s9;
	s6 =	sadd.s32 @!p0 $0x88, s6;
	s7 =	simm.s32 @p2 $0x1082  }
0x22: {  	[simem:s7], [sflag:s8] =	dma.local @!p0 [hbm:s6], $0xF7A  }
0x23: {  	s9 =	sor.u32 $0xD0000000, s2;
	s6 =	simm.s32 $0x108;
	_ =	swait.ge @!p0 [sflag:s8], $0x0  }
0x24: {  	s3 =	sadd.s32 $0x88, s3;
	s6 =	simm.s32 @!p1 $0x1082;
	[sflag:s4] =	ssyncset.s32 $0xFFFFF086  }
0x25: {  	[simem:s6], [sflag:s4] =	dma.local [hbm:s3], $0xF7A  }
0x26: {  	[smem:$0x3F9B] =	sst s1;
	(tag) =	ssettag s2;
	_ =	strace s9  }
0x27: {  	s1 =	sld [smem:$0x3FAB]  }
0x28: {  	s2 =	sld [smem:$0x3FAC]  }
0x29: {  	s4 =	sld [smem:$0x3FAE]  }
0x2a: {  	p0 =	seq.s32 s5, $0x0;
	s5 =	sld [smem:$0x3FAF]  }
0x2b: {  	s6 =	sld [smem:$0x3FB0]  }
0x2c: {  	s7 =	sld [smem:$0x3FB1]  }
0x2d: {  	s3 =	simm.s32 $0x108;
	s8 =	sld [smem:$0x3FB2]  }
0x2e: {  	s3 =	simm.s32 @!p0 $0x1082;
	s9 =	sld [smem:$0x3FB3]  }
0x2f: {  	lr =	sadd.s32 s0, s3;
	s0 =	sld [smem:$0x3FAA]  }
0x30: {  	s3 =	sld [smem:$0x3FAD]  }
0x31: {  	[smem:$0x3FB6] =	sst s10  }
0x32: {  	s10 =	sld [smem:$0x3FB4];
	_ =	sdelay $0x3  }
0x33: {  	p0 =	seq.s32 s10, $0x1;
	s10 =	sld [smem:$0x3FB6];
	_ =	sdelay $0x3  }
0x34: {  	[smem:$0x3FB6] =	sst s10  }
0x35: {  	s10 =	sld [smem:$0x3FB5];
	_ =	sdelay $0x3  }
0x36: {  	p1 =	seq.s32 s10, $0x1;
	s10 =	sld [smem:$0x3FB6];
	_ =	sdelay $0x3  }
0x37: {  	[smem:$0x3FB6] =	sst s10  }
0x38: {  	s10 =	sld [smem:$0x3FB7]  }
0x39: {  	_ = 	snop;
	(pc) =	sbr.ind lr, $3  }
0x3a: {  	_ = 	snop  }
0x3b: {  	_ = 	snop  }
0x3c: {  	p2 =	seq.s32 s10, $0x1;
	s10 =	sld [smem:$0x3FB6]  }
0x3d: {  	_ =	shalt  }
0x3e: {  	_ =	shalt  }
0x3f: {  	_ =	shalt  }
0x40: {  	_ =	shalt  }
0x41: {  	_ =	shalt  }
0x42: {  	_ =	shalt  }
0x43: {  	_ =	shalt  }
0x44: {  	_ =	shalt  }
0x45: {  	_ =	shalt  }
0x46: {  	_ =	shalt  }
0x47: {  	_ =	shalt  }
0x48: {  	_ =	shalt  }
0x49: {  	_ =	shalt  }
0x4a: {  	_ =	shalt  }
0x4b: {  	_ =	shalt  }
0x4c: {  	_ =	shalt  }
0x4d: {  	_ =	shalt  }
0x4e: {  	_ =	shalt  }
0x4f: {  	_ =	shalt  }
0x50: {  	_ =	shalt  }
0x51: {  	_ =	shalt  }
0x52: {  	_ =	shalt  }
0x53: {  	_ =	shalt  }
0x54: {  	_ =	shalt  }
0x55: {  	_ =	shalt  }
0x56: {  	_ =	shalt  }
0x57: {  	_ =	shalt  }
0x58: {  	_ =	shalt  }
0x59: {  	_ =	shalt  }
0x5a: {  	_ =	shalt  }
0x5b: {  	_ =	shalt  }
0x5c: {  	_ =	shalt  }
0x5d: {  	_ =	shalt  }
0x5e: {  	_ =	shalt  }
0x5f: {  	_ =	shalt  }
0x60: {  	_ =	shalt  }
0x61: {  	_ =	shalt  }
0x62: {  	_ =	shalt  }
0x63: {  	_ =	shalt  }
0x64: {  	_ =	shalt  }
0x65: {  	_ =	shalt  }
0x66: {  	_ =	shalt  }
0x67: {  	_ =	shalt  }
0x68: {  	_ =	shalt  }
0x69: {  	_ =	shalt  }
0x6a: {  	_ =	shalt  }
0x6b: {  	_ =	shalt  }
0x6c: {  	_ =	shalt  }
0x6d: {  	_ =	shalt  }
0x6e: {  	_ =	shalt  }
0x6f: {  	_ =	shalt  }
0x70: {  	_ =	shalt  }
0x71: {  	_ =	shalt  }
0x72: {  	_ =	shalt  }
0x73: {  	_ =	shalt  }
0x74: {  	_ =	shalt  }
0x75: {  	_ =	shalt  }
0x76: {  	_ =	shalt  }
0x77: {  	_ =	shalt  }
0x78: {  	_ =	shalt  }
0x79: {  	_ =	shalt  }
0x7a: {  	_ =	shalt  }
0x7b: {  	_ =	shalt  }
0x7c: {  	_ =	shalt  }
0x7d: {  	_ =	shalt  }
0x7e: {  	_ =	shalt  }
0x7f: {  	_ =	shalt  }
0x80: {  	_ =	shalt  }
0x81: {  	_ =	shalt  }
0x82: {  	_ =	shalt  }
0x83: {  	_ =	shalt  }
0x84: {  	_ =	shalt  }
0x85: {  	_ =	shalt  }
0x86: {  	_ =	shalt  }
0x87: {  	_ =	shalt  }
.Lfunc_end0:
.L_simem_size_0:
called_computation_lowered:
.L_overlay_start_0:
0x88: {  	s2 =	sld [smem:$0x3FD9]  }
0x89: {  	s3 =	sld [smem:$0x3FFE];
	_ =	sdelay $0x1  }
0x8a: {  	s1 =	srdreg.scid  }
0x8b: {  	s0 =	sand.u32 $0x1, s1  }
0x8c: {  	s16 =	sshll.u32 s0, $0xA;
	s2 =	sadd.s32 s3, s2  }
0x8d: {  	s2 =	sadd.s32 s2, s16  }
0x8e: {  	[smem:$0x3FC2] =	sst s2  }
0x8f: {  	_ = 	snop  }
0x90: {  	(tm) =	ssettm $0x1  }
0x91: {  	s17 =	sld [smem:$0x3FFB];
	_ =	sdelay $0x3  }
0x92: {  	_ =	strace s17  }
0x93: {  	s2 =	sld [smem:$0x3FFC];
	_ =	sdelay $0x3  }
0x94: {  	_ =	strace s2  }
0x95: {  	s2 =	sld [smem:$0x3FFD];
	_ =	sdelay $0x3  }
0x96: {  	_ =	strace s2  }
0x97: {  	_ =	strace $0x8FFFFFFF  }
0x98: {  	s18 =	sld [smem:$0x3FDB];
	_ =	sdelay $0x1  }
0x99: {  	s19 =	simm.s32 $_scs_section_size  }
0x9a: {  	s4 =	simm.s32 $_size__tile_overlayer_lowered;
	s5 =	simm.s32 $_tile_overlayer_lowered  }
0x9b: {  	s22 =	simm.s32 $0x1BFF;
	s21 =	sshll.u32 s5, $0x1;
	s2 =	sadd.s32 s19, s18  }
0x9c: {  	s6 =	simm.s32 $0x0;
	s20 =	sshll.u32 s4, $0x1;
	s4 =	sadd.s32 s21, s2  }
0x9d: {  	[timem:s6], [sflag:s22] =	dma.local [hbm:s4], s20  }
0x9e: {  	_ =	swait.ge [sflag:s22], s20  }
0x9f: {  	s3 =	ssub.s32 $0x0, s20;
	[sflag:s22] =	ssyncset.done $0x0  }
0xa0: {  	[sflag:s22] =	ssyncadd.s32 s3;
	_ =	sdelay $0x1  }
0xa1: {  	s23 =	simm.s32 $0x1B8B  }
0xa2: {  	_ =	swait.ge [sflag:s23], $0x1  }
0xa3: {  	[sflag:s23] =	ssyncset.done $0x0  }
0xa4: {  	s25 =	simm.s32 $0x1B8E;
	s24 =	sld [smem:$0x3FFE];
	[sflag:s23] =	ssyncadd.s32 $0xFFFFFFFF  }
0xa5: {  	s26 =	simm.s32 $execute0_lowered;
	[smem:$0x3FD2] =	sst s25  }
0xa6: {  	s4 =	sshll.u32 s26, $0x1;
	_ =	strace $0x80000046;
	[dreg:$0x1] =	wrdreg $0xFFFFFFFF  }
0xa7: {  	s28 =	simm.s32 $_size_execute0_lowered;
	s2 =	sadd.s32 s2, s4;
	[dreg:$0x0] =	wrdreg $0x0  }
0xa8: {  	s4 =	sshll.u32 s28, $0x1;
	[dreg:$0x2] =	wrdreg s2  }
0xa9: {  	[dreg:$0x3] =	wrdreg s4  }
0xaa: {  	[dreg:$0x4] =	wrdreg $0xC0  }
0xab: {  	_ =	task [dreg:s6], $0x5FFFF  }
0xac: {  	[dreg:$0x1] =	wrdreg $0xFFFFFFFF  }
0xad: {  	[dreg:$0x0] =	wrdreg $0x60  }
0xae: {  	[dreg:$0x2] =	wrdreg s24  }
0xaf: {  	[dreg:$0x3] =	wrdreg $0x24000  }
0xb0: {  	[dreg:$0x4] =	wrdreg $0x9  }
0xb1: {  	_ =	task.clear_ibuf [dreg:s6], $0x5FFFF;
	_ =	strace $0x90000046  }
0xb2: {  	s29 =	simm.s32 $0x9;
	_ =	strace $0x80000048  }
0xb3: {  	_ =	swait.ge [sflag:s29], $0x1  }
0xb4: {  	[sflag:s29] =	ssyncadd.s32 $0xFFFFFFFF  }
0xb5: {  	_ =	strace $0x90000048  }
0xb6: {  	_ =	sfence  }
0xb7: {  	s30 =	sld [smem:$0x0];
	_ =	sdelay $0x2  }
0xb8: {  	s31 =	sshll.u32 s1, $0xD;
	s1 =	sshrl.u32 s1, $0x2  }
0xb9: {  	s3 =	sand.u32 $0x4000, s31;
	s1 =	sadd.s32 s1, s30  }
0xba: {  	s0 =	sor.u32 s3, s0;
	s1 =	sshll.u32 s1, $0x11  }
0xbb: {  	s0 =	sor.u32 s1, s0  }
0xbc: {  	s0 =	sadd.s32 $0x8F2B, s0  }
0xbd: {  	[sflag:s0] =	ssyncadd.remote.s32 $0x1  }
0xbe: {  	_ =	sfence.sel $0xFFFF  }
0xbf: {  	[dreg:$0x0] =	wrdreg $0xFFFFFFFF;
	(pc) =	sbr.abs _section_cstart, $3  }
0xc0: {  	[dreg:$0x1] =	wrdreg $0xFFFFFFFF  }
0xc1: {  	_ =	task.clear_ibuf [dreg:s6], $0x2FFFF;
	_ =	strace $0x9FFFFFFF  }
0xc2: {  	(tm) =	ssettm $0x7FFFFFFF  }
0xc3: {  	_ =	shalt  }
tec
execute0_lowered:
.L_overlay_start_1:
0x0: {  	(tag) =	ssettag $0x1  }
0x1: {  	s0 =	rddreg [dreg:$0x0]  }
0x2: {  	s1 =	rddreg [dreg:$0x1]  }
0x3: {  	s2 =	srdreg.scid;
	s3 =	simm.s32 $0x0;
	s8 =	stileid.u32  }
0x4: {  	s13 =	simm.s32 $0x1400;
	s14 =	simm.s32 $0x2;
	s15 =	simm.s32 $0x80  }
0x5: {  	s28 =	simm.s32 $0xE00;
	s29 =	simm.s32 $0xE80;
	s30 =	simm.s32 $0xF00  }
0x6: {  	s31 =	simm.s32 $0xF80;
	s16 =	simm.s32 $0x1100;
	s17 =	simm.s32 $0x1180  }
0x7: {  	s18 =	simm.s32 $0x1200;
	s19 =	simm.s32 $0x1280;
	s20 =	simm.s32 $0x1300  }
0x8: {  	s21 =	simm.s32 $0x1380;
	s22 =	simm.s32 $0x1;
	s11 =	smul.u32 $0x2800, s8  }
0x9: {  	s2 =	sand.u32 $0x1, s2;
	[smem:$0x7FF] =	sst s3;
	s6 =	smul.u32 $0xA000, s8  }
0xa: {  	s23 =	simm.s32 $0x0;
	s4 =	smul.u32 $0x28000, s2;
	_ =	strace $0x80000047  }
0xb: {  	s5 =	sshll.u32 s2, $0x4;
	s7 =	ssub.s32 $0x2, s2;
	p0 =	seq.s32 s2, $0x0  }
0xc: {  	s2 =	simm.s32 $0x1080;
	s5 =	sor.u32 s8, s5;
	s24 =	sshrl.u32 s7, $0x1  }
0xd: {  	s6 =	sshrl.u32 s6, $0x2;
	s26 =	sadd.s32 s11, s1;
	s4 =	sadd.s32 s11, s4  }
0xe: {  	s9 =	smul.u32 $0x1400, s5;
	s12 =	ssub.s32 s7, s24;
	s4 =	sshrl.u32 s4, $0x3  }
0xf: {  	s11 =	smax.u32 s12, $0x1;
	s12 =	simm.s32 $0x1400;
	s10 =	sadd.s32 s4, s0  }
0x10: {  	s4 =	sadd.s32 s6, s1;
	s25 =	sshrl.u32 s9, $0x3;
	s12 =	simm.s32 @!p0 $0x1C00  }
0x11: {  	s5 =	sadd.s32 $0x800, s4;
	s6 =	sadd.s32 $0x1000, s4;
	s7 =	sadd.s32 $0x1800, s4  }
0x12: {  	s0 =	sadd.s32 s0, s25;
	s8 =	sadd.s32 $0x2000, s4;
	s10 =	sadd.s32 $0xCC00, s10  }
0x13: {  	v0 =	vimm.f32 $1.000000000e+00;
	v1 =	vimm.f32 $0.0e+00;
	s25 =	sshrl.u32 s26, $0x3;
	s9 =	sadd.s32 $0x7C00, s0;
	s0 =	simm.s32 $0x1000  }
.LBB2_1:
0x14: {  	s24 =	simm.s32 $0x0  }
.LBB2_2:
0x15: {  	p0 =	sne.s32 s24, $0x1FC0  }
.Ltmp0:
0x16: {  	_ = 	snop;
	(pc) =	sbr.rel @p0 .LBB2_2-.Ltmp0, $3  }
0x17: {  	_ =	sdelay $0x1  }
0x18: {  	s26 =	sshra.s32 s24, $0x2  }
0x19: {  	s24 =	sadd.s32 $0x40, s24;
	[tilespmem:s26+$0x1400] =	vst v0  }
0x1a: {  	s24 =	simm.s32 $0x40;
	s26 =	simm.s32 $0x0  }
.LBB2_4:
0x1b: {  	p0 =	sne.s32 s24, $0x1FC0;
	[tilespmem:s26+$0x1C00] =	vst v1;
	s26 =	smov.u32 s24;
	s24 =	sadd.s32 $0x40, s24  }
.Ltmp1:
0x1c: {  	(pc) =	sbr.rel @p0 .LBB2_4-.Ltmp1, $2  }
0x1d: {  	_ =	sdelay $0x2  }
0x1e: {  	s26 =	sshra.s32 s26, $0x2  }
0x1f: {  	[tilespmem:s26+$0x1C00] =	vst v1  }
0x20: {  	[spmem:s4] =	stream.linear.scatter [tilespmem:s12], [sflag:$0x2], $0x800, $0x38;
	[tilespmem:$0x4C00] =	vst v63  }
0x21: {  	_ =	swait.ge [sflag:s14], $0x800  }
0x22: {  	[sflag:s14] =	ssyncset.done $0x0  }
0x23: {  	[sflag:s14] =	ssyncadd.s32 $0xFFFFF800  }
0x24: {  	[spmem:s5] =	stream.linear.scatter [tilespmem:s12], [sflag:$0x2], $0x800, $0x38;
	[tilespmem:$0x4C00] =	vst v63  }
0x25: {  	_ =	swait.ge [sflag:s14], $0x800  }
0x26: {  	[sflag:s14] =	ssyncset.done $0x0  }
0x27: {  	[sflag:s14] =	ssyncadd.s32 $0xFFFFF800  }
0x28: {  	[spmem:s6] =	stream.linear.scatter [tilespmem:s12], [sflag:$0x2], $0x800, $0x38;
	[tilespmem:$0x4C00] =	vst v63  }
0x29: {  	_ =	swait.ge [sflag:s14], $0x800  }
0x2a: {  	[sflag:s14] =	ssyncset.done $0x0  }
0x2b: {  	[sflag:s14] =	ssyncadd.s32 $0xFFFFF800  }
0x2c: {  	[spmem:s7] =	stream.linear.scatter [tilespmem:s12], [sflag:$0x2], $0x800, $0x38;
	[tilespmem:$0x4C00] =	vst v63  }
0x2d: {  	_ =	swait.ge [sflag:s14], $0x800  }
0x2e: {  	[sflag:s14] =	ssyncset.done $0x0  }
0x2f: {  	[sflag:s14] =	ssyncadd.s32 $0xFFFFF800  }
0x30: {  	[spmem:s8] =	stream.linear.scatter [tilespmem:s12], [sflag:$0x2], $0x800, $0x38;
	[tilespmem:$0x4C00] =	vst v63  }
0x31: {  	_ =	swait.ge [sflag:s14], $0x800  }
0x32: {  	[sflag:s14] =	ssyncset.done $0x0  }
0x33: {  	[sflag:s14] =	ssyncadd.s32 $0xFFFFF800  }
0x34: {  	[tilespmem:s3], [sflag:$0x2] =	stream.linear.gather [hbm4b:s9+s3], $0x1400, $0x38;
	[tilespmem:$0x4C00] =	vst v63  }
0x35: {  	_ =	swait.ge [sflag:s14], $0x1400  }
0x36: {  	[sflag:s14] =	ssyncset.done $0x0  }
0x37: {  	[sflag:s14] =	ssyncadd.s32 $0xFFFFEC00  }
0x38: {  	[bflag:$0x0] =	sbarrier.arrive $0xFFFF  }
0x39: {  	[spmem:s1] =	stream.indirect.scatter.add.f32 [tilespmem:s13], [sflag:$0x1], $0x10, s3, s15, $0xb8;
	[tilespmem:$0x4C00] =	vst v63  }
0x3a: {  	_ = 	snop  }
0x3b: {  	[spmem:s1] =	stream.indirect.scatter.add.f32 [tilespmem:s13], [sflag:$0x1], $0x10, s15, s15, $0xb8;
	[tilespmem:$0x4C00] =	vst v63  }
0x3c: {  	s24 =	simm.s32 $0x100  }
0x3d: {  	[spmem:s1] =	stream.indirect.scatter.add.f32 [tilespmem:s13], [sflag:$0x1], $0x10, s24, s15, $0xb8;
	[tilespmem:$0x4C00] =	vst v63  }
0x3e: {  	s26 =	simm.s32 $0x180  }
0x3f: {  	[spmem:s1] =	stream.indirect.scatter.add.f32 [tilespmem:s13], [sflag:$0x1], $0x10, s26, s15, $0xb8;
	[tilespmem:$0x4C00] =	vst v63  }
0x40: {  	s26 =	simm.s32 $0x200  }
0x41: {  	[spmem:s1] =	stream.indirect.scatter.add.f32 [tilespmem:s13], [sflag:$0x1], $0x10, s26, s15, $0xb8;
	[tilespmem:$0x4C00] =	vst v63  }
0x42: {  	s26 =	simm.s32 $0x280  }
0x43: {  	[spmem:s1] =	stream.indirect.scatter.add.f32 [tilespmem:s13], [sflag:$0x1], $0x10, s26, s15, $0xb8;
	[tilespmem:$0x4C00] =	vst v63  }
0x44: {  	s26 =	simm.s32 $0x300  }
0x45: {  	[spmem:s1] =	stream.indirect.scatter.add.f32 [tilespmem:s13], [sflag:$0x1], $0x10, s26, s15, $0xb8;
	[tilespmem:$0x4C00] =	vst v63  }
0x46: {  	s26 =	simm.s32 $0x380  }
0x47: {  	[spmem:s1] =	stream.indirect.scatter.add.f32 [tilespmem:s13], [sflag:$0x1], $0x10, s26, s15, $0xb8;
	[tilespmem:$0x4C00] =	vst v63  }
0x48: {  	s26 =	simm.s32 $0x400  }
0x49: {  	[spmem:s1] =	stream.indirect.scatter.add.f32 [tilespmem:s13], [sflag:$0x1], $0x10, s26, s15, $0xb8;
	[tilespmem:$0x4C00] =	vst v63  }
0x4a: {  	s26 =	simm.s32 $0x480  }
0x4b: {  	[spmem:s1] =	stream.indirect.scatter.add.f32 [tilespmem:s13], [sflag:$0x1], $0x10, s26, s15, $0xb8;
	[tilespmem:$0x4C00] =	vst v63  }
0x4c: {  	s26 =	simm.s32 $0x500  }
0x4d: {  	[spmem:s1] =	stream.indirect.scatter.add.f32 [tilespmem:s13], [sflag:$0x1], $0x10, s26, s15, $0xb8;
	[tilespmem:$0x4C00] =	vst v63  }
0x4e: {  	s26 =	simm.s32 $0x580  }
0x4f: {  	[spmem:s1] =	stream.indirect.scatter.add.f32 [tilespmem:s13], [sflag:$0x1], $0x10, s26, s15, $0xb8;
	[tilespmem:$0x4C00] =	vst v63  }
0x50: {  	s26 =	simm.s32 $0x600  }
0x51: {  	[spmem:s1] =	stream.indirect.scatter.add.f32 [tilespmem:s13], [sflag:$0x1], $0x10, s26, s15, $0xb8;
	[tilespmem:$0x4C00] =	vst v63  }
0x52: {  	s26 =	simm.s32 $0x680  }
0x53: {  	[spmem:s1] =	stream.indirect.scatter.add.f32 [tilespmem:s13], [sflag:$0x1], $0x10, s26, s15, $0xb8;
	[tilespmem:$0x4C00] =	vst v63  }
0x54: {  	s26 =	simm.s32 $0x700  }
0x55: {  	[spmem:s1] =	stream.indirect.scatter.add.f32 [tilespmem:s13], [sflag:$0x1], $0x10, s26, s15, $0xb8;
	[tilespmem:$0x4C00] =	vst v63  }
0x56: {  	s26 =	simm.s32 $0x780  }
0x57: {  	[spmem:s1] =	stream.indirect.scatter.add.f32 [tilespmem:s13], [sflag:$0x1], $0x10, s26, s15, $0xb8;
	[tilespmem:$0x4C00] =	vst v63  }
0x58: {  	s26 =	simm.s32 $0x800  }
0x59: {  	[spmem:s1] =	stream.indirect.scatter.add.f32 [tilespmem:s13], [sflag:$0x1], $0x10, s26, s15, $0xb8;
	[tilespmem:$0x4C00] =	vst v63  }
0x5a: {  	s26 =	simm.s32 $0x880  }
0x5b: {  	[spmem:s1] =	stream.indirect.scatter.add.f32 [tilespmem:s13], [sflag:$0x1], $0x10, s26, s15, $0xb8;
	[tilespmem:$0x4C00] =	vst v63  }
0x5c: {  	s26 =	simm.s32 $0x900  }
0x5d: {  	[spmem:s1] =	stream.indirect.scatter.add.f32 [tilespmem:s13], [sflag:$0x1], $0x10, s26, s15, $0xb8;
	[tilespmem:$0x4C00] =	vst v63  }
0x5e: {  	s26 =	simm.s32 $0x980  }
0x5f: {  	[spmem:s1] =	stream.indirect.scatter.add.f32 [tilespmem:s13], [sflag:$0x1], $0x10, s26, s15, $0xb8;
	[tilespmem:$0x4C00] =	vst v63  }
0x60: {  	s26 =	simm.s32 $0xA00  }
0x61: {  	[spmem:s1] =	stream.indirect.scatter.add.f32 [tilespmem:s13], [sflag:$0x1], $0x10, s26, s15, $0xb8;
	[tilespmem:$0x4C00] =	vst v63  }
0x62: {  	s26 =	simm.s32 $0xA80  }
0x63: {  	[spmem:s1] =	stream.indirect.scatter.add.f32 [tilespmem:s13], [sflag:$0x1], $0x10, s26, s15, $0xb8;
	[tilespmem:$0x4C00] =	vst v63  }
0x64: {  	s26 =	simm.s32 $0xB00  }
0x65: {  	[spmem:s1] =	stream.indirect.scatter.add.f32 [tilespmem:s13], [sflag:$0x1], $0x10, s26, s15, $0xb8;
	[tilespmem:$0x4C00] =	vst v63  }
0x66: {  	s26 =	simm.s32 $0xB80  }
0x67: {  	[spmem:s1] =	stream.indirect.scatter.add.f32 [tilespmem:s13], [sflag:$0x1], $0x10, s26, s15, $0xb8;
	[tilespmem:$0x4C00] =	vst v63  }
0x68: {  	s26 =	simm.s32 $0xC00  }
0x69: {  	[spmem:s1] =	stream.indirect.scatter.add.f32 [tilespmem:s13], [sflag:$0x1], $0x10, s26, s15, $0xb8;
	[tilespmem:$0x4C00] =	vst v63  }
0x6a: {  	s26 =	simm.s32 $0xC80  }
0x6b: {  	[spmem:s1] =	stream.indirect.scatter.add.f32 [tilespmem:s13], [sflag:$0x1], $0x10, s26, s15, $0xb8;
	[tilespmem:$0x4C00] =	vst v63  }
0x6c: {  	s26 =	simm.s32 $0xD00  }
0x6d: {  	[spmem:s1] =	stream.indirect.scatter.add.f32 [tilespmem:s13], [sflag:$0x1], $0x10, s26, s15, $0xb8;
	[tilespmem:$0x4C00] =	vst v63  }
0x6e: {  	s26 =	simm.s32 $0xD80  }
0x6f: {  	[spmem:s1] =	stream.indirect.scatter.add.f32 [tilespmem:s13], [sflag:$0x1], $0x10, s26, s15, $0xb8;
	[tilespmem:$0x4C00] =	vst v63  }
0x70: {  	_ = 	snop  }
0x71: {  	[spmem:s1] =	stream.indirect.scatter.add.f32 [tilespmem:s13], [sflag:$0x1], $0x10, s28, s15, $0xb8;
	[tilespmem:$0x4C00] =	vst v63  }
0x72: {  	_ = 	snop  }
0x73: {  	[spmem:s1] =	stream.indirect.scatter.add.f32 [tilespmem:s13], [sflag:$0x1], $0x10, s29, s15, $0xb8;
	[tilespmem:$0x4C00] =	vst v63  }
0x74: {  	_ = 	snop  }
0x75: {  	[spmem:s1] =	stream.indirect.scatter.add.f32 [tilespmem:s13], [sflag:$0x1], $0x10, s30, s15, $0xb8;
	[tilespmem:$0x4C00] =	vst v63  }
0x76: {  	_ = 	snop  }
0x77: {  	[spmem:s1] =	stream.indirect.scatter.add.f32 [tilespmem:s13], [sflag:$0x1], $0x10, s31, s15, $0xb8;
	[tilespmem:$0x4C00] =	vst v63  }
0x78: {  	_ = 	snop  }
0x79: {  	[spmem:s1] =	stream.indirect.scatter.add.f32 [tilespmem:s13], [sflag:$0x1], $0x10, s0, s15, $0xb8;
	[tilespmem:$0x4C00] =	vst v63  }
0x7a: {  	_ = 	snop  }
0x7b: {  	[spmem:s1] =	stream.indirect.scatter.add.f32 [tilespmem:s13], [sflag:$0x1], $0x10, s2, s15, $0xb8;
	[tilespmem:$0x4C00] =	vst v63  }
0x7c: {  	_ = 	snop  }
0x7d: {  	[spmem:s1] =	stream.indirect.scatter.add.f32 [tilespmem:s13], [sflag:$0x1], $0x10, s16, s15, $0xb8;
	[tilespmem:$0x4C00] =	vst v63  }
0x7e: {  	_ = 	snop  }
0x7f: {  	[spmem:s1] =	stream.indirect.scatter.add.f32 [tilespmem:s13], [sflag:$0x1], $0x10, s17, s15, $0xb8;
	[tilespmem:$0x4C00] =	vst v63  }
0x80: {  	_ = 	snop  }
0x81: {  	[spmem:s1] =	stream.indirect.scatter.add.f32 [tilespmem:s13], [sflag:$0x1], $0x10, s18, s15, $0xb8;
	[tilespmem:$0x4C00] =	vst v63  }
0x82: {  	_ = 	snop  }
0x83: {  	[spmem:s1] =	stream.indirect.scatter.add.f32 [tilespmem:s13], [sflag:$0x1], $0x10, s19, s15, $0xb8;
	[tilespmem:$0x4C00] =	vst v63  }
0x84: {  	_ = 	snop  }
0x85: {  	[spmem:s1] =	stream.indirect.scatter.add.f32 [tilespmem:s13], [sflag:$0x1], $0x10, s20, s15, $0xb8;
	[tilespmem:$0x4C00] =	vst v63  }
0x86: {  	_ = 	snop  }
0x87: {  	[spmem:s1] =	stream.indirect.scatter.add.f32 [tilespmem:s13], [sflag:$0x1], $0x10, s21, s15, $0xb8;
	[tilespmem:$0x4C00] =	vst v63  }
0x88: {  	_ =	swait.ge [sflag:s22], $0x800  }
0x89: {  	s24 =	simm.s32 $0x27;
	[sflag:s22] =	ssyncset.done $0x0  }
.LBB2_6:
0x8a: {  	p0 =	sne.s32 s24, $0x1;
	s24 =	sadd.s32 $0xFFFFFFFF, s24;
	[sflag:s22] =	ssyncadd.s32 $0xFFFFF800  }
.Ltmp2:
0x8b: {  	(pc) =	sbr.rel @p0 .LBB2_6-.Ltmp2, $3  }
0x8c: {  	_ =	sdelay $0x1  }
0x8d: {  	_ =	swait.ge [sflag:s22], $0x800  }
0x8e: {  	[sflag:s22] =	ssyncset.done $0x0  }
0x8f: {  	s24 =	stileid.u32;
	s23 =	sadd.s32 $0x1, s23  }
0x90: {  	[sflag:s22] =	ssyncadd.s32 $0xFFFFF800;
	s24 =	sshll.u32 s24, $0x6;
	p0 =	sne.s32 s23, s11  }
.Ltmp3:
0x91: {  	[bflag:$0x0] =	sbarrier.arrive $0xFFFF;
	s24 =	sor.u32 $0x1C02, s24;
	(pc) =	sbr.rel @p0 .LBB2_1-.Ltmp3, $4  }
0x92: {  	[hbm:s10], [sflag:s24] =	dma.local [spmem:s25], $0x500  }
0x93: {  	_ =	swait.ge [sflag:s14], $0x500  }
0x94: {  	[sflag:s14] =	ssyncset.done $0x0  }
0x95: {  	[sflag:s14] =	ssyncadd.s32 $0xFFFFFB00  }
0x96: {  	_ =	sfence.sel $0x180000  }
0x97: {  	[bflag:$0x0] =	sbarrier.arrive $0xFFFF  }
0x98: {  	_ =	strace $0x90000047  }
0x99: {  	s0 =	stileid.u32;
	[bflag:$0x2] =	sbarrier.arrive $0xFFFF  }
0x9a: {  	p0 =	sne.s32 s0, $0x0;
	s0 =	rddreg [dreg:$0x2]  }
0x9b: {  	s0 =	sadd.s32 @!p0 $0x100000, s0  }
0x9c: {  	[sflag:s0] =	ssyncadd.tile.s32 @!p0 $0x1;
	_ =	shalt  }
.Lfunc_end2:
_tile_overlayer_lowered:
.L_overlay_start_2:
0x9d: {  	(tag) =	ssettag $0x2  }
0x9e: {  	s0 =	rddreg [dreg:$0x0];
	s2 =	stileid.u32  }
0x9f: {  	s1 =	rddreg [dreg:$0x1];
	p0 =	sne.s32 s2, $0x0  }
0xa0: {  	s3 =	rddreg [dreg:$0x2];
	[bflag:$0x3] =	sbarrier.arrive $0xFFFF;
	s2 =	simm.s32 @!p0 $0x1C02  }
0xa1: {  	[timem:s3], [sflag:s2] =	dma.local @!p0 [hbm:s0], s1  }
0xa2: {  	s0 =	simm.s32 @!p0 $0x2  }
0xa3: {  	_ =	swait.ge @!p0 [sflag:s0], s1  }
0xa4: {  	s1 =	ssub.s32 @!p0 $0x0, s1;
	[sflag:s0] =	ssyncset.done @!p0 $0x0  }
0xa5: {  	[sflag:s0] =	ssyncadd.s32 @!p0 s1  }
0xa6: {  	[bflag:$0x3] =	sbarrier.arrive $0xFFFF  }
0xa7: {  	_ =	shalt  }

</sc_bundles>
